<compile_context>
chip_gen: v7x
topology: tpu7x:2x2x1
jax: 0.10.2.dev20260603
libtpu: 0.0.44.dev20260713+nightly
codegen_flags: <defaults>
</compile_context>

<pallas_src>
import functools

import jax
import jax.numpy as jnp
from jax import lax
from jax.experimental import pallas as pl
from jax.experimental.pallas import tpu as pltpu
from jax.experimental.pallas import tpu_sc as plsc

N = 10000
E = 160000
EP = 163840
D_IN = 128
HID = 144
NB = 10
MAX_R = 5.0
INV_SQRT_NUM_NEIGH = 0.25
SH = 9
NP = 10240
BE = 1024
CH = 128


@functools.lru_cache(maxsize=None)
def _mesh():
    return plsc.VectorSubcoreMesh(
        core_axis_name="c", subcore_axis_name="s", num_cores=2, num_subcores=16)


def _sc_gather(table, idx_flat, sc_tiling=False):
    rows = idx_flat.shape[0]
    width = table.shape[1]
    dt = table.dtype
    rowbytes = width * dt.itemsize
    ch = 128 if rowbytes <= 512 else 64
    U = 4
    nch = rows // (32 * ch)
    idxr = idx_flat.reshape(rows // ch, ch)
    cp = (pltpu.CompilerParams(use_tc_tiling_on_sc=False) if sc_tiling
          else None)

    @functools.partial(
        pl.kernel,
        out_type=jax.ShapeDtypeStruct((rows, width), dt),
        mesh=_mesh(),
        scratch_types=[
            pltpu.VMEM((nch, ch), jnp.int32),
            pltpu.VMEM((U * ch, width), dt),
        ] + [pltpu.SemaphoreType.DMA] * (2 * U),
        compiler_params=cp,
    )
    def k(table_hbm, idx_hbm, out_hbm, idx_v, bufs, *sems):
        gsem, wsem = sems[:U], sems[U:]
        wid = lax.axis_index("s") * 2 + lax.axis_index("c")
        pltpu.sync_copy(idx_hbm.at[pl.ds(wid * nch, nch)], idx_v)
        base = wid * nch * ch

        def body(t, carry):
            for u in range(U):
                j = t * U + u
                slot = bufs.at[pl.ds(u * ch, ch)]

                @pl.when(t > 0)
                def _(j=j, slot=slot, u=u):
                    pltpu.make_async_copy(
                        slot, out_hbm.at[pl.ds(base + (j - U) * ch, ch)],
                        wsem[u]).wait()

                pltpu.async_copy(table_hbm.at[idx_v.at[j]], slot, gsem[u])
            for u in range(U):
                j = t * U + u
                slot = bufs.at[pl.ds(u * ch, ch)]
                pltpu.make_async_copy(
                    table_hbm.at[idx_v.at[j]], slot, gsem[u]).wait()
                pltpu.async_copy(
                    slot, out_hbm.at[pl.ds(base + j * ch, ch)], wsem[u])
            return carry

        lax.fori_loop(0, nch // U, body, 0)
        for u in range(U):
            j = nch - U + u
            pltpu.make_async_copy(
                bufs.at[pl.ds(u * ch, ch)],
                out_hbm.at[pl.ds(base + j * ch, ch)], wsem[u]).wait()

    return k(table, idxr)


def _sc_scatter(pa, pb, idx2d, zeros_init):
    nch = EP // (16 * CH)
    rps = NP // 16
    U = 2

    @functools.partial(
        pl.kernel,
        out_type=jax.ShapeDtypeStruct((2 * NP, 128), jnp.float32),
        mesh=_mesh(),
        scratch_types=[
            pltpu.VMEM((nch, CH), jnp.int32),
            pltpu.VMEM((U * CH, 128), jnp.float32),
            pltpu.VMEM_SHARED((NP, 128), jnp.float32),
        ] + [pltpu.SemaphoreType.DMA] * (2 * U),
    )
    def k(pa_hbm, pb_hbm, idx_hbm, z_hbm, out_hbm, idx_v, bufs, acc, *sems):
        rsem, ssem = sems[:U], sems[U:]
        cid = lax.axis_index("c")
        sid = lax.axis_index("s")
        pltpu.sync_copy(z_hbm.at[pl.ds(sid * rps, rps)],
                        acc.at[pl.ds(sid * rps, rps)])
        plsc.subcore_barrier()
        pltpu.sync_copy(idx_hbm.at[pl.ds(sid * nch, nch)], idx_v)
        base = sid * nch * CH

        for p_hbm, c in ((pa_hbm, 0), (pb_hbm, 1)):
            @pl.when(cid == c)
            def _(p_hbm=p_hbm):
                def body(t, carry):
                    for u in range(U):
                        j = t * U + u
                        slot = bufs.at[pl.ds(u * CH, CH)]

                        @pl.when(t > 0)
                        def _(j=j, slot=slot, u=u):
                            pltpu.make_async_copy(
                                slot, acc.at[idx_v.at[j - U]], ssem[u]).wait()

                        pltpu.async_copy(
                            p_hbm.at[pl.ds(base + j * CH, CH)], slot, rsem[u])
                    for u in range(U):
                        j = t * U + u
                        slot = bufs.at[pl.ds(u * CH, CH)]
                        pltpu.make_async_copy(
                            p_hbm.at[pl.ds(base + j * CH, CH)], slot,
                            rsem[u]).wait()
                        pltpu.async_copy(slot, acc.at[idx_v.at[j]], ssem[u],
                                         add=True)
                    return carry

                lax.fori_loop(0, nch // U, body, 0)
                for u in range(U):
                    j = nch - U + u
                    pltpu.make_async_copy(
                        bufs.at[pl.ds(u * CH, CH)], acc.at[idx_v.at[j]],
                        ssem[u]).wait()

        plsc.subcore_barrier()
        pltpu.sync_copy(acc.at[pl.ds(sid * rps, rps)],
                        out_hbm.at[pl.ds(cid * NP + sid * rps, rps)])

    return k(pa, pb, idx2d, zeros_init)


def _tc_geometry(poss, posd, shift_p, lat_p):
    pw = poss.shape[1]

    def body(ps_ref, pd_ref, sf_ref, lat_ref, f_ref):
        i = pl.program_id(0)
        shmm = jnp.dot(sf_ref[...], lat_ref[...],
                       preferred_element_type=jnp.float32)
        vs = pd_ref[:, :16] - ps_ref[:, :16]
        vx = vs[:, 0:1] + shmm[:, 0:1]
        vy = vs[:, 1:2] + shmm[:, 1:2]
        vz = vs[:, 2:3] + shmm[:, 2:3]
        r = jnp.sqrt(vx * vx + vy * vy + vz * vz + 1e-9)
        xx, yy, zz = vx / r, vy / r, vz / r
        s3 = 3.0 ** 0.5
        s15 = 15.0 ** 0.5
        sh = jnp.concatenate([
            jnp.ones_like(xx), s3 * xx, s3 * yy, s3 * zz,
            s15 * xx * yy, s15 * yy * zz,
            ((5.0 ** 0.5) / 2.0) * (3.0 * zz * zz - 1.0),
            s15 * xx * zz, (s15 / 2.0) * (xx * xx - yy * yy),
        ], axis=1)
        eidx = i * BE + lax.broadcasted_iota(jnp.int32, (BE, 1), 0)
        sh = sh * (eidx < E).astype(jnp.float32)
        step = MAX_R / (NB + 1)
        vals = (lax.broadcasted_iota(jnp.int32, (1, NB), 1).astype(jnp.float32)
                + 1.0) * step
        diff = (r - vals) / step
        emb = (jnp.cos(jnp.pi / 2.0 * diff)
               * ((diff > -1.0) & (diff < 1.0)).astype(jnp.float32)
               * (NB ** 0.5))
        f_ref[...] = jnp.concatenate(
            [sh, emb, jnp.zeros((BE, 32 - SH - NB), jnp.float32)], axis=1)

    return pl.pallas_call(
        body,
        grid=(EP // BE,),
        in_specs=[
            pl.BlockSpec((BE, pw), lambda i: (i, 0)),
            pl.BlockSpec((BE, pw), lambda i: (i, 0)),
            pl.BlockSpec((BE, 16), lambda i: (i, 0)),
            pl.BlockSpec((16, 16), lambda i: (0, 0)),
        ],
        out_specs=pl.BlockSpec((BE, 32), lambda i: (i, 0)),
        out_shape=jax.ShapeDtypeStruct((EP, 32), jnp.float32),
    )(poss, posd, shift_p, lat_p)


def _tc_layer(F, hsrc, w1p, b1, w2, lin, di):
    tw = hsrc.shape[1]

    def body(f_ref, h_ref, w1_ref, b1_ref, w2_ref, lin_ref, pa_ref, pb_ref):
        hid = jnp.maximum(
            jnp.dot(f_ref[...], w1_ref[...], preferred_element_type=jnp.float32)
            + b1_ref[...], 0.0)
        w = jnp.dot(hid, w2_ref[...], preferred_element_type=jnp.float32)
        m = w * h_ref[:, :di].astype(jnp.float32)
        acc = jnp.zeros((BE, HID), jnp.float32)
        for k in range(SH):
            q = jnp.dot(m, lin_ref[k * di:(k + 1) * di, :],
                        preferred_element_type=jnp.float32)
            acc = acc + f_ref[:, k:k + 1] * q
        pa_ref[...] = acc[:, :128]
        pb_ref[...] = jnp.concatenate(
            [acc[:, 128:], jnp.zeros((BE, 256 - HID), jnp.float32)], axis=1)

    return pl.pallas_call(
        body,
        grid=(EP // BE,),
        in_specs=[
            pl.BlockSpec((BE, 32), lambda i: (i, 0)),
            pl.BlockSpec((BE, tw), lambda i: (i, 0)),
            pl.BlockSpec((32, 100), lambda i: (0, 0)),
            pl.BlockSpec((1, 100), lambda i: (0, 0)),
            pl.BlockSpec((100, di), lambda i: (0, 0)),
            pl.BlockSpec((SH * di, HID), lambda i: (0, 0)),
        ],
        out_specs=[
            pl.BlockSpec((BE, 128), lambda i: (i, 0)),
            pl.BlockSpec((BE, 128), lambda i: (i, 0)),
        ],
        out_shape=[
            jax.ShapeDtypeStruct((EP, 128), jnp.float32),
            jax.ShapeDtypeStruct((EP, 128), jnp.float32),
        ],
    )(F, hsrc, w1p, b1, w2, lin)


def _tc_node(p0, p1, h, sc, di):
    bn = 1000
    hw = h.shape[1]

    def body(p0_ref, p1_ref, h_ref, sc_ref, o_ref, of_ref, cs_ref):
        pre = jnp.concatenate(
            [p0_ref[...], p1_ref[:, :HID - 128]],
            axis=1) * INV_SQRT_NUM_NEIGH + jnp.dot(
            h_ref[:, :di], sc_ref[...], preferred_element_type=jnp.float32)
        hn = jax.nn.gelu(pre)
        o_ref[...] = jnp.concatenate(
            [hn, jnp.zeros((bn, 256 - HID), jnp.float32)], axis=1)
        of_ref[...] = hn

        @pl.when(pl.program_id(0) == 0)
        def _():
            cs_ref[...] = jnp.zeros_like(cs_ref)

        cs_ref[...] += jnp.sum(hn, axis=0, keepdims=True)

    return pl.pallas_call(
        body,
        grid=(N // bn,),
        in_specs=[
            pl.BlockSpec((bn, 128), lambda i: (i, 0)),
            pl.BlockSpec((bn, 128), lambda i: (i, 0)),
            pl.BlockSpec((bn, hw), lambda i: (i, 0)),
            pl.BlockSpec((di, HID), lambda i: (0, 0)),
        ],
        out_specs=[
            pl.BlockSpec((bn, 256), lambda i: (i, 0)),
            pl.BlockSpec((bn, HID), lambda i: (i, 0)),
            pl.BlockSpec((1, HID), lambda i: (0, 0)),
        ],
        out_shape=[
            jax.ShapeDtypeStruct((N, 256), jnp.float32),
            jax.ShapeDtypeStruct((N, HID), jnp.float32),
            jax.ShapeDtypeStruct((1, HID), jnp.float32),
        ],
    )(p0, p1, h, sc)


def _tc_final_edge(F, hsrc, w1p, b1, w2, lin2t):

    def body(f_ref, h_ref, w1_ref, b1_ref, w2_ref, l2_ref, o_ref):
        hid = jnp.maximum(
            jnp.dot(f_ref[...], w1_ref[...], preferred_element_type=jnp.float32)
            + b1_ref[...], 0.0)
        w = jnp.dot(hid, w2_ref[...], preferred_element_type=jnp.float32)
        m = w * h_ref[:, :HID].astype(jnp.float32)
        q = jnp.dot(m, l2_ref[...], preferred_element_type=jnp.float32)
        t = jnp.sum(f_ref[:, 0:16] * q)

        @pl.when(pl.program_id(0) == 0)
        def _():
            o_ref[...] = jnp.zeros_like(o_ref)

        o_ref[...] += t

    return pl.pallas_call(
        body,
        grid=(EP // BE,),
        in_specs=[
            pl.BlockSpec((BE, 32), lambda i: (i, 0)),
            pl.BlockSpec((BE, 256), lambda i: (i, 0)),
            pl.BlockSpec((32, 100), lambda i: (0, 0)),
            pl.BlockSpec((1, 100), lambda i: (0, 0)),
            pl.BlockSpec((100, HID), lambda i: (0, 0)),
            pl.BlockSpec((HID, 16), lambda i: (0, 0)),
        ],
        out_specs=pl.BlockSpec((1, 1), lambda i: (0, 0)),
        out_shape=jax.ShapeDtypeStruct((1, 1), jnp.float32),
    )(F, hsrc, w1p, b1, w2, lin2t)


def _tc_combine(s, cs, sc2):
    def body(s_ref, cs_ref, sc2_ref, o_ref):
        o_ref[...] = (s_ref[...] * (INV_SQRT_NUM_NEIGH / N)
                      + jnp.dot(cs_ref[...], sc2_ref[...],
                                preferred_element_type=jnp.float32) * (1.0 / N))

    return pl.pallas_call(
        body,
        out_shape=jax.ShapeDtypeStruct((1, 1), jnp.float32),
    )(s, cs, sc2)


def _pad_w1(fcw1):
    return jnp.zeros((32, 100), jnp.float32).at[SH:SH + NB].set(fcw1)


def kernel(x, pos, edge_index, edge_shift, lattice, params):
    pad = EP - E
    src_f = jnp.concatenate([edge_index[0], jnp.zeros((pad,), jnp.int32)])
    dst_p = jnp.concatenate(
        [edge_index[1], jnp.zeros((pad,), jnp.int32)]).reshape(EP // CH, CH)
    shift_p = jnp.pad(edge_shift, ((0, pad), (0, 13)))
    lat_p = jnp.pad(lattice[0], ((0, 13), (0, 13)))
    zn = jnp.zeros((NP, 128), jnp.float32)

    pos_p = jnp.pad(pos, ((0, 0), (0, 13)))
    pp = _sc_gather(pos_p, jnp.concatenate([src_f, dst_p.ravel()]),
                    sc_tiling=True)
    F = _tc_geometry(pp[:EP], pp[EP:], shift_p, lat_p)

    hb = x
    h = x
    cs = None
    for l in range(2):
        di = D_IN if l == 0 else HID
        hsrc = _sc_gather(hb, src_f)
        pa, pb = _tc_layer(F, hsrc, _pad_w1(params['fcw1_%d' % l]),
                           params['fcb1_%d' % l][None, :], params['fcw2_%d' % l],
                           params['lin_%d' % l], di)
        P = _sc_scatter(pa, pb, dst_p, zn)
        hb, h, cs = _tc_node(P[:N], P[NP:NP + N], h, params['sc_%d' % l], di)

    hsrc2 = _sc_gather(hb, src_f)
    lin2t = jnp.pad(params['lin_2'][:, 0].reshape(SH, HID).T, ((0, 0), (0, 16 - SH)))
    s = _tc_final_edge(F, hsrc2, _pad_w1(params['fcw1_2']),
                       params['fcb1_2'][None, :], params['fcw2_2'], lin2t)
    return _tc_combine(s, cs, params['sc_2'])

# --- scband reference (transcript-rebuilt; emitter-appended) ---
"""Pipeline reference for scband-periodic-network-ver1-54889682043499 (READ-ONLY COPY).

The authoritative reference and input builder live on the scoring server;
editing this copy changes nothing except your own understanding.
"""

import jax, jax.numpy as jnp
import numpy as np

N = 10000
E = 160000
D_IN = 128
MUL = 8
HID = 18 * MUL  # irreps_node_hidden total dim for lmax=2, both parities: mul*(1+1+3+3+5+5)
OUT = 1
NB = 10  # number_of_basis
MAX_R = 5.0
NUM_NEIGH = 16.0
SH = 9  # spherical harmonics dims for lmax=2: 1+3+5
LAYERS = 3


def _sph_harm(vec):
    # real spherical harmonics l=0..2, normalize=True, component normalization
    r = jnp.sqrt(jnp.sum(vec * vec, axis=1) + 1e-9)
    u = vec / r[:, None]
    x, y, z = u[:, 0], u[:, 1], u[:, 2]
    sh0 = jnp.ones_like(x)[:, None]
    sh1 = jnp.sqrt(3.0) * jnp.stack([x, y, z], axis=1)
    sh2 = jnp.stack([
        jnp.sqrt(15.0) * x * y,
        jnp.sqrt(15.0) * y * z,
        (jnp.sqrt(5.0) / 2.0) * (3.0 * z * z - 1.0),
        jnp.sqrt(15.0) * x * z,
        (jnp.sqrt(15.0) / 2.0) * (x * x - y * y),
    ], axis=1)
    return jnp.concatenate([sh0, sh1, sh2], axis=1), r


def _soft_one_hot(v, start, end, number):
    # e3nn soft_one_hot_linspace, basis='cosine', cutoff=True
    values = jnp.linspace(start, end, number + 2)
    step = values[1] - values[0]
    values = values[1:-1]
    diff = (v[:, None] - values[None, :]) / step
    return jnp.cos(jnp.pi / 2.0 * diff) * ((diff > -1.0) & (diff < 1.0)).astype(v.dtype)


def setup_inputs(seed: int = 0) -> dict:
    key = jax.random.key(seed)
    ks = jax.random.split(key, 32)
    x = jax.random.normal(ks[0], (N, D_IN), dtype=jnp.float32)
    pos = jax.random.uniform(ks[1], (N, 3), dtype=jnp.float32)
    edge_index = jax.random.randint(ks[2], (2, E), 0, N, dtype=jnp.int32)
    edge_shift = jnp.zeros((E, 3), dtype=jnp.float32)
    lattice = jax.random.normal(ks[3], (1, 3, 3), dtype=jnp.float32)
    params = {}
    dims = [D_IN, HID, HID, OUT]
    k = 4
    for l in range(LAYERS):
        di, do = dims[l], dims[l + 1]
        params['fcw1_%d' % l] = jax.random.normal(ks[k], (NB, 100), dtype=jnp.float32) / np.sqrt(NB); k += 1
        params['fcb1_%d' % l] = jnp.zeros((100,), dtype=jnp.float32)
        params['fcw2_%d' % l] = jax.random.normal(ks[k], (100, di), dtype=jnp.float32) / np.sqrt(100.0); k += 1
        params['lin_%d' % l] = jax.random.normal(ks[k], (SH * di, do), dtype=jnp.float32) / np.sqrt(SH * di); k += 1
        params['sc_%d' % l] = jax.random.normal(ks[k], (di, do), dtype=jnp.float32) / np.sqrt(di); k += 1
    return {'x': x, 'pos': pos, 'edge_index': edge_index, 'edge_shift': edge_shift, 'lattice': lattice, 'params': params}


def _forward(x, pos, edge_shift, lattice, params, edge_index):
    src = edge_index[0]
    dst = edge_index[1]
    batch = jnp.zeros((pos.shape[0],), dtype=jnp.int32)
    edge_batch = batch[src]
    edge_vec = pos[dst] - pos[src] + jnp.einsum('ni,nij->nj', edge_shift, lattice[edge_batch])
    sh, r = _sph_harm(edge_vec)
    emb = _soft_one_hot(r, 0.0, MAX_R, NB) * (NB ** 0.5)
    h = x
    dims = [D_IN, HID, HID, OUT]
    for l in range(LAYERS):
        di = dims[l]
        w = jax.nn.relu(emb @ params['fcw1_%d' % l] + params['fcb1_%d' % l]) @ params['fcw2_%d' % l]
        m = w * h[src]  # edge messages gated by radial MLP
        aggs = []
        for kk in range(SH):
            aggs.append(jnp.zeros((h.shape[0], di), h.dtype).at[dst].add(sh[:, kk:kk + 1] * m))
        agg = jnp.concatenate(aggs, axis=1)  # [N, SH*di] : outer-product tensor product, scatter-summed
        h = agg @ params['lin_%d' % l] / jnp.sqrt(NUM_NEIGH) + h @ params['sc_%d' % l]
        if l < LAYERS - 1:
            h = jax.nn.gelu(h)
    # pool_nodes=True: scatter_mean over batch (single graph)
    out = jnp.zeros((1, h.shape[1]), h.dtype).at[batch].add(h) / h.shape[0]
    return out


def reference(x, pos, edge_index, edge_shift, lattice, params):
    return _forward(x, pos, edge_shift, lattice, params, edge_index)

if __name__ == "__main__":
    import jax
    _d = setup_inputs()
    print(jax.jit(kernel)(*tuple(_d.values())))

</pallas_src>

<mosaic_0001>
#map = affine_map<(d0, d1) -> (0, 0)>
module attributes {stable_mosaic.version = 14 : i64} {
  func.func @k(%arg0: i32, %arg1: i32, %arg2: memref<10000x256xf32, #tpu.memory_space<hbm>>, %arg3: memref<2560x64xi32, #tpu.memory_space<hbm>>, %arg4: memref<163840x256xf32, #tpu.memory_space<hbm>>, %arg5: memref<80x64xi32, #tpu.memory_space<vmem>>, %arg6: memref<256x256xf32, #tpu.memory_space<vmem>>, %arg7: memref<!tpu.dma_semaphore, #tpu.memory_space<semaphore_mem>>, %arg8: memref<!tpu.dma_semaphore, #tpu.memory_space<semaphore_mem>>, %arg9: memref<!tpu.dma_semaphore, #tpu.memory_space<semaphore_mem>>, %arg10: memref<!tpu.dma_semaphore, #tpu.memory_space<semaphore_mem>>, %arg11: memref<!tpu.dma_semaphore, #tpu.memory_space<semaphore_mem>>, %arg12: memref<!tpu.dma_semaphore, #tpu.memory_space<semaphore_mem>>, %arg13: memref<!tpu.dma_semaphore, #tpu.memory_space<semaphore_mem>>, %arg14: memref<!tpu.dma_semaphore, #tpu.memory_space<semaphore_mem>>) attributes {dimension_semantics = [#tpu.dimension_semantics<core_parallel>, #tpu.dimension_semantics<subcore_parallel>], iteration_bounds = array<i64: 2, 16>, scalar_prefetch = 0 : i64, scratch_operands = 10 : i64, tpu.core_type = #tpu.core_type<sc_vector_subcore>, window_params = [{transform_indices = #map}, {transform_indices = #map}, {transform_indices = #map}]} {
    %mul3A = arith.constant 2 : i32
    %mul3A_0 = arith.muli %arg1, %mul3A : i32
    %add3A = arith.addi %mul3A_0, %arg0 : i32
    %mul3A_1 = arith.constant 80 : i32
    %mul3A_2 = arith.muli %add3A, %mul3A_1 : i32
    "tpu.region"() ({
      %run_scoped3A = tpu.sem_alloc : memref<!tpu.dma_semaphore, #tpu.memory_space<semaphore_mem>>
      %dma_start3A = arith.constant 0 : i32
      %dma_start3A_59 = tpu.memref_slice %arg3[%mul3A_2, %dma_start3A] : memref<2560x64xi32, #tpu.memory_space<hbm>> -> memref<80x64xi32, #tpu.memory_space<hbm>>
      %dma_start3A_60 = arith.constant 0 : i32
      %dma_start3A_61 = tpu.memref_slice %arg3[%mul3A_2, %dma_start3A_60] : memref<2560x64xi32, #tpu.memory_space<hbm>> -> memref<80x64xi32, #tpu.memory_space<hbm>>
      tpu.enqueue_dma source(%dma_start3A_61 : memref<80x64xi32, #tpu.memory_space<hbm>>) target(%arg5 : memref<80x64xi32, #tpu.memory_space<vmem>>) target_semaphore(%run_scoped3A : memref<!tpu.dma_semaphore, #tpu.memory_space<semaphore_mem>>)
      %dma_wait3A_62 = arith.constant 0 : i32
      %dma_wait3A_63 = tpu.memref_slice %arg3[%mul3A_2, %dma_wait3A_62] : memref<2560x64xi32, #tpu.memory_space<hbm>> -> memref<80x64xi32, #tpu.memory_space<hbm>>
      %dma_wait3A_64 = arith.constant 0 : i32
      %dma_wait3A_65 = tpu.memref_slice %arg3[%mul3A_2, %dma_wait3A_64] : memref<2560x64xi32, #tpu.memory_space<hbm>> -> memref<80x64xi32, #tpu.memory_space<hbm>>
      tpu.wait_dma2 semaphore(%run_scoped3A : memref<!tpu.dma_semaphore, #tpu.memory_space<semaphore_mem>>) src(%dma_wait3A_65 : memref<80x64xi32, #tpu.memory_space<hbm>>) dst(%arg5 : memref<80x64xi32, #tpu.memory_space<vmem>>)
      tpu.yield
    }) : () -> ()
    %mul3A_3 = arith.constant 80 : i32
    %mul3A_4 = arith.muli %add3A, %mul3A_3 : i32
    %mul3A_5 = arith.constant 64 : i32
    %mul3A_6 = arith.muli %mul3A_4, %mul3A_5 : i32
    %scan3A = arith.constant 0 : i32
    %scan3A_7 = arith.constant 0 : i32
    %scan3A_8 = arith.constant 20 : i32
    %scan3A_9 = arith.addi %scan3A_7, %scan3A_8 : i32
    %scan3A_10 = arith.constant 1 : i32
    scf.for %scan3A_59 = %scan3A_7 to %scan3A_9 step %scan3A_10  : i32 {
      %mul3A_60 = arith.constant 4 : i32
      %mul3A_61 = arith.muli %scan3A_59, %mul3A_60 : i32
      %add3A_62 = arith.constant 0 : i32
      %add3A_63 = arith.addi %mul3A_61, %add3A_62 : i32
      %gt3A = arith.constant 0 : i32
      %gt3A_64 = arith.cmpi sgt, %scan3A_59, %gt3A : i32
      %convert_element_type3A = arith.extui %gt3A_64 : i1 to i32
      %cond3A = arith.constant 0 : i32
      %cond3A_65 = arith.cmpi ne, %convert_element_type3A, %cond3A : i32
      scf.if %cond3A_65 {
        %sub3A = arith.constant 4 : i32
        %sub3A_232 = arith.subi %add3A_63, %sub3A : i32
        %mul3A_233 = arith.constant 64 : i32
        %mul3A_234 = arith.muli %sub3A_232, %mul3A_233 : i32
        %add3A_235 = arith.addi %mul3A_6, %mul3A_234 : i32
        %dma_wait3A_236 = arith.constant 0 : i32
        %dma_wait3A_237 = arith.constant 0 : i32
        %dma_wait3A_238 = tpu.memref_slice %arg6[%dma_wait3A_236, %dma_wait3A_237] : memref<256x256xf32, #tpu.memory_space<vmem>> -> memref<64x256xf32, #tpu.memory_space<vmem>>
        %dma_wait3A_239 = arith.constant 0 : i32
        %dma_wait3A_240 = tpu.memref_slice %arg4[%add3A_235, %dma_wait3A_239] : memref<163840x256xf32, #tpu.memory_space<hbm>> -> memref<64x256xf32, #tpu.memory_space<hbm>>
        %dma_wait3A_241 = arith.constant 0 : i32
        %dma_wait3A_242 = tpu.memref_slice %arg4[%add3A_235, %dma_wait3A_241] : memref<163840x256xf32, #tpu.memory_space<hbm>> -> memref<64x256xf32, #tpu.memory_space<hbm>>
        %dma_wait3A_243 = arith.constant 0 : i32
        %dma_wait3A_244 = arith.constant 0 : i32
        %dma_wait3A_245 = tpu.memref_slice %arg6[%dma_wait3A_243, %dma_wait3A_244] : memref<256x256xf32, #tpu.memory_space<vmem>> -> memref<64x256xf32, #tpu.memory_space<vmem>>
        tpu.wait_dma2 semaphore(%arg11 : memref<!tpu.dma_semaphore, #tpu.memory_space<semaphore_mem>>) src(%dma_wait3A_245 : memref<64x256xf32, #tpu.memory_space<vmem>>) dst(%dma_wait3A_242 : memref<64x256xf32, #tpu.memory_space<hbm>>)
      } else {
      }
      %dma_start3A = arith.constant 0 : i32
      %dma_start3A_66 = arith.constant 0 : i32
      %dma_start3A_67 = tpu.memref_slice %arg6[%dma_start3A, %dma_start3A_66] : memref<256x256xf32, #tpu.memory_space<vmem>> -> memref<64x256xf32, #tpu.memory_space<vmem>>
      %dma_start3A_68 = arith.constant 0 : i32
      %dma_start3A_69 = tpu.memref_slice %arg5[%add3A_63, %dma_start3A_68] : memref<80x64xi32, #tpu.memory_space<vmem>> -> memref<1x64xi32, #tpu.memory_space<vmem>>
      %dma_start3A_70 = tpu.memref_squeeze %dma_start3A_69 : memref<1x64xi32, #tpu.memory_space<vmem>> -> memref<64xi32, #tpu.memory_space<vmem>>
      %dma_start3A_71 = arith.constant 0 : i32
      %dma_start3A_72 = arith.constant 0 : i32
      %dma_start3A_73 = tpu.memref_slice %arg2[%dma_start3A_71, %dma_start3A_72] : memref<10000x256xf32, #tpu.memory_space<hbm>> -> memref<10000x256xf32, #tpu.memory_space<hbm>>
      tpu.enqueue_indirect_dma source(%dma_start3A_73 : memref<10000x256xf32, #tpu.memory_space<hbm>>) target(%dma_start3A_67 : memref<64x256xf32, #tpu.memory_space<vmem>>) offsets(%dma_start3A_70 : memref<64xi32, #tpu.memory_space<vmem>>) semaphore(%arg7 : memref<!tpu.dma_semaphore, #tpu.memory_space<semaphore_mem>>)
      %mul3A_74 = arith.constant 4 : i32
      %mul3A_75 = arith.muli %scan3A_59, %mul3A_74 : i32
      %add3A_76 = arith.constant 1 : i32
      %add3A_77 = arith.addi %mul3A_75, %add3A_76 : i32
      %gt3A_78 = arith.constant 0 : i32
      %gt3A_79 = arith.cmpi sgt, %scan3A_59, %gt3A_78 : i32
      %convert_element_type3A_80 = arith.extui %gt3A_79 : i1 to i32
      %cond3A_81 = arith.constant 0 : i32
      %cond3A_82 = arith.cmpi ne, %convert_element_type3A_80, %cond3A_81 : i32
      scf.if %cond3A_82 {
        %sub3A = arith.constant 4 : i32
        %sub3A_232 = arith.subi %add3A_77, %sub3A : i32
        %mul3A_233 = arith.constant 64 : i32
        %mul3A_234 = arith.muli %sub3A_232, %mul3A_233 : i32
        %add3A_235 = arith.addi %mul3A_6, %mul3A_234 : i32
        %dma_wait3A_236 = arith.constant 64 : i32
        %dma_wait3A_237 = arith.constant 0 : i32
        %dma_wait3A_238 = tpu.memref_slice %arg6[%dma_wait3A_236, %dma_wait3A_237] : memref<256x256xf32, #tpu.memory_space<vmem>> -> memref<64x256xf32, #tpu.memory_space<vmem>>
        %dma_wait3A_239 = arith.constant 0 : i32
        %dma_wait3A_240 = tpu.memref_slice %arg4[%add3A_235, %dma_wait3A_239] : memref<163840x256xf32, #tpu.memory_space<hbm>> -> memref<64x256xf32, #tpu.memory_space<hbm>>
        %dma_wait3A_241 = arith.constant 0 : i32
        %dma_wait3A_242 = tpu.memref_slice %arg4[%add3A_235, %dma_wait3A_241] : memref<163840x256xf32, #tpu.memory_space<hbm>> -> memref<64x256xf32, #tpu.memory_space<hbm>>
        %dma_wait3A_243 = arith.constant 64 : i32
        %dma_wait3A_244 = arith.constant 0 : i32
        %dma_wait3A_245 = tpu.memref_slice %arg6[%dma_wait3A_243, %dma_wait3A_244] : memref<256x256xf32, #tpu.memory_space<vmem>> -> memref<64x256xf32, #tpu.memory_space<vmem>>
        tpu.wait_dma2 semaphore(%arg12 : memref<!tpu.dma_semaphore, #tpu.memory_space<semaphore_mem>>) src(%dma_wait3A_245 : memref<64x256xf32, #tpu.memory_space<vmem>>) dst(%dma_wait3A_242 : memref<64x256xf32, #tpu.memory_space<hbm>>)
      } else {
      }
      %dma_start3A_83 = arith.constant 64 : i32
      %dma_start3A_84 = arith.constant 0 : i32
      %dma_start3A_85 = tpu.memref_slice %arg6[%dma_start3A_83, %dma_start3A_84] : memref<256x256xf32, #tpu.memory_space<vmem>> -> memref<64x256xf32, #tpu.memory_space<vmem>>
      %dma_start3A_86 = arith.constant 0 : i32
      %dma_start3A_87 = tpu.memref_slice %arg5[%add3A_77, %dma_start3A_86] : memref<80x64xi32, #tpu.memory_space<vmem>> -> memref<1x64xi32, #tpu.memory_space<vmem>>
      %dma_start3A_88 = tpu.memref_squeeze %dma_start3A_87 : memref<1x64xi32, #tpu.memory_space<vmem>> -> memref<64xi32, #tpu.memory_space<vmem>>
      %dma_start3A_89 = arith.constant 0 : i32
      %dma_start3A_90 = arith.constant 0 : i32
      %dma_start3A_91 = tpu.memref_slice %arg2[%dma_start3A_89, %dma_start3A_90] : memref<10000x256xf32, #tpu.memory_space<hbm>> -> memref<10000x256xf32, #tpu.memory_space<hbm>>
      tpu.enqueue_indirect_dma source(%dma_start3A_91 : memref<10000x256xf32, #tpu.memory_space<hbm>>) target(%dma_start3A_85 : memref<64x256xf32, #tpu.memory_space<vmem>>) offsets(%dma_start3A_88 : memref<64xi32, #tpu.memory_space<vmem>>) semaphore(%arg8 : memref<!tpu.dma_semaphore, #tpu.memory_space<semaphore_mem>>)
      %mul3A_92 = arith.constant 4 : i32
      %mul3A_93 = arith.muli %scan3A_59, %mul3A_92 : i32
      %add3A_94 = arith.constant 2 : i32
      %add3A_95 = arith.addi %mul3A_93, %add3A_94 : i32
      %gt3A_96 = arith.constant 0 : i32
      %gt3A_97 = arith.cmpi sgt, %scan3A_59, %gt3A_96 : i32
      %convert_element_type3A_98 = arith.extui %gt3A_97 : i1 to i32
      %cond3A_99 = arith.constant 0 : i32
      %cond3A_100 = arith.cmpi ne, %convert_element_type3A_98, %cond3A_99 : i32
      scf.if %cond3A_100 {
        %sub3A = arith.constant 4 : i32
        %sub3A_232 = arith.subi %add3A_95, %sub3A : i32
        %mul3A_233 = arith.constant 64 : i32
        %mul3A_234 = arith.muli %sub3A_232, %mul3A_233 : i32
        %add3A_235 = arith.addi %mul3A_6, %mul3A_234 : i32
        %dma_wait3A_236 = arith.constant 128 : i32
        %dma_wait3A_237 = arith.constant 0 : i32
        %dma_wait3A_238 = tpu.memref_slice %arg6[%dma_wait3A_236, %dma_wait3A_237] : memref<256x256xf32, #tpu.memory_space<vmem>> -> memref<64x256xf32, #tpu.memory_space<vmem>>
        %dma_wait3A_239 = arith.constant 0 : i32
        %dma_wait3A_240 = tpu.memref_slice %arg4[%add3A_235, %dma_wait3A_239] : memref<163840x256xf32, #tpu.memory_space<hbm>> -> memref<64x256xf32, #tpu.memory_space<hbm>>
        %dma_wait3A_241 = arith.constant 0 : i32
        %dma_wait3A_242 = tpu.memref_slice %arg4[%add3A_235, %dma_wait3A_241] : memref<163840x256xf32, #tpu.memory_space<hbm>> -> memref<64x256xf32, #tpu.memory_space<hbm>>
        %dma_wait3A_243 = arith.constant 128 : i32
        %dma_wait3A_244 = arith.constant 0 : i32
        %dma_wait3A_245 = tpu.memref_slice %arg6[%dma_wait3A_243, %dma_wait3A_244] : memref<256x256xf32, #tpu.memory_space<vmem>> -> memref<64x256xf32, #tpu.memory_space<vmem>>
        tpu.wait_dma2 semaphore(%arg13 : memref<!tpu.dma_semaphore, #tpu.memory_space<semaphore_mem>>) src(%dma_wait3A_245 : memref<64x256xf32, #tpu.memory_space<vmem>>) dst(%dma_wait3A_242 : memref<64x256xf32, #tpu.memory_space<hbm>>)
      } else {
      }
      %dma_start3A_101 = arith.constant 128 : i32
      %dma_start3A_102 = arith.constant 0 : i32
      %dma_start3A_103 = tpu.memref_slice %arg6[%dma_start3A_101, %dma_start3A_102] : memref<256x256xf32, #tpu.memory_space<vmem>> -> memref<64x256xf32, #tpu.memory_space<vmem>>
      %dma_start3A_104 = arith.constant 0 : i32
      %dma_start3A_105 = tpu.memref_slice %arg5[%add3A_95, %dma_start3A_104] : memref<80x64xi32, #tpu.memory_space<vmem>> -> memref<1x64xi32, #tpu.memory_space<vmem>>
      %dma_start3A_106 = tpu.memref_squeeze %dma_start3A_105 : memref<1x64xi32, #tpu.memory_space<vmem>> -> memref<64xi32, #tpu.memory_space<vmem>>
      %dma_start3A_107 = arith.constant 0 : i32
      %dma_start3A_108 = arith.constant 0 : i32
      %dma_start3A_109 = tpu.memref_slice %arg2[%dma_start3A_107, %dma_start3A_108] : memref<10000x256xf32, #tpu.memory_space<hbm>> -> memref<10000x256xf32, #tpu.memory_space<hbm>>
      tpu.enqueue_indirect_dma source(%dma_start3A_109 : memref<10000x256xf32, #tpu.memory_space<hbm>>) target(%dma_start3A_103 : memref<64x256xf32, #tpu.memory_space<vmem>>) offsets(%dma_start3A_106 : memref<64xi32, #tpu.memory_space<vmem>>) semaphore(%arg9 : memref<!tpu.dma_semaphore, #tpu.memory_space<semaphore_mem>>)
      %mul3A_110 = arith.constant 4 : i32
      %mul3A_111 = arith.muli %scan3A_59, %mul3A_110 : i32
      %add3A_112 = arith.constant 3 : i32
      %add3A_113 = arith.addi %mul3A_111, %add3A_112 : i32
      %gt3A_114 = arith.constant 0 : i32
      %gt3A_115 = arith.cmpi sgt, %scan3A_59, %gt3A_114 : i32
      %convert_element_type3A_116 = arith.extui %gt3A_115 : i1 to i32
      %cond3A_117 = arith.constant 0 : i32
      %cond3A_118 = arith.cmpi ne, %convert_element_type3A_116, %cond3A_117 : i32
      scf.if %cond3A_118 {
        %sub3A = arith.constant 4 : i32
        %sub3A_232 = arith.subi %add3A_113, %sub3A : i32
        %mul3A_233 = arith.constant 64 : i32
        %mul3A_234 = arith.muli %sub3A_232, %mul3A_233 : i32
        %add3A_235 = arith.addi %mul3A_6, %mul3A_234 : i32
        %dma_wait3A_236 = arith.constant 192 : i32
        %dma_wait3A_237 = arith.constant 0 : i32
        %dma_wait3A_238 = tpu.memref_slice %arg6[%dma_wait3A_236, %dma_wait3A_237] : memref<256x256xf32, #tpu.memory_space<vmem>> -> memref<64x256xf32, #tpu.memory_space<vmem>>
        %dma_wait3A_239 = arith.constant 0 : i32
        %dma_wait3A_240 = tpu.memref_slice %arg4[%add3A_235, %dma_wait3A_239] : memref<163840x256xf32, #tpu.memory_space<hbm>> -> memref<64x256xf32, #tpu.memory_space<hbm>>
        %dma_wait3A_241 = arith.constant 0 : i32
        %dma_wait3A_242 = tpu.memref_slice %arg4[%add3A_235, %dma_wait3A_241] : memref<163840x256xf32, #tpu.memory_space<hbm>> -> memref<64x256xf32, #tpu.memory_space<hbm>>
        %dma_wait3A_243 = arith.constant 192 : i32
        %dma_wait3A_244 = arith.constant 0 : i32
        %dma_wait3A_245 = tpu.memref_slice %arg6[%dma_wait3A_243, %dma_wait3A_244] : memref<256x256xf32, #tpu.memory_space<vmem>> -> memref<64x256xf32, #tpu.memory_space<vmem>>
        tpu.wait_dma2 semaphore(%arg14 : memref<!tpu.dma_semaphore, #tpu.memory_space<semaphore_mem>>) src(%dma_wait3A_245 : memref<64x256xf32, #tpu.memory_space<vmem>>) dst(%dma_wait3A_242 : memref<64x256xf32, #tpu.memory_space<hbm>>)
      } else {
      }
      %dma_start3A_119 = arith.constant 192 : i32
      %dma_start3A_120 = arith.constant 0 : i32
      %dma_start3A_121 = tpu.memref_slice %arg6[%dma_start3A_119, %dma_start3A_120] : memref<256x256xf32, #tpu.memory_space<vmem>> -> memref<64x256xf32, #tpu.memory_space<vmem>>
      %dma_start3A_122 = arith.constant 0 : i32
      %dma_start3A_123 = tpu.memref_slice %arg5[%add3A_113, %dma_start3A_122] : memref<80x64xi32, #tpu.memory_space<vmem>> -> memref<1x64xi32, #tpu.memory_space<vmem>>
      %dma_start3A_124 = tpu.memref_squeeze %dma_start3A_123 : memref<1x64xi32, #tpu.memory_space<vmem>> -> memref<64xi32, #tpu.memory_space<vmem>>
      %dma_start3A_125 = arith.constant 0 : i32
      %dma_start3A_126 = arith.constant 0 : i32
      %dma_start3A_127 = tpu.memref_slice %arg2[%dma_start3A_125, %dma_start3A_126] : memref<10000x256xf32, #tpu.memory_space<hbm>> -> memref<10000x256xf32, #tpu.memory_space<hbm>>
      tpu.enqueue_indirect_dma source(%dma_start3A_127 : memref<10000x256xf32, #tpu.memory_space<hbm>>) target(%dma_start3A_121 : memref<64x256xf32, #tpu.memory_space<vmem>>) offsets(%dma_start3A_124 : memref<64xi32, #tpu.memory_space<vmem>>) semaphore(%arg10 : memref<!tpu.dma_semaphore, #tpu.memory_space<semaphore_mem>>)
      %mul3A_128 = arith.constant 4 : i32
      %mul3A_129 = arith.muli %scan3A_59, %mul3A_128 : i32
      %add3A_130 = arith.constant 0 : i32
      %add3A_131 = arith.addi %mul3A_129, %add3A_130 : i32
      %dma_wait3A_132 = arith.constant 0 : i32
      %dma_wait3A_133 = arith.constant 0 : i32
      %dma_wait3A_134 = tpu.memref_slice %arg6[%dma_wait3A_132, %dma_wait3A_133] : memref<256x256xf32, #tpu.memory_space<vmem>> -> memref<64x256xf32, #tpu.memory_space<vmem>>
      %dma_wait3A_135 = arith.constant 0 : i32
      %dma_wait3A_136 = tpu.memref_slice %arg5[%add3A_131, %dma_wait3A_135] : memref<80x64xi32, #tpu.memory_space<vmem>> -> memref<1x64xi32, #tpu.memory_space<vmem>>
      %dma_wait3A_137 = tpu.memref_squeeze %dma_wait3A_136 : memref<1x64xi32, #tpu.memory_space<vmem>> -> memref<64xi32, #tpu.memory_space<vmem>>
      %dma_wait3A_138 = arith.constant 0 : i32
      %dma_wait3A_139 = arith.constant 0 : i32
      %dma_wait3A_140 = tpu.memref_slice %arg2[%dma_wait3A_138, %dma_wait3A_139] : memref<10000x256xf32, #tpu.memory_space<hbm>> -> memref<10000x256xf32, #tpu.memory_space<hbm>>
      tpu.wait_indirect_dma semaphore(%arg7 : memref<!tpu.dma_semaphore, #tpu.memory_space<semaphore_mem>>) src(%dma_wait3A_140 : memref<10000x256xf32, #tpu.memory_space<hbm>>) dst(%dma_wait3A_134 : memref<64x256xf32, #tpu.memory_space<vmem>>)
      %mul3A_141 = arith.constant 64 : i32
      %mul3A_142 = arith.muli %add3A_131, %mul3A_141 : i32
      %add3A_143 = arith.addi %mul3A_6, %mul3A_142 : i32
      %dma_start3A_144 = arith.constant 0 : i32
      %dma_start3A_145 = arith.constant 0 : i32
      %dma_start3A_146 = tpu.memref_slice %arg6[%dma_start3A_144, %dma_start3A_145] : memref<256x256xf32, #tpu.memory_space<vmem>> -> memref<64x256xf32, #tpu.memory_space<vmem>>
      %dma_start3A_147 = arith.constant 0 : i32
      %dma_start3A_148 = tpu.memref_slice %arg4[%add3A_143, %dma_start3A_147] : memref<163840x256xf32, #tpu.memory_space<hbm>> -> memref<64x256xf32, #tpu.memory_space<hbm>>
      %dma_start3A_149 = arith.constant 0 : i32
      %dma_start3A_150 = tpu.memref_slice %arg4[%add3A_143, %dma_start3A_149] : memref<163840x256xf32, #tpu.memory_space<hbm>> -> memref<64x256xf32, #tpu.memory_space<hbm>>
      %dma_start3A_151 = arith.constant 0 : i32
      %dma_start3A_152 = arith.constant 0 : i32
      %dma_start3A_153 = tpu.memref_slice %arg6[%dma_start3A_151, %dma_start3A_152] : memref<256x256xf32, #tpu.memory_space<vmem>> -> memref<64x256xf32, #tpu.memory_space<vmem>>
      tpu.enqueue_dma source(%dma_start3A_153 : memref<64x256xf32, #tpu.memory_space<vmem>>) target(%dma_start3A_150 : memref<64x256xf32, #tpu.memory_space<hbm>>) target_semaphore(%arg11 : memref<!tpu.dma_semaphore, #tpu.memory_space<semaphore_mem>>)
      %mul3A_154 = arith.constant 4 : i32
      %mul3A_155 = arith.muli %scan3A_59, %mul3A_154 : i32
      %add3A_156 = arith.constant 1 : i32
      %add3A_157 = arith.addi %mul3A_155, %add3A_156 : i32
      %dma_wait3A_158 = arith.constant 64 : i32
      %dma_wait3A_159 = arith.constant 0 : i32
      %dma_wait3A_160 = tpu.memref_slice %arg6[%dma_wait3A_158, %dma_wait3A_159] : memref<256x256xf32, #tpu.memory_space<vmem>> -> memref<64x256xf32, #tpu.memory_space<vmem>>
      %dma_wait3A_161 = arith.constant 0 : i32
      %dma_wait3A_162 = tpu.memref_slice %arg5[%add3A_157, %dma_wait3A_161] : memref<80x64xi32, #tpu.memory_space<vmem>> -> memref<1x64xi32, #tpu.memory_space<vmem>>
      %dma_wait3A_163 = tpu.memref_squeeze %dma_wait3A_162 : memref<1x64xi32, #tpu.memory_space<vmem>> -> memref<64xi32, #tpu.memory_space<vmem>>
      %dma_wait3A_164 = arith.constant 0 : i32
      %dma_wait3A_165 = arith.constant 0 : i32
      %dma_wait3A_166 = tpu.memref_slice %arg2[%dma_wait3A_164, %dma_wait3A_165] : memref<10000x256xf32, #tpu.memory_space<hbm>> -> memref<10000x256xf32, #tpu.memory_space<hbm>>
      tpu.wait_indirect_dma semaphore(%arg8 : memref<!tpu.dma_semaphore, #tpu.memory_space<semaphore_mem>>) src(%dma_wait3A_166 : memref<10000x256xf32, #tpu.memory_space<hbm>>) dst(%dma_wait3A_160 : memref<64x256xf32, #tpu.memory_space<vmem>>)
      %mul3A_167 = arith.constant 64 : i32
      %mul3A_168 = arith.muli %add3A_157, %mul3A_167 : i32
      %add3A_169 = arith.addi %mul3A_6, %mul3A_168 : i32
      %dma_start3A_170 = arith.constant 64 : i32
      %dma_start3A_171 = arith.constant 0 : i32
      %dma_start3A_172 = tpu.memref_slice %arg6[%dma_start3A_170, %dma_start3A_171] : memref<256x256xf32, #tpu.memory_space<vmem>> -> memref<64x256xf32, #tpu.memory_space<vmem>>
      %dma_start3A_173 = arith.constant 0 : i32
      %dma_start3A_174 = tpu.memref_slice %arg4[%add3A_169, %dma_start3A_173] : memref<163840x256xf32, #tpu.memory_space<hbm>> -> memref<64x256xf32, #tpu.memory_space<hbm>>
      %dma_start3A_175 = arith.constant 0 : i32
      %dma_start3A_176 = tpu.memref_slice %arg4[%add3A_169, %dma_start3A_175] : memref<163840x256xf32, #tpu.memory_space<hbm>> -> memref<64x256xf32, #tpu.memory_space<hbm>>
      %dma_start3A_177 = arith.constant 64 : i32
      %dma_start3A_178 = arith.constant 0 : i32
      %dma_start3A_179 = tpu.memref_slice %arg6[%dma_start3A_177, %dma_start3A_178] : memref<256x256xf32, #tpu.memory_space<vmem>> -> memref<64x256xf32, #tpu.memory_space<vmem>>
      tpu.enqueue_dma source(%dma_start3A_179 : memref<64x256xf32, #tpu.memory_space<vmem>>) target(%dma_start3A_176 : memref<64x256xf32, #tpu.memory_space<hbm>>) target_semaphore(%arg12 : memref<!tpu.dma_semaphore, #tpu.memory_space<semaphore_mem>>)
      %mul3A_180 = arith.constant 4 : i32
      %mul3A_181 = arith.muli %scan3A_59, %mul3A_180 : i32
      %add3A_182 = arith.constant 2 : i32
      %add3A_183 = arith.addi %mul3A_181, %add3A_182 : i32
      %dma_wait3A_184 = arith.constant 128 : i32
      %dma_wait3A_185 = arith.constant 0 : i32
      %dma_wait3A_186 = tpu.memref_slice %arg6[%dma_wait3A_184, %dma_wait3A_185] : memref<256x256xf32, #tpu.memory_space<vmem>> -> memref<64x256xf32, #tpu.memory_space<vmem>>
      %dma_wait3A_187 = arith.constant 0 : i32
      %dma_wait3A_188 = tpu.memref_slice %arg5[%add3A_183, %dma_wait3A_187] : memref<80x64xi32, #tpu.memory_space<vmem>> -> memref<1x64xi32, #tpu.memory_space<vmem>>
      %dma_wait3A_189 = tpu.memref_squeeze %dma_wait3A_188 : memref<1x64xi32, #tpu.memory_space<vmem>> -> memref<64xi32, #tpu.memory_space<vmem>>
      %dma_wait3A_190 = arith.constant 0 : i32
      %dma_wait3A_191 = arith.constant 0 : i32
      %dma_wait3A_192 = tpu.memref_slice %arg2[%dma_wait3A_190, %dma_wait3A_191] : memref<10000x256xf32, #tpu.memory_space<hbm>> -> memref<10000x256xf32, #tpu.memory_space<hbm>>
      tpu.wait_indirect_dma semaphore(%arg9 : memref<!tpu.dma_semaphore, #tpu.memory_space<semaphore_mem>>) src(%dma_wait3A_192 : memref<10000x256xf32, #tpu.memory_space<hbm>>) dst(%dma_wait3A_186 : memref<64x256xf32, #tpu.memory_space<vmem>>)
      %mul3A_193 = arith.constant 64 : i32
      %mul3A_194 = arith.muli %add3A_183, %mul3A_193 : i32
      %add3A_195 = arith.addi %mul3A_6, %mul3A_194 : i32
      %dma_start3A_196 = arith.constant 128 : i32
      %dma_start3A_197 = arith.constant 0 : i32
      %dma_start3A_198 = tpu.memref_slice %arg6[%dma_start3A_196, %dma_start3A_197] : memref<256x256xf32, #tpu.memory_space<vmem>> -> memref<64x256xf32, #tpu.memory_space<vmem>>
      %dma_start3A_199 = arith.constant 0 : i32
      %dma_start3A_200 = tpu.memref_slice %arg4[%add3A_195, %dma_start3A_199] : memref<163840x256xf32, #tpu.memory_space<hbm>> -> memref<64x256xf32, #tpu.memory_space<hbm>>
      %dma_start3A_201 = arith.constant 0 : i32
      %dma_start3A_202 = tpu.memref_slice %arg4[%add3A_195, %dma_start3A_201] : memref<163840x256xf32, #tpu.memory_space<hbm>> -> memref<64x256xf32, #tpu.memory_space<hbm>>
      %dma_start3A_203 = arith.constant 128 : i32
      %dma_start3A_204 = arith.constant 0 : i32
      %dma_start3A_205 = tpu.memref_slice %arg6[%dma_start3A_203, %dma_start3A_204] : memref<256x256xf32, #tpu.memory_space<vmem>> -> memref<64x256xf32, #tpu.memory_space<vmem>>
      tpu.enqueue_dma source(%dma_start3A_205 : memref<64x256xf32, #tpu.memory_space<vmem>>) target(%dma_start3A_202 : memref<64x256xf32, #tpu.memory_space<hbm>>) target_semaphore(%arg13 : memref<!tpu.dma_semaphore, #tpu.memory_space<semaphore_mem>>)
      %mul3A_206 = arith.constant 4 : i32
      %mul3A_207 = arith.muli %scan3A_59, %mul3A_206 : i32
      %add3A_208 = arith.constant 3 : i32
      %add3A_209 = arith.addi %mul3A_207, %add3A_208 : i32
      %dma_wait3A_210 = arith.constant 192 : i32
      %dma_wait3A_211 = arith.constant 0 : i32
      %dma_wait3A_212 = tpu.memref_slice %arg6[%dma_wait3A_210, %dma_wait3A_211] : memref<256x256xf32, #tpu.memory_space<vmem>> -> memref<64x256xf32, #tpu.memory_space<vmem>>
      %dma_wait3A_213 = arith.constant 0 : i32
      %dma_wait3A_214 = tpu.memref_slice %arg5[%add3A_209, %dma_wait3A_213] : memref<80x64xi32, #tpu.memory_space<vmem>> -> memref<1x64xi32, #tpu.memory_space<vmem>>
      %dma_wait3A_215 = tpu.memref_squeeze %dma_wait3A_214 : memref<1x64xi32, #tpu.memory_space<vmem>> -> memref<64xi32, #tpu.memory_space<vmem>>
      %dma_wait3A_216 = arith.constant 0 : i32
      %dma_wait3A_217 = arith.constant 0 : i32
      %dma_wait3A_218 = tpu.memref_slice %arg2[%dma_wait3A_216, %dma_wait3A_217] : memref<10000x256xf32, #tpu.memory_space<hbm>> -> memref<10000x256xf32, #tpu.memory_space<hbm>>
      tpu.wait_indirect_dma semaphore(%arg10 : memref<!tpu.dma_semaphore, #tpu.memory_space<semaphore_mem>>) src(%dma_wait3A_218 : memref<10000x256xf32, #tpu.memory_space<hbm>>) dst(%dma_wait3A_212 : memref<64x256xf32, #tpu.memory_space<vmem>>)
      %mul3A_219 = arith.constant 64 : i32
      %mul3A_220 = arith.muli %add3A_209, %mul3A_219 : i32
      %add3A_221 = arith.addi %mul3A_6, %mul3A_220 : i32
      %dma_start3A_222 = arith.constant 192 : i32
      %dma_start3A_223 = arith.constant 0 : i32
      %dma_start3A_224 = tpu.memref_slice %arg6[%dma_start3A_222, %dma_start3A_223] : memref<256x256xf32, #tpu.memory_space<vmem>> -> memref<64x256xf32, #tpu.memory_space<vmem>>
      %dma_start3A_225 = arith.constant 0 : i32
      %dma_start3A_226 = tpu.memref_slice %arg4[%add3A_221, %dma_start3A_225] : memref<163840x256xf32, #tpu.memory_space<hbm>> -> memref<64x256xf32, #tpu.memory_space<hbm>>
      %dma_start3A_227 = arith.constant 0 : i32
      %dma_start3A_228 = tpu.memref_slice %arg4[%add3A_221, %dma_start3A_227] : memref<163840x256xf32, #tpu.memory_space<hbm>> -> memref<64x256xf32, #tpu.memory_space<hbm>>
      %dma_start3A_229 = arith.constant 192 : i32
      %dma_start3A_230 = arith.constant 0 : i32
      %dma_start3A_231 = tpu.memref_slice %arg6[%dma_start3A_229, %dma_start3A_230] : memref<256x256xf32, #tpu.memory_space<vmem>> -> memref<64x256xf32, #tpu.memory_space<vmem>>
      tpu.enqueue_dma source(%dma_start3A_231 : memref<64x256xf32, #tpu.memory_space<vmem>>) target(%dma_start3A_228 : memref<64x256xf32, #tpu.memory_space<hbm>>) target_semaphore(%arg14 : memref<!tpu.dma_semaphore, #tpu.memory_space<semaphore_mem>>)
    }
    %scan3A_11 = arith.constant 20 : i32
    %add3A_12 = arith.constant 4864 : i32
    %add3A_13 = arith.addi %mul3A_6, %add3A_12 : i32
    %dma_wait3A = arith.constant 0 : i32
    %dma_wait3A_14 = arith.constant 0 : i32
    %dma_wait3A_15 = tpu.memref_slice %arg6[%dma_wait3A, %dma_wait3A_14] : memref<256x256xf32, #tpu.memory_space<vmem>> -> memref<64x256xf32, #tpu.memory_space<vmem>>
    %dma_wait3A_16 = arith.constant 0 : i32
    %dma_wait3A_17 = tpu.memref_slice %arg4[%add3A_13, %dma_wait3A_16] : memref<163840x256xf32, #tpu.memory_space<hbm>> -> memref<64x256xf32, #tpu.memory_space<hbm>>
    %dma_wait3A_18 = arith.constant 0 : i32
    %dma_wait3A_19 = tpu.memref_slice %arg4[%add3A_13, %dma_wait3A_18] : memref<163840x256xf32, #tpu.memory_space<hbm>> -> memref<64x256xf32, #tpu.memory_space<hbm>>
    %dma_wait3A_20 = arith.constant 0 : i32
    %dma_wait3A_21 = arith.constant 0 : i32
    %dma_wait3A_22 = tpu.memref_slice %arg6[%dma_wait3A_20, %dma_wait3A_21] : memref<256x256xf32, #tpu.memory_space<vmem>> -> memref<64x256xf32, #tpu.memory_space<vmem>>
    tpu.wait_dma2 semaphore(%arg11 : memref<!tpu.dma_semaphore, #tpu.memory_space<semaphore_mem>>) src(%dma_wait3A_22 : memref<64x256xf32, #tpu.memory_space<vmem>>) dst(%dma_wait3A_19 : memref<64x256xf32, #tpu.memory_space<hbm>>)
    %add3A_23 = arith.constant 4928 : i32
    %add3A_24 = arith.addi %mul3A_6, %add3A_23 : i32
    %dma_wait3A_25 = arith.constant 64 : i32
    %dma_wait3A_26 = arith.constant 0 : i32
    %dma_wait3A_27 = tpu.memref_slice %arg6[%dma_wait3A_25, %dma_wait3A_26] : memref<256x256xf32, #tpu.memory_space<vmem>> -> memref<64x256xf32, #tpu.memory_space<vmem>>
    %dma_wait3A_28 = arith.constant 0 : i32
    %dma_wait3A_29 = tpu.memref_slice %arg4[%add3A_24, %dma_wait3A_28] : memref<163840x256xf32, #tpu.memory_space<hbm>> -> memref<64x256xf32, #tpu.memory_space<hbm>>
    %dma_wait3A_30 = arith.constant 0 : i32
    %dma_wait3A_31 = tpu.memref_slice %arg4[%add3A_24, %dma_wait3A_30] : memref<163840x256xf32, #tpu.memory_space<hbm>> -> memref<64x256xf32, #tpu.memory_space<hbm>>
    %dma_wait3A_32 = arith.constant 64 : i32
    %dma_wait3A_33 = arith.constant 0 : i32
    %dma_wait3A_34 = tpu.memref_slice %arg6[%dma_wait3A_32, %dma_wait3A_33] : memref<256x256xf32, #tpu.memory_space<vmem>> -> memref<64x256xf32, #tpu.memory_space<vmem>>
    tpu.wait_dma2 semaphore(%arg12 : memref<!tpu.dma_semaphore, #tpu.memory_space<semaphore_mem>>) src(%dma_wait3A_34 : memref<64x256xf32, #tpu.memory_space<vmem>>) dst(%dma_wait3A_31 : memref<64x256xf32, #tpu.memory_space<hbm>>)
    %add3A_35 = arith.constant 4992 : i32
    %add3A_36 = arith.addi %mul3A_6, %add3A_35 : i32
    %dma_wait3A_37 = arith.constant 128 : i32
    %dma_wait3A_38 = arith.constant 0 : i32
    %dma_wait3A_39 = tpu.memref_slice %arg6[%dma_wait3A_37, %dma_wait3A_38] : memref<256x256xf32, #tpu.memory_space<vmem>> -> memref<64x256xf32, #tpu.memory_space<vmem>>
    %dma_wait3A_40 = arith.constant 0 : i32
    %dma_wait3A_41 = tpu.memref_slice %arg4[%add3A_36, %dma_wait3A_40] : memref<163840x256xf32, #tpu.memory_space<hbm>> -> memref<64x256xf32, #tpu.memory_space<hbm>>
    %dma_wait3A_42 = arith.constant 0 : i32
    %dma_wait3A_43 = tpu.memref_slice %arg4[%add3A_36, %dma_wait3A_42] : memref<163840x256xf32, #tpu.memory_space<hbm>> -> memref<64x256xf32, #tpu.memory_space<hbm>>
    %dma_wait3A_44 = arith.constant 128 : i32
    %dma_wait3A_45 = arith.constant 0 : i32
    %dma_wait3A_46 = tpu.memref_slice %arg6[%dma_wait3A_44, %dma_wait3A_45] : memref<256x256xf32, #tpu.memory_space<vmem>> -> memref<64x256xf32, #tpu.memory_space<vmem>>
    tpu.wait_dma2 semaphore(%arg13 : memref<!tpu.dma_semaphore, #tpu.memory_space<semaphore_mem>>) src(%dma_wait3A_46 : memref<64x256xf32, #tpu.memory_space<vmem>>) dst(%dma_wait3A_43 : memref<64x256xf32, #tpu.memory_space<hbm>>)
    %add3A_47 = arith.constant 5056 : i32
    %add3A_48 = arith.addi %mul3A_6, %add3A_47 : i32
    %dma_wait3A_49 = arith.constant 192 : i32
    %dma_wait3A_50 = arith.constant 0 : i32
    %dma_wait3A_51 = tpu.memref_slice %arg6[%dma_wait3A_49, %dma_wait3A_50] : memref<256x256xf32, #tpu.memory_space<vmem>> -> memref<64x256xf32, #tpu.memory_space<vmem>>
    %dma_wait3A_52 = arith.constant 0 : i32
    %dma_wait3A_53 = tpu.memref_slice %arg4[%add3A_48, %dma_wait3A_52] : memref<163840x256xf32, #tpu.memory_space<hbm>> -> memref<64x256xf32, #tpu.memory_space<hbm>>
    %dma_wait3A_54 = arith.constant 0 : i32
    %dma_wait3A_55 = tpu.memref_slice %arg4[%add3A_48, %dma_wait3A_54] : memref<163840x256xf32, #tpu.memory_space<hbm>> -> memref<64x256xf32, #tpu.memory_space<hbm>>
    %dma_wait3A_56 = arith.constant 192 : i32
    %dma_wait3A_57 = arith.constant 0 : i32
    %dma_wait3A_58 = tpu.memref_slice %arg6[%dma_wait3A_56, %dma_wait3A_57] : memref<256x256xf32, #tpu.memory_space<vmem>> -> memref<64x256xf32, #tpu.memory_space<vmem>>
    tpu.wait_dma2 semaphore(%arg14 : memref<!tpu.dma_semaphore, #tpu.memory_space<semaphore_mem>>) src(%dma_wait3A_58 : memref<64x256xf32, #tpu.memory_space<vmem>>) dst(%dma_wait3A_55 : memref<64x256xf32, #tpu.memory_space<hbm>>)
    return
  }
}

#map = affine_map<(d0, d1) -> (0, 0)>
module attributes {stable_mosaic.version = 14 : i64} {
  func.func @k(%arg0: i32, %arg1: i32, %arg2: memref<10000x16xf32, #tpu.memory_space<hbm>>, %arg3: memref<2560x128xi32, #tpu.memory_space<hbm>>, %arg4: memref<327680x16xf32, #tpu.memory_space<hbm>>, %arg5: memref<80x128xi32, #tpu.memory_space<vmem>>, %arg6: memref<512x16xf32, #tpu.memory_space<vmem>>, %arg7: memref<!tpu.dma_semaphore, #tpu.memory_space<semaphore_mem>>, %arg8: memref<!tpu.dma_semaphore, #tpu.memory_space<semaphore_mem>>, %arg9: memref<!tpu.dma_semaphore, #tpu.memory_space<semaphore_mem>>, %arg10: memref<!tpu.dma_semaphore, #tpu.memory_space<semaphore_mem>>, %arg11: memref<!tpu.dma_semaphore, #tpu.memory_space<semaphore_mem>>, %arg12: memref<!tpu.dma_semaphore, #tpu.memory_space<semaphore_mem>>, %arg13: memref<!tpu.dma_semaphore, #tpu.memory_space<semaphore_mem>>, %arg14: memref<!tpu.dma_semaphore, #tpu.memory_space<semaphore_mem>>) attributes {dimension_semantics = [#tpu.dimension_semantics<core_parallel>, #tpu.dimension_semantics<subcore_parallel>], iteration_bounds = array<i64: 2, 16>, scalar_prefetch = 0 : i64, scratch_operands = 10 : i64, tpu.core_type = #tpu.core_type<sc_vector_subcore>, window_params = [{transform_indices = #map}, {transform_indices = #map}, {transform_indices = #map}]} {
    %mul3A = arith.constant 2 : i32
    %mul3A_0 = arith.muli %arg1, %mul3A : i32
    %add3A = arith.addi %mul3A_0, %arg0 : i32
    %mul3A_1 = arith.constant 80 : i32
    %mul3A_2 = arith.muli %add3A, %mul3A_1 : i32
    "tpu.region"() ({
      %run_scoped3A = tpu.sem_alloc : memref<!tpu.dma_semaphore, #tpu.memory_space<semaphore_mem>>
      %dma_start3A = arith.constant 0 : i32
      %dma_start3A_59 = tpu.memref_slice %arg3[%mul3A_2, %dma_start3A] : memref<2560x128xi32, #tpu.memory_space<hbm>> -> memref<80x128xi32, #tpu.memory_space<hbm>>
      %dma_start3A_60 = arith.constant 0 : i32
      %dma_start3A_61 = tpu.memref_slice %arg3[%mul3A_2, %dma_start3A_60] : memref<2560x128xi32, #tpu.memory_space<hbm>> -> memref<80x128xi32, #tpu.memory_space<hbm>>
      tpu.enqueue_dma source(%dma_start3A_61 : memref<80x128xi32, #tpu.memory_space<hbm>>) target(%arg5 : memref<80x128xi32, #tpu.memory_space<vmem>>) target_semaphore(%run_scoped3A : memref<!tpu.dma_semaphore, #tpu.memory_space<semaphore_mem>>)
      %dma_wait3A_62 = arith.constant 0 : i32
      %dma_wait3A_63 = tpu.memref_slice %arg3[%mul3A_2, %dma_wait3A_62] : memref<2560x128xi32, #tpu.memory_space<hbm>> -> memref<80x128xi32, #tpu.memory_space<hbm>>
      %dma_wait3A_64 = arith.constant 0 : i32
      %dma_wait3A_65 = tpu.memref_slice %arg3[%mul3A_2, %dma_wait3A_64] : memref<2560x128xi32, #tpu.memory_space<hbm>> -> memref<80x128xi32, #tpu.memory_space<hbm>>
      tpu.wait_dma2 semaphore(%run_scoped3A : memref<!tpu.dma_semaphore, #tpu.memory_space<semaphore_mem>>) src(%dma_wait3A_65 : memref<80x128xi32, #tpu.memory_space<hbm>>) dst(%arg5 : memref<80x128xi32, #tpu.memory_space<vmem>>)
      tpu.yield
    }) : () -> ()
    %mul3A_3 = arith.constant 80 : i32
    %mul3A_4 = arith.muli %add3A, %mul3A_3 : i32
    %mul3A_5 = arith.constant 128 : i32
    %mul3A_6 = arith.muli %mul3A_4, %mul3A_5 : i32
    %scan3A = arith.constant 0 : i32
    %scan3A_7 = arith.constant 0 : i32
    %scan3A_8 = arith.constant 20 : i32
    %scan3A_9 = arith.addi %scan3A_7, %scan3A_8 : i32
    %scan3A_10 = arith.constant 1 : i32
    scf.for %scan3A_59 = %scan3A_7 to %scan3A_9 step %scan3A_10  : i32 {
      %mul3A_60 = arith.constant 4 : i32
      %mul3A_61 = arith.muli %scan3A_59, %mul3A_60 : i32
      %add3A_62 = arith.constant 0 : i32
      %add3A_63 = arith.addi %mul3A_61, %add3A_62 : i32
      %gt3A = arith.constant 0 : i32
      %gt3A_64 = arith.cmpi sgt, %scan3A_59, %gt3A : i32
      %convert_element_type3A = arith.extui %gt3A_64 : i1 to i32
      %cond3A = arith.constant 0 : i32
      %cond3A_65 = arith.cmpi ne, %convert_element_type3A, %cond3A : i32
      scf.if %cond3A_65 {
        %sub3A = arith.constant 4 : i32
        %sub3A_232 = arith.subi %add3A_63, %sub3A : i32
        %mul3A_233 = arith.constant 128 : i32
        %mul3A_234 = arith.muli %sub3A_232, %mul3A_233 : i32
        %add3A_235 = arith.addi %mul3A_6, %mul3A_234 : i32
        %dma_wait3A_236 = arith.constant 0 : i32
        %dma_wait3A_237 = arith.constant 0 : i32
        %dma_wait3A_238 = tpu.memref_slice %arg6[%dma_wait3A_236, %dma_wait3A_237] : memref<512x16xf32, #tpu.memory_space<vmem>> -> memref<128x16xf32, #tpu.memory_space<vmem>>
        %dma_wait3A_239 = arith.constant 0 : i32
        %dma_wait3A_240 = tpu.memref_slice %arg4[%add3A_235, %dma_wait3A_239] : memref<327680x16xf32, #tpu.memory_space<hbm>> -> memref<128x16xf32, #tpu.memory_space<hbm>>
        %dma_wait3A_241 = arith.constant 0 : i32
        %dma_wait3A_242 = tpu.memref_slice %arg4[%add3A_235, %dma_wait3A_241] : memref<327680x16xf32, #tpu.memory_space<hbm>> -> memref<128x16xf32, #tpu.memory_space<hbm>>
        %dma_wait3A_243 = arith.constant 0 : i32
        %dma_wait3A_244 = arith.constant 0 : i32
        %dma_wait3A_245 = tpu.memref_slice %arg6[%dma_wait3A_243, %dma_wait3A_244] : memref<512x16xf32, #tpu.memory_space<vmem>> -> memref<128x16xf32, #tpu.memory_space<vmem>>
        tpu.wait_dma2 semaphore(%arg11 : memref<!tpu.dma_semaphore, #tpu.memory_space<semaphore_mem>>) src(%dma_wait3A_245 : memref<128x16xf32, #tpu.memory_space<vmem>>) dst(%dma_wait3A_242 : memref<128x16xf32, #tpu.memory_space<hbm>>)
      } else {
      }
      %dma_start3A = arith.constant 0 : i32
      %dma_start3A_66 = arith.constant 0 : i32
      %dma_start3A_67 = tpu.memref_slice %arg6[%dma_start3A, %dma_start3A_66] : memref<512x16xf32, #tpu.memory_space<vmem>> -> memref<128x16xf32, #tpu.memory_space<vmem>>
      %dma_start3A_68 = arith.constant 0 : i32
      %dma_start3A_69 = tpu.memref_slice %arg5[%add3A_63, %dma_start3A_68] : memref<80x128xi32, #tpu.memory_space<vmem>> -> memref<1x128xi32, #tpu.memory_space<vmem>>
      %dma_start3A_70 = tpu.memref_squeeze %dma_start3A_69 : memref<1x128xi32, #tpu.memory_space<vmem>> -> memref<128xi32, #tpu.memory_space<vmem>>
      %dma_start3A_71 = arith.constant 0 : i32
      %dma_start3A_72 = arith.constant 0 : i32
      %dma_start3A_73 = tpu.memref_slice %arg2[%dma_start3A_71, %dma_start3A_72] : memref<10000x16xf32, #tpu.memory_space<hbm>> -> memref<10000x16xf32, #tpu.memory_space<hbm>>
      tpu.enqueue_indirect_dma source(%dma_start3A_73 : memref<10000x16xf32, #tpu.memory_space<hbm>>) target(%dma_start3A_67 : memref<128x16xf32, #tpu.memory_space<vmem>>) offsets(%dma_start3A_70 : memref<128xi32, #tpu.memory_space<vmem>>) semaphore(%arg7 : memref<!tpu.dma_semaphore, #tpu.memory_space<semaphore_mem>>)
      %mul3A_74 = arith.constant 4 : i32
      %mul3A_75 = arith.muli %scan3A_59, %mul3A_74 : i32
      %add3A_76 = arith.constant 1 : i32
      %add3A_77 = arith.addi %mul3A_75, %add3A_76 : i32
      %gt3A_78 = arith.constant 0 : i32
      %gt3A_79 = arith.cmpi sgt, %scan3A_59, %gt3A_78 : i32
      %convert_element_type3A_80 = arith.extui %gt3A_79 : i1 to i32
      %cond3A_81 = arith.constant 0 : i32
      %cond3A_82 = arith.cmpi ne, %convert_element_type3A_80, %cond3A_81 : i32
      scf.if %cond3A_82 {
        %sub3A = arith.constant 4 : i32
        %sub3A_232 = arith.subi %add3A_77, %sub3A : i32
        %mul3A_233 = arith.constant 128 : i32
        %mul3A_234 = arith.muli %sub3A_232, %mul3A_233 : i32
        %add3A_235 = arith.addi %mul3A_6, %mul3A_234 : i32
        %dma_wait3A_236 = arith.constant 128 : i32
        %dma_wait3A_237 = arith.constant 0 : i32
        %dma_wait3A_238 = tpu.memref_slice %arg6[%dma_wait3A_236, %dma_wait3A_237] : memref<512x16xf32, #tpu.memory_space<vmem>> -> memref<128x16xf32, #tpu.memory_space<vmem>>
        %dma_wait3A_239 = arith.constant 0 : i32
        %dma_wait3A_240 = tpu.memref_slice %arg4[%add3A_235, %dma_wait3A_239] : memref<327680x16xf32, #tpu.memory_space<hbm>> -> memref<128x16xf32, #tpu.memory_space<hbm>>
        %dma_wait3A_241 = arith.constant 0 : i32
        %dma_wait3A_242 = tpu.memref_slice %arg4[%add3A_235, %dma_wait3A_241] : memref<327680x16xf32, #tpu.memory_space<hbm>> -> memref<128x16xf32, #tpu.memory_space<hbm>>
        %dma_wait3A_243 = arith.constant 128 : i32
        %dma_wait3A_244 = arith.constant 0 : i32
        %dma_wait3A_245 = tpu.memref_slice %arg6[%dma_wait3A_243, %dma_wait3A_244] : memref<512x16xf32, #tpu.memory_space<vmem>> -> memref<128x16xf32, #tpu.memory_space<vmem>>
        tpu.wait_dma2 semaphore(%arg12 : memref<!tpu.dma_semaphore, #tpu.memory_space<semaphore_mem>>) src(%dma_wait3A_245 : memref<128x16xf32, #tpu.memory_space<vmem>>) dst(%dma_wait3A_242 : memref<128x16xf32, #tpu.memory_space<hbm>>)
      } else {
      }
      %dma_start3A_83 = arith.constant 128 : i32
      %dma_start3A_84 = arith.constant 0 : i32
      %dma_start3A_85 = tpu.memref_slice %arg6[%dma_start3A_83, %dma_start3A_84] : memref<512x16xf32, #tpu.memory_space<vmem>> -> memref<128x16xf32, #tpu.memory_space<vmem>>
      %dma_start3A_86 = arith.constant 0 : i32
      %dma_start3A_87 = tpu.memref_slice %arg5[%add3A_77, %dma_start3A_86] : memref<80x128xi32, #tpu.memory_space<vmem>> -> memref<1x128xi32, #tpu.memory_space<vmem>>
      %dma_start3A_88 = tpu.memref_squeeze %dma_start3A_87 : memref<1x128xi32, #tpu.memory_space<vmem>> -> memref<128xi32, #tpu.memory_space<vmem>>
      %dma_start3A_89 = arith.constant 0 : i32
      %dma_start3A_90 = arith.constant 0 : i32
      %dma_start3A_91 = tpu.memref_slice %arg2[%dma_start3A_89, %dma_start3A_90] : memref<10000x16xf32, #tpu.memory_space<hbm>> -> memref<10000x16xf32, #tpu.memory_space<hbm>>
      tpu.enqueue_indirect_dma source(%dma_start3A_91 : memref<10000x16xf32, #tpu.memory_space<hbm>>) target(%dma_start3A_85 : memref<128x16xf32, #tpu.memory_space<vmem>>) offsets(%dma_start3A_88 : memref<128xi32, #tpu.memory_space<vmem>>) semaphore(%arg8 : memref<!tpu.dma_semaphore, #tpu.memory_space<semaphore_mem>>)
      %mul3A_92 = arith.constant 4 : i32
      %mul3A_93 = arith.muli %scan3A_59, %mul3A_92 : i32
      %add3A_94 = arith.constant 2 : i32
      %add3A_95 = arith.addi %mul3A_93, %add3A_94 : i32
      %gt3A_96 = arith.constant 0 : i32
      %gt3A_97 = arith.cmpi sgt, %scan3A_59, %gt3A_96 : i32
      %convert_element_type3A_98 = arith.extui %gt3A_97 : i1 to i32
      %cond3A_99 = arith.constant 0 : i32
      %cond3A_100 = arith.cmpi ne, %convert_element_type3A_98, %cond3A_99 : i32
      scf.if %cond3A_100 {
        %sub3A = arith.constant 4 : i32
        %sub3A_232 = arith.subi %add3A_95, %sub3A : i32
        %mul3A_233 = arith.constant 128 : i32
        %mul3A_234 = arith.muli %sub3A_232, %mul3A_233 : i32
        %add3A_235 = arith.addi %mul3A_6, %mul3A_234 : i32
        %dma_wait3A_236 = arith.constant 256 : i32
        %dma_wait3A_237 = arith.constant 0 : i32
        %dma_wait3A_238 = tpu.memref_slice %arg6[%dma_wait3A_236, %dma_wait3A_237] : memref<512x16xf32, #tpu.memory_space<vmem>> -> memref<128x16xf32, #tpu.memory_space<vmem>>
        %dma_wait3A_239 = arith.constant 0 : i32
        %dma_wait3A_240 = tpu.memref_slice %arg4[%add3A_235, %dma_wait3A_239] : memref<327680x16xf32, #tpu.memory_space<hbm>> -> memref<128x16xf32, #tpu.memory_space<hbm>>
        %dma_wait3A_241 = arith.constant 0 : i32
        %dma_wait3A_242 = tpu.memref_slice %arg4[%add3A_235, %dma_wait3A_241] : memref<327680x16xf32, #tpu.memory_space<hbm>> -> memref<128x16xf32, #tpu.memory_space<hbm>>
        %dma_wait3A_243 = arith.constant 256 : i32
        %dma_wait3A_244 = arith.constant 0 : i32
        %dma_wait3A_245 = tpu.memref_slice %arg6[%dma_wait3A_243, %dma_wait3A_244] : memref<512x16xf32, #tpu.memory_space<vmem>> -> memref<128x16xf32, #tpu.memory_space<vmem>>
        tpu.wait_dma2 semaphore(%arg13 : memref<!tpu.dma_semaphore, #tpu.memory_space<semaphore_mem>>) src(%dma_wait3A_245 : memref<128x16xf32, #tpu.memory_space<vmem>>) dst(%dma_wait3A_242 : memref<128x16xf32, #tpu.memory_space<hbm>>)
      } else {
      }
      %dma_start3A_101 = arith.constant 256 : i32
      %dma_start3A_102 = arith.constant 0 : i32
      %dma_start3A_103 = tpu.memref_slice %arg6[%dma_start3A_101, %dma_start3A_102] : memref<512x16xf32, #tpu.memory_space<vmem>> -> memref<128x16xf32, #tpu.memory_space<vmem>>
      %dma_start3A_104 = arith.constant 0 : i32
      %dma_start3A_105 = tpu.memref_slice %arg5[%add3A_95, %dma_start3A_104] : memref<80x128xi32, #tpu.memory_space<vmem>> -> memref<1x128xi32, #tpu.memory_space<vmem>>
      %dma_start3A_106 = tpu.memref_squeeze %dma_start3A_105 : memref<1x128xi32, #tpu.memory_space<vmem>> -> memref<128xi32, #tpu.memory_space<vmem>>
      %dma_start3A_107 = arith.constant 0 : i32
      %dma_start3A_108 = arith.constant 0 : i32
      %dma_start3A_109 = tpu.memref_slice %arg2[%dma_start3A_107, %dma_start3A_108] : memref<10000x16xf32, #tpu.memory_space<hbm>> -> memref<10000x16xf32, #tpu.memory_space<hbm>>
      tpu.enqueue_indirect_dma source(%dma_start3A_109 : memref<10000x16xf32, #tpu.memory_space<hbm>>) target(%dma_start3A_103 : memref<128x16xf32, #tpu.memory_space<vmem>>) offsets(%dma_start3A_106 : memref<128xi32, #tpu.memory_space<vmem>>) semaphore(%arg9 : memref<!tpu.dma_semaphore, #tpu.memory_space<semaphore_mem>>)
      %mul3A_110 = arith.constant 4 : i32
      %mul3A_111 = arith.muli %scan3A_59, %mul3A_110 : i32
      %add3A_112 = arith.constant 3 : i32
      %add3A_113 = arith.addi %mul3A_111, %add3A_112 : i32
      %gt3A_114 = arith.constant 0 : i32
      %gt3A_115 = arith.cmpi sgt, %scan3A_59, %gt3A_114 : i32
      %convert_element_type3A_116 = arith.extui %gt3A_115 : i1 to i32
      %cond3A_117 = arith.constant 0 : i32
      %cond3A_118 = arith.cmpi ne, %convert_element_type3A_116, %cond3A_117 : i32
      scf.if %cond3A_118 {
        %sub3A = arith.constant 4 : i32
        %sub3A_232 = arith.subi %add3A_113, %sub3A : i32
        %mul3A_233 = arith.constant 128 : i32
        %mul3A_234 = arith.muli %sub3A_232, %mul3A_233 : i32
        %add3A_235 = arith.addi %mul3A_6, %mul3A_234 : i32
        %dma_wait3A_236 = arith.constant 384 : i32
        %dma_wait3A_237 = arith.constant 0 : i32
        %dma_wait3A_238 = tpu.memref_slice %arg6[%dma_wait3A_236, %dma_wait3A_237] : memref<512x16xf32, #tpu.memory_space<vmem>> -> memref<128x16xf32, #tpu.memory_space<vmem>>
        %dma_wait3A_239 = arith.constant 0 : i32
        %dma_wait3A_240 = tpu.memref_slice %arg4[%add3A_235, %dma_wait3A_239] : memref<327680x16xf32, #tpu.memory_space<hbm>> -> memref<128x16xf32, #tpu.memory_space<hbm>>
        %dma_wait3A_241 = arith.constant 0 : i32
        %dma_wait3A_242 = tpu.memref_slice %arg4[%add3A_235, %dma_wait3A_241] : memref<327680x16xf32, #tpu.memory_space<hbm>> -> memref<128x16xf32, #tpu.memory_space<hbm>>
        %dma_wait3A_243 = arith.constant 384 : i32
        %dma_wait3A_244 = arith.constant 0 : i32
        %dma_wait3A_245 = tpu.memref_slice %arg6[%dma_wait3A_243, %dma_wait3A_244] : memref<512x16xf32, #tpu.memory_space<vmem>> -> memref<128x16xf32, #tpu.memory_space<vmem>>
        tpu.wait_dma2 semaphore(%arg14 : memref<!tpu.dma_semaphore, #tpu.memory_space<semaphore_mem>>) src(%dma_wait3A_245 : memref<128x16xf32, #tpu.memory_space<vmem>>) dst(%dma_wait3A_242 : memref<128x16xf32, #tpu.memory_space<hbm>>)
      } else {
      }
      %dma_start3A_119 = arith.constant 384 : i32
      %dma_start3A_120 = arith.constant 0 : i32
      %dma_start3A_121 = tpu.memref_slice %arg6[%dma_start3A_119, %dma_start3A_120] : memref<512x16xf32, #tpu.memory_space<vmem>> -> memref<128x16xf32, #tpu.memory_space<vmem>>
      %dma_start3A_122 = arith.constant 0 : i32
      %dma_start3A_123 = tpu.memref_slice %arg5[%add3A_113, %dma_start3A_122] : memref<80x128xi32, #tpu.memory_space<vmem>> -> memref<1x128xi32, #tpu.memory_space<vmem>>
      %dma_start3A_124 = tpu.memref_squeeze %dma_start3A_123 : memref<1x128xi32, #tpu.memory_space<vmem>> -> memref<128xi32, #tpu.memory_space<vmem>>
      %dma_start3A_125 = arith.constant 0 : i32
      %dma_start3A_126 = arith.constant 0 : i32
      %dma_start3A_127 = tpu.memref_slice %arg2[%dma_start3A_125, %dma_start3A_126] : memref<10000x16xf32, #tpu.memory_space<hbm>> -> memref<10000x16xf32, #tpu.memory_space<hbm>>
      tpu.enqueue_indirect_dma source(%dma_start3A_127 : memref<10000x16xf32, #tpu.memory_space<hbm>>) target(%dma_start3A_121 : memref<128x16xf32, #tpu.memory_space<vmem>>) offsets(%dma_start3A_124 : memref<128xi32, #tpu.memory_space<vmem>>) semaphore(%arg10 : memref<!tpu.dma_semaphore, #tpu.memory_space<semaphore_mem>>)
      %mul3A_128 = arith.constant 4 : i32
      %mul3A_129 = arith.muli %scan3A_59, %mul3A_128 : i32
      %add3A_130 = arith.constant 0 : i32
      %add3A_131 = arith.addi %mul3A_129, %add3A_130 : i32
      %dma_wait3A_132 = arith.constant 0 : i32
      %dma_wait3A_133 = arith.constant 0 : i32
      %dma_wait3A_134 = tpu.memref_slice %arg6[%dma_wait3A_132, %dma_wait3A_133] : memref<512x16xf32, #tpu.memory_space<vmem>> -> memref<128x16xf32, #tpu.memory_space<vmem>>
      %dma_wait3A_135 = arith.constant 0 : i32
      %dma_wait3A_136 = tpu.memref_slice %arg5[%add3A_131, %dma_wait3A_135] : memref<80x128xi32, #tpu.memory_space<vmem>> -> memref<1x128xi32, #tpu.memory_space<vmem>>
      %dma_wait3A_137 = tpu.memref_squeeze %dma_wait3A_136 : memref<1x128xi32, #tpu.memory_space<vmem>> -> memref<128xi32, #tpu.memory_space<vmem>>
      %dma_wait3A_138 = arith.constant 0 : i32
      %dma_wait3A_139 = arith.constant 0 : i32
      %dma_wait3A_140 = tpu.memref_slice %arg2[%dma_wait3A_138, %dma_wait3A_139] : memref<10000x16xf32, #tpu.memory_space<hbm>> -> memref<10000x16xf32, #tpu.memory_space<hbm>>
      tpu.wait_indirect_dma semaphore(%arg7 : memref<!tpu.dma_semaphore, #tpu.memory_space<semaphore_mem>>) src(%dma_wait3A_140 : memref<10000x16xf32, #tpu.memory_space<hbm>>) dst(%dma_wait3A_134 : memref<128x16xf32, #tpu.memory_space<vmem>>)
      %mul3A_141 = arith.constant 128 : i32
      %mul3A_142 = arith.muli %add3A_131, %mul3A_141 : i32
      %add3A_143 = arith.addi %mul3A_6, %mul3A_142 : i32
      %dma_start3A_144 = arith.constant 0 : i32
      %dma_start3A_145 = arith.constant 0 : i32
      %dma_start3A_146 = tpu.memref_slice %arg6[%dma_start3A_144, %dma_start3A_145] : memref<512x16xf32, #tpu.memory_space<vmem>> -> memref<128x16xf32, #tpu.memory_space<vmem>>
      %dma_start3A_147 = arith.constant 0 : i32
      %dma_start3A_148 = tpu.memref_slice %arg4[%add3A_143, %dma_start3A_147] : memref<327680x16xf32, #tpu.memory_space<hbm>> -> memref<128x16xf32, #tpu.memory_space<hbm>>
      %dma_start3A_149 = arith.constant 0 : i32
      %dma_start3A_150 = tpu.memref_slice %arg4[%add3A_143, %dma_start3A_149] : memref<327680x16xf32, #tpu.memory_space<hbm>> -> memref<128x16xf32, #tpu.memory_space<hbm>>
      %dma_start3A_151 = arith.constant 0 : i32
      %dma_start3A_152 = arith.constant 0 : i32
      %dma_start3A_153 = tpu.memref_slice %arg6[%dma_start3A_151, %dma_start3A_152] : memref<512x16xf32, #tpu.memory_space<vmem>> -> memref<128x16xf32, #tpu.memory_space<vmem>>
      tpu.enqueue_dma source(%dma_start3A_153 : memref<128x16xf32, #tpu.memory_space<vmem>>) target(%dma_start3A_150 : memref<128x16xf32, #tpu.memory_space<hbm>>) target_semaphore(%arg11 : memref<!tpu.dma_semaphore, #tpu.memory_space<semaphore_mem>>)
      %mul3A_154 = arith.constant 4 : i32
      %mul3A_155 = arith.muli %scan3A_59, %mul3A_154 : i32
      %add3A_156 = arith.constant 1 : i32
      %add3A_157 = arith.addi %mul3A_155, %add3A_156 : i32
      %dma_wait3A_158 = arith.constant 128 : i32
      %dma_wait3A_159 = arith.constant 0 : i32
      %dma_wait3A_160 = tpu.memref_slice %arg6[%dma_wait3A_158, %dma_wait3A_159] : memref<512x16xf32, #tpu.memory_space<vmem>> -> memref<128x16xf32, #tpu.memory_space<vmem>>
      %dma_wait3A_161 = arith.constant 0 : i32
      %dma_wait3A_162 = tpu.memref_slice %arg5[%add3A_157, %dma_wait3A_161] : memref<80x128xi32, #tpu.memory_space<vmem>> -> memref<1x128xi32, #tpu.memory_space<vmem>>
      %dma_wait3A_163 = tpu.memref_squeeze %dma_wait3A_162 : memref<1x128xi32, #tpu.memory_space<vmem>> -> memref<128xi32, #tpu.memory_space<vmem>>
      %dma_wait3A_164 = arith.constant 0 : i32
      %dma_wait3A_165 = arith.constant 0 : i32
      %dma_wait3A_166 = tpu.memref_slice %arg2[%dma_wait3A_164, %dma_wait3A_165] : memref<10000x16xf32, #tpu.memory_space<hbm>> -> memref<10000x16xf32, #tpu.memory_space<hbm>>
      tpu.wait_indirect_dma semaphore(%arg8 : memref<!tpu.dma_semaphore, #tpu.memory_space<semaphore_mem>>) src(%dma_wait3A_166 : memref<10000x16xf32, #tpu.memory_space<hbm>>) dst(%dma_wait3A_160 : memref<128x16xf32, #tpu.memory_space<vmem>>)
      %mul3A_167 = arith.constant 128 : i32
      %mul3A_168 = arith.muli %add3A_157, %mul3A_167 : i32
      %add3A_169 = arith.addi %mul3A_6, %mul3A_168 : i32
      %dma_start3A_170 = arith.constant 128 : i32
      %dma_start3A_171 = arith.constant 0 : i32
      %dma_start3A_172 = tpu.memref_slice %arg6[%dma_start3A_170, %dma_start3A_171] : memref<512x16xf32, #tpu.memory_space<vmem>> -> memref<128x16xf32, #tpu.memory_space<vmem>>
      %dma_start3A_173 = arith.constant 0 : i32
      %dma_start3A_174 = tpu.memref_slice %arg4[%add3A_169, %dma_start3A_173] : memref<327680x16xf32, #tpu.memory_space<hbm>> -> memref<128x16xf32, #tpu.memory_space<hbm>>
      %dma_start3A_175 = arith.constant 0 : i32
      %dma_start3A_176 = tpu.memref_slice %arg4[%add3A_169, %dma_start3A_175] : memref<327680x16xf32, #tpu.memory_space<hbm>> -> memref<128x16xf32, #tpu.memory_space<hbm>>
      %dma_start3A_177 = arith.constant 128 : i32
      %dma_start3A_178 = arith.constant 0 : i32
      %dma_start3A_179 = tpu.memref_slice %arg6[%dma_start3A_177, %dma_start3A_178] : memref<512x16xf32, #tpu.memory_space<vmem>> -> memref<128x16xf32, #tpu.memory_space<vmem>>
      tpu.enqueue_dma source(%dma_start3A_179 : memref<128x16xf32, #tpu.memory_space<vmem>>) target(%dma_start3A_176 : memref<128x16xf32, #tpu.memory_space<hbm>>) target_semaphore(%arg12 : memref<!tpu.dma_semaphore, #tpu.memory_space<semaphore_mem>>)
      %mul3A_180 = arith.constant 4 : i32
      %mul3A_181 = arith.muli %scan3A_59, %mul3A_180 : i32
      %add3A_182 = arith.constant 2 : i32
      %add3A_183 = arith.addi %mul3A_181, %add3A_182 : i32
      %dma_wait3A_184 = arith.constant 256 : i32
      %dma_wait3A_185 = arith.constant 0 : i32
      %dma_wait3A_186 = tpu.memref_slice %arg6[%dma_wait3A_184, %dma_wait3A_185] : memref<512x16xf32, #tpu.memory_space<vmem>> -> memref<128x16xf32, #tpu.memory_space<vmem>>
      %dma_wait3A_187 = arith.constant 0 : i32
      %dma_wait3A_188 = tpu.memref_slice %arg5[%add3A_183, %dma_wait3A_187] : memref<80x128xi32, #tpu.memory_space<vmem>> -> memref<1x128xi32, #tpu.memory_space<vmem>>
      %dma_wait3A_189 = tpu.memref_squeeze %dma_wait3A_188 : memref<1x128xi32, #tpu.memory_space<vmem>> -> memref<128xi32, #tpu.memory_space<vmem>>
      %dma_wait3A_190 = arith.constant 0 : i32
      %dma_wait3A_191 = arith.constant 0 : i32
      %dma_wait3A_192 = tpu.memref_slice %arg2[%dma_wait3A_190, %dma_wait3A_191] : memref<10000x16xf32, #tpu.memory_space<hbm>> -> memref<10000x16xf32, #tpu.memory_space<hbm>>
      tpu.wait_indirect_dma semaphore(%arg9 : memref<!tpu.dma_semaphore, #tpu.memory_space<semaphore_mem>>) src(%dma_wait3A_192 : memref<10000x16xf32, #tpu.memory_space<hbm>>) dst(%dma_wait3A_186 : memref<128x16xf32, #tpu.memory_space<vmem>>)
      %mul3A_193 = arith.constant 128 : i32
      %mul3A_194 = arith.muli %add3A_183, %mul3A_193 : i32
      %add3A_195 = arith.addi %mul3A_6, %mul3A_194 : i32
      %dma_start3A_196 = arith.constant 256 : i32
      %dma_start3A_197 = arith.constant 0 : i32
      %dma_start3A_198 = tpu.memref_slice %arg6[%dma_start3A_196, %dma_start3A_197] : memref<512x16xf32, #tpu.memory_space<vmem>> -> memref<128x16xf32, #tpu.memory_space<vmem>>
      %dma_start3A_199 = arith.constant 0 : i32
      %dma_start3A_200 = tpu.memref_slice %arg4[%add3A_195, %dma_start3A_199] : memref<327680x16xf32, #tpu.memory_space<hbm>> -> memref<128x16xf32, #tpu.memory_space<hbm>>
      %dma_start3A_201 = arith.constant 0 : i32
      %dma_start3A_202 = tpu.memref_slice %arg4[%add3A_195, %dma_start3A_201] : memref<327680x16xf32, #tpu.memory_space<hbm>> -> memref<128x16xf32, #tpu.memory_space<hbm>>
      %dma_start3A_203 = arith.constant 256 : i32
      %dma_start3A_204 = arith.constant 0 : i32
      %dma_start3A_205 = tpu.memref_slice %arg6[%dma_start3A_203, %dma_start3A_204] : memref<512x16xf32, #tpu.memory_space<vmem>> -> memref<128x16xf32, #tpu.memory_space<vmem>>
      tpu.enqueue_dma source(%dma_start3A_205 : memref<128x16xf32, #tpu.memory_space<vmem>>) target(%dma_start3A_202 : memref<128x16xf32, #tpu.memory_space<hbm>>) target_semaphore(%arg13 : memref<!tpu.dma_semaphore, #tpu.memory_space<semaphore_mem>>)
      %mul3A_206 = arith.constant 4 : i32
      %mul3A_207 = arith.muli %scan3A_59, %mul3A_206 : i32
      %add3A_208 = arith.constant 3 : i32
      %add3A_209 = arith.addi %mul3A_207, %add3A_208 : i32
      %dma_wait3A_210 = arith.constant 384 : i32
      %dma_wait3A_211 = arith.constant 0 : i32
      %dma_wait3A_212 = tpu.memref_slice %arg6[%dma_wait3A_210, %dma_wait3A_211] : memref<512x16xf32, #tpu.memory_space<vmem>> -> memref<128x16xf32, #tpu.memory_space<vmem>>
      %dma_wait3A_213 = arith.constant 0 : i32
      %dma_wait3A_214 = tpu.memref_slice %arg5[%add3A_209, %dma_wait3A_213] : memref<80x128xi32, #tpu.memory_space<vmem>> -> memref<1x128xi32, #tpu.memory_space<vmem>>
      %dma_wait3A_215 = tpu.memref_squeeze %dma_wait3A_214 : memref<1x128xi32, #tpu.memory_space<vmem>> -> memref<128xi32, #tpu.memory_space<vmem>>
      %dma_wait3A_216 = arith.constant 0 : i32
      %dma_wait3A_217 = arith.constant 0 : i32
      %dma_wait3A_218 = tpu.memref_slice %arg2[%dma_wait3A_216, %dma_wait3A_217] : memref<10000x16xf32, #tpu.memory_space<hbm>> -> memref<10000x16xf32, #tpu.memory_space<hbm>>
      tpu.wait_indirect_dma semaphore(%arg10 : memref<!tpu.dma_semaphore, #tpu.memory_space<semaphore_mem>>) src(%dma_wait3A_218 : memref<10000x16xf32, #tpu.memory_space<hbm>>) dst(%dma_wait3A_212 : memref<128x16xf32, #tpu.memory_space<vmem>>)
      %mul3A_219 = arith.constant 128 : i32
      %mul3A_220 = arith.muli %add3A_209, %mul3A_219 : i32
      %add3A_221 = arith.addi %mul3A_6, %mul3A_220 : i32
      %dma_start3A_222 = arith.constant 384 : i32
      %dma_start3A_223 = arith.constant 0 : i32
      %dma_start3A_224 = tpu.memref_slice %arg6[%dma_start3A_222, %dma_start3A_223] : memref<512x16xf32, #tpu.memory_space<vmem>> -> memref<128x16xf32, #tpu.memory_space<vmem>>
      %dma_start3A_225 = arith.constant 0 : i32
      %dma_start3A_226 = tpu.memref_slice %arg4[%add3A_221, %dma_start3A_225] : memref<327680x16xf32, #tpu.memory_space<hbm>> -> memref<128x16xf32, #tpu.memory_space<hbm>>
      %dma_start3A_227 = arith.constant 0 : i32
      %dma_start3A_228 = tpu.memref_slice %arg4[%add3A_221, %dma_start3A_227] : memref<327680x16xf32, #tpu.memory_space<hbm>> -> memref<128x16xf32, #tpu.memory_space<hbm>>
      %dma_start3A_229 = arith.constant 384 : i32
      %dma_start3A_230 = arith.constant 0 : i32
      %dma_start3A_231 = tpu.memref_slice %arg6[%dma_start3A_229, %dma_start3A_230] : memref<512x16xf32, #tpu.memory_space<vmem>> -> memref<128x16xf32, #tpu.memory_space<vmem>>
      tpu.enqueue_dma source(%dma_start3A_231 : memref<128x16xf32, #tpu.memory_space<vmem>>) target(%dma_start3A_228 : memref<128x16xf32, #tpu.memory_space<hbm>>) target_semaphore(%arg14 : memref<!tpu.dma_semaphore, #tpu.memory_space<semaphore_mem>>)
    }
    %scan3A_11 = arith.constant 20 : i32
    %add3A_12 = arith.constant 9728 : i32
    %add3A_13 = arith.addi %mul3A_6, %add3A_12 : i32
    %dma_wait3A = arith.constant 0 : i32
    %dma_wait3A_14 = arith.constant 0 : i32
    %dma_wait3A_15 = tpu.memref_slice %arg6[%dma_wait3A, %dma_wait3A_14] : memref<512x16xf32, #tpu.memory_space<vmem>> -> memref<128x16xf32, #tpu.memory_space<vmem>>
    %dma_wait3A_16 = arith.constant 0 : i32
    %dma_wait3A_17 = tpu.memref_slice %arg4[%add3A_13, %dma_wait3A_16] : memref<327680x16xf32, #tpu.memory_space<hbm>> -> memref<128x16xf32, #tpu.memory_space<hbm>>
    %dma_wait3A_18 = arith.constant 0 : i32
    %dma_wait3A_19 = tpu.memref_slice %arg4[%add3A_13, %dma_wait3A_18] : memref<327680x16xf32, #tpu.memory_space<hbm>> -> memref<128x16xf32, #tpu.memory_space<hbm>>
    %dma_wait3A_20 = arith.constant 0 : i32
    %dma_wait3A_21 = arith.constant 0 : i32
    %dma_wait3A_22 = tpu.memref_slice %arg6[%dma_wait3A_20, %dma_wait3A_21] : memref<512x16xf32, #tpu.memory_space<vmem>> -> memref<128x16xf32, #tpu.memory_space<vmem>>
    tpu.wait_dma2 semaphore(%arg11 : memref<!tpu.dma_semaphore, #tpu.memory_space<semaphore_mem>>) src(%dma_wait3A_22 : memref<128x16xf32, #tpu.memory_space<vmem>>) dst(%dma_wait3A_19 : memref<128x16xf32, #tpu.memory_space<hbm>>)
    %add3A_23 = arith.constant 9856 : i32
    %add3A_24 = arith.addi %mul3A_6, %add3A_23 : i32
    %dma_wait3A_25 = arith.constant 128 : i32
    %dma_wait3A_26 = arith.constant 0 : i32
    %dma_wait3A_27 = tpu.memref_slice %arg6[%dma_wait3A_25, %dma_wait3A_26] : memref<512x16xf32, #tpu.memory_space<vmem>> -> memref<128x16xf32, #tpu.memory_space<vmem>>
    %dma_wait3A_28 = arith.constant 0 : i32
    %dma_wait3A_29 = tpu.memref_slice %arg4[%add3A_24, %dma_wait3A_28] : memref<327680x16xf32, #tpu.memory_space<hbm>> -> memref<128x16xf32, #tpu.memory_space<hbm>>
    %dma_wait3A_30 = arith.constant 0 : i32
    %dma_wait3A_31 = tpu.memref_slice %arg4[%add3A_24, %dma_wait3A_30] : memref<327680x16xf32, #tpu.memory_space<hbm>> -> memref<128x16xf32, #tpu.memory_space<hbm>>
    %dma_wait3A_32 = arith.constant 128 : i32
    %dma_wait3A_33 = arith.constant 0 : i32
    %dma_wait3A_34 = tpu.memref_slice %arg6[%dma_wait3A_32, %dma_wait3A_33] : memref<512x16xf32, #tpu.memory_space<vmem>> -> memref<128x16xf32, #tpu.memory_space<vmem>>
    tpu.wait_dma2 semaphore(%arg12 : memref<!tpu.dma_semaphore, #tpu.memory_space<semaphore_mem>>) src(%dma_wait3A_34 : memref<128x16xf32, #tpu.memory_space<vmem>>) dst(%dma_wait3A_31 : memref<128x16xf32, #tpu.memory_space<hbm>>)
    %add3A_35 = arith.constant 9984 : i32
    %add3A_36 = arith.addi %mul3A_6, %add3A_35 : i32
    %dma_wait3A_37 = arith.constant 256 : i32
    %dma_wait3A_38 = arith.constant 0 : i32
    %dma_wait3A_39 = tpu.memref_slice %arg6[%dma_wait3A_37, %dma_wait3A_38] : memref<512x16xf32, #tpu.memory_space<vmem>> -> memref<128x16xf32, #tpu.memory_space<vmem>>
    %dma_wait3A_40 = arith.constant 0 : i32
    %dma_wait3A_41 = tpu.memref_slice %arg4[%add3A_36, %dma_wait3A_40] : memref<327680x16xf32, #tpu.memory_space<hbm>> -> memref<128x16xf32, #tpu.memory_space<hbm>>
    %dma_wait3A_42 = arith.constant 0 : i32
    %dma_wait3A_43 = tpu.memref_slice %arg4[%add3A_36, %dma_wait3A_42] : memref<327680x16xf32, #tpu.memory_space<hbm>> -> memref<128x16xf32, #tpu.memory_space<hbm>>
    %dma_wait3A_44 = arith.constant 256 : i32
    %dma_wait3A_45 = arith.constant 0 : i32
    %dma_wait3A_46 = tpu.memref_slice %arg6[%dma_wait3A_44, %dma_wait3A_45] : memref<512x16xf32, #tpu.memory_space<vmem>> -> memref<128x16xf32, #tpu.memory_space<vmem>>
    tpu.wait_dma2 semaphore(%arg13 : memref<!tpu.dma_semaphore, #tpu.memory_space<semaphore_mem>>) src(%dma_wait3A_46 : memref<128x16xf32, #tpu.memory_space<vmem>>) dst(%dma_wait3A_43 : memref<128x16xf32, #tpu.memory_space<hbm>>)
    %add3A_47 = arith.constant 10112 : i32
    %add3A_48 = arith.addi %mul3A_6, %add3A_47 : i32
    %dma_wait3A_49 = arith.constant 384 : i32
    %dma_wait3A_50 = arith.constant 0 : i32
    %dma_wait3A_51 = tpu.memref_slice %arg6[%dma_wait3A_49, %dma_wait3A_50] : memref<512x16xf32, #tpu.memory_space<vmem>> -> memref<128x16xf32, #tpu.memory_space<vmem>>
    %dma_wait3A_52 = arith.constant 0 : i32
    %dma_wait3A_53 = tpu.memref_slice %arg4[%add3A_48, %dma_wait3A_52] : memref<327680x16xf32, #tpu.memory_space<hbm>> -> memref<128x16xf32, #tpu.memory_space<hbm>>
    %dma_wait3A_54 = arith.constant 0 : i32
    %dma_wait3A_55 = tpu.memref_slice %arg4[%add3A_48, %dma_wait3A_54] : memref<327680x16xf32, #tpu.memory_space<hbm>> -> memref<128x16xf32, #tpu.memory_space<hbm>>
    %dma_wait3A_56 = arith.constant 384 : i32
    %dma_wait3A_57 = arith.constant 0 : i32
    %dma_wait3A_58 = tpu.memref_slice %arg6[%dma_wait3A_56, %dma_wait3A_57] : memref<512x16xf32, #tpu.memory_space<vmem>> -> memref<128x16xf32, #tpu.memory_space<vmem>>
    tpu.wait_dma2 semaphore(%arg14 : memref<!tpu.dma_semaphore, #tpu.memory_space<semaphore_mem>>) src(%dma_wait3A_58 : memref<128x16xf32, #tpu.memory_space<vmem>>) dst(%dma_wait3A_55 : memref<128x16xf32, #tpu.memory_space<hbm>>)
    return
  }
}

#map = affine_map<(d0, d1) -> (0, 0)>
module attributes {stable_mosaic.version = 14 : i64} {
  func.func @k(%arg0: i32, %arg1: i32, %arg2: memref<10000x128xf32, #tpu.memory_space<hbm>>, %arg3: memref<1280x128xi32, #tpu.memory_space<hbm>>, %arg4: memref<163840x128xf32, #tpu.memory_space<hbm>>, %arg5: memref<40x128xi32, #tpu.memory_space<vmem>>, %arg6: memref<512x128xf32, #tpu.memory_space<vmem>>, %arg7: memref<!tpu.dma_semaphore, #tpu.memory_space<semaphore_mem>>, %arg8: memref<!tpu.dma_semaphore, #tpu.memory_space<semaphore_mem>>, %arg9: memref<!tpu.dma_semaphore, #tpu.memory_space<semaphore_mem>>, %arg10: memref<!tpu.dma_semaphore, #tpu.memory_space<semaphore_mem>>, %arg11: memref<!tpu.dma_semaphore, #tpu.memory_space<semaphore_mem>>, %arg12: memref<!tpu.dma_semaphore, #tpu.memory_space<semaphore_mem>>, %arg13: memref<!tpu.dma_semaphore, #tpu.memory_space<semaphore_mem>>, %arg14: memref<!tpu.dma_semaphore, #tpu.memory_space<semaphore_mem>>) attributes {dimension_semantics = [#tpu.dimension_semantics<core_parallel>, #tpu.dimension_semantics<subcore_parallel>], iteration_bounds = array<i64: 2, 16>, scalar_prefetch = 0 : i64, scratch_operands = 10 : i64, tpu.core_type = #tpu.core_type<sc_vector_subcore>, window_params = [{transform_indices = #map}, {transform_indices = #map}, {transform_indices = #map}]} {
    %mul3A = arith.constant 2 : i32
    %mul3A_0 = arith.muli %arg1, %mul3A : i32
    %add3A = arith.addi %mul3A_0, %arg0 : i32
    %mul3A_1 = arith.constant 40 : i32
    %mul3A_2 = arith.muli %add3A, %mul3A_1 : i32
    "tpu.region"() ({
      %run_scoped3A = tpu.sem_alloc : memref<!tpu.dma_semaphore, #tpu.memory_space<semaphore_mem>>
      %dma_start3A = arith.constant 0 : i32
      %dma_start3A_59 = tpu.memref_slice %arg3[%mul3A_2, %dma_start3A] : memref<1280x128xi32, #tpu.memory_space<hbm>> -> memref<40x128xi32, #tpu.memory_space<hbm>>
      %dma_start3A_60 = arith.constant 0 : i32
      %dma_start3A_61 = tpu.memref_slice %arg3[%mul3A_2, %dma_start3A_60] : memref<1280x128xi32, #tpu.memory_space<hbm>> -> memref<40x128xi32, #tpu.memory_space<hbm>>
      tpu.enqueue_dma source(%dma_start3A_61 : memref<40x128xi32, #tpu.memory_space<hbm>>) target(%arg5 : memref<40x128xi32, #tpu.memory_space<vmem>>) target_semaphore(%run_scoped3A : memref<!tpu.dma_semaphore, #tpu.memory_space<semaphore_mem>>)
      %dma_wait3A_62 = arith.constant 0 : i32
      %dma_wait3A_63 = tpu.memref_slice %arg3[%mul3A_2, %dma_wait3A_62] : memref<1280x128xi32, #tpu.memory_space<hbm>> -> memref<40x128xi32, #tpu.memory_space<hbm>>
      %dma_wait3A_64 = arith.constant 0 : i32
      %dma_wait3A_65 = tpu.memref_slice %arg3[%mul3A_2, %dma_wait3A_64] : memref<1280x128xi32, #tpu.memory_space<hbm>> -> memref<40x128xi32, #tpu.memory_space<hbm>>
      tpu.wait_dma2 semaphore(%run_scoped3A : memref<!tpu.dma_semaphore, #tpu.memory_space<semaphore_mem>>) src(%dma_wait3A_65 : memref<40x128xi32, #tpu.memory_space<hbm>>) dst(%arg5 : memref<40x128xi32, #tpu.memory_space<vmem>>)
      tpu.yield
    }) : () -> ()
    %mul3A_3 = arith.constant 40 : i32
    %mul3A_4 = arith.muli %add3A, %mul3A_3 : i32
    %mul3A_5 = arith.constant 128 : i32
    %mul3A_6 = arith.muli %mul3A_4, %mul3A_5 : i32
    %scan3A = arith.constant 0 : i32
    %scan3A_7 = arith.constant 0 : i32
    %scan3A_8 = arith.constant 10 : i32
    %scan3A_9 = arith.addi %scan3A_7, %scan3A_8 : i32
    %scan3A_10 = arith.constant 1 : i32
    scf.for %scan3A_59 = %scan3A_7 to %scan3A_9 step %scan3A_10  : i32 {
      %mul3A_60 = arith.constant 4 : i32
      %mul3A_61 = arith.muli %scan3A_59, %mul3A_60 : i32
      %add3A_62 = arith.constant 0 : i32
      %add3A_63 = arith.addi %mul3A_61, %add3A_62 : i32
      %gt3A = arith.constant 0 : i32
      %gt3A_64 = arith.cmpi sgt, %scan3A_59, %gt3A : i32
      %convert_element_type3A = arith.extui %gt3A_64 : i1 to i32
      %cond3A = arith.constant 0 : i32
      %cond3A_65 = arith.cmpi ne, %convert_element_type3A, %cond3A : i32
      scf.if %cond3A_65 {
        %sub3A = arith.constant 4 : i32
        %sub3A_232 = arith.subi %add3A_63, %sub3A : i32
        %mul3A_233 = arith.constant 128 : i32
        %mul3A_234 = arith.muli %sub3A_232, %mul3A_233 : i32
        %add3A_235 = arith.addi %mul3A_6, %mul3A_234 : i32
        %dma_wait3A_236 = arith.constant 0 : i32
        %dma_wait3A_237 = arith.constant 0 : i32
        %dma_wait3A_238 = tpu.memref_slice %arg6[%dma_wait3A_236, %dma_wait3A_237] : memref<512x128xf32, #tpu.memory_space<vmem>> -> memref<128x128xf32, #tpu.memory_space<vmem>>
        %dma_wait3A_239 = arith.constant 0 : i32
        %dma_wait3A_240 = tpu.memref_slice %arg4[%add3A_235, %dma_wait3A_239] : memref<163840x128xf32, #tpu.memory_space<hbm>> -> memref<128x128xf32, #tpu.memory_space<hbm>>
        %dma_wait3A_241 = arith.constant 0 : i32
        %dma_wait3A_242 = tpu.memref_slice %arg4[%add3A_235, %dma_wait3A_241] : memref<163840x128xf32, #tpu.memory_space<hbm>> -> memref<128x128xf32, #tpu.memory_space<hbm>>
        %dma_wait3A_243 = arith.constant 0 : i32
        %dma_wait3A_244 = arith.constant 0 : i32
        %dma_wait3A_245 = tpu.memref_slice %arg6[%dma_wait3A_243, %dma_wait3A_244] : memref<512x128xf32, #tpu.memory_space<vmem>> -> memref<128x128xf32, #tpu.memory_space<vmem>>
        tpu.wait_dma2 semaphore(%arg11 : memref<!tpu.dma_semaphore, #tpu.memory_space<semaphore_mem>>) src(%dma_wait3A_245 : memref<128x128xf32, #tpu.memory_space<vmem>>) dst(%dma_wait3A_242 : memref<128x128xf32, #tpu.memory_space<hbm>>)
      } else {
      }
      %dma_start3A = arith.constant 0 : i32
      %dma_start3A_66 = arith.constant 0 : i32
      %dma_start3A_67 = tpu.memref_slice %arg6[%dma_start3A, %dma_start3A_66] : memref<512x128xf32, #tpu.memory_space<vmem>> -> memref<128x128xf32, #tpu.memory_space<vmem>>
      %dma_start3A_68 = arith.constant 0 : i32
      %dma_start3A_69 = tpu.memref_slice %arg5[%add3A_63, %dma_start3A_68] : memref<40x128xi32, #tpu.memory_space<vmem>> -> memref<1x128xi32, #tpu.memory_space<vmem>>
      %dma_start3A_70 = tpu.memref_squeeze %dma_start3A_69 : memref<1x128xi32, #tpu.memory_space<vmem>> -> memref<128xi32, #tpu.memory_space<vmem>>
      %dma_start3A_71 = arith.constant 0 : i32
      %dma_start3A_72 = arith.constant 0 : i32
      %dma_start3A_73 = tpu.memref_slice %arg2[%dma_start3A_71, %dma_start3A_72] : memref<10000x128xf32, #tpu.memory_space<hbm>> -> memref<10000x128xf32, #tpu.memory_space<hbm>>
      tpu.enqueue_indirect_dma source(%dma_start3A_73 : memref<10000x128xf32, #tpu.memory_space<hbm>>) target(%dma_start3A_67 : memref<128x128xf32, #tpu.memory_space<vmem>>) offsets(%dma_start3A_70 : memref<128xi32, #tpu.memory_space<vmem>>) semaphore(%arg7 : memref<!tpu.dma_semaphore, #tpu.memory_space<semaphore_mem>>)
      %mul3A_74 = arith.constant 4 : i32
      %mul3A_75 = arith.muli %scan3A_59, %mul3A_74 : i32
      %add3A_76 = arith.constant 1 : i32
      %add3A_77 = arith.addi %mul3A_75, %add3A_76 : i32
      %gt3A_78 = arith.constant 0 : i32
      %gt3A_79 = arith.cmpi sgt, %scan3A_59, %gt3A_78 : i32
      %convert_element_type3A_80 = arith.extui %gt3A_79 : i1 to i32
      %cond3A_81 = arith.constant 0 : i32
      %cond3A_82 = arith.cmpi ne, %convert_element_type3A_80, %cond3A_81 : i32
      scf.if %cond3A_82 {
        %sub3A = arith.constant 4 : i32
        %sub3A_232 = arith.subi %add3A_77, %sub3A : i32
        %mul3A_233 = arith.constant 128 : i32
        %mul3A_234 = arith.muli %sub3A_232, %mul3A_233 : i32
        %add3A_235 = arith.addi %mul3A_6, %mul3A_234 : i32
        %dma_wait3A_236 = arith.constant 128 : i32
        %dma_wait3A_237 = arith.constant 0 : i32
        %dma_wait3A_238 = tpu.memref_slice %arg6[%dma_wait3A_236, %dma_wait3A_237] : memref<512x128xf32, #tpu.memory_space<vmem>> -> memref<128x128xf32, #tpu.memory_space<vmem>>
        %dma_wait3A_239 = arith.constant 0 : i32
        %dma_wait3A_240 = tpu.memref_slice %arg4[%add3A_235, %dma_wait3A_239] : memref<163840x128xf32, #tpu.memory_space<hbm>> -> memref<128x128xf32, #tpu.memory_space<hbm>>
        %dma_wait3A_241 = arith.constant 0 : i32
        %dma_wait3A_242 = tpu.memref_slice %arg4[%add3A_235, %dma_wait3A_241] : memref<163840x128xf32, #tpu.memory_space<hbm>> -> memref<128x128xf32, #tpu.memory_space<hbm>>
        %dma_wait3A_243 = arith.constant 128 : i32
        %dma_wait3A_244 = arith.constant 0 : i32
        %dma_wait3A_245 = tpu.memref_slice %arg6[%dma_wait3A_243, %dma_wait3A_244] : memref<512x128xf32, #tpu.memory_space<vmem>> -> memref<128x128xf32, #tpu.memory_space<vmem>>
        tpu.wait_dma2 semaphore(%arg12 : memref<!tpu.dma_semaphore, #tpu.memory_space<semaphore_mem>>) src(%dma_wait3A_245 : memref<128x128xf32, #tpu.memory_space<vmem>>) dst(%dma_wait3A_242 : memref<128x128xf32, #tpu.memory_space<hbm>>)
      } else {
      }
      %dma_start3A_83 = arith.constant 128 : i32
      %dma_start3A_84 = arith.constant 0 : i32
      %dma_start3A_85 = tpu.memref_slice %arg6[%dma_start3A_83, %dma_start3A_84] : memref<512x128xf32, #tpu.memory_space<vmem>> -> memref<128x128xf32, #tpu.memory_space<vmem>>
      %dma_start3A_86 = arith.constant 0 : i32
      %dma_start3A_87 = tpu.memref_slice %arg5[%add3A_77, %dma_start3A_86] : memref<40x128xi32, #tpu.memory_space<vmem>> -> memref<1x128xi32, #tpu.memory_space<vmem>>
      %dma_start3A_88 = tpu.memref_squeeze %dma_start3A_87 : memref<1x128xi32, #tpu.memory_space<vmem>> -> memref<128xi32, #tpu.memory_space<vmem>>
      %dma_start3A_89 = arith.constant 0 : i32
      %dma_start3A_90 = arith.constant 0 : i32
      %dma_start3A_91 = tpu.memref_slice %arg2[%dma_start3A_89, %dma_start3A_90] : memref<10000x128xf32, #tpu.memory_space<hbm>> -> memref<10000x128xf32, #tpu.memory_space<hbm>>
      tpu.enqueue_indirect_dma source(%dma_start3A_91 : memref<10000x128xf32, #tpu.memory_space<hbm>>) target(%dma_start3A_85 : memref<128x128xf32, #tpu.memory_space<vmem>>) offsets(%dma_start3A_88 : memref<128xi32, #tpu.memory_space<vmem>>) semaphore(%arg8 : memref<!tpu.dma_semaphore, #tpu.memory_space<semaphore_mem>>)
      %mul3A_92 = arith.constant 4 : i32
      %mul3A_93 = arith.muli %scan3A_59, %mul3A_92 : i32
      %add3A_94 = arith.constant 2 : i32
      %add3A_95 = arith.addi %mul3A_93, %add3A_94 : i32
      %gt3A_96 = arith.constant 0 : i32
      %gt3A_97 = arith.cmpi sgt, %scan3A_59, %gt3A_96 : i32
      %convert_element_type3A_98 = arith.extui %gt3A_97 : i1 to i32
      %cond3A_99 = arith.constant 0 : i32
      %cond3A_100 = arith.cmpi ne, %convert_element_type3A_98, %cond3A_99 : i32
      scf.if %cond3A_100 {
        %sub3A = arith.constant 4 : i32
        %sub3A_232 = arith.subi %add3A_95, %sub3A : i32
        %mul3A_233 = arith.constant 128 : i32
        %mul3A_234 = arith.muli %sub3A_232, %mul3A_233 : i32
        %add3A_235 = arith.addi %mul3A_6, %mul3A_234 : i32
        %dma_wait3A_236 = arith.constant 256 : i32
        %dma_wait3A_237 = arith.constant 0 : i32
        %dma_wait3A_238 = tpu.memref_slice %arg6[%dma_wait3A_236, %dma_wait3A_237] : memref<512x128xf32, #tpu.memory_space<vmem>> -> memref<128x128xf32, #tpu.memory_space<vmem>>
        %dma_wait3A_239 = arith.constant 0 : i32
        %dma_wait3A_240 = tpu.memref_slice %arg4[%add3A_235, %dma_wait3A_239] : memref<163840x128xf32, #tpu.memory_space<hbm>> -> memref<128x128xf32, #tpu.memory_space<hbm>>
        %dma_wait3A_241 = arith.constant 0 : i32
        %dma_wait3A_242 = tpu.memref_slice %arg4[%add3A_235, %dma_wait3A_241] : memref<163840x128xf32, #tpu.memory_space<hbm>> -> memref<128x128xf32, #tpu.memory_space<hbm>>
        %dma_wait3A_243 = arith.constant 256 : i32
        %dma_wait3A_244 = arith.constant 0 : i32
        %dma_wait3A_245 = tpu.memref_slice %arg6[%dma_wait3A_243, %dma_wait3A_244] : memref<512x128xf32, #tpu.memory_space<vmem>> -> memref<128x128xf32, #tpu.memory_space<vmem>>
        tpu.wait_dma2 semaphore(%arg13 : memref<!tpu.dma_semaphore, #tpu.memory_space<semaphore_mem>>) src(%dma_wait3A_245 : memref<128x128xf32, #tpu.memory_space<vmem>>) dst(%dma_wait3A_242 : memref<128x128xf32, #tpu.memory_space<hbm>>)
      } else {
      }
      %dma_start3A_101 = arith.constant 256 : i32
      %dma_start3A_102 = arith.constant 0 : i32
      %dma_start3A_103 = tpu.memref_slice %arg6[%dma_start3A_101, %dma_start3A_102] : memref<512x128xf32, #tpu.memory_space<vmem>> -> memref<128x128xf32, #tpu.memory_space<vmem>>
      %dma_start3A_104 = arith.constant 0 : i32
      %dma_start3A_105 = tpu.memref_slice %arg5[%add3A_95, %dma_start3A_104] : memref<40x128xi32, #tpu.memory_space<vmem>> -> memref<1x128xi32, #tpu.memory_space<vmem>>
      %dma_start3A_106 = tpu.memref_squeeze %dma_start3A_105 : memref<1x128xi32, #tpu.memory_space<vmem>> -> memref<128xi32, #tpu.memory_space<vmem>>
      %dma_start3A_107 = arith.constant 0 : i32
      %dma_start3A_108 = arith.constant 0 : i32
      %dma_start3A_109 = tpu.memref_slice %arg2[%dma_start3A_107, %dma_start3A_108] : memref<10000x128xf32, #tpu.memory_space<hbm>> -> memref<10000x128xf32, #tpu.memory_space<hbm>>
      tpu.enqueue_indirect_dma source(%dma_start3A_109 : memref<10000x128xf32, #tpu.memory_space<hbm>>) target(%dma_start3A_103 : memref<128x128xf32, #tpu.memory_space<vmem>>) offsets(%dma_start3A_106 : memref<128xi32, #tpu.memory_space<vmem>>) semaphore(%arg9 : memref<!tpu.dma_semaphore, #tpu.memory_space<semaphore_mem>>)
      %mul3A_110 = arith.constant 4 : i32
      %mul3A_111 = arith.muli %scan3A_59, %mul3A_110 : i32
      %add3A_112 = arith.constant 3 : i32
      %add3A_113 = arith.addi %mul3A_111, %add3A_112 : i32
      %gt3A_114 = arith.constant 0 : i32
      %gt3A_115 = arith.cmpi sgt, %scan3A_59, %gt3A_114 : i32
      %convert_element_type3A_116 = arith.extui %gt3A_115 : i1 to i32
      %cond3A_117 = arith.constant 0 : i32
      %cond3A_118 = arith.cmpi ne, %convert_element_type3A_116, %cond3A_117 : i32
      scf.if %cond3A_118 {
        %sub3A = arith.constant 4 : i32
        %sub3A_232 = arith.subi %add3A_113, %sub3A : i32
        %mul3A_233 = arith.constant 128 : i32
        %mul3A_234 = arith.muli %sub3A_232, %mul3A_233 : i32
        %add3A_235 = arith.addi %mul3A_6, %mul3A_234 : i32
        %dma_wait3A_236 = arith.constant 384 : i32
        %dma_wait3A_237 = arith.constant 0 : i32
        %dma_wait3A_238 = tpu.memref_slice %arg6[%dma_wait3A_236, %dma_wait3A_237] : memref<512x128xf32, #tpu.memory_space<vmem>> -> memref<128x128xf32, #tpu.memory_space<vmem>>
        %dma_wait3A_239 = arith.constant 0 : i32
        %dma_wait3A_240 = tpu.memref_slice %arg4[%add3A_235, %dma_wait3A_239] : memref<163840x128xf32, #tpu.memory_space<hbm>> -> memref<128x128xf32, #tpu.memory_space<hbm>>
        %dma_wait3A_241 = arith.constant 0 : i32
        %dma_wait3A_242 = tpu.memref_slice %arg4[%add3A_235, %dma_wait3A_241] : memref<163840x128xf32, #tpu.memory_space<hbm>> -> memref<128x128xf32, #tpu.memory_space<hbm>>
        %dma_wait3A_243 = arith.constant 384 : i32
        %dma_wait3A_244 = arith.constant 0 : i32
        %dma_wait3A_245 = tpu.memref_slice %arg6[%dma_wait3A_243, %dma_wait3A_244] : memref<512x128xf32, #tpu.memory_space<vmem>> -> memref<128x128xf32, #tpu.memory_space<vmem>>
        tpu.wait_dma2 semaphore(%arg14 : memref<!tpu.dma_semaphore, #tpu.memory_space<semaphore_mem>>) src(%dma_wait3A_245 : memref<128x128xf32, #tpu.memory_space<vmem>>) dst(%dma_wait3A_242 : memref<128x128xf32, #tpu.memory_space<hbm>>)
      } else {
      }
      %dma_start3A_119 = arith.constant 384 : i32
      %dma_start3A_120 = arith.constant 0 : i32
      %dma_start3A_121 = tpu.memref_slice %arg6[%dma_start3A_119, %dma_start3A_120] : memref<512x128xf32, #tpu.memory_space<vmem>> -> memref<128x128xf32, #tpu.memory_space<vmem>>
      %dma_start3A_122 = arith.constant 0 : i32
      %dma_start3A_123 = tpu.memref_slice %arg5[%add3A_113, %dma_start3A_122] : memref<40x128xi32, #tpu.memory_space<vmem>> -> memref<1x128xi32, #tpu.memory_space<vmem>>
      %dma_start3A_124 = tpu.memref_squeeze %dma_start3A_123 : memref<1x128xi32, #tpu.memory_space<vmem>> -> memref<128xi32, #tpu.memory_space<vmem>>
      %dma_start3A_125 = arith.constant 0 : i32
      %dma_start3A_126 = arith.constant 0 : i32
      %dma_start3A_127 = tpu.memref_slice %arg2[%dma_start3A_125, %dma_start3A_126] : memref<10000x128xf32, #tpu.memory_space<hbm>> -> memref<10000x128xf32, #tpu.memory_space<hbm>>
      tpu.enqueue_indirect_dma source(%dma_start3A_127 : memref<10000x128xf32, #tpu.memory_space<hbm>>) target(%dma_start3A_121 : memref<128x128xf32, #tpu.memory_space<vmem>>) offsets(%dma_start3A_124 : memref<128xi32, #tpu.memory_space<vmem>>) semaphore(%arg10 : memref<!tpu.dma_semaphore, #tpu.memory_space<semaphore_mem>>)
      %mul3A_128 = arith.constant 4 : i32
      %mul3A_129 = arith.muli %scan3A_59, %mul3A_128 : i32
      %add3A_130 = arith.constant 0 : i32
      %add3A_131 = arith.addi %mul3A_129, %add3A_130 : i32
      %dma_wait3A_132 = arith.constant 0 : i32
      %dma_wait3A_133 = arith.constant 0 : i32
      %dma_wait3A_134 = tpu.memref_slice %arg6[%dma_wait3A_132, %dma_wait3A_133] : memref<512x128xf32, #tpu.memory_space<vmem>> -> memref<128x128xf32, #tpu.memory_space<vmem>>
      %dma_wait3A_135 = arith.constant 0 : i32
      %dma_wait3A_136 = tpu.memref_slice %arg5[%add3A_131, %dma_wait3A_135] : memref<40x128xi32, #tpu.memory_space<vmem>> -> memref<1x128xi32, #tpu.memory_space<vmem>>
      %dma_wait3A_137 = tpu.memref_squeeze %dma_wait3A_136 : memref<1x128xi32, #tpu.memory_space<vmem>> -> memref<128xi32, #tpu.memory_space<vmem>>
      %dma_wait3A_138 = arith.constant 0 : i32
      %dma_wait3A_139 = arith.constant 0 : i32
      %dma_wait3A_140 = tpu.memref_slice %arg2[%dma_wait3A_138, %dma_wait3A_139] : memref<10000x128xf32, #tpu.memory_space<hbm>> -> memref<10000x128xf32, #tpu.memory_space<hbm>>
      tpu.wait_indirect_dma semaphore(%arg7 : memref<!tpu.dma_semaphore, #tpu.memory_space<semaphore_mem>>) src(%dma_wait3A_140 : memref<10000x128xf32, #tpu.memory_space<hbm>>) dst(%dma_wait3A_134 : memref<128x128xf32, #tpu.memory_space<vmem>>)
      %mul3A_141 = arith.constant 128 : i32
      %mul3A_142 = arith.muli %add3A_131, %mul3A_141 : i32
      %add3A_143 = arith.addi %mul3A_6, %mul3A_142 : i32
      %dma_start3A_144 = arith.constant 0 : i32
      %dma_start3A_145 = arith.constant 0 : i32
      %dma_start3A_146 = tpu.memref_slice %arg6[%dma_start3A_144, %dma_start3A_145] : memref<512x128xf32, #tpu.memory_space<vmem>> -> memref<128x128xf32, #tpu.memory_space<vmem>>
      %dma_start3A_147 = arith.constant 0 : i32
      %dma_start3A_148 = tpu.memref_slice %arg4[%add3A_143, %dma_start3A_147] : memref<163840x128xf32, #tpu.memory_space<hbm>> -> memref<128x128xf32, #tpu.memory_space<hbm>>
      %dma_start3A_149 = arith.constant 0 : i32
      %dma_start3A_150 = tpu.memref_slice %arg4[%add3A_143, %dma_start3A_149] : memref<163840x128xf32, #tpu.memory_space<hbm>> -> memref<128x128xf32, #tpu.memory_space<hbm>>
      %dma_start3A_151 = arith.constant 0 : i32
      %dma_start3A_152 = arith.constant 0 : i32
      %dma_start3A_153 = tpu.memref_slice %arg6[%dma_start3A_151, %dma_start3A_152] : memref<512x128xf32, #tpu.memory_space<vmem>> -> memref<128x128xf32, #tpu.memory_space<vmem>>
      tpu.enqueue_dma source(%dma_start3A_153 : memref<128x128xf32, #tpu.memory_space<vmem>>) target(%dma_start3A_150 : memref<128x128xf32, #tpu.memory_space<hbm>>) target_semaphore(%arg11 : memref<!tpu.dma_semaphore, #tpu.memory_space<semaphore_mem>>)
      %mul3A_154 = arith.constant 4 : i32
      %mul3A_155 = arith.muli %scan3A_59, %mul3A_154 : i32
      %add3A_156 = arith.constant 1 : i32
      %add3A_157 = arith.addi %mul3A_155, %add3A_156 : i32
      %dma_wait3A_158 = arith.constant 128 : i32
      %dma_wait3A_159 = arith.constant 0 : i32
      %dma_wait3A_160 = tpu.memref_slice %arg6[%dma_wait3A_158, %dma_wait3A_159] : memref<512x128xf32, #tpu.memory_space<vmem>> -> memref<128x128xf32, #tpu.memory_space<vmem>>
      %dma_wait3A_161 = arith.constant 0 : i32
      %dma_wait3A_162 = tpu.memref_slice %arg5[%add3A_157, %dma_wait3A_161] : memref<40x128xi32, #tpu.memory_space<vmem>> -> memref<1x128xi32, #tpu.memory_space<vmem>>
      %dma_wait3A_163 = tpu.memref_squeeze %dma_wait3A_162 : memref<1x128xi32, #tpu.memory_space<vmem>> -> memref<128xi32, #tpu.memory_space<vmem>>
      %dma_wait3A_164 = arith.constant 0 : i32
      %dma_wait3A_165 = arith.constant 0 : i32
      %dma_wait3A_166 = tpu.memref_slice %arg2[%dma_wait3A_164, %dma_wait3A_165] : memref<10000x128xf32, #tpu.memory_space<hbm>> -> memref<10000x128xf32, #tpu.memory_space<hbm>>
      tpu.wait_indirect_dma semaphore(%arg8 : memref<!tpu.dma_semaphore, #tpu.memory_space<semaphore_mem>>) src(%dma_wait3A_166 : memref<10000x128xf32, #tpu.memory_space<hbm>>) dst(%dma_wait3A_160 : memref<128x128xf32, #tpu.memory_space<vmem>>)
      %mul3A_167 = arith.constant 128 : i32
      %mul3A_168 = arith.muli %add3A_157, %mul3A_167 : i32
      %add3A_169 = arith.addi %mul3A_6, %mul3A_168 : i32
      %dma_start3A_170 = arith.constant 128 : i32
      %dma_start3A_171 = arith.constant 0 : i32
      %dma_start3A_172 = tpu.memref_slice %arg6[%dma_start3A_170, %dma_start3A_171] : memref<512x128xf32, #tpu.memory_space<vmem>> -> memref<128x128xf32, #tpu.memory_space<vmem>>
      %dma_start3A_173 = arith.constant 0 : i32
      %dma_start3A_174 = tpu.memref_slice %arg4[%add3A_169, %dma_start3A_173] : memref<163840x128xf32, #tpu.memory_space<hbm>> -> memref<128x128xf32, #tpu.memory_space<hbm>>
      %dma_start3A_175 = arith.constant 0 : i32
      %dma_start3A_176 = tpu.memref_slice %arg4[%add3A_169, %dma_start3A_175] : memref<163840x128xf32, #tpu.memory_space<hbm>> -> memref<128x128xf32, #tpu.memory_space<hbm>>
      %dma_start3A_177 = arith.constant 128 : i32
      %dma_start3A_178 = arith.constant 0 : i32
      %dma_start3A_179 = tpu.memref_slice %arg6[%dma_start3A_177, %dma_start3A_178] : memref<512x128xf32, #tpu.memory_space<vmem>> -> memref<128x128xf32, #tpu.memory_space<vmem>>
      tpu.enqueue_dma source(%dma_start3A_179 : memref<128x128xf32, #tpu.memory_space<vmem>>) target(%dma_start3A_176 : memref<128x128xf32, #tpu.memory_space<hbm>>) target_semaphore(%arg12 : memref<!tpu.dma_semaphore, #tpu.memory_space<semaphore_mem>>)
      %mul3A_180 = arith.constant 4 : i32
      %mul3A_181 = arith.muli %scan3A_59, %mul3A_180 : i32
      %add3A_182 = arith.constant 2 : i32
      %add3A_183 = arith.addi %mul3A_181, %add3A_182 : i32
      %dma_wait3A_184 = arith.constant 256 : i32
      %dma_wait3A_185 = arith.constant 0 : i32
      %dma_wait3A_186 = tpu.memref_slice %arg6[%dma_wait3A_184, %dma_wait3A_185] : memref<512x128xf32, #tpu.memory_space<vmem>> -> memref<128x128xf32, #tpu.memory_space<vmem>>
      %dma_wait3A_187 = arith.constant 0 : i32
      %dma_wait3A_188 = tpu.memref_slice %arg5[%add3A_183, %dma_wait3A_187] : memref<40x128xi32, #tpu.memory_space<vmem>> -> memref<1x128xi32, #tpu.memory_space<vmem>>
      %dma_wait3A_189 = tpu.memref_squeeze %dma_wait3A_188 : memref<1x128xi32, #tpu.memory_space<vmem>> -> memref<128xi32, #tpu.memory_space<vmem>>
      %dma_wait3A_190 = arith.constant 0 : i32
      %dma_wait3A_191 = arith.constant 0 : i32
      %dma_wait3A_192 = tpu.memref_slice %arg2[%dma_wait3A_190, %dma_wait3A_191] : memref<10000x128xf32, #tpu.memory_space<hbm>> -> memref<10000x128xf32, #tpu.memory_space<hbm>>
      tpu.wait_indirect_dma semaphore(%arg9 : memref<!tpu.dma_semaphore, #tpu.memory_space<semaphore_mem>>) src(%dma_wait3A_192 : memref<10000x128xf32, #tpu.memory_space<hbm>>) dst(%dma_wait3A_186 : memref<128x128xf32, #tpu.memory_space<vmem>>)
      %mul3A_193 = arith.constant 128 : i32
      %mul3A_194 = arith.muli %add3A_183, %mul3A_193 : i32
      %add3A_195 = arith.addi %mul3A_6, %mul3A_194 : i32
      %dma_start3A_196 = arith.constant 256 : i32
      %dma_start3A_197 = arith.constant 0 : i32
      %dma_start3A_198 = tpu.memref_slice %arg6[%dma_start3A_196, %dma_start3A_197] : memref<512x128xf32, #tpu.memory_space<vmem>> -> memref<128x128xf32, #tpu.memory_space<vmem>>
      %dma_start3A_199 = arith.constant 0 : i32
      %dma_start3A_200 = tpu.memref_slice %arg4[%add3A_195, %dma_start3A_199] : memref<163840x128xf32, #tpu.memory_space<hbm>> -> memref<128x128xf32, #tpu.memory_space<hbm>>
      %dma_start3A_201 = arith.constant 0 : i32
      %dma_start3A_202 = tpu.memref_slice %arg4[%add3A_195, %dma_start3A_201] : memref<163840x128xf32, #tpu.memory_space<hbm>> -> memref<128x128xf32, #tpu.memory_space<hbm>>
      %dma_start3A_203 = arith.constant 256 : i32
      %dma_start3A_204 = arith.constant 0 : i32
      %dma_start3A_205 = tpu.memref_slice %arg6[%dma_start3A_203, %dma_start3A_204] : memref<512x128xf32, #tpu.memory_space<vmem>> -> memref<128x128xf32, #tpu.memory_space<vmem>>
      tpu.enqueue_dma source(%dma_start3A_205 : memref<128x128xf32, #tpu.memory_space<vmem>>) target(%dma_start3A_202 : memref<128x128xf32, #tpu.memory_space<hbm>>) target_semaphore(%arg13 : memref<!tpu.dma_semaphore, #tpu.memory_space<semaphore_mem>>)
      %mul3A_206 = arith.constant 4 : i32
      %mul3A_207 = arith.muli %scan3A_59, %mul3A_206 : i32
      %add3A_208 = arith.constant 3 : i32
      %add3A_209 = arith.addi %mul3A_207, %add3A_208 : i32
      %dma_wait3A_210 = arith.constant 384 : i32
      %dma_wait3A_211 = arith.constant 0 : i32
      %dma_wait3A_212 = tpu.memref_slice %arg6[%dma_wait3A_210, %dma_wait3A_211] : memref<512x128xf32, #tpu.memory_space<vmem>> -> memref<128x128xf32, #tpu.memory_space<vmem>>
      %dma_wait3A_213 = arith.constant 0 : i32
      %dma_wait3A_214 = tpu.memref_slice %arg5[%add3A_209, %dma_wait3A_213] : memref<40x128xi32, #tpu.memory_space<vmem>> -> memref<1x128xi32, #tpu.memory_space<vmem>>
      %dma_wait3A_215 = tpu.memref_squeeze %dma_wait3A_214 : memref<1x128xi32, #tpu.memory_space<vmem>> -> memref<128xi32, #tpu.memory_space<vmem>>
      %dma_wait3A_216 = arith.constant 0 : i32
      %dma_wait3A_217 = arith.constant 0 : i32
      %dma_wait3A_218 = tpu.memref_slice %arg2[%dma_wait3A_216, %dma_wait3A_217] : memref<10000x128xf32, #tpu.memory_space<hbm>> -> memref<10000x128xf32, #tpu.memory_space<hbm>>
      tpu.wait_indirect_dma semaphore(%arg10 : memref<!tpu.dma_semaphore, #tpu.memory_space<semaphore_mem>>) src(%dma_wait3A_218 : memref<10000x128xf32, #tpu.memory_space<hbm>>) dst(%dma_wait3A_212 : memref<128x128xf32, #tpu.memory_space<vmem>>)
      %mul3A_219 = arith.constant 128 : i32
      %mul3A_220 = arith.muli %add3A_209, %mul3A_219 : i32
      %add3A_221 = arith.addi %mul3A_6, %mul3A_220 : i32
      %dma_start3A_222 = arith.constant 384 : i32
      %dma_start3A_223 = arith.constant 0 : i32
      %dma_start3A_224 = tpu.memref_slice %arg6[%dma_start3A_222, %dma_start3A_223] : memref<512x128xf32, #tpu.memory_space<vmem>> -> memref<128x128xf32, #tpu.memory_space<vmem>>
      %dma_start3A_225 = arith.constant 0 : i32
      %dma_start3A_226 = tpu.memref_slice %arg4[%add3A_221, %dma_start3A_225] : memref<163840x128xf32, #tpu.memory_space<hbm>> -> memref<128x128xf32, #tpu.memory_space<hbm>>
      %dma_start3A_227 = arith.constant 0 : i32
      %dma_start3A_228 = tpu.memref_slice %arg4[%add3A_221, %dma_start3A_227] : memref<163840x128xf32, #tpu.memory_space<hbm>> -> memref<128x128xf32, #tpu.memory_space<hbm>>
      %dma_start3A_229 = arith.constant 384 : i32
      %dma_start3A_230 = arith.constant 0 : i32
      %dma_start3A_231 = tpu.memref_slice %arg6[%dma_start3A_229, %dma_start3A_230] : memref<512x128xf32, #tpu.memory_space<vmem>> -> memref<128x128xf32, #tpu.memory_space<vmem>>
      tpu.enqueue_dma source(%dma_start3A_231 : memref<128x128xf32, #tpu.memory_space<vmem>>) target(%dma_start3A_228 : memref<128x128xf32, #tpu.memory_space<hbm>>) target_semaphore(%arg14 : memref<!tpu.dma_semaphore, #tpu.memory_space<semaphore_mem>>)
    }
    %scan3A_11 = arith.constant 10 : i32
    %add3A_12 = arith.constant 4608 : i32
    %add3A_13 = arith.addi %mul3A_6, %add3A_12 : i32
    %dma_wait3A = arith.constant 0 : i32
    %dma_wait3A_14 = arith.constant 0 : i32
    %dma_wait3A_15 = tpu.memref_slice %arg6[%dma_wait3A, %dma_wait3A_14] : memref<512x128xf32, #tpu.memory_space<vmem>> -> memref<128x128xf32, #tpu.memory_space<vmem>>
    %dma_wait3A_16 = arith.constant 0 : i32
    %dma_wait3A_17 = tpu.memref_slice %arg4[%add3A_13, %dma_wait3A_16] : memref<163840x128xf32, #tpu.memory_space<hbm>> -> memref<128x128xf32, #tpu.memory_space<hbm>>
    %dma_wait3A_18 = arith.constant 0 : i32
    %dma_wait3A_19 = tpu.memref_slice %arg4[%add3A_13, %dma_wait3A_18] : memref<163840x128xf32, #tpu.memory_space<hbm>> -> memref<128x128xf32, #tpu.memory_space<hbm>>
    %dma_wait3A_20 = arith.constant 0 : i32
    %dma_wait3A_21 = arith.constant 0 : i32
    %dma_wait3A_22 = tpu.memref_slice %arg6[%dma_wait3A_20, %dma_wait3A_21] : memref<512x128xf32, #tpu.memory_space<vmem>> -> memref<128x128xf32, #tpu.memory_space<vmem>>
    tpu.wait_dma2 semaphore(%arg11 : memref<!tpu.dma_semaphore, #tpu.memory_space<semaphore_mem>>) src(%dma_wait3A_22 : memref<128x128xf32, #tpu.memory_space<vmem>>) dst(%dma_wait3A_19 : memref<128x128xf32, #tpu.memory_space<hbm>>)
    %add3A_23 = arith.constant 4736 : i32
    %add3A_24 = arith.addi %mul3A_6, %add3A_23 : i32
    %dma_wait3A_25 = arith.constant 128 : i32
    %dma_wait3A_26 = arith.constant 0 : i32
    %dma_wait3A_27 = tpu.memref_slice %arg6[%dma_wait3A_25, %dma_wait3A_26] : memref<512x128xf32, #tpu.memory_space<vmem>> -> memref<128x128xf32, #tpu.memory_space<vmem>>
    %dma_wait3A_28 = arith.constant 0 : i32
    %dma_wait3A_29 = tpu.memref_slice %arg4[%add3A_24, %dma_wait3A_28] : memref<163840x128xf32, #tpu.memory_space<hbm>> -> memref<128x128xf32, #tpu.memory_space<hbm>>
    %dma_wait3A_30 = arith.constant 0 : i32
    %dma_wait3A_31 = tpu.memref_slice %arg4[%add3A_24, %dma_wait3A_30] : memref<163840x128xf32, #tpu.memory_space<hbm>> -> memref<128x128xf32, #tpu.memory_space<hbm>>
    %dma_wait3A_32 = arith.constant 128 : i32
    %dma_wait3A_33 = arith.constant 0 : i32
    %dma_wait3A_34 = tpu.memref_slice %arg6[%dma_wait3A_32, %dma_wait3A_33] : memref<512x128xf32, #tpu.memory_space<vmem>> -> memref<128x128xf32, #tpu.memory_space<vmem>>
    tpu.wait_dma2 semaphore(%arg12 : memref<!tpu.dma_semaphore, #tpu.memory_space<semaphore_mem>>) src(%dma_wait3A_34 : memref<128x128xf32, #tpu.memory_space<vmem>>) dst(%dma_wait3A_31 : memref<128x128xf32, #tpu.memory_space<hbm>>)
    %add3A_35 = arith.constant 4864 : i32
    %add3A_36 = arith.addi %mul3A_6, %add3A_35 : i32
    %dma_wait3A_37 = arith.constant 256 : i32
    %dma_wait3A_38 = arith.constant 0 : i32
    %dma_wait3A_39 = tpu.memref_slice %arg6[%dma_wait3A_37, %dma_wait3A_38] : memref<512x128xf32, #tpu.memory_space<vmem>> -> memref<128x128xf32, #tpu.memory_space<vmem>>
    %dma_wait3A_40 = arith.constant 0 : i32
    %dma_wait3A_41 = tpu.memref_slice %arg4[%add3A_36, %dma_wait3A_40] : memref<163840x128xf32, #tpu.memory_space<hbm>> -> memref<128x128xf32, #tpu.memory_space<hbm>>
    %dma_wait3A_42 = arith.constant 0 : i32
    %dma_wait3A_43 = tpu.memref_slice %arg4[%add3A_36, %dma_wait3A_42] : memref<163840x128xf32, #tpu.memory_space<hbm>> -> memref<128x128xf32, #tpu.memory_space<hbm>>
    %dma_wait3A_44 = arith.constant 256 : i32
    %dma_wait3A_45 = arith.constant 0 : i32
    %dma_wait3A_46 = tpu.memref_slice %arg6[%dma_wait3A_44, %dma_wait3A_45] : memref<512x128xf32, #tpu.memory_space<vmem>> -> memref<128x128xf32, #tpu.memory_space<vmem>>
    tpu.wait_dma2 semaphore(%arg13 : memref<!tpu.dma_semaphore, #tpu.memory_space<semaphore_mem>>) src(%dma_wait3A_46 : memref<128x128xf32, #tpu.memory_space<vmem>>) dst(%dma_wait3A_43 : memref<128x128xf32, #tpu.memory_space<hbm>>)
    %add3A_47 = arith.constant 4992 : i32
    %add3A_48 = arith.addi %mul3A_6, %add3A_47 : i32
    %dma_wait3A_49 = arith.constant 384 : i32
    %dma_wait3A_50 = arith.constant 0 : i32
    %dma_wait3A_51 = tpu.memref_slice %arg6[%dma_wait3A_49, %dma_wait3A_50] : memref<512x128xf32, #tpu.memory_space<vmem>> -> memref<128x128xf32, #tpu.memory_space<vmem>>
    %dma_wait3A_52 = arith.constant 0 : i32
    %dma_wait3A_53 = tpu.memref_slice %arg4[%add3A_48, %dma_wait3A_52] : memref<163840x128xf32, #tpu.memory_space<hbm>> -> memref<128x128xf32, #tpu.memory_space<hbm>>
    %dma_wait3A_54 = arith.constant 0 : i32
    %dma_wait3A_55 = tpu.memref_slice %arg4[%add3A_48, %dma_wait3A_54] : memref<163840x128xf32, #tpu.memory_space<hbm>> -> memref<128x128xf32, #tpu.memory_space<hbm>>
    %dma_wait3A_56 = arith.constant 384 : i32
    %dma_wait3A_57 = arith.constant 0 : i32
    %dma_wait3A_58 = tpu.memref_slice %arg6[%dma_wait3A_56, %dma_wait3A_57] : memref<512x128xf32, #tpu.memory_space<vmem>> -> memref<128x128xf32, #tpu.memory_space<vmem>>
    tpu.wait_dma2 semaphore(%arg14 : memref<!tpu.dma_semaphore, #tpu.memory_space<semaphore_mem>>) src(%dma_wait3A_58 : memref<128x128xf32, #tpu.memory_space<vmem>>) dst(%dma_wait3A_55 : memref<128x128xf32, #tpu.memory_space<hbm>>)
    return
  }
}

#map = affine_map<(d0, d1) -> (0, 0)>
module attributes {stable_mosaic.version = 14 : i64} {
  func.func @k(%arg0: i32, %arg1: i32, %arg2: memref<163840x128xf32, #tpu.memory_space<hbm>>, %arg3: memref<163840x128xf32, #tpu.memory_space<hbm>>, %arg4: memref<1280x128xi32, #tpu.memory_space<hbm>>, %arg5: memref<10240x128xf32, #tpu.memory_space<hbm>>, %arg6: memref<20480x128xf32, #tpu.memory_space<hbm>>, %arg7: memref<80x128xi32, #tpu.memory_space<vmem>>, %arg8: memref<256x128xf32, #tpu.memory_space<vmem>>, %arg9: memref<10240x128xf32, #tpu.memory_space<vmem_shared>>, %arg10: memref<!tpu.dma_semaphore, #tpu.memory_space<semaphore_mem>>, %arg11: memref<!tpu.dma_semaphore, #tpu.memory_space<semaphore_mem>>, %arg12: memref<!tpu.dma_semaphore, #tpu.memory_space<semaphore_mem>>, %arg13: memref<!tpu.dma_semaphore, #tpu.memory_space<semaphore_mem>>) attributes {dimension_semantics = [#tpu.dimension_semantics<core_parallel>, #tpu.dimension_semantics<subcore_parallel>], iteration_bounds = array<i64: 2, 16>, scalar_prefetch = 0 : i64, scratch_operands = 7 : i64, tpu.core_type = #tpu.core_type<sc_vector_subcore>, window_params = [{transform_indices = #map}, {transform_indices = #map}, {transform_indices = #map}, {transform_indices = #map}, {transform_indices = #map}]} {
    %mul3A = arith.constant 640 : i32
    %mul3A_0 = arith.muli %arg1, %mul3A : i32
    %mul3A_1 = arith.constant 640 : i32
    %mul3A_2 = arith.muli %arg1, %mul3A_1 : i32
    "tpu.region"() ({
      %run_scoped3A = tpu.sem_alloc : memref<!tpu.dma_semaphore, #tpu.memory_space<semaphore_mem>>
      %dma_start3A = arith.constant 0 : i32
      %dma_start3A_23 = tpu.memref_slice %arg9[%mul3A_2, %dma_start3A] : memref<10240x128xf32, #tpu.memory_space<vmem_shared>> -> memref<640x128xf32, #tpu.memory_space<vmem_shared>>
      %dma_start3A_24 = arith.constant 0 : i32
      %dma_start3A_25 = tpu.memref_slice %arg5[%mul3A_0, %dma_start3A_24] : memref<10240x128xf32, #tpu.memory_space<hbm>> -> memref<640x128xf32, #tpu.memory_space<hbm>>
      tpu.enqueue_dma source(%dma_start3A_25 : memref<640x128xf32, #tpu.memory_space<hbm>>) target(%dma_start3A_23 : memref<640x128xf32, #tpu.memory_space<vmem_shared>>) target_semaphore(%run_scoped3A : memref<!tpu.dma_semaphore, #tpu.memory_space<semaphore_mem>>)
      %dma_wait3A = arith.constant 0 : i32
      %dma_wait3A_26 = tpu.memref_slice %arg9[%mul3A_2, %dma_wait3A] : memref<10240x128xf32, #tpu.memory_space<vmem_shared>> -> memref<640x128xf32, #tpu.memory_space<vmem_shared>>
      %dma_wait3A_27 = arith.constant 0 : i32
      %dma_wait3A_28 = tpu.memref_slice %arg5[%mul3A_0, %dma_wait3A_27] : memref<10240x128xf32, #tpu.memory_space<hbm>> -> memref<640x128xf32, #tpu.memory_space<hbm>>
      tpu.wait_dma2 semaphore(%run_scoped3A : memref<!tpu.dma_semaphore, #tpu.memory_space<semaphore_mem>>) src(%dma_wait3A_28 : memref<640x128xf32, #tpu.memory_space<hbm>>) dst(%dma_wait3A_26 : memref<640x128xf32, #tpu.memory_space<vmem_shared>>)
      tpu.yield
    }) : () -> ()
    %barrier3A = arith.constant 0 : index
    tpu.barrier barrier_id(%barrier3A)
    %mul3A_3 = arith.constant 80 : i32
    %mul3A_4 = arith.muli %arg1, %mul3A_3 : i32
    "tpu.region"() ({
      %run_scoped3A = tpu.sem_alloc : memref<!tpu.dma_semaphore, #tpu.memory_space<semaphore_mem>>
      %dma_start3A = arith.constant 0 : i32
      %dma_start3A_23 = tpu.memref_slice %arg4[%mul3A_4, %dma_start3A] : memref<1280x128xi32, #tpu.memory_space<hbm>> -> memref<80x128xi32, #tpu.memory_space<hbm>>
      %dma_start3A_24 = arith.constant 0 : i32
      %dma_start3A_25 = tpu.memref_slice %arg4[%mul3A_4, %dma_start3A_24] : memref<1280x128xi32, #tpu.memory_space<hbm>> -> memref<80x128xi32, #tpu.memory_space<hbm>>
      tpu.enqueue_dma source(%dma_start3A_25 : memref<80x128xi32, #tpu.memory_space<hbm>>) target(%arg7 : memref<80x128xi32, #tpu.memory_space<vmem>>) target_semaphore(%run_scoped3A : memref<!tpu.dma_semaphore, #tpu.memory_space<semaphore_mem>>)
      %dma_wait3A = arith.constant 0 : i32
      %dma_wait3A_26 = tpu.memref_slice %arg4[%mul3A_4, %dma_wait3A] : memref<1280x128xi32, #tpu.memory_space<hbm>> -> memref<80x128xi32, #tpu.memory_space<hbm>>
      %dma_wait3A_27 = arith.constant 0 : i32
      %dma_wait3A_28 = tpu.memref_slice %arg4[%mul3A_4, %dma_wait3A_27] : memref<1280x128xi32, #tpu.memory_space<hbm>> -> memref<80x128xi32, #tpu.memory_space<hbm>>
      tpu.wait_dma2 semaphore(%run_scoped3A : memref<!tpu.dma_semaphore, #tpu.memory_space<semaphore_mem>>) src(%dma_wait3A_28 : memref<80x128xi32, #tpu.memory_space<hbm>>) dst(%arg7 : memref<80x128xi32, #tpu.memory_space<vmem>>)
      tpu.yield
    }) : () -> ()
    %mul3A_5 = arith.constant 80 : i32
    %mul3A_6 = arith.muli %arg1, %mul3A_5 : i32
    %mul3A_7 = arith.constant 128 : i32
    %mul3A_8 = arith.muli %mul3A_6, %mul3A_7 : i32
    %eq3A = arith.constant 0 : i32
    %eq3A_9 = arith.cmpi eq, %arg0, %eq3A : i32
    %convert_element_type3A = arith.extui %eq3A_9 : i1 to i32
    %cond3A = arith.constant 0 : i32
    %cond3A_10 = arith.cmpi ne, %convert_element_type3A, %cond3A : i32
    scf.if %cond3A_10 {
      %scan3A = arith.constant 0 : i32
      %scan3A_23 = arith.constant 0 : i32
      %scan3A_24 = arith.constant 40 : i32
      %scan3A_25 = arith.addi %scan3A_23, %scan3A_24 : i32
      %scan3A_26 = arith.constant 1 : i32
      scf.for %scan3A_47 = %scan3A_23 to %scan3A_25 step %scan3A_26  : i32 {
        %mul3A_48 = arith.constant 2 : i32
        %mul3A_49 = arith.muli %scan3A_47, %mul3A_48 : i32
        %add3A_50 = arith.constant 0 : i32
        %add3A_51 = arith.addi %mul3A_49, %add3A_50 : i32
        %gt3A = arith.constant 0 : i32
        %gt3A_52 = arith.cmpi sgt, %scan3A_47, %gt3A : i32
        %convert_element_type3A_53 = arith.extui %gt3A_52 : i1 to i32
        %cond3A_54 = arith.constant 0 : i32
        %cond3A_55 = arith.cmpi ne, %convert_element_type3A_53, %cond3A_54 : i32
        scf.if %cond3A_55 {
          %sub3A = arith.constant 2 : i32
          %sub3A_142 = arith.subi %add3A_51, %sub3A : i32
          %dma_wait3A_143 = arith.constant 0 : i32
          %dma_wait3A_144 = arith.constant 0 : i32
          %dma_wait3A_145 = tpu.memref_slice %arg8[%dma_wait3A_143, %dma_wait3A_144] : memref<256x128xf32, #tpu.memory_space<vmem>> -> memref<128x128xf32, #tpu.memory_space<vmem>>
          %dma_wait3A_146 = arith.constant 0 : i32
          %dma_wait3A_147 = tpu.memref_slice %arg7[%sub3A_142, %dma_wait3A_146] : memref<80x128xi32, #tpu.memory_space<vmem>> -> memref<1x128xi32, #tpu.memory_space<vmem>>
          %dma_wait3A_148 = tpu.memref_squeeze %dma_wait3A_147 : memref<1x128xi32, #tpu.memory_space<vmem>> -> memref<128xi32, #tpu.memory_space<vmem>>
          %dma_wait3A_149 = arith.constant 0 : i32
          %dma_wait3A_150 = arith.constant 0 : i32
          %dma_wait3A_151 = tpu.memref_slice %arg9[%dma_wait3A_149, %dma_wait3A_150] : memref<10240x128xf32, #tpu.memory_space<vmem_shared>> -> memref<10240x128xf32, #tpu.memory_space<vmem_shared>>
          tpu.wait_indirect_dma semaphore(%arg12 : memref<!tpu.dma_semaphore, #tpu.memory_space<semaphore_mem>>) src(%dma_wait3A_145 : memref<128x128xf32, #tpu.memory_space<vmem>>) dst(%dma_wait3A_151 : memref<10240x128xf32, #tpu.memory_space<vmem_shared>>)
        } else {
        }
        %mul3A_56 = arith.constant 128 : i32
        %mul3A_57 = arith.muli %add3A_51, %mul3A_56 : i32
        %add3A_58 = arith.addi %mul3A_8, %mul3A_57 : i32
        %dma_start3A = arith.constant 0 : i32
        %dma_start3A_59 = arith.constant 0 : i32
        %dma_start3A_60 = tpu.memref_slice %arg8[%dma_start3A, %dma_start3A_59] : memref<256x128xf32, #tpu.memory_space<vmem>> -> memref<128x128xf32, #tpu.memory_space<vmem>>
        %dma_start3A_61 = arith.constant 0 : i32
        %dma_start3A_62 = tpu.memref_slice %arg2[%add3A_58, %dma_start3A_61] : memref<163840x128xf32, #tpu.memory_space<hbm>> -> memref<128x128xf32, #tpu.memory_space<hbm>>
        %dma_start3A_63 = arith.constant 0 : i32
        %dma_start3A_64 = arith.constant 0 : i32
        %dma_start3A_65 = tpu.memref_slice %arg8[%dma_start3A_63, %dma_start3A_64] : memref<256x128xf32, #tpu.memory_space<vmem>> -> memref<128x128xf32, #tpu.memory_space<vmem>>
        %dma_start3A_66 = arith.constant 0 : i32
        %dma_start3A_67 = tpu.memref_slice %arg2[%add3A_58, %dma_start3A_66] : memref<163840x128xf32, #tpu.memory_space<hbm>> -> memref<128x128xf32, #tpu.memory_space<hbm>>
        tpu.enqueue_dma source(%dma_start3A_67 : memref<128x128xf32, #tpu.memory_space<hbm>>) target(%dma_start3A_65 : memref<128x128xf32, #tpu.memory_space<vmem>>) target_semaphore(%arg10 : memref<!tpu.dma_semaphore, #tpu.memory_space<semaphore_mem>>)
        %mul3A_68 = arith.constant 2 : i32
        %mul3A_69 = arith.muli %scan3A_47, %mul3A_68 : i32
        %add3A_70 = arith.constant 1 : i32
        %add3A_71 = arith.addi %mul3A_69, %add3A_70 : i32
        %gt3A_72 = arith.constant 0 : i32
        %gt3A_73 = arith.cmpi sgt, %scan3A_47, %gt3A_72 : i32
        %convert_element_type3A_74 = arith.extui %gt3A_73 : i1 to i32
        %cond3A_75 = arith.constant 0 : i32
        %cond3A_76 = arith.cmpi ne, %convert_element_type3A_74, %cond3A_75 : i32
        scf.if %cond3A_76 {
          %sub3A = arith.constant 2 : i32
          %sub3A_142 = arith.subi %add3A_71, %sub3A : i32
          %dma_wait3A_143 = arith.constant 128 : i32
          %dma_wait3A_144 = arith.constant 0 : i32
          %dma_wait3A_145 = tpu.memref_slice %arg8[%dma_wait3A_143, %dma_wait3A_144] : memref<256x128xf32, #tpu.memory_space<vmem>> -> memref<128x128xf32, #tpu.memory_space<vmem>>
          %dma_wait3A_146 = arith.constant 0 : i32
          %dma_wait3A_147 = tpu.memref_slice %arg7[%sub3A_142, %dma_wait3A_146] : memref<80x128xi32, #tpu.memory_space<vmem>> -> memref<1x128xi32, #tpu.memory_space<vmem>>
          %dma_wait3A_148 = tpu.memref_squeeze %dma_wait3A_147 : memref<1x128xi32, #tpu.memory_space<vmem>> -> memref<128xi32, #tpu.memory_space<vmem>>
          %dma_wait3A_149 = arith.constant 0 : i32
          %dma_wait3A_150 = arith.constant 0 : i32
          %dma_wait3A_151 = tpu.memref_slice %arg9[%dma_wait3A_149, %dma_wait3A_150] : memref<10240x128xf32, #tpu.memory_space<vmem_shared>> -> memref<10240x128xf32, #tpu.memory_space<vmem_shared>>
          tpu.wait_indirect_dma semaphore(%arg13 : memref<!tpu.dma_semaphore, #tpu.memory_space<semaphore_mem>>) src(%dma_wait3A_145 : memref<128x128xf32, #tpu.memory_space<vmem>>) dst(%dma_wait3A_151 : memref<10240x128xf32, #tpu.memory_space<vmem_shared>>)
        } else {
        }
        %mul3A_77 = arith.constant 128 : i32
        %mul3A_78 = arith.muli %add3A_71, %mul3A_77 : i32
        %add3A_79 = arith.addi %mul3A_8, %mul3A_78 : i32
        %dma_start3A_80 = arith.constant 128 : i32
        %dma_start3A_81 = arith.constant 0 : i32
        %dma_start3A_82 = tpu.memref_slice %arg8[%dma_start3A_80, %dma_start3A_81] : memref<256x128xf32, #tpu.memory_space<vmem>> -> memref<128x128xf32, #tpu.memory_space<vmem>>
        %dma_start3A_83 = arith.constant 0 : i32
        %dma_start3A_84 = tpu.memref_slice %arg2[%add3A_79, %dma_start3A_83] : memref<163840x128xf32, #tpu.memory_space<hbm>> -> memref<128x128xf32, #tpu.memory_space<hbm>>
        %dma_start3A_85 = arith.constant 128 : i32
        %dma_start3A_86 = arith.constant 0 : i32
        %dma_start3A_87 = tpu.memref_slice %arg8[%dma_start3A_85, %dma_start3A_86] : memref<256x128xf32, #tpu.memory_space<vmem>> -> memref<128x128xf32, #tpu.memory_space<vmem>>
        %dma_start3A_88 = arith.constant 0 : i32
        %dma_start3A_89 = tpu.memref_slice %arg2[%add3A_79, %dma_start3A_88] : memref<163840x128xf32, #tpu.memory_space<hbm>> -> memref<128x128xf32, #tpu.memory_space<hbm>>
        tpu.enqueue_dma source(%dma_start3A_89 : memref<128x128xf32, #tpu.memory_space<hbm>>) target(%dma_start3A_87 : memref<128x128xf32, #tpu.memory_space<vmem>>) target_semaphore(%arg11 : memref<!tpu.dma_semaphore, #tpu.memory_space<semaphore_mem>>)
        %mul3A_90 = arith.constant 2 : i32
        %mul3A_91 = arith.muli %scan3A_47, %mul3A_90 : i32
        %add3A_92 = arith.constant 0 : i32
        %add3A_93 = arith.addi %mul3A_91, %add3A_92 : i32
        %mul3A_94 = arith.constant 128 : i32
        %mul3A_95 = arith.muli %add3A_93, %mul3A_94 : i32
        %add3A_96 = arith.addi %mul3A_8, %mul3A_95 : i32
        %dma_wait3A_97 = arith.constant 0 : i32
        %dma_wait3A_98 = arith.constant 0 : i32
        %dma_wait3A_99 = tpu.memref_slice %arg8[%dma_wait3A_97, %dma_wait3A_98] : memref<256x128xf32, #tpu.memory_space<vmem>> -> memref<128x128xf32, #tpu.memory_space<vmem>>
        %dma_wait3A_100 = arith.constant 0 : i32
        %dma_wait3A_101 = tpu.memref_slice %arg2[%add3A_96, %dma_wait3A_100] : memref<163840x128xf32, #tpu.memory_space<hbm>> -> memref<128x128xf32, #tpu.memory_space<hbm>>
        %dma_wait3A_102 = arith.constant 0 : i32
        %dma_wait3A_103 = arith.constant 0 : i32
        %dma_wait3A_104 = tpu.memref_slice %arg8[%dma_wait3A_102, %dma_wait3A_103] : memref<256x128xf32, #tpu.memory_space<vmem>> -> memref<128x128xf32, #tpu.memory_space<vmem>>
        %dma_wait3A_105 = arith.constant 0 : i32
        %dma_wait3A_106 = tpu.memref_slice %arg2[%add3A_96, %dma_wait3A_105] : memref<163840x128xf32, #tpu.memory_space<hbm>> -> memref<128x128xf32, #tpu.memory_space<hbm>>
        tpu.wait_dma2 semaphore(%arg10 : memref<!tpu.dma_semaphore, #tpu.memory_space<semaphore_mem>>) src(%dma_wait3A_106 : memref<128x128xf32, #tpu.memory_space<hbm>>) dst(%dma_wait3A_104 : memref<128x128xf32, #tpu.memory_space<vmem>>)
        %dma_start3A_107 = arith.constant 0 : i32
        %dma_start3A_108 = arith.constant 0 : i32
        %dma_start3A_109 = tpu.memref_slice %arg8[%dma_start3A_107, %dma_start3A_108] : memref<256x128xf32, #tpu.memory_space<vmem>> -> memref<128x128xf32, #tpu.memory_space<vmem>>
        %dma_start3A_110 = arith.constant 0 : i32
        %dma_start3A_111 = tpu.memref_slice %arg7[%add3A_93, %dma_start3A_110] : memref<80x128xi32, #tpu.memory_space<vmem>> -> memref<1x128xi32, #tpu.memory_space<vmem>>
        %dma_start3A_112 = tpu.memref_squeeze %dma_start3A_111 : memref<1x128xi32, #tpu.memory_space<vmem>> -> memref<128xi32, #tpu.memory_space<vmem>>
        %dma_start3A_113 = arith.constant 0 : i32
        %dma_start3A_114 = arith.constant 0 : i32
        %dma_start3A_115 = tpu.memref_slice %arg9[%dma_start3A_113, %dma_start3A_114] : memref<10240x128xf32, #tpu.memory_space<vmem_shared>> -> memref<10240x128xf32, #tpu.memory_space<vmem_shared>>
        tpu.enqueue_indirect_dma source(%dma_start3A_109 : memref<128x128xf32, #tpu.memory_space<vmem>>) target(%dma_start3A_115 : memref<10240x128xf32, #tpu.memory_space<vmem_shared>>) offsets(%dma_start3A_112 : memref<128xi32, #tpu.memory_space<vmem>>) semaphore(%arg12 : memref<!tpu.dma_semaphore, #tpu.memory_space<semaphore_mem>>) {add = true}
        %mul3A_116 = arith.constant 2 : i32
        %mul3A_117 = arith.muli %scan3A_47, %mul3A_116 : i32
        %add3A_118 = arith.constant 1 : i32
        %add3A_119 = arith.addi %mul3A_117, %add3A_118 : i32
        %mul3A_120 = arith.constant 128 : i32
        %mul3A_121 = arith.muli %add3A_119, %mul3A_120 : i32
        %add3A_122 = arith.addi %mul3A_8, %mul3A_121 : i32
        %dma_wait3A_123 = arith.constant 128 : i32
        %dma_wait3A_124 = arith.constant 0 : i32
        %dma_wait3A_125 = tpu.memref_slice %arg8[%dma_wait3A_123, %dma_wait3A_124] : memref<256x128xf32, #tpu.memory_space<vmem>> -> memref<128x128xf32, #tpu.memory_space<vmem>>
        %dma_wait3A_126 = arith.constant 0 : i32
        %dma_wait3A_127 = tpu.memref_slice %arg2[%add3A_122, %dma_wait3A_126] : memref<163840x128xf32, #tpu.memory_space<hbm>> -> memref<128x128xf32, #tpu.memory_space<hbm>>
        %dma_wait3A_128 = arith.constant 128 : i32
        %dma_wait3A_129 = arith.constant 0 : i32
        %dma_wait3A_130 = tpu.memref_slice %arg8[%dma_wait3A_128, %dma_wait3A_129] : memref<256x128xf32, #tpu.memory_space<vmem>> -> memref<128x128xf32, #tpu.memory_space<vmem>>
        %dma_wait3A_131 = arith.constant 0 : i32
        %dma_wait3A_132 = tpu.memref_slice %arg2[%add3A_122, %dma_wait3A_131] : memref<163840x128xf32, #tpu.memory_space<hbm>> -> memref<128x128xf32, #tpu.memory_space<hbm>>
        tpu.wait_dma2 semaphore(%arg11 : memref<!tpu.dma_semaphore, #tpu.memory_space<semaphore_mem>>) src(%dma_wait3A_132 : memref<128x128xf32, #tpu.memory_space<hbm>>) dst(%dma_wait3A_130 : memref<128x128xf32, #tpu.memory_space<vmem>>)
        %dma_start3A_133 = arith.constant 128 : i32
        %dma_start3A_134 = arith.constant 0 : i32
        %dma_start3A_135 = tpu.memref_slice %arg8[%dma_start3A_133, %dma_start3A_134] : memref<256x128xf32, #tpu.memory_space<vmem>> -> memref<128x128xf32, #tpu.memory_space<vmem>>
        %dma_start3A_136 = arith.constant 0 : i32
        %dma_start3A_137 = tpu.memref_slice %arg7[%add3A_119, %dma_start3A_136] : memref<80x128xi32, #tpu.memory_space<vmem>> -> memref<1x128xi32, #tpu.memory_space<vmem>>
        %dma_start3A_138 = tpu.memref_squeeze %dma_start3A_137 : memref<1x128xi32, #tpu.memory_space<vmem>> -> memref<128xi32, #tpu.memory_space<vmem>>
        %dma_start3A_139 = arith.constant 0 : i32
        %dma_start3A_140 = arith.constant 0 : i32
        %dma_start3A_141 = tpu.memref_slice %arg9[%dma_start3A_139, %dma_start3A_140] : memref<10240x128xf32, #tpu.memory_space<vmem_shared>> -> memref<10240x128xf32, #tpu.memory_space<vmem_shared>>
        tpu.enqueue_indirect_dma source(%dma_start3A_135 : memref<128x128xf32, #tpu.memory_space<vmem>>) target(%dma_start3A_141 : memref<10240x128xf32, #tpu.memory_space<vmem_shared>>) offsets(%dma_start3A_138 : memref<128xi32, #tpu.memory_space<vmem>>) semaphore(%arg13 : memref<!tpu.dma_semaphore, #tpu.memory_space<semaphore_mem>>) {add = true}
      }
      %scan3A_27 = arith.constant 40 : i32
      %dma_wait3A = arith.constant 78 : i32
      %dma_wait3A_28 = arith.constant 0 : i32
      %dma_wait3A_29 = arith.constant 0 : i32
      %dma_wait3A_30 = tpu.memref_slice %arg8[%dma_wait3A_28, %dma_wait3A_29] : memref<256x128xf32, #tpu.memory_space<vmem>> -> memref<128x128xf32, #tpu.memory_space<vmem>>
      %dma_wait3A_31 = arith.constant 0 : i32
      %dma_wait3A_32 = tpu.memref_slice %arg7[%dma_wait3A, %dma_wait3A_31] : memref<80x128xi32, #tpu.memory_space<vmem>> -> memref<1x128xi32, #tpu.memory_space<vmem>>
      %dma_wait3A_33 = tpu.memref_squeeze %dma_wait3A_32 : memref<1x128xi32, #tpu.memory_space<vmem>> -> memref<128xi32, #tpu.memory_space<vmem>>
      %dma_wait3A_34 = arith.constant 0 : i32
      %dma_wait3A_35 = arith.constant 0 : i32
      %dma_wait3A_36 = tpu.memref_slice %arg9[%dma_wait3A_34, %dma_wait3A_35] : memref<10240x128xf32, #tpu.memory_space<vmem_shared>> -> memref<10240x128xf32, #tpu.memory_space<vmem_shared>>
      tpu.wait_indirect_dma semaphore(%arg12 : memref<!tpu.dma_semaphore, #tpu.memory_space<semaphore_mem>>) src(%dma_wait3A_30 : memref<128x128xf32, #tpu.memory_space<vmem>>) dst(%dma_wait3A_36 : memref<10240x128xf32, #tpu.memory_space<vmem_shared>>)
      %dma_wait3A_37 = arith.constant 79 : i32
      %dma_wait3A_38 = arith.constant 128 : i32
      %dma_wait3A_39 = arith.constant 0 : i32
      %dma_wait3A_40 = tpu.memref_slice %arg8[%dma_wait3A_38, %dma_wait3A_39] : memref<256x128xf32, #tpu.memory_space<vmem>> -> memref<128x128xf32, #tpu.memory_space<vmem>>
      %dma_wait3A_41 = arith.constant 0 : i32
      %dma_wait3A_42 = tpu.memref_slice %arg7[%dma_wait3A_37, %dma_wait3A_41] : memref<80x128xi32, #tpu.memory_space<vmem>> -> memref<1x128xi32, #tpu.memory_space<vmem>>
      %dma_wait3A_43 = tpu.memref_squeeze %dma_wait3A_42 : memref<1x128xi32, #tpu.memory_space<vmem>> -> memref<128xi32, #tpu.memory_space<vmem>>
      %dma_wait3A_44 = arith.constant 0 : i32
      %dma_wait3A_45 = arith.constant 0 : i32
      %dma_wait3A_46 = tpu.memref_slice %arg9[%dma_wait3A_44, %dma_wait3A_45] : memref<10240x128xf32, #tpu.memory_space<vmem_shared>> -> memref<10240x128xf32, #tpu.memory_space<vmem_shared>>
      tpu.wait_indirect_dma semaphore(%arg13 : memref<!tpu.dma_semaphore, #tpu.memory_space<semaphore_mem>>) src(%dma_wait3A_40 : memref<128x128xf32, #tpu.memory_space<vmem>>) dst(%dma_wait3A_46 : memref<10240x128xf32, #tpu.memory_space<vmem_shared>>)
    } else {
    }
    %eq3A_11 = arith.constant 1 : i32
    %eq3A_12 = arith.cmpi eq, %arg0, %eq3A_11 : i32
    %convert_element_type3A_13 = arith.extui %eq3A_12 : i1 to i32
    %cond3A_14 = arith.constant 0 : i32
    %cond3A_15 = arith.cmpi ne, %convert_element_type3A_13, %cond3A_14 : i32
    scf.if %cond3A_15 {
      %scan3A = arith.constant 0 : i32
      %scan3A_23 = arith.constant 0 : i32
      %scan3A_24 = arith.constant 40 : i32
      %scan3A_25 = arith.addi %scan3A_23, %scan3A_24 : i32
      %scan3A_26 = arith.constant 1 : i32
      scf.for %scan3A_47 = %scan3A_23 to %scan3A_25 step %scan3A_26  : i32 {
        %mul3A_48 = arith.constant 2 : i32
        %mul3A_49 = arith.muli %scan3A_47, %mul3A_48 : i32
        %add3A_50 = arith.constant 0 : i32
        %add3A_51 = arith.addi %mul3A_49, %add3A_50 : i32
        %gt3A = arith.constant 0 : i32
        %gt3A_52 = arith.cmpi sgt, %scan3A_47, %gt3A : i32
        %convert_element_type3A_53 = arith.extui %gt3A_52 : i1 to i32
        %cond3A_54 = arith.constant 0 : i32
        %cond3A_55 = arith.cmpi ne, %convert_element_type3A_53, %cond3A_54 : i32
        scf.if %cond3A_55 {
          %sub3A = arith.constant 2 : i32
          %sub3A_142 = arith.subi %add3A_51, %sub3A : i32
          %dma_wait3A_143 = arith.constant 0 : i32
          %dma_wait3A_144 = arith.constant 0 : i32
          %dma_wait3A_145 = tpu.memref_slice %arg8[%dma_wait3A_143, %dma_wait3A_144] : memref<256x128xf32, #tpu.memory_space<vmem>> -> memref<128x128xf32, #tpu.memory_space<vmem>>
          %dma_wait3A_146 = arith.constant 0 : i32
          %dma_wait3A_147 = tpu.memref_slice %arg7[%sub3A_142, %dma_wait3A_146] : memref<80x128xi32, #tpu.memory_space<vmem>> -> memref<1x128xi32, #tpu.memory_space<vmem>>
          %dma_wait3A_148 = tpu.memref_squeeze %dma_wait3A_147 : memref<1x128xi32, #tpu.memory_space<vmem>> -> memref<128xi32, #tpu.memory_space<vmem>>
          %dma_wait3A_149 = arith.constant 0 : i32
          %dma_wait3A_150 = arith.constant 0 : i32
          %dma_wait3A_151 = tpu.memref_slice %arg9[%dma_wait3A_149, %dma_wait3A_150] : memref<10240x128xf32, #tpu.memory_space<vmem_shared>> -> memref<10240x128xf32, #tpu.memory_space<vmem_shared>>
          tpu.wait_indirect_dma semaphore(%arg12 : memref<!tpu.dma_semaphore, #tpu.memory_space<semaphore_mem>>) src(%dma_wait3A_145 : memref<128x128xf32, #tpu.memory_space<vmem>>) dst(%dma_wait3A_151 : memref<10240x128xf32, #tpu.memory_space<vmem_shared>>)
        } else {
        }
        %mul3A_56 = arith.constant 128 : i32
        %mul3A_57 = arith.muli %add3A_51, %mul3A_56 : i32
        %add3A_58 = arith.addi %mul3A_8, %mul3A_57 : i32
        %dma_start3A = arith.constant 0 : i32
        %dma_start3A_59 = arith.constant 0 : i32
        %dma_start3A_60 = tpu.memref_slice %arg8[%dma_start3A, %dma_start3A_59] : memref<256x128xf32, #tpu.memory_space<vmem>> -> memref<128x128xf32, #tpu.memory_space<vmem>>
        %dma_start3A_61 = arith.constant 0 : i32
        %dma_start3A_62 = tpu.memref_slice %arg3[%add3A_58, %dma_start3A_61] : memref<163840x128xf32, #tpu.memory_space<hbm>> -> memref<128x128xf32, #tpu.memory_space<hbm>>
        %dma_start3A_63 = arith.constant 0 : i32
        %dma_start3A_64 = arith.constant 0 : i32
        %dma_start3A_65 = tpu.memref_slice %arg8[%dma_start3A_63, %dma_start3A_64] : memref<256x128xf32, #tpu.memory_space<vmem>> -> memref<128x128xf32, #tpu.memory_space<vmem>>
        %dma_start3A_66 = arith.constant 0 : i32
        %dma_start3A_67 = tpu.memref_slice %arg3[%add3A_58, %dma_start3A_66] : memref<163840x128xf32, #tpu.memory_space<hbm>> -> memref<128x128xf32, #tpu.memory_space<hbm>>
        tpu.enqueue_dma source(%dma_start3A_67 : memref<128x128xf32, #tpu.memory_space<hbm>>) target(%dma_start3A_65 : memref<128x128xf32, #tpu.memory_space<vmem>>) target_semaphore(%arg10 : memref<!tpu.dma_semaphore, #tpu.memory_space<semaphore_mem>>)
        %mul3A_68 = arith.constant 2 : i32
        %mul3A_69 = arith.muli %scan3A_47, %mul3A_68 : i32
        %add3A_70 = arith.constant 1 : i32
        %add3A_71 = arith.addi %mul3A_69, %add3A_70 : i32
        %gt3A_72 = arith.constant 0 : i32
        %gt3A_73 = arith.cmpi sgt, %scan3A_47, %gt3A_72 : i32
        %convert_element_type3A_74 = arith.extui %gt3A_73 : i1 to i32
        %cond3A_75 = arith.constant 0 : i32
        %cond3A_76 = arith.cmpi ne, %convert_element_type3A_74, %cond3A_75 : i32
        scf.if %cond3A_76 {
          %sub3A = arith.constant 2 : i32
          %sub3A_142 = arith.subi %add3A_71, %sub3A : i32
          %dma_wait3A_143 = arith.constant 128 : i32
          %dma_wait3A_144 = arith.constant 0 : i32
          %dma_wait3A_145 = tpu.memref_slice %arg8[%dma_wait3A_143, %dma_wait3A_144] : memref<256x128xf32, #tpu.memory_space<vmem>> -> memref<128x128xf32, #tpu.memory_space<vmem>>
          %dma_wait3A_146 = arith.constant 0 : i32
          %dma_wait3A_147 = tpu.memref_slice %arg7[%sub3A_142, %dma_wait3A_146] : memref<80x128xi32, #tpu.memory_space<vmem>> -> memref<1x128xi32, #tpu.memory_space<vmem>>
          %dma_wait3A_148 = tpu.memref_squeeze %dma_wait3A_147 : memref<1x128xi32, #tpu.memory_space<vmem>> -> memref<128xi32, #tpu.memory_space<vmem>>
          %dma_wait3A_149 = arith.constant 0 : i32
          %dma_wait3A_150 = arith.constant 0 : i32
          %dma_wait3A_151 = tpu.memref_slice %arg9[%dma_wait3A_149, %dma_wait3A_150] : memref<10240x128xf32, #tpu.memory_space<vmem_shared>> -> memref<10240x128xf32, #tpu.memory_space<vmem_shared>>
          tpu.wait_indirect_dma semaphore(%arg13 : memref<!tpu.dma_semaphore, #tpu.memory_space<semaphore_mem>>) src(%dma_wait3A_145 : memref<128x128xf32, #tpu.memory_space<vmem>>) dst(%dma_wait3A_151 : memref<10240x128xf32, #tpu.memory_space<vmem_shared>>)
        } else {
        }
        %mul3A_77 = arith.constant 128 : i32
        %mul3A_78 = arith.muli %add3A_71, %mul3A_77 : i32
        %add3A_79 = arith.addi %mul3A_8, %mul3A_78 : i32
        %dma_start3A_80 = arith.constant 128 : i32
        %dma_start3A_81 = arith.constant 0 : i32
        %dma_start3A_82 = tpu.memref_slice %arg8[%dma_start3A_80, %dma_start3A_81] : memref<256x128xf32, #tpu.memory_space<vmem>> -> memref<128x128xf32, #tpu.memory_space<vmem>>
        %dma_start3A_83 = arith.constant 0 : i32
        %dma_start3A_84 = tpu.memref_slice %arg3[%add3A_79, %dma_start3A_83] : memref<163840x128xf32, #tpu.memory_space<hbm>> -> memref<128x128xf32, #tpu.memory_space<hbm>>
        %dma_start3A_85 = arith.constant 128 : i32
        %dma_start3A_86 = arith.constant 0 : i32
        %dma_start3A_87 = tpu.memref_slice %arg8[%dma_start3A_85, %dma_start3A_86] : memref<256x128xf32, #tpu.memory_space<vmem>> -> memref<128x128xf32, #tpu.memory_space<vmem>>
        %dma_start3A_88 = arith.constant 0 : i32
        %dma_start3A_89 = tpu.memref_slice %arg3[%add3A_79, %dma_start3A_88] : memref<163840x128xf32, #tpu.memory_space<hbm>> -> memref<128x128xf32, #tpu.memory_space<hbm>>
        tpu.enqueue_dma source(%dma_start3A_89 : memref<128x128xf32, #tpu.memory_space<hbm>>) target(%dma_start3A_87 : memref<128x128xf32, #tpu.memory_space<vmem>>) target_semaphore(%arg11 : memref<!tpu.dma_semaphore, #tpu.memory_space<semaphore_mem>>)
        %mul3A_90 = arith.constant 2 : i32
        %mul3A_91 = arith.muli %scan3A_47, %mul3A_90 : i32
        %add3A_92 = arith.constant 0 : i32
        %add3A_93 = arith.addi %mul3A_91, %add3A_92 : i32
        %mul3A_94 = arith.constant 128 : i32
        %mul3A_95 = arith.muli %add3A_93, %mul3A_94 : i32
        %add3A_96 = arith.addi %mul3A_8, %mul3A_95 : i32
        %dma_wait3A_97 = arith.constant 0 : i32
        %dma_wait3A_98 = arith.constant 0 : i32
        %dma_wait3A_99 = tpu.memref_slice %arg8[%dma_wait3A_97, %dma_wait3A_98] : memref<256x128xf32, #tpu.memory_space<vmem>> -> memref<128x128xf32, #tpu.memory_space<vmem>>
        %dma_wait3A_100 = arith.constant 0 : i32
        %dma_wait3A_101 = tpu.memref_slice %arg3[%add3A_96, %dma_wait3A_100] : memref<163840x128xf32, #tpu.memory_space<hbm>> -> memref<128x128xf32, #tpu.memory_space<hbm>>
        %dma_wait3A_102 = arith.constant 0 : i32
        %dma_wait3A_103 = arith.constant 0 : i32
        %dma_wait3A_104 = tpu.memref_slice %arg8[%dma_wait3A_102, %dma_wait3A_103] : memref<256x128xf32, #tpu.memory_space<vmem>> -> memref<128x128xf32, #tpu.memory_space<vmem>>
        %dma_wait3A_105 = arith.constant 0 : i32
        %dma_wait3A_106 = tpu.memref_slice %arg3[%add3A_96, %dma_wait3A_105] : memref<163840x128xf32, #tpu.memory_space<hbm>> -> memref<128x128xf32, #tpu.memory_space<hbm>>
        tpu.wait_dma2 semaphore(%arg10 : memref<!tpu.dma_semaphore, #tpu.memory_space<semaphore_mem>>) src(%dma_wait3A_106 : memref<128x128xf32, #tpu.memory_space<hbm>>) dst(%dma_wait3A_104 : memref<128x128xf32, #tpu.memory_space<vmem>>)
        %dma_start3A_107 = arith.constant 0 : i32
        %dma_start3A_108 = arith.constant 0 : i32
        %dma_start3A_109 = tpu.memref_slice %arg8[%dma_start3A_107, %dma_start3A_108] : memref<256x128xf32, #tpu.memory_space<vmem>> -> memref<128x128xf32, #tpu.memory_space<vmem>>
        %dma_start3A_110 = arith.constant 0 : i32
        %dma_start3A_111 = tpu.memref_slice %arg7[%add3A_93, %dma_start3A_110] : memref<80x128xi32, #tpu.memory_space<vmem>> -> memref<1x128xi32, #tpu.memory_space<vmem>>
        %dma_start3A_112 = tpu.memref_squeeze %dma_start3A_111 : memref<1x128xi32, #tpu.memory_space<vmem>> -> memref<128xi32, #tpu.memory_space<vmem>>
        %dma_start3A_113 = arith.constant 0 : i32
        %dma_start3A_114 = arith.constant 0 : i32
        %dma_start3A_115 = tpu.memref_slice %arg9[%dma_start3A_113, %dma_start3A_114] : memref<10240x128xf32, #tpu.memory_space<vmem_shared>> -> memref<10240x128xf32, #tpu.memory_space<vmem_shared>>
        tpu.enqueue_indirect_dma source(%dma_start3A_109 : memref<128x128xf32, #tpu.memory_space<vmem>>) target(%dma_start3A_115 : memref<10240x128xf32, #tpu.memory_space<vmem_shared>>) offsets(%dma_start3A_112 : memref<128xi32, #tpu.memory_space<vmem>>) semaphore(%arg12 : memref<!tpu.dma_semaphore, #tpu.memory_space<semaphore_mem>>) {add = true}
        %mul3A_116 = arith.constant 2 : i32
        %mul3A_117 = arith.muli %scan3A_47, %mul3A_116 : i32
        %add3A_118 = arith.constant 1 : i32
        %add3A_119 = arith.addi %mul3A_117, %add3A_118 : i32
        %mul3A_120 = arith.constant 128 : i32
        %mul3A_121 = arith.muli %add3A_119, %mul3A_120 : i32
        %add3A_122 = arith.addi %mul3A_8, %mul3A_121 : i32
        %dma_wait3A_123 = arith.constant 128 : i32
        %dma_wait3A_124 = arith.constant 0 : i32
        %dma_wait3A_125 = tpu.memref_slice %arg8[%dma_wait3A_123, %dma_wait3A_124] : memref<256x128xf32, #tpu.memory_space<vmem>> -> memref<128x128xf32, #tpu.memory_space<vmem>>
        %dma_wait3A_126 = arith.constant 0 : i32
        %dma_wait3A_127 = tpu.memref_slice %arg3[%add3A_122, %dma_wait3A_126] : memref<163840x128xf32, #tpu.memory_space<hbm>> -> memref<128x128xf32, #tpu.memory_space<hbm>>
        %dma_wait3A_128 = arith.constant 128 : i32
        %dma_wait3A_129 = arith.constant 0 : i32
        %dma_wait3A_130 = tpu.memref_slice %arg8[%dma_wait3A_128, %dma_wait3A_129] : memref<256x128xf32, #tpu.memory_space<vmem>> -> memref<128x128xf32, #tpu.memory_space<vmem>>
        %dma_wait3A_131 = arith.constant 0 : i32
        %dma_wait3A_132 = tpu.memref_slice %arg3[%add3A_122, %dma_wait3A_131] : memref<163840x128xf32, #tpu.memory_space<hbm>> -> memref<128x128xf32, #tpu.memory_space<hbm>>
        tpu.wait_dma2 semaphore(%arg11 : memref<!tpu.dma_semaphore, #tpu.memory_space<semaphore_mem>>) src(%dma_wait3A_132 : memref<128x128xf32, #tpu.memory_space<hbm>>) dst(%dma_wait3A_130 : memref<128x128xf32, #tpu.memory_space<vmem>>)
        %dma_start3A_133 = arith.constant 128 : i32
        %dma_start3A_134 = arith.constant 0 : i32
        %dma_start3A_135 = tpu.memref_slice %arg8[%dma_start3A_133, %dma_start3A_134] : memref<256x128xf32, #tpu.memory_space<vmem>> -> memref<128x128xf32, #tpu.memory_space<vmem>>
        %dma_start3A_136 = arith.constant 0 : i32
        %dma_start3A_137 = tpu.memref_slice %arg7[%add3A_119, %dma_start3A_136] : memref<80x128xi32, #tpu.memory_space<vmem>> -> memref<1x128xi32, #tpu.memory_space<vmem>>
        %dma_start3A_138 = tpu.memref_squeeze %dma_start3A_137 : memref<1x128xi32, #tpu.memory_space<vmem>> -> memref<128xi32, #tpu.memory_space<vmem>>
        %dma_start3A_139 = arith.constant 0 : i32
        %dma_start3A_140 = arith.constant 0 : i32
        %dma_start3A_141 = tpu.memref_slice %arg9[%dma_start3A_139, %dma_start3A_140] : memref<10240x128xf32, #tpu.memory_space<vmem_shared>> -> memref<10240x128xf32, #tpu.memory_space<vmem_shared>>
        tpu.enqueue_indirect_dma source(%dma_start3A_135 : memref<128x128xf32, #tpu.memory_space<vmem>>) target(%dma_start3A_141 : memref<10240x128xf32, #tpu.memory_space<vmem_shared>>) offsets(%dma_start3A_138 : memref<128xi32, #tpu.memory_space<vmem>>) semaphore(%arg13 : memref<!tpu.dma_semaphore, #tpu.memory_space<semaphore_mem>>) {add = true}
      }
      %scan3A_27 = arith.constant 40 : i32
      %dma_wait3A = arith.constant 78 : i32
      %dma_wait3A_28 = arith.constant 0 : i32
      %dma_wait3A_29 = arith.constant 0 : i32
      %dma_wait3A_30 = tpu.memref_slice %arg8[%dma_wait3A_28, %dma_wait3A_29] : memref<256x128xf32, #tpu.memory_space<vmem>> -> memref<128x128xf32, #tpu.memory_space<vmem>>
      %dma_wait3A_31 = arith.constant 0 : i32
      %dma_wait3A_32 = tpu.memref_slice %arg7[%dma_wait3A, %dma_wait3A_31] : memref<80x128xi32, #tpu.memory_space<vmem>> -> memref<1x128xi32, #tpu.memory_space<vmem>>
      %dma_wait3A_33 = tpu.memref_squeeze %dma_wait3A_32 : memref<1x128xi32, #tpu.memory_space<vmem>> -> memref<128xi32, #tpu.memory_space<vmem>>
      %dma_wait3A_34 = arith.constant 0 : i32
      %dma_wait3A_35 = arith.constant 0 : i32
      %dma_wait3A_36 = tpu.memref_slice %arg9[%dma_wait3A_34, %dma_wait3A_35] : memref<10240x128xf32, #tpu.memory_space<vmem_shared>> -> memref<10240x128xf32, #tpu.memory_space<vmem_shared>>
      tpu.wait_indirect_dma semaphore(%arg12 : memref<!tpu.dma_semaphore, #tpu.memory_space<semaphore_mem>>) src(%dma_wait3A_30 : memref<128x128xf32, #tpu.memory_space<vmem>>) dst(%dma_wait3A_36 : memref<10240x128xf32, #tpu.memory_space<vmem_shared>>)
      %dma_wait3A_37 = arith.constant 79 : i32
      %dma_wait3A_38 = arith.constant 128 : i32
      %dma_wait3A_39 = arith.constant 0 : i32
      %dma_wait3A_40 = tpu.memref_slice %arg8[%dma_wait3A_38, %dma_wait3A_39] : memref<256x128xf32, #tpu.memory_space<vmem>> -> memref<128x128xf32, #tpu.memory_space<vmem>>
      %dma_wait3A_41 = arith.constant 0 : i32
      %dma_wait3A_42 = tpu.memref_slice %arg7[%dma_wait3A_37, %dma_wait3A_41] : memref<80x128xi32, #tpu.memory_space<vmem>> -> memref<1x128xi32, #tpu.memory_space<vmem>>
      %dma_wait3A_43 = tpu.memref_squeeze %dma_wait3A_42 : memref<1x128xi32, #tpu.memory_space<vmem>> -> memref<128xi32, #tpu.memory_space<vmem>>
      %dma_wait3A_44 = arith.constant 0 : i32
      %dma_wait3A_45 = arith.constant 0 : i32
      %dma_wait3A_46 = tpu.memref_slice %arg9[%dma_wait3A_44, %dma_wait3A_45] : memref<10240x128xf32, #tpu.memory_space<vmem_shared>> -> memref<10240x128xf32, #tpu.memory_space<vmem_shared>>
      tpu.wait_indirect_dma semaphore(%arg13 : memref<!tpu.dma_semaphore, #tpu.memory_space<semaphore_mem>>) src(%dma_wait3A_40 : memref<128x128xf32, #tpu.memory_space<vmem>>) dst(%dma_wait3A_46 : memref<10240x128xf32, #tpu.memory_space<vmem_shared>>)
    } else {
    }
    %barrier3A_16 = arith.constant 0 : index
    tpu.barrier barrier_id(%barrier3A_16)
    %mul3A_17 = arith.constant 640 : i32
    %mul3A_18 = arith.muli %arg1, %mul3A_17 : i32
    %mul3A_19 = arith.constant 10240 : i32
    %mul3A_20 = arith.muli %arg0, %mul3A_19 : i32
    %mul3A_21 = arith.constant 640 : i32
    %mul3A_22 = arith.muli %arg1, %mul3A_21 : i32
    %add3A = arith.addi %mul3A_20, %mul3A_22 : i32
    "tpu.region"() ({
      %run_scoped3A = tpu.sem_alloc : memref<!tpu.dma_semaphore, #tpu.memory_space<semaphore_mem>>
      %dma_start3A = arith.constant 0 : i32
      %dma_start3A_23 = tpu.memref_slice %arg6[%add3A, %dma_start3A] : memref<20480x128xf32, #tpu.memory_space<hbm>> -> memref<640x128xf32, #tpu.memory_space<hbm>>
      %dma_start3A_24 = arith.constant 0 : i32
      %dma_start3A_25 = tpu.memref_slice %arg9[%mul3A_18, %dma_start3A_24] : memref<10240x128xf32, #tpu.memory_space<vmem_shared>> -> memref<640x128xf32, #tpu.memory_space<vmem_shared>>
      tpu.enqueue_dma source(%dma_start3A_25 : memref<640x128xf32, #tpu.memory_space<vmem_shared>>) target(%dma_start3A_23 : memref<640x128xf32, #tpu.memory_space<hbm>>) target_semaphore(%run_scoped3A : memref<!tpu.dma_semaphore, #tpu.memory_space<semaphore_mem>>)
      %dma_wait3A = arith.constant 0 : i32
      %dma_wait3A_26 = tpu.memref_slice %arg6[%add3A, %dma_wait3A] : memref<20480x128xf32, #tpu.memory_space<hbm>> -> memref<640x128xf32, #tpu.memory_space<hbm>>
      %dma_wait3A_27 = arith.constant 0 : i32
      %dma_wait3A_28 = tpu.memref_slice %arg9[%mul3A_18, %dma_wait3A_27] : memref<10240x128xf32, #tpu.memory_space<vmem_shared>> -> memref<640x128xf32, #tpu.memory_space<vmem_shared>>
      tpu.wait_dma2 semaphore(%run_scoped3A : memref<!tpu.dma_semaphore, #tpu.memory_space<semaphore_mem>>) src(%dma_wait3A_28 : memref<640x128xf32, #tpu.memory_space<vmem_shared>>) dst(%dma_wait3A_26 : memref<640x128xf32, #tpu.memory_space<hbm>>)
      tpu.yield
    }) : () -> ()
    return
  }
}

#map = affine_map<(d0, d1) -> (0, 0)>
module attributes {stable_mosaic.version = 14 : i64} {
  func.func @k(%arg0: i32, %arg1: i32, %arg2: memref<163840x128xf32, #tpu.memory_space<hbm>>, %arg3: memref<163840x128xf32, #tpu.memory_space<hbm>>, %arg4: memref<1280x128xi32, #tpu.memory_space<hbm>>, %arg5: memref<10240x128xf32, #tpu.memory_space<hbm>>, %arg6: memref<20480x128xf32, #tpu.memory_space<hbm>>, %arg7: memref<80x128xi32, #tpu.memory_space<vmem>>, %arg8: memref<256x128xf32, #tpu.memory_space<vmem>>, %arg9: memref<10240x128xf32, #tpu.memory_space<vmem_shared>>, %arg10: memref<!tpu.dma_semaphore, #tpu.memory_space<semaphore_mem>>, %arg11: memref<!tpu.dma_semaphore, #tpu.memory_space<semaphore_mem>>, %arg12: memref<!tpu.dma_semaphore, #tpu.memory_space<semaphore_mem>>, %arg13: memref<!tpu.dma_semaphore, #tpu.memory_space<semaphore_mem>>) attributes {dimension_semantics = [#tpu.dimension_semantics<core_parallel>, #tpu.dimension_semantics<subcore_parallel>], iteration_bounds = array<i64: 2, 16>, scalar_prefetch = 0 : i64, scratch_operands = 7 : i64, tpu.core_type = #tpu.core_type<sc_vector_subcore>, window_params = [{transform_indices = #map}, {transform_indices = #map}, {transform_indices = #map}, {transform_indices = #map}, {transform_indices = #map}]} {
    %mul3A = arith.constant 640 : i32
    %mul3A_0 = arith.muli %arg1, %mul3A : i32
    %mul3A_1 = arith.constant 640 : i32
    %mul3A_2 = arith.muli %arg1, %mul3A_1 : i32
    "tpu.region"() ({
      %run_scoped3A = tpu.sem_alloc : memref<!tpu.dma_semaphore, #tpu.memory_space<semaphore_mem>>
      %dma_start3A = arith.constant 0 : i32
      %dma_start3A_23 = tpu.memref_slice %arg9[%mul3A_2, %dma_start3A] : memref<10240x128xf32, #tpu.memory_space<vmem_shared>> -> memref<640x128xf32, #tpu.memory_space<vmem_shared>>
      %dma_start3A_24 = arith.constant 0 : i32
      %dma_start3A_25 = tpu.memref_slice %arg5[%mul3A_0, %dma_start3A_24] : memref<10240x128xf32, #tpu.memory_space<hbm>> -> memref<640x128xf32, #tpu.memory_space<hbm>>
      tpu.enqueue_dma source(%dma_start3A_25 : memref<640x128xf32, #tpu.memory_space<hbm>>) target(%dma_start3A_23 : memref<640x128xf32, #tpu.memory_space<vmem_shared>>) target_semaphore(%run_scoped3A : memref<!tpu.dma_semaphore, #tpu.memory_space<semaphore_mem>>)
      %dma_wait3A = arith.constant 0 : i32
      %dma_wait3A_26 = tpu.memref_slice %arg9[%mul3A_2, %dma_wait3A] : memref<10240x128xf32, #tpu.memory_space<vmem_shared>> -> memref<640x128xf32, #tpu.memory_space<vmem_shared>>
      %dma_wait3A_27 = arith.constant 0 : i32
      %dma_wait3A_28 = tpu.memref_slice %arg5[%mul3A_0, %dma_wait3A_27] : memref<10240x128xf32, #tpu.memory_space<hbm>> -> memref<640x128xf32, #tpu.memory_space<hbm>>
      tpu.wait_dma2 semaphore(%run_scoped3A : memref<!tpu.dma_semaphore, #tpu.memory_space<semaphore_mem>>) src(%dma_wait3A_28 : memref<640x128xf32, #tpu.memory_space<hbm>>) dst(%dma_wait3A_26 : memref<640x128xf32, #tpu.memory_space<vmem_shared>>)
      tpu.yield
    }) : () -> ()
    %barrier3A = arith.constant 0 : index
    tpu.barrier barrier_id(%barrier3A)
    %mul3A_3 = arith.constant 80 : i32
    %mul3A_4 = arith.muli %arg1, %mul3A_3 : i32
    "tpu.region"() ({
      %run_scoped3A = tpu.sem_alloc : memref<!tpu.dma_semaphore, #tpu.memory_space<semaphore_mem>>
      %dma_start3A = arith.constant 0 : i32
      %dma_start3A_23 = tpu.memref_slice %arg4[%mul3A_4, %dma_start3A] : memref<1280x128xi32, #tpu.memory_space<hbm>> -> memref<80x128xi32, #tpu.memory_space<hbm>>
      %dma_start3A_24 = arith.constant 0 : i32
      %dma_start3A_25 = tpu.memref_slice %arg4[%mul3A_4, %dma_start3A_24] : memref<1280x128xi32, #tpu.memory_space<hbm>> -> memref<80x128xi32, #tpu.memory_space<hbm>>
      tpu.enqueue_dma source(%dma_start3A_25 : memref<80x128xi32, #tpu.memory_space<hbm>>) target(%arg7 : memref<80x128xi32, #tpu.memory_space<vmem>>) target_semaphore(%run_scoped3A : memref<!tpu.dma_semaphore, #tpu.memory_space<semaphore_mem>>)
      %dma_wait3A = arith.constant 0 : i32
      %dma_wait3A_26 = tpu.memref_slice %arg4[%mul3A_4, %dma_wait3A] : memref<1280x128xi32, #tpu.memory_space<hbm>> -> memref<80x128xi32, #tpu.memory_space<hbm>>
      %dma_wait3A_27 = arith.constant 0 : i32
      %dma_wait3A_28 = tpu.memref_slice %arg4[%mul3A_4, %dma_wait3A_27] : memref<1280x128xi32, #tpu.memory_space<hbm>> -> memref<80x128xi32, #tpu.memory_space<hbm>>
      tpu.wait_dma2 semaphore(%run_scoped3A : memref<!tpu.dma_semaphore, #tpu.memory_space<semaphore_mem>>) src(%dma_wait3A_28 : memref<80x128xi32, #tpu.memory_space<hbm>>) dst(%arg7 : memref<80x128xi32, #tpu.memory_space<vmem>>)
      tpu.yield
    }) : () -> ()
    %mul3A_5 = arith.constant 80 : i32
    %mul3A_6 = arith.muli %arg1, %mul3A_5 : i32
    %mul3A_7 = arith.constant 128 : i32
    %mul3A_8 = arith.muli %mul3A_6, %mul3A_7 : i32
    %eq3A = arith.constant 0 : i32
    %eq3A_9 = arith.cmpi eq, %arg0, %eq3A : i32
    %convert_element_type3A = arith.extui %eq3A_9 : i1 to i32
    %cond3A = arith.constant 0 : i32
    %cond3A_10 = arith.cmpi ne, %convert_element_type3A, %cond3A : i32
    scf.if %cond3A_10 {
      %scan3A = arith.constant 0 : i32
      %scan3A_23 = arith.constant 0 : i32
      %scan3A_24 = arith.constant 40 : i32
      %scan3A_25 = arith.addi %scan3A_23, %scan3A_24 : i32
      %scan3A_26 = arith.constant 1 : i32
      scf.for %scan3A_47 = %scan3A_23 to %scan3A_25 step %scan3A_26  : i32 {
        %mul3A_48 = arith.constant 2 : i32
        %mul3A_49 = arith.muli %scan3A_47, %mul3A_48 : i32
        %add3A_50 = arith.constant 0 : i32
        %add3A_51 = arith.addi %mul3A_49, %add3A_50 : i32
        %gt3A = arith.constant 0 : i32
        %gt3A_52 = arith.cmpi sgt, %scan3A_47, %gt3A : i32
        %convert_element_type3A_53 = arith.extui %gt3A_52 : i1 to i32
        %cond3A_54 = arith.constant 0 : i32
        %cond3A_55 = arith.cmpi ne, %convert_element_type3A_53, %cond3A_54 : i32
        scf.if %cond3A_55 {
          %sub3A = arith.constant 2 : i32
          %sub3A_142 = arith.subi %add3A_51, %sub3A : i32
          %dma_wait3A_143 = arith.constant 0 : i32
          %dma_wait3A_144 = arith.constant 0 : i32
          %dma_wait3A_145 = tpu.memref_slice %arg8[%dma_wait3A_143, %dma_wait3A_144] : memref<256x128xf32, #tpu.memory_space<vmem>> -> memref<128x128xf32, #tpu.memory_space<vmem>>
          %dma_wait3A_146 = arith.constant 0 : i32
          %dma_wait3A_147 = tpu.memref_slice %arg7[%sub3A_142, %dma_wait3A_146] : memref<80x128xi32, #tpu.memory_space<vmem>> -> memref<1x128xi32, #tpu.memory_space<vmem>>
          %dma_wait3A_148 = tpu.memref_squeeze %dma_wait3A_147 : memref<1x128xi32, #tpu.memory_space<vmem>> -> memref<128xi32, #tpu.memory_space<vmem>>
          %dma_wait3A_149 = arith.constant 0 : i32
          %dma_wait3A_150 = arith.constant 0 : i32
          %dma_wait3A_151 = tpu.memref_slice %arg9[%dma_wait3A_149, %dma_wait3A_150] : memref<10240x128xf32, #tpu.memory_space<vmem_shared>> -> memref<10240x128xf32, #tpu.memory_space<vmem_shared>>
          tpu.wait_indirect_dma semaphore(%arg12 : memref<!tpu.dma_semaphore, #tpu.memory_space<semaphore_mem>>) src(%dma_wait3A_145 : memref<128x128xf32, #tpu.memory_space<vmem>>) dst(%dma_wait3A_151 : memref<10240x128xf32, #tpu.memory_space<vmem_shared>>)
        } else {
        }
        %mul3A_56 = arith.constant 128 : i32
        %mul3A_57 = arith.muli %add3A_51, %mul3A_56 : i32
        %add3A_58 = arith.addi %mul3A_8, %mul3A_57 : i32
        %dma_start3A = arith.constant 0 : i32
        %dma_start3A_59 = arith.constant 0 : i32
        %dma_start3A_60 = tpu.memref_slice %arg8[%dma_start3A, %dma_start3A_59] : memref<256x128xf32, #tpu.memory_space<vmem>> -> memref<128x128xf32, #tpu.memory_space<vmem>>
        %dma_start3A_61 = arith.constant 0 : i32
        %dma_start3A_62 = tpu.memref_slice %arg2[%add3A_58, %dma_start3A_61] : memref<163840x128xf32, #tpu.memory_space<hbm>> -> memref<128x128xf32, #tpu.memory_space<hbm>>
        %dma_start3A_63 = arith.constant 0 : i32
        %dma_start3A_64 = arith.constant 0 : i32
        %dma_start3A_65 = tpu.memref_slice %arg8[%dma_start3A_63, %dma_start3A_64] : memref<256x128xf32, #tpu.memory_space<vmem>> -> memref<128x128xf32, #tpu.memory_space<vmem>>
        %dma_start3A_66 = arith.constant 0 : i32
        %dma_start3A_67 = tpu.memref_slice %arg2[%add3A_58, %dma_start3A_66] : memref<163840x128xf32, #tpu.memory_space<hbm>> -> memref<128x128xf32, #tpu.memory_space<hbm>>
        tpu.enqueue_dma source(%dma_start3A_67 : memref<128x128xf32, #tpu.memory_space<hbm>>) target(%dma_start3A_65 : memref<128x128xf32, #tpu.memory_space<vmem>>) target_semaphore(%arg10 : memref<!tpu.dma_semaphore, #tpu.memory_space<semaphore_mem>>)
        %mul3A_68 = arith.constant 2 : i32
        %mul3A_69 = arith.muli %scan3A_47, %mul3A_68 : i32
        %add3A_70 = arith.constant 1 : i32
        %add3A_71 = arith.addi %mul3A_69, %add3A_70 : i32
        %gt3A_72 = arith.constant 0 : i32
        %gt3A_73 = arith.cmpi sgt, %scan3A_47, %gt3A_72 : i32
        %convert_element_type3A_74 = arith.extui %gt3A_73 : i1 to i32
        %cond3A_75 = arith.constant 0 : i32
        %cond3A_76 = arith.cmpi ne, %convert_element_type3A_74, %cond3A_75 : i32
        scf.if %cond3A_76 {
          %sub3A = arith.constant 2 : i32
          %sub3A_142 = arith.subi %add3A_71, %sub3A : i32
          %dma_wait3A_143 = arith.constant 128 : i32
          %dma_wait3A_144 = arith.constant 0 : i32
          %dma_wait3A_145 = tpu.memref_slice %arg8[%dma_wait3A_143, %dma_wait3A_144] : memref<256x128xf32, #tpu.memory_space<vmem>> -> memref<128x128xf32, #tpu.memory_space<vmem>>
          %dma_wait3A_146 = arith.constant 0 : i32
          %dma_wait3A_147 = tpu.memref_slice %arg7[%sub3A_142, %dma_wait3A_146] : memref<80x128xi32, #tpu.memory_space<vmem>> -> memref<1x128xi32, #tpu.memory_space<vmem>>
          %dma_wait3A_148 = tpu.memref_squeeze %dma_wait3A_147 : memref<1x128xi32, #tpu.memory_space<vmem>> -> memref<128xi32, #tpu.memory_space<vmem>>
          %dma_wait3A_149 = arith.constant 0 : i32
          %dma_wait3A_150 = arith.constant 0 : i32
          %dma_wait3A_151 = tpu.memref_slice %arg9[%dma_wait3A_149, %dma_wait3A_150] : memref<10240x128xf32, #tpu.memory_space<vmem_shared>> -> memref<10240x128xf32, #tpu.memory_space<vmem_shared>>
          tpu.wait_indirect_dma semaphore(%arg13 : memref<!tpu.dma_semaphore, #tpu.memory_space<semaphore_mem>>) src(%dma_wait3A_145 : memref<128x128xf32, #tpu.memory_space<vmem>>) dst(%dma_wait3A_151 : memref<10240x128xf32, #tpu.memory_space<vmem_shared>>)
        } else {
        }
        %mul3A_77 = arith.constant 128 : i32
        %mul3A_78 = arith.muli %add3A_71, %mul3A_77 : i32
        %add3A_79 = arith.addi %mul3A_8, %mul3A_78 : i32
        %dma_start3A_80 = arith.constant 128 : i32
        %dma_start3A_81 = arith.constant 0 : i32
        %dma_start3A_82 = tpu.memref_slice %arg8[%dma_start3A_80, %dma_start3A_81] : memref<256x128xf32, #tpu.memory_space<vmem>> -> memref<128x128xf32, #tpu.memory_space<vmem>>
        %dma_start3A_83 = arith.constant 0 : i32
        %dma_start3A_84 = tpu.memref_slice %arg2[%add3A_79, %dma_start3A_83] : memref<163840x128xf32, #tpu.memory_space<hbm>> -> memref<128x128xf32, #tpu.memory_space<hbm>>
        %dma_start3A_85 = arith.constant 128 : i32
        %dma_start3A_86 = arith.constant 0 : i32
        %dma_start3A_87 = tpu.memref_slice %arg8[%dma_start3A_85, %dma_start3A_86] : memref<256x128xf32, #tpu.memory_space<vmem>> -> memref<128x128xf32, #tpu.memory_space<vmem>>
        %dma_start3A_88 = arith.constant 0 : i32
        %dma_start3A_89 = tpu.memref_slice %arg2[%add3A_79, %dma_start3A_88] : memref<163840x128xf32, #tpu.memory_space<hbm>> -> memref<128x128xf32, #tpu.memory_space<hbm>>
        tpu.enqueue_dma source(%dma_start3A_89 : memref<128x128xf32, #tpu.memory_space<hbm>>) target(%dma_start3A_87 : memref<128x128xf32, #tpu.memory_space<vmem>>) target_semaphore(%arg11 : memref<!tpu.dma_semaphore, #tpu.memory_space<semaphore_mem>>)
        %mul3A_90 = arith.constant 2 : i32
        %mul3A_91 = arith.muli %scan3A_47, %mul3A_90 : i32
        %add3A_92 = arith.constant 0 : i32
        %add3A_93 = arith.addi %mul3A_91, %add3A_92 : i32
        %mul3A_94 = arith.constant 128 : i32
        %mul3A_95 = arith.muli %add3A_93, %mul3A_94 : i32
        %add3A_96 = arith.addi %mul3A_8, %mul3A_95 : i32
        %dma_wait3A_97 = arith.constant 0 : i32
        %dma_wait3A_98 = arith.constant 0 : i32
        %dma_wait3A_99 = tpu.memref_slice %arg8[%dma_wait3A_97, %dma_wait3A_98] : memref<256x128xf32, #tpu.memory_space<vmem>> -> memref<128x128xf32, #tpu.memory_space<vmem>>
        %dma_wait3A_100 = arith.constant 0 : i32
        %dma_wait3A_101 = tpu.memref_slice %arg2[%add3A_96, %dma_wait3A_100] : memref<163840x128xf32, #tpu.memory_space<hbm>> -> memref<128x128xf32, #tpu.memory_space<hbm>>
        %dma_wait3A_102 = arith.constant 0 : i32
        %dma_wait3A_103 = arith.constant 0 : i32
        %dma_wait3A_104 = tpu.memref_slice %arg8[%dma_wait3A_102, %dma_wait3A_103] : memref<256x128xf32, #tpu.memory_space<vmem>> -> memref<128x128xf32, #tpu.memory_space<vmem>>
        %dma_wait3A_105 = arith.constant 0 : i32
        %dma_wait3A_106 = tpu.memref_slice %arg2[%add3A_96, %dma_wait3A_105] : memref<163840x128xf32, #tpu.memory_space<hbm>> -> memref<128x128xf32, #tpu.memory_space<hbm>>
        tpu.wait_dma2 semaphore(%arg10 : memref<!tpu.dma_semaphore, #tpu.memory_space<semaphore_mem>>) src(%dma_wait3A_106 : memref<128x128xf32, #tpu.memory_space<hbm>>) dst(%dma_wait3A_104 : memref<128x128xf32, #tpu.memory_space<vmem>>)
        %dma_start3A_107 = arith.constant 0 : i32
        %dma_start3A_108 = arith.constant 0 : i32
        %dma_start3A_109 = tpu.memref_slice %arg8[%dma_start3A_107, %dma_start3A_108] : memref<256x128xf32, #tpu.memory_space<vmem>> -> memref<128x128xf32, #tpu.memory_space<vmem>>
        %dma_start3A_110 = arith.constant 0 : i32
        %dma_start3A_111 = tpu.memref_slice %arg7[%add3A_93, %dma_start3A_110] : memref<80x128xi32, #tpu.memory_space<vmem>> -> memref<1x128xi32, #tpu.memory_space<vmem>>
        %dma_start3A_112 = tpu.memref_squeeze %dma_start3A_111 : memref<1x128xi32, #tpu.memory_space<vmem>> -> memref<128xi32, #tpu.memory_space<vmem>>
        %dma_start3A_113 = arith.constant 0 : i32
        %dma_start3A_114 = arith.constant 0 : i32
        %dma_start3A_115 = tpu.memref_slice %arg9[%dma_start3A_113, %dma_start3A_114] : memref<10240x128xf32, #tpu.memory_space<vmem_shared>> -> memref<10240x128xf32, #tpu.memory_space<vmem_shared>>
        tpu.enqueue_indirect_dma source(%dma_start3A_109 : memref<128x128xf32, #tpu.memory_space<vmem>>) target(%dma_start3A_115 : memref<10240x128xf32, #tpu.memory_space<vmem_shared>>) offsets(%dma_start3A_112 : memref<128xi32, #tpu.memory_space<vmem>>) semaphore(%arg12 : memref<!tpu.dma_semaphore, #tpu.memory_space<semaphore_mem>>) {add = true}
        %mul3A_116 = arith.constant 2 : i32
        %mul3A_117 = arith.muli %scan3A_47, %mul3A_116 : i32
        %add3A_118 = arith.constant 1 : i32
        %add3A_119 = arith.addi %mul3A_117, %add3A_118 : i32
        %mul3A_120 = arith.constant 128 : i32
        %mul3A_121 = arith.muli %add3A_119, %mul3A_120 : i32
        %add3A_122 = arith.addi %mul3A_8, %mul3A_121 : i32
        %dma_wait3A_123 = arith.constant 128 : i32
        %dma_wait3A_124 = arith.constant 0 : i32
        %dma_wait3A_125 = tpu.memref_slice %arg8[%dma_wait3A_123, %dma_wait3A_124] : memref<256x128xf32, #tpu.memory_space<vmem>> -> memref<128x128xf32, #tpu.memory_space<vmem>>
        %dma_wait3A_126 = arith.constant 0 : i32
        %dma_wait3A_127 = tpu.memref_slice %arg2[%add3A_122, %dma_wait3A_126] : memref<163840x128xf32, #tpu.memory_space<hbm>> -> memref<128x128xf32, #tpu.memory_space<hbm>>
        %dma_wait3A_128 = arith.constant 128 : i32
        %dma_wait3A_129 = arith.constant 0 : i32
        %dma_wait3A_130 = tpu.memref_slice %arg8[%dma_wait3A_128, %dma_wait3A_129] : memref<256x128xf32, #tpu.memory_space<vmem>> -> memref<128x128xf32, #tpu.memory_space<vmem>>
        %dma_wait3A_131 = arith.constant 0 : i32
        %dma_wait3A_132 = tpu.memref_slice %arg2[%add3A_122, %dma_wait3A_131] : memref<163840x128xf32, #tpu.memory_space<hbm>> -> memref<128x128xf32, #tpu.memory_space<hbm>>
        tpu.wait_dma2 semaphore(%arg11 : memref<!tpu.dma_semaphore, #tpu.memory_space<semaphore_mem>>) src(%dma_wait3A_132 : memref<128x128xf32, #tpu.memory_space<hbm>>) dst(%dma_wait3A_130 : memref<128x128xf32, #tpu.memory_space<vmem>>)
        %dma_start3A_133 = arith.constant 128 : i32
        %dma_start3A_134 = arith.constant 0 : i32
        %dma_start3A_135 = tpu.memref_slice %arg8[%dma_start3A_133, %dma_start3A_134] : memref<256x128xf32, #tpu.memory_space<vmem>> -> memref<128x128xf32, #tpu.memory_space<vmem>>
        %dma_start3A_136 = arith.constant 0 : i32
        %dma_start3A_137 = tpu.memref_slice %arg7[%add3A_119, %dma_start3A_136] : memref<80x128xi32, #tpu.memory_space<vmem>> -> memref<1x128xi32, #tpu.memory_space<vmem>>
        %dma_start3A_138 = tpu.memref_squeeze %dma_start3A_137 : memref<1x128xi32, #tpu.memory_space<vmem>> -> memref<128xi32, #tpu.memory_space<vmem>>
        %dma_start3A_139 = arith.constant 0 : i32
        %dma_start3A_140 = arith.constant 0 : i32
        %dma_start3A_141 = tpu.memref_slice %arg9[%dma_start3A_139, %dma_start3A_140] : memref<10240x128xf32, #tpu.memory_space<vmem_shared>> -> memref<10240x128xf32, #tpu.memory_space<vmem_shared>>
        tpu.enqueue_indirect_dma source(%dma_start3A_135 : memref<128x128xf32, #tpu.memory_space<vmem>>) target(%dma_start3A_141 : memref<10240x128xf32, #tpu.memory_space<vmem_shared>>) offsets(%dma_start3A_138 : memref<128xi32, #tpu.memory_space<vmem>>) semaphore(%arg13 : memref<!tpu.dma_semaphore, #tpu.memory_space<semaphore_mem>>) {add = true}
      }
      %scan3A_27 = arith.constant 40 : i32
      %dma_wait3A = arith.constant 78 : i32
      %dma_wait3A_28 = arith.constant 0 : i32
      %dma_wait3A_29 = arith.constant 0 : i32
      %dma_wait3A_30 = tpu.memref_slice %arg8[%dma_wait3A_28, %dma_wait3A_29] : memref<256x128xf32, #tpu.memory_space<vmem>> -> memref<128x128xf32, #tpu.memory_space<vmem>>
      %dma_wait3A_31 = arith.constant 0 : i32
      %dma_wait3A_32 = tpu.memref_slice %arg7[%dma_wait3A, %dma_wait3A_31] : memref<80x128xi32, #tpu.memory_space<vmem>> -> memref<1x128xi32, #tpu.memory_space<vmem>>
      %dma_wait3A_33 = tpu.memref_squeeze %dma_wait3A_32 : memref<1x128xi32, #tpu.memory_space<vmem>> -> memref<128xi32, #tpu.memory_space<vmem>>
      %dma_wait3A_34 = arith.constant 0 : i32
      %dma_wait3A_35 = arith.constant 0 : i32
      %dma_wait3A_36 = tpu.memref_slice %arg9[%dma_wait3A_34, %dma_wait3A_35] : memref<10240x128xf32, #tpu.memory_space<vmem_shared>> -> memref<10240x128xf32, #tpu.memory_space<vmem_shared>>
      tpu.wait_indirect_dma semaphore(%arg12 : memref<!tpu.dma_semaphore, #tpu.memory_space<semaphore_mem>>) src(%dma_wait3A_30 : memref<128x128xf32, #tpu.memory_space<vmem>>) dst(%dma_wait3A_36 : memref<10240x128xf32, #tpu.memory_space<vmem_shared>>)
      %dma_wait3A_37 = arith.constant 79 : i32
      %dma_wait3A_38 = arith.constant 128 : i32
      %dma_wait3A_39 = arith.constant 0 : i32
      %dma_wait3A_40 = tpu.memref_slice %arg8[%dma_wait3A_38, %dma_wait3A_39] : memref<256x128xf32, #tpu.memory_space<vmem>> -> memref<128x128xf32, #tpu.memory_space<vmem>>
      %dma_wait3A_41 = arith.constant 0 : i32
      %dma_wait3A_42 = tpu.memref_slice %arg7[%dma_wait3A_37, %dma_wait3A_41] : memref<80x128xi32, #tpu.memory_space<vmem>> -> memref<1x128xi32, #tpu.memory_space<vmem>>
      %dma_wait3A_43 = tpu.memref_squeeze %dma_wait3A_42 : memref<1x128xi32, #tpu.memory_space<vmem>> -> memref<128xi32, #tpu.memory_space<vmem>>
      %dma_wait3A_44 = arith.constant 0 : i32
      %dma_wait3A_45 = arith.constant 0 : i32
      %dma_wait3A_46 = tpu.memref_slice %arg9[%dma_wait3A_44, %dma_wait3A_45] : memref<10240x128xf32, #tpu.memory_space<vmem_shared>> -> memref<10240x128xf32, #tpu.memory_space<vmem_shared>>
      tpu.wait_indirect_dma semaphore(%arg13 : memref<!tpu.dma_semaphore, #tpu.memory_space<semaphore_mem>>) src(%dma_wait3A_40 : memref<128x128xf32, #tpu.memory_space<vmem>>) dst(%dma_wait3A_46 : memref<10240x128xf32, #tpu.memory_space<vmem_shared>>)
    } else {
    }
    %eq3A_11 = arith.constant 1 : i32
    %eq3A_12 = arith.cmpi eq, %arg0, %eq3A_11 : i32
    %convert_element_type3A_13 = arith.extui %eq3A_12 : i1 to i32
    %cond3A_14 = arith.constant 0 : i32
    %cond3A_15 = arith.cmpi ne, %convert_element_type3A_13, %cond3A_14 : i32
    scf.if %cond3A_15 {
      %scan3A = arith.constant 0 : i32
      %scan3A_23 = arith.constant 0 : i32
      %scan3A_24 = arith.constant 40 : i32
      %scan3A_25 = arith.addi %scan3A_23, %scan3A_24 : i32
      %scan3A_26 = arith.constant 1 : i32
      scf.for %scan3A_47 = %scan3A_23 to %scan3A_25 step %scan3A_26  : i32 {
        %mul3A_48 = arith.constant 2 : i32
        %mul3A_49 = arith.muli %scan3A_47, %mul3A_48 : i32
        %add3A_50 = arith.constant 0 : i32
        %add3A_51 = arith.addi %mul3A_49, %add3A_50 : i32
        %gt3A = arith.constant 0 : i32
        %gt3A_52 = arith.cmpi sgt, %scan3A_47, %gt3A : i32
        %convert_element_type3A_53 = arith.extui %gt3A_52 : i1 to i32
        %cond3A_54 = arith.constant 0 : i32
        %cond3A_55 = arith.cmpi ne, %convert_element_type3A_53, %cond3A_54 : i32
        scf.if %cond3A_55 {
          %sub3A = arith.constant 2 : i32
          %sub3A_142 = arith.subi %add3A_51, %sub3A : i32
          %dma_wait3A_143 = arith.constant 0 : i32
          %dma_wait3A_144 = arith.constant 0 : i32
          %dma_wait3A_145 = tpu.memref_slice %arg8[%dma_wait3A_143, %dma_wait3A_144] : memref<256x128xf32, #tpu.memory_space<vmem>> -> memref<128x128xf32, #tpu.memory_space<vmem>>
          %dma_wait3A_146 = arith.constant 0 : i32
          %dma_wait3A_147 = tpu.memref_slice %arg7[%sub3A_142, %dma_wait3A_146] : memref<80x128xi32, #tpu.memory_space<vmem>> -> memref<1x128xi32, #tpu.memory_space<vmem>>
          %dma_wait3A_148 = tpu.memref_squeeze %dma_wait3A_147 : memref<1x128xi32, #tpu.memory_space<vmem>> -> memref<128xi32, #tpu.memory_space<vmem>>
          %dma_wait3A_149 = arith.constant 0 : i32
          %dma_wait3A_150 = arith.constant 0 : i32
          %dma_wait3A_151 = tpu.memref_slice %arg9[%dma_wait3A_149, %dma_wait3A_150] : memref<10240x128xf32, #tpu.memory_space<vmem_shared>> -> memref<10240x128xf32, #tpu.memory_space<vmem_shared>>
          tpu.wait_indirect_dma semaphore(%arg12 : memref<!tpu.dma_semaphore, #tpu.memory_space<semaphore_mem>>) src(%dma_wait3A_145 : memref<128x128xf32, #tpu.memory_space<vmem>>) dst(%dma_wait3A_151 : memref<10240x128xf32, #tpu.memory_space<vmem_shared>>)
        } else {
        }
        %mul3A_56 = arith.constant 128 : i32
        %mul3A_57 = arith.muli %add3A_51, %mul3A_56 : i32
        %add3A_58 = arith.addi %mul3A_8, %mul3A_57 : i32
        %dma_start3A = arith.constant 0 : i32
        %dma_start3A_59 = arith.constant 0 : i32
        %dma_start3A_60 = tpu.memref_slice %arg8[%dma_start3A, %dma_start3A_59] : memref<256x128xf32, #tpu.memory_space<vmem>> -> memref<128x128xf32, #tpu.memory_space<vmem>>
        %dma_start3A_61 = arith.constant 0 : i32
        %dma_start3A_62 = tpu.memref_slice %arg3[%add3A_58, %dma_start3A_61] : memref<163840x128xf32, #tpu.memory_space<hbm>> -> memref<128x128xf32, #tpu.memory_space<hbm>>
        %dma_start3A_63 = arith.constant 0 : i32
        %dma_start3A_64 = arith.constant 0 : i32
        %dma_start3A_65 = tpu.memref_slice %arg8[%dma_start3A_63, %dma_start3A_64] : memref<256x128xf32, #tpu.memory_space<vmem>> -> memref<128x128xf32, #tpu.memory_space<vmem>>
        %dma_start3A_66 = arith.constant 0 : i32
        %dma_start3A_67 = tpu.memref_slice %arg3[%add3A_58, %dma_start3A_66] : memref<163840x128xf32, #tpu.memory_space<hbm>> -> memref<128x128xf32, #tpu.memory_space<hbm>>
        tpu.enqueue_dma source(%dma_start3A_67 : memref<128x128xf32, #tpu.memory_space<hbm>>) target(%dma_start3A_65 : memref<128x128xf32, #tpu.memory_space<vmem>>) target_semaphore(%arg10 : memref<!tpu.dma_semaphore, #tpu.memory_space<semaphore_mem>>)
        %mul3A_68 = arith.constant 2 : i32
        %mul3A_69 = arith.muli %scan3A_47, %mul3A_68 : i32
        %add3A_70 = arith.constant 1 : i32
        %add3A_71 = arith.addi %mul3A_69, %add3A_70 : i32
        %gt3A_72 = arith.constant 0 : i32
        %gt3A_73 = arith.cmpi sgt, %scan3A_47, %gt3A_72 : i32
        %convert_element_type3A_74 = arith.extui %gt3A_73 : i1 to i32
        %cond3A_75 = arith.constant 0 : i32
        %cond3A_76 = arith.cmpi ne, %convert_element_type3A_74, %cond3A_75 : i32
        scf.if %cond3A_76 {
          %sub3A = arith.constant 2 : i32
          %sub3A_142 = arith.subi %add3A_71, %sub3A : i32
          %dma_wait3A_143 = arith.constant 128 : i32
          %dma_wait3A_144 = arith.constant 0 : i32
          %dma_wait3A_145 = tpu.memref_slice %arg8[%dma_wait3A_143, %dma_wait3A_144] : memref<256x128xf32, #tpu.memory_space<vmem>> -> memref<128x128xf32, #tpu.memory_space<vmem>>
          %dma_wait3A_146 = arith.constant 0 : i32
          %dma_wait3A_147 = tpu.memref_slice %arg7[%sub3A_142, %dma_wait3A_146] : memref<80x128xi32, #tpu.memory_space<vmem>> -> memref<1x128xi32, #tpu.memory_space<vmem>>
          %dma_wait3A_148 = tpu.memref_squeeze %dma_wait3A_147 : memref<1x128xi32, #tpu.memory_space<vmem>> -> memref<128xi32, #tpu.memory_space<vmem>>
          %dma_wait3A_149 = arith.constant 0 : i32
          %dma_wait3A_150 = arith.constant 0 : i32
          %dma_wait3A_151 = tpu.memref_slice %arg9[%dma_wait3A_149, %dma_wait3A_150] : memref<10240x128xf32, #tpu.memory_space<vmem_shared>> -> memref<10240x128xf32, #tpu.memory_space<vmem_shared>>
          tpu.wait_indirect_dma semaphore(%arg13 : memref<!tpu.dma_semaphore, #tpu.memory_space<semaphore_mem>>) src(%dma_wait3A_145 : memref<128x128xf32, #tpu.memory_space<vmem>>) dst(%dma_wait3A_151 : memref<10240x128xf32, #tpu.memory_space<vmem_shared>>)
        } else {
        }
        %mul3A_77 = arith.constant 128 : i32
        %mul3A_78 = arith.muli %add3A_71, %mul3A_77 : i32
        %add3A_79 = arith.addi %mul3A_8, %mul3A_78 : i32
        %dma_start3A_80 = arith.constant 128 : i32
        %dma_start3A_81 = arith.constant 0 : i32
        %dma_start3A_82 = tpu.memref_slice %arg8[%dma_start3A_80, %dma_start3A_81] : memref<256x128xf32, #tpu.memory_space<vmem>> -> memref<128x128xf32, #tpu.memory_space<vmem>>
        %dma_start3A_83 = arith.constant 0 : i32
        %dma_start3A_84 = tpu.memref_slice %arg3[%add3A_79, %dma_start3A_83] : memref<163840x128xf32, #tpu.memory_space<hbm>> -> memref<128x128xf32, #tpu.memory_space<hbm>>
        %dma_start3A_85 = arith.constant 128 : i32
        %dma_start3A_86 = arith.constant 0 : i32
        %dma_start3A_87 = tpu.memref_slice %arg8[%dma_start3A_85, %dma_start3A_86] : memref<256x128xf32, #tpu.memory_space<vmem>> -> memref<128x128xf32, #tpu.memory_space<vmem>>
        %dma_start3A_88 = arith.constant 0 : i32
        %dma_start3A_89 = tpu.memref_slice %arg3[%add3A_79, %dma_start3A_88] : memref<163840x128xf32, #tpu.memory_space<hbm>> -> memref<128x128xf32, #tpu.memory_space<hbm>>
        tpu.enqueue_dma source(%dma_start3A_89 : memref<128x128xf32, #tpu.memory_space<hbm>>) target(%dma_start3A_87 : memref<128x128xf32, #tpu.memory_space<vmem>>) target_semaphore(%arg11 : memref<!tpu.dma_semaphore, #tpu.memory_space<semaphore_mem>>)
        %mul3A_90 = arith.constant 2 : i32
        %mul3A_91 = arith.muli %scan3A_47, %mul3A_90 : i32
        %add3A_92 = arith.constant 0 : i32
        %add3A_93 = arith.addi %mul3A_91, %add3A_92 : i32
        %mul3A_94 = arith.constant 128 : i32
        %mul3A_95 = arith.muli %add3A_93, %mul3A_94 : i32
        %add3A_96 = arith.addi %mul3A_8, %mul3A_95 : i32
        %dma_wait3A_97 = arith.constant 0 : i32
        %dma_wait3A_98 = arith.constant 0 : i32
        %dma_wait3A_99 = tpu.memref_slice %arg8[%dma_wait3A_97, %dma_wait3A_98] : memref<256x128xf32, #tpu.memory_space<vmem>> -> memref<128x128xf32, #tpu.memory_space<vmem>>
        %dma_wait3A_100 = arith.constant 0 : i32
        %dma_wait3A_101 = tpu.memref_slice %arg3[%add3A_96, %dma_wait3A_100] : memref<163840x128xf32, #tpu.memory_space<hbm>> -> memref<128x128xf32, #tpu.memory_space<hbm>>
        %dma_wait3A_102 = arith.constant 0 : i32
        %dma_wait3A_103 = arith.constant 0 : i32
        %dma_wait3A_104 = tpu.memref_slice %arg8[%dma_wait3A_102, %dma_wait3A_103] : memref<256x128xf32, #tpu.memory_space<vmem>> -> memref<128x128xf32, #tpu.memory_space<vmem>>
        %dma_wait3A_105 = arith.constant 0 : i32
        %dma_wait3A_106 = tpu.memref_slice %arg3[%add3A_96, %dma_wait3A_105] : memref<163840x128xf32, #tpu.memory_space<hbm>> -> memref<128x128xf32, #tpu.memory_space<hbm>>
        tpu.wait_dma2 semaphore(%arg10 : memref<!tpu.dma_semaphore, #tpu.memory_space<semaphore_mem>>) src(%dma_wait3A_106 : memref<128x128xf32, #tpu.memory_space<hbm>>) dst(%dma_wait3A_104 : memref<128x128xf32, #tpu.memory_space<vmem>>)
        %dma_start3A_107 = arith.constant 0 : i32
        %dma_start3A_108 = arith.constant 0 : i32
        %dma_start3A_109 = tpu.memref_slice %arg8[%dma_start3A_107, %dma_start3A_108] : memref<256x128xf32, #tpu.memory_space<vmem>> -> memref<128x128xf32, #tpu.memory_space<vmem>>
        %dma_start3A_110 = arith.constant 0 : i32
        %dma_start3A_111 = tpu.memref_slice %arg7[%add3A_93, %dma_start3A_110] : memref<80x128xi32, #tpu.memory_space<vmem>> -> memref<1x128xi32, #tpu.memory_space<vmem>>
        %dma_start3A_112 = tpu.memref_squeeze %dma_start3A_111 : memref<1x128xi32, #tpu.memory_space<vmem>> -> memref<128xi32, #tpu.memory_space<vmem>>
        %dma_start3A_113 = arith.constant 0 : i32
        %dma_start3A_114 = arith.constant 0 : i32
        %dma_start3A_115 = tpu.memref_slice %arg9[%dma_start3A_113, %dma_start3A_114] : memref<10240x128xf32, #tpu.memory_space<vmem_shared>> -> memref<10240x128xf32, #tpu.memory_space<vmem_shared>>
        tpu.enqueue_indirect_dma source(%dma_start3A_109 : memref<128x128xf32, #tpu.memory_space<vmem>>) target(%dma_start3A_115 : memref<10240x128xf32, #tpu.memory_space<vmem_shared>>) offsets(%dma_start3A_112 : memref<128xi32, #tpu.memory_space<vmem>>) semaphore(%arg12 : memref<!tpu.dma_semaphore, #tpu.memory_space<semaphore_mem>>) {add = true}
        %mul3A_116 = arith.constant 2 : i32
        %mul3A_117 = arith.muli %scan3A_47, %mul3A_116 : i32
        %add3A_118 = arith.constant 1 : i32
        %add3A_119 = arith.addi %mul3A_117, %add3A_118 : i32
        %mul3A_120 = arith.constant 128 : i32
        %mul3A_121 = arith.muli %add3A_119, %mul3A_120 : i32
        %add3A_122 = arith.addi %mul3A_8, %mul3A_121 : i32
        %dma_wait3A_123 = arith.constant 128 : i32
        %dma_wait3A_124 = arith.constant 0 : i32
        %dma_wait3A_125 = tpu.memref_slice %arg8[%dma_wait3A_123, %dma_wait3A_124] : memref<256x128xf32, #tpu.memory_space<vmem>> -> memref<128x128xf32, #tpu.memory_space<vmem>>
        %dma_wait3A_126 = arith.constant 0 : i32
        %dma_wait3A_127 = tpu.memref_slice %arg3[%add3A_122, %dma_wait3A_126] : memref<163840x128xf32, #tpu.memory_space<hbm>> -> memref<128x128xf32, #tpu.memory_space<hbm>>
        %dma_wait3A_128 = arith.constant 128 : i32
        %dma_wait3A_129 = arith.constant 0 : i32
        %dma_wait3A_130 = tpu.memref_slice %arg8[%dma_wait3A_128, %dma_wait3A_129] : memref<256x128xf32, #tpu.memory_space<vmem>> -> memref<128x128xf32, #tpu.memory_space<vmem>>
        %dma_wait3A_131 = arith.constant 0 : i32
        %dma_wait3A_132 = tpu.memref_slice %arg3[%add3A_122, %dma_wait3A_131] : memref<163840x128xf32, #tpu.memory_space<hbm>> -> memref<128x128xf32, #tpu.memory_space<hbm>>
        tpu.wait_dma2 semaphore(%arg11 : memref<!tpu.dma_semaphore, #tpu.memory_space<semaphore_mem>>) src(%dma_wait3A_132 : memref<128x128xf32, #tpu.memory_space<hbm>>) dst(%dma_wait3A_130 : memref<128x128xf32, #tpu.memory_space<vmem>>)
        %dma_start3A_133 = arith.constant 128 : i32
        %dma_start3A_134 = arith.constant 0 : i32
        %dma_start3A_135 = tpu.memref_slice %arg8[%dma_start3A_133, %dma_start3A_134] : memref<256x128xf32, #tpu.memory_space<vmem>> -> memref<128x128xf32, #tpu.memory_space<vmem>>
        %dma_start3A_136 = arith.constant 0 : i32
        %dma_start3A_137 = tpu.memref_slice %arg7[%add3A_119, %dma_start3A_136] : memref<80x128xi32, #tpu.memory_space<vmem>> -> memref<1x128xi32, #tpu.memory_space<vmem>>
        %dma_start3A_138 = tpu.memref_squeeze %dma_start3A_137 : memref<1x128xi32, #tpu.memory_space<vmem>> -> memref<128xi32, #tpu.memory_space<vmem>>
        %dma_start3A_139 = arith.constant 0 : i32
        %dma_start3A_140 = arith.constant 0 : i32
        %dma_start3A_141 = tpu.memref_slice %arg9[%dma_start3A_139, %dma_start3A_140] : memref<10240x128xf32, #tpu.memory_space<vmem_shared>> -> memref<10240x128xf32, #tpu.memory_space<vmem_shared>>
        tpu.enqueue_indirect_dma source(%dma_start3A_135 : memref<128x128xf32, #tpu.memory_space<vmem>>) target(%dma_start3A_141 : memref<10240x128xf32, #tpu.memory_space<vmem_shared>>) offsets(%dma_start3A_138 : memref<128xi32, #tpu.memory_space<vmem>>) semaphore(%arg13 : memref<!tpu.dma_semaphore, #tpu.memory_space<semaphore_mem>>) {add = true}
      }
      %scan3A_27 = arith.constant 40 : i32
      %dma_wait3A = arith.constant 78 : i32
      %dma_wait3A_28 = arith.constant 0 : i32
      %dma_wait3A_29 = arith.constant 0 : i32
      %dma_wait3A_30 = tpu.memref_slice %arg8[%dma_wait3A_28, %dma_wait3A_29] : memref<256x128xf32, #tpu.memory_space<vmem>> -> memref<128x128xf32, #tpu.memory_space<vmem>>
      %dma_wait3A_31 = arith.constant 0 : i32
      %dma_wait3A_32 = tpu.memref_slice %arg7[%dma_wait3A, %dma_wait3A_31] : memref<80x128xi32, #tpu.memory_space<vmem>> -> memref<1x128xi32, #tpu.memory_space<vmem>>
      %dma_wait3A_33 = tpu.memref_squeeze %dma_wait3A_32 : memref<1x128xi32, #tpu.memory_space<vmem>> -> memref<128xi32, #tpu.memory_space<vmem>>
      %dma_wait3A_34 = arith.constant 0 : i32
      %dma_wait3A_35 = arith.constant 0 : i32
      %dma_wait3A_36 = tpu.memref_slice %arg9[%dma_wait3A_34, %dma_wait3A_35] : memref<10240x128xf32, #tpu.memory_space<vmem_shared>> -> memref<10240x128xf32, #tpu.memory_space<vmem_shared>>
      tpu.wait_indirect_dma semaphore(%arg12 : memref<!tpu.dma_semaphore, #tpu.memory_space<semaphore_mem>>) src(%dma_wait3A_30 : memref<128x128xf32, #tpu.memory_space<vmem>>) dst(%dma_wait3A_36 : memref<10240x128xf32, #tpu.memory_space<vmem_shared>>)
      %dma_wait3A_37 = arith.constant 79 : i32
      %dma_wait3A_38 = arith.constant 128 : i32
      %dma_wait3A_39 = arith.constant 0 : i32
      %dma_wait3A_40 = tpu.memref_slice %arg8[%dma_wait3A_38, %dma_wait3A_39] : memref<256x128xf32, #tpu.memory_space<vmem>> -> memref<128x128xf32, #tpu.memory_space<vmem>>
      %dma_wait3A_41 = arith.constant 0 : i32
      %dma_wait3A_42 = tpu.memref_slice %arg7[%dma_wait3A_37, %dma_wait3A_41] : memref<80x128xi32, #tpu.memory_space<vmem>> -> memref<1x128xi32, #tpu.memory_space<vmem>>
      %dma_wait3A_43 = tpu.memref_squeeze %dma_wait3A_42 : memref<1x128xi32, #tpu.memory_space<vmem>> -> memref<128xi32, #tpu.memory_space<vmem>>
      %dma_wait3A_44 = arith.constant 0 : i32
      %dma_wait3A_45 = arith.constant 0 : i32
      %dma_wait3A_46 = tpu.memref_slice %arg9[%dma_wait3A_44, %dma_wait3A_45] : memref<10240x128xf32, #tpu.memory_space<vmem_shared>> -> memref<10240x128xf32, #tpu.memory_space<vmem_shared>>
      tpu.wait_indirect_dma semaphore(%arg13 : memref<!tpu.dma_semaphore, #tpu.memory_space<semaphore_mem>>) src(%dma_wait3A_40 : memref<128x128xf32, #tpu.memory_space<vmem>>) dst(%dma_wait3A_46 : memref<10240x128xf32, #tpu.memory_space<vmem_shared>>)
    } else {
    }
    %barrier3A_16 = arith.constant 0 : index
    tpu.barrier barrier_id(%barrier3A_16)
    %mul3A_17 = arith.constant 640 : i32
    %mul3A_18 = arith.muli %arg1, %mul3A_17 : i32
    %mul3A_19 = arith.constant 10240 : i32
    %mul3A_20 = arith.muli %arg0, %mul3A_19 : i32
    %mul3A_21 = arith.constant 640 : i32
    %mul3A_22 = arith.muli %arg1, %mul3A_21 : i32
    %add3A = arith.addi %mul3A_20, %mul3A_22 : i32
    "tpu.region"() ({
      %run_scoped3A = tpu.sem_alloc : memref<!tpu.dma_semaphore, #tpu.memory_space<semaphore_mem>>
      %dma_start3A = arith.constant 0 : i32
      %dma_start3A_23 = tpu.memref_slice %arg6[%add3A, %dma_start3A] : memref<20480x128xf32, #tpu.memory_space<hbm>> -> memref<640x128xf32, #tpu.memory_space<hbm>>
      %dma_start3A_24 = arith.constant 0 : i32
      %dma_start3A_25 = tpu.memref_slice %arg9[%mul3A_18, %dma_start3A_24] : memref<10240x128xf32, #tpu.memory_space<vmem_shared>> -> memref<640x128xf32, #tpu.memory_space<vmem_shared>>
      tpu.enqueue_dma source(%dma_start3A_25 : memref<640x128xf32, #tpu.memory_space<vmem_shared>>) target(%dma_start3A_23 : memref<640x128xf32, #tpu.memory_space<hbm>>) target_semaphore(%run_scoped3A : memref<!tpu.dma_semaphore, #tpu.memory_space<semaphore_mem>>)
      %dma_wait3A = arith.constant 0 : i32
      %dma_wait3A_26 = tpu.memref_slice %arg6[%add3A, %dma_wait3A] : memref<20480x128xf32, #tpu.memory_space<hbm>> -> memref<640x128xf32, #tpu.memory_space<hbm>>
      %dma_wait3A_27 = arith.constant 0 : i32
      %dma_wait3A_28 = tpu.memref_slice %arg9[%mul3A_18, %dma_wait3A_27] : memref<10240x128xf32, #tpu.memory_space<vmem_shared>> -> memref<640x128xf32, #tpu.memory_space<vmem_shared>>
      tpu.wait_dma2 semaphore(%run_scoped3A : memref<!tpu.dma_semaphore, #tpu.memory_space<semaphore_mem>>) src(%dma_wait3A_28 : memref<640x128xf32, #tpu.memory_space<vmem_shared>>) dst(%dma_wait3A_26 : memref<640x128xf32, #tpu.memory_space<hbm>>)
      tpu.yield
    }) : () -> ()
    return
  }
}

#map = affine_map<(d0, d1) -> (0, 0)>
module attributes {stable_mosaic.version = 14 : i64} {
  func.func @k(%arg0: i32, %arg1: i32, %arg2: memref<10000x256xf32, #tpu.memory_space<hbm>>, %arg3: memref<2560x64xi32, #tpu.memory_space<hbm>>, %arg4: memref<163840x256xf32, #tpu.memory_space<hbm>>, %arg5: memref<80x64xi32, #tpu.memory_space<vmem>>, %arg6: memref<256x256xf32, #tpu.memory_space<vmem>>, %arg7: memref<!tpu.dma_semaphore, #tpu.memory_space<semaphore_mem>>, %arg8: memref<!tpu.dma_semaphore, #tpu.memory_space<semaphore_mem>>, %arg9: memref<!tpu.dma_semaphore, #tpu.memory_space<semaphore_mem>>, %arg10: memref<!tpu.dma_semaphore, #tpu.memory_space<semaphore_mem>>, %arg11: memref<!tpu.dma_semaphore, #tpu.memory_space<semaphore_mem>>, %arg12: memref<!tpu.dma_semaphore, #tpu.memory_space<semaphore_mem>>, %arg13: memref<!tpu.dma_semaphore, #tpu.memory_space<semaphore_mem>>, %arg14: memref<!tpu.dma_semaphore, #tpu.memory_space<semaphore_mem>>) attributes {dimension_semantics = [#tpu.dimension_semantics<core_parallel>, #tpu.dimension_semantics<subcore_parallel>], iteration_bounds = array<i64: 2, 16>, scalar_prefetch = 0 : i64, scratch_operands = 10 : i64, tpu.core_type = #tpu.core_type<sc_vector_subcore>, window_params = [{transform_indices = #map}, {transform_indices = #map}, {transform_indices = #map}]} {
    %mul3A = arith.constant 2 : i32
    %mul3A_0 = arith.muli %arg1, %mul3A : i32
    %add3A = arith.addi %mul3A_0, %arg0 : i32
    %mul3A_1 = arith.constant 80 : i32
    %mul3A_2 = arith.muli %add3A, %mul3A_1 : i32
    "tpu.region"() ({
      %run_scoped3A = tpu.sem_alloc : memref<!tpu.dma_semaphore, #tpu.memory_space<semaphore_mem>>
      %dma_start3A = arith.constant 0 : i32
      %dma_start3A_59 = tpu.memref_slice %arg3[%mul3A_2, %dma_start3A] : memref<2560x64xi32, #tpu.memory_space<hbm>> -> memref<80x64xi32, #tpu.memory_space<hbm>>
      %dma_start3A_60 = arith.constant 0 : i32
      %dma_start3A_61 = tpu.memref_slice %arg3[%mul3A_2, %dma_start3A_60] : memref<2560x64xi32, #tpu.memory_space<hbm>> -> memref<80x64xi32, #tpu.memory_space<hbm>>
      tpu.enqueue_dma source(%dma_start3A_61 : memref<80x64xi32, #tpu.memory_space<hbm>>) target(%arg5 : memref<80x64xi32, #tpu.memory_space<vmem>>) target_semaphore(%run_scoped3A : memref<!tpu.dma_semaphore, #tpu.memory_space<semaphore_mem>>)
      %dma_wait3A_62 = arith.constant 0 : i32
      %dma_wait3A_63 = tpu.memref_slice %arg3[%mul3A_2, %dma_wait3A_62] : memref<2560x64xi32, #tpu.memory_space<hbm>> -> memref<80x64xi32, #tpu.memory_space<hbm>>
      %dma_wait3A_64 = arith.constant 0 : i32
      %dma_wait3A_65 = tpu.memref_slice %arg3[%mul3A_2, %dma_wait3A_64] : memref<2560x64xi32, #tpu.memory_space<hbm>> -> memref<80x64xi32, #tpu.memory_space<hbm>>
      tpu.wait_dma2 semaphore(%run_scoped3A : memref<!tpu.dma_semaphore, #tpu.memory_space<semaphore_mem>>) src(%dma_wait3A_65 : memref<80x64xi32, #tpu.memory_space<hbm>>) dst(%arg5 : memref<80x64xi32, #tpu.memory_space<vmem>>)
      tpu.yield
    }) : () -> ()
    %mul3A_3 = arith.constant 80 : i32
    %mul3A_4 = arith.muli %add3A, %mul3A_3 : i32
    %mul3A_5 = arith.constant 64 : i32
    %mul3A_6 = arith.muli %mul3A_4, %mul3A_5 : i32
    %scan3A = arith.constant 0 : i32
    %scan3A_7 = arith.constant 0 : i32
    %scan3A_8 = arith.constant 20 : i32
    %scan3A_9 = arith.addi %scan3A_7, %scan3A_8 : i32
    %scan3A_10 = arith.constant 1 : i32
    scf.for %scan3A_59 = %scan3A_7 to %scan3A_9 step %scan3A_10  : i32 {
      %mul3A_60 = arith.constant 4 : i32
      %mul3A_61 = arith.muli %scan3A_59, %mul3A_60 : i32
      %add3A_62 = arith.constant 0 : i32
      %add3A_63 = arith.addi %mul3A_61, %add3A_62 : i32
      %gt3A = arith.constant 0 : i32
      %gt3A_64 = arith.cmpi sgt, %scan3A_59, %gt3A : i32
      %convert_element_type3A = arith.extui %gt3A_64 : i1 to i32
      %cond3A = arith.constant 0 : i32
      %cond3A_65 = arith.cmpi ne, %convert_element_type3A, %cond3A : i32
      scf.if %cond3A_65 {
        %sub3A = arith.constant 4 : i32
        %sub3A_232 = arith.subi %add3A_63, %sub3A : i32
        %mul3A_233 = arith.constant 64 : i32
        %mul3A_234 = arith.muli %sub3A_232, %mul3A_233 : i32
        %add3A_235 = arith.addi %mul3A_6, %mul3A_234 : i32
        %dma_wait3A_236 = arith.constant 0 : i32
        %dma_wait3A_237 = arith.constant 0 : i32
        %dma_wait3A_238 = tpu.memref_slice %arg6[%dma_wait3A_236, %dma_wait3A_237] : memref<256x256xf32, #tpu.memory_space<vmem>> -> memref<64x256xf32, #tpu.memory_space<vmem>>
        %dma_wait3A_239 = arith.constant 0 : i32
        %dma_wait3A_240 = tpu.memref_slice %arg4[%add3A_235, %dma_wait3A_239] : memref<163840x256xf32, #tpu.memory_space<hbm>> -> memref<64x256xf32, #tpu.memory_space<hbm>>
        %dma_wait3A_241 = arith.constant 0 : i32
        %dma_wait3A_242 = tpu.memref_slice %arg4[%add3A_235, %dma_wait3A_241] : memref<163840x256xf32, #tpu.memory_space<hbm>> -> memref<64x256xf32, #tpu.memory_space<hbm>>
        %dma_wait3A_243 = arith.constant 0 : i32
        %dma_wait3A_244 = arith.constant 0 : i32
        %dma_wait3A_245 = tpu.memref_slice %arg6[%dma_wait3A_243, %dma_wait3A_244] : memref<256x256xf32, #tpu.memory_space<vmem>> -> memref<64x256xf32, #tpu.memory_space<vmem>>
        tpu.wait_dma2 semaphore(%arg11 : memref<!tpu.dma_semaphore, #tpu.memory_space<semaphore_mem>>) src(%dma_wait3A_245 : memref<64x256xf32, #tpu.memory_space<vmem>>) dst(%dma_wait3A_242 : memref<64x256xf32, #tpu.memory_space<hbm>>)
      } else {
      }
      %dma_start3A = arith.constant 0 : i32
      %dma_start3A_66 = arith.constant 0 : i32
      %dma_start3A_67 = tpu.memref_slice %arg6[%dma_start3A, %dma_start3A_66] : memref<256x256xf32, #tpu.memory_space<vmem>> -> memref<64x256xf32, #tpu.memory_space<vmem>>
      %dma_start3A_68 = arith.constant 0 : i32
      %dma_start3A_69 = tpu.memref_slice %arg5[%add3A_63, %dma_start3A_68] : memref<80x64xi32, #tpu.memory_space<vmem>> -> memref<1x64xi32, #tpu.memory_space<vmem>>
      %dma_start3A_70 = tpu.memref_squeeze %dma_start3A_69 : memref<1x64xi32, #tpu.memory_space<vmem>> -> memref<64xi32, #tpu.memory_space<vmem>>
      %dma_start3A_71 = arith.constant 0 : i32
      %dma_start3A_72 = arith.constant 0 : i32
      %dma_start3A_73 = tpu.memref_slice %arg2[%dma_start3A_71, %dma_start3A_72] : memref<10000x256xf32, #tpu.memory_space<hbm>> -> memref<10000x256xf32, #tpu.memory_space<hbm>>
      tpu.enqueue_indirect_dma source(%dma_start3A_73 : memref<10000x256xf32, #tpu.memory_space<hbm>>) target(%dma_start3A_67 : memref<64x256xf32, #tpu.memory_space<vmem>>) offsets(%dma_start3A_70 : memref<64xi32, #tpu.memory_space<vmem>>) semaphore(%arg7 : memref<!tpu.dma_semaphore, #tpu.memory_space<semaphore_mem>>)
      %mul3A_74 = arith.constant 4 : i32
      %mul3A_75 = arith.muli %scan3A_59, %mul3A_74 : i32
      %add3A_76 = arith.constant 1 : i32
      %add3A_77 = arith.addi %mul3A_75, %add3A_76 : i32
      %gt3A_78 = arith.constant 0 : i32
      %gt3A_79 = arith.cmpi sgt, %scan3A_59, %gt3A_78 : i32
      %convert_element_type3A_80 = arith.extui %gt3A_79 : i1 to i32
      %cond3A_81 = arith.constant 0 : i32
      %cond3A_82 = arith.cmpi ne, %convert_element_type3A_80, %cond3A_81 : i32
      scf.if %cond3A_82 {
        %sub3A = arith.constant 4 : i32
        %sub3A_232 = arith.subi %add3A_77, %sub3A : i32
        %mul3A_233 = arith.constant 64 : i32
        %mul3A_234 = arith.muli %sub3A_232, %mul3A_233 : i32
        %add3A_235 = arith.addi %mul3A_6, %mul3A_234 : i32
        %dma_wait3A_236 = arith.constant 64 : i32
        %dma_wait3A_237 = arith.constant 0 : i32
        %dma_wait3A_238 = tpu.memref_slice %arg6[%dma_wait3A_236, %dma_wait3A_237] : memref<256x256xf32, #tpu.memory_space<vmem>> -> memref<64x256xf32, #tpu.memory_space<vmem>>
        %dma_wait3A_239 = arith.constant 0 : i32
        %dma_wait3A_240 = tpu.memref_slice %arg4[%add3A_235, %dma_wait3A_239] : memref<163840x256xf32, #tpu.memory_space<hbm>> -> memref<64x256xf32, #tpu.memory_space<hbm>>
        %dma_wait3A_241 = arith.constant 0 : i32
        %dma_wait3A_242 = tpu.memref_slice %arg4[%add3A_235, %dma_wait3A_241] : memref<163840x256xf32, #tpu.memory_space<hbm>> -> memref<64x256xf32, #tpu.memory_space<hbm>>
        %dma_wait3A_243 = arith.constant 64 : i32
        %dma_wait3A_244 = arith.constant 0 : i32
        %dma_wait3A_245 = tpu.memref_slice %arg6[%dma_wait3A_243, %dma_wait3A_244] : memref<256x256xf32, #tpu.memory_space<vmem>> -> memref<64x256xf32, #tpu.memory_space<vmem>>
        tpu.wait_dma2 semaphore(%arg12 : memref<!tpu.dma_semaphore, #tpu.memory_space<semaphore_mem>>) src(%dma_wait3A_245 : memref<64x256xf32, #tpu.memory_space<vmem>>) dst(%dma_wait3A_242 : memref<64x256xf32, #tpu.memory_space<hbm>>)
      } else {
      }
      %dma_start3A_83 = arith.constant 64 : i32
      %dma_start3A_84 = arith.constant 0 : i32
      %dma_start3A_85 = tpu.memref_slice %arg6[%dma_start3A_83, %dma_start3A_84] : memref<256x256xf32, #tpu.memory_space<vmem>> -> memref<64x256xf32, #tpu.memory_space<vmem>>
      %dma_start3A_86 = arith.constant 0 : i32
      %dma_start3A_87 = tpu.memref_slice %arg5[%add3A_77, %dma_start3A_86] : memref<80x64xi32, #tpu.memory_space<vmem>> -> memref<1x64xi32, #tpu.memory_space<vmem>>
      %dma_start3A_88 = tpu.memref_squeeze %dma_start3A_87 : memref<1x64xi32, #tpu.memory_space<vmem>> -> memref<64xi32, #tpu.memory_space<vmem>>
      %dma_start3A_89 = arith.constant 0 : i32
      %dma_start3A_90 = arith.constant 0 : i32
      %dma_start3A_91 = tpu.memref_slice %arg2[%dma_start3A_89, %dma_start3A_90] : memref<10000x256xf32, #tpu.memory_space<hbm>> -> memref<10000x256xf32, #tpu.memory_space<hbm>>
      tpu.enqueue_indirect_dma source(%dma_start3A_91 : memref<10000x256xf32, #tpu.memory_space<hbm>>) target(%dma_start3A_85 : memref<64x256xf32, #tpu.memory_space<vmem>>) offsets(%dma_start3A_88 : memref<64xi32, #tpu.memory_space<vmem>>) semaphore(%arg8 : memref<!tpu.dma_semaphore, #tpu.memory_space<semaphore_mem>>)
      %mul3A_92 = arith.constant 4 : i32
      %mul3A_93 = arith.muli %scan3A_59, %mul3A_92 : i32
      %add3A_94 = arith.constant 2 : i32
      %add3A_95 = arith.addi %mul3A_93, %add3A_94 : i32
      %gt3A_96 = arith.constant 0 : i32
      %gt3A_97 = arith.cmpi sgt, %scan3A_59, %gt3A_96 : i32
      %convert_element_type3A_98 = arith.extui %gt3A_97 : i1 to i32
      %cond3A_99 = arith.constant 0 : i32
      %cond3A_100 = arith.cmpi ne, %convert_element_type3A_98, %cond3A_99 : i32
      scf.if %cond3A_100 {
        %sub3A = arith.constant 4 : i32
        %sub3A_232 = arith.subi %add3A_95, %sub3A : i32
        %mul3A_233 = arith.constant 64 : i32
        %mul3A_234 = arith.muli %sub3A_232, %mul3A_233 : i32
        %add3A_235 = arith.addi %mul3A_6, %mul3A_234 : i32
        %dma_wait3A_236 = arith.constant 128 : i32
        %dma_wait3A_237 = arith.constant 0 : i32
        %dma_wait3A_238 = tpu.memref_slice %arg6[%dma_wait3A_236, %dma_wait3A_237] : memref<256x256xf32, #tpu.memory_space<vmem>> -> memref<64x256xf32, #tpu.memory_space<vmem>>
        %dma_wait3A_239 = arith.constant 0 : i32
        %dma_wait3A_240 = tpu.memref_slice %arg4[%add3A_235, %dma_wait3A_239] : memref<163840x256xf32, #tpu.memory_space<hbm>> -> memref<64x256xf32, #tpu.memory_space<hbm>>
        %dma_wait3A_241 = arith.constant 0 : i32
        %dma_wait3A_242 = tpu.memref_slice %arg4[%add3A_235, %dma_wait3A_241] : memref<163840x256xf32, #tpu.memory_space<hbm>> -> memref<64x256xf32, #tpu.memory_space<hbm>>
        %dma_wait3A_243 = arith.constant 128 : i32
        %dma_wait3A_244 = arith.constant 0 : i32
        %dma_wait3A_245 = tpu.memref_slice %arg6[%dma_wait3A_243, %dma_wait3A_244] : memref<256x256xf32, #tpu.memory_space<vmem>> -> memref<64x256xf32, #tpu.memory_space<vmem>>
        tpu.wait_dma2 semaphore(%arg13 : memref<!tpu.dma_semaphore, #tpu.memory_space<semaphore_mem>>) src(%dma_wait3A_245 : memref<64x256xf32, #tpu.memory_space<vmem>>) dst(%dma_wait3A_242 : memref<64x256xf32, #tpu.memory_space<hbm>>)
      } else {
      }
      %dma_start3A_101 = arith.constant 128 : i32
      %dma_start3A_102 = arith.constant 0 : i32
      %dma_start3A_103 = tpu.memref_slice %arg6[%dma_start3A_101, %dma_start3A_102] : memref<256x256xf32, #tpu.memory_space<vmem>> -> memref<64x256xf32, #tpu.memory_space<vmem>>
      %dma_start3A_104 = arith.constant 0 : i32
      %dma_start3A_105 = tpu.memref_slice %arg5[%add3A_95, %dma_start3A_104] : memref<80x64xi32, #tpu.memory_space<vmem>> -> memref<1x64xi32, #tpu.memory_space<vmem>>
      %dma_start3A_106 = tpu.memref_squeeze %dma_start3A_105 : memref<1x64xi32, #tpu.memory_space<vmem>> -> memref<64xi32, #tpu.memory_space<vmem>>
      %dma_start3A_107 = arith.constant 0 : i32
      %dma_start3A_108 = arith.constant 0 : i32
      %dma_start3A_109 = tpu.memref_slice %arg2[%dma_start3A_107, %dma_start3A_108] : memref<10000x256xf32, #tpu.memory_space<hbm>> -> memref<10000x256xf32, #tpu.memory_space<hbm>>
      tpu.enqueue_indirect_dma source(%dma_start3A_109 : memref<10000x256xf32, #tpu.memory_space<hbm>>) target(%dma_start3A_103 : memref<64x256xf32, #tpu.memory_space<vmem>>) offsets(%dma_start3A_106 : memref<64xi32, #tpu.memory_space<vmem>>) semaphore(%arg9 : memref<!tpu.dma_semaphore, #tpu.memory_space<semaphore_mem>>)
      %mul3A_110 = arith.constant 4 : i32
      %mul3A_111 = arith.muli %scan3A_59, %mul3A_110 : i32
      %add3A_112 = arith.constant 3 : i32
      %add3A_113 = arith.addi %mul3A_111, %add3A_112 : i32
      %gt3A_114 = arith.constant 0 : i32
      %gt3A_115 = arith.cmpi sgt, %scan3A_59, %gt3A_114 : i32
      %convert_element_type3A_116 = arith.extui %gt3A_115 : i1 to i32
      %cond3A_117 = arith.constant 0 : i32
      %cond3A_118 = arith.cmpi ne, %convert_element_type3A_116, %cond3A_117 : i32
      scf.if %cond3A_118 {
        %sub3A = arith.constant 4 : i32
        %sub3A_232 = arith.subi %add3A_113, %sub3A : i32
        %mul3A_233 = arith.constant 64 : i32
        %mul3A_234 = arith.muli %sub3A_232, %mul3A_233 : i32
        %add3A_235 = arith.addi %mul3A_6, %mul3A_234 : i32
        %dma_wait3A_236 = arith.constant 192 : i32
        %dma_wait3A_237 = arith.constant 0 : i32
        %dma_wait3A_238 = tpu.memref_slice %arg6[%dma_wait3A_236, %dma_wait3A_237] : memref<256x256xf32, #tpu.memory_space<vmem>> -> memref<64x256xf32, #tpu.memory_space<vmem>>
        %dma_wait3A_239 = arith.constant 0 : i32
        %dma_wait3A_240 = tpu.memref_slice %arg4[%add3A_235, %dma_wait3A_239] : memref<163840x256xf32, #tpu.memory_space<hbm>> -> memref<64x256xf32, #tpu.memory_space<hbm>>
        %dma_wait3A_241 = arith.constant 0 : i32
        %dma_wait3A_242 = tpu.memref_slice %arg4[%add3A_235, %dma_wait3A_241] : memref<163840x256xf32, #tpu.memory_space<hbm>> -> memref<64x256xf32, #tpu.memory_space<hbm>>
        %dma_wait3A_243 = arith.constant 192 : i32
        %dma_wait3A_244 = arith.constant 0 : i32
        %dma_wait3A_245 = tpu.memref_slice %arg6[%dma_wait3A_243, %dma_wait3A_244] : memref<256x256xf32, #tpu.memory_space<vmem>> -> memref<64x256xf32, #tpu.memory_space<vmem>>
        tpu.wait_dma2 semaphore(%arg14 : memref<!tpu.dma_semaphore, #tpu.memory_space<semaphore_mem>>) src(%dma_wait3A_245 : memref<64x256xf32, #tpu.memory_space<vmem>>) dst(%dma_wait3A_242 : memref<64x256xf32, #tpu.memory_space<hbm>>)
      } else {
      }
      %dma_start3A_119 = arith.constant 192 : i32
      %dma_start3A_120 = arith.constant 0 : i32
      %dma_start3A_121 = tpu.memref_slice %arg6[%dma_start3A_119, %dma_start3A_120] : memref<256x256xf32, #tpu.memory_space<vmem>> -> memref<64x256xf32, #tpu.memory_space<vmem>>
      %dma_start3A_122 = arith.constant 0 : i32
      %dma_start3A_123 = tpu.memref_slice %arg5[%add3A_113, %dma_start3A_122] : memref<80x64xi32, #tpu.memory_space<vmem>> -> memref<1x64xi32, #tpu.memory_space<vmem>>
      %dma_start3A_124 = tpu.memref_squeeze %dma_start3A_123 : memref<1x64xi32, #tpu.memory_space<vmem>> -> memref<64xi32, #tpu.memory_space<vmem>>
      %dma_start3A_125 = arith.constant 0 : i32
      %dma_start3A_126 = arith.constant 0 : i32
      %dma_start3A_127 = tpu.memref_slice %arg2[%dma_start3A_125, %dma_start3A_126] : memref<10000x256xf32, #tpu.memory_space<hbm>> -> memref<10000x256xf32, #tpu.memory_space<hbm>>
      tpu.enqueue_indirect_dma source(%dma_start3A_127 : memref<10000x256xf32, #tpu.memory_space<hbm>>) target(%dma_start3A_121 : memref<64x256xf32, #tpu.memory_space<vmem>>) offsets(%dma_start3A_124 : memref<64xi32, #tpu.memory_space<vmem>>) semaphore(%arg10 : memref<!tpu.dma_semaphore, #tpu.memory_space<semaphore_mem>>)
      %mul3A_128 = arith.constant 4 : i32
      %mul3A_129 = arith.muli %scan3A_59, %mul3A_128 : i32
      %add3A_130 = arith.constant 0 : i32
      %add3A_131 = arith.addi %mul3A_129, %add3A_130 : i32
      %dma_wait3A_132 = arith.constant 0 : i32
      %dma_wait3A_133 = arith.constant 0 : i32
      %dma_wait3A_134 = tpu.memref_slice %arg6[%dma_wait3A_132, %dma_wait3A_133] : memref<256x256xf32, #tpu.memory_space<vmem>> -> memref<64x256xf32, #tpu.memory_space<vmem>>
      %dma_wait3A_135 = arith.constant 0 : i32
      %dma_wait3A_136 = tpu.memref_slice %arg5[%add3A_131, %dma_wait3A_135] : memref<80x64xi32, #tpu.memory_space<vmem>> -> memref<1x64xi32, #tpu.memory_space<vmem>>
      %dma_wait3A_137 = tpu.memref_squeeze %dma_wait3A_136 : memref<1x64xi32, #tpu.memory_space<vmem>> -> memref<64xi32, #tpu.memory_space<vmem>>
      %dma_wait3A_138 = arith.constant 0 : i32
      %dma_wait3A_139 = arith.constant 0 : i32
      %dma_wait3A_140 = tpu.memref_slice %arg2[%dma_wait3A_138, %dma_wait3A_139] : memref<10000x256xf32, #tpu.memory_space<hbm>> -> memref<10000x256xf32, #tpu.memory_space<hbm>>
      tpu.wait_indirect_dma semaphore(%arg7 : memref<!tpu.dma_semaphore, #tpu.memory_space<semaphore_mem>>) src(%dma_wait3A_140 : memref<10000x256xf32, #tpu.memory_space<hbm>>) dst(%dma_wait3A_134 : memref<64x256xf32, #tpu.memory_space<vmem>>)
      %mul3A_141 = arith.constant 64 : i32
      %mul3A_142 = arith.muli %add3A_131, %mul3A_141 : i32
      %add3A_143 = arith.addi %mul3A_6, %mul3A_142 : i32
      %dma_start3A_144 = arith.constant 0 : i32
      %dma_start3A_145 = arith.constant 0 : i32
      %dma_start3A_146 = tpu.memref_slice %arg6[%dma_start3A_144, %dma_start3A_145] : memref<256x256xf32, #tpu.memory_space<vmem>> -> memref<64x256xf32, #tpu.memory_space<vmem>>
      %dma_start3A_147 = arith.constant 0 : i32
      %dma_start3A_148 = tpu.memref_slice %arg4[%add3A_143, %dma_start3A_147] : memref<163840x256xf32, #tpu.memory_space<hbm>> -> memref<64x256xf32, #tpu.memory_space<hbm>>
      %dma_start3A_149 = arith.constant 0 : i32
      %dma_start3A_150 = tpu.memref_slice %arg4[%add3A_143, %dma_start3A_149] : memref<163840x256xf32, #tpu.memory_space<hbm>> -> memref<64x256xf32, #tpu.memory_space<hbm>>
      %dma_start3A_151 = arith.constant 0 : i32
      %dma_start3A_152 = arith.constant 0 : i32
      %dma_start3A_153 = tpu.memref_slice %arg6[%dma_start3A_151, %dma_start3A_152] : memref<256x256xf32, #tpu.memory_space<vmem>> -> memref<64x256xf32, #tpu.memory_space<vmem>>
      tpu.enqueue_dma source(%dma_start3A_153 : memref<64x256xf32, #tpu.memory_space<vmem>>) target(%dma_start3A_150 : memref<64x256xf32, #tpu.memory_space<hbm>>) target_semaphore(%arg11 : memref<!tpu.dma_semaphore, #tpu.memory_space<semaphore_mem>>)
      %mul3A_154 = arith.constant 4 : i32
      %mul3A_155 = arith.muli %scan3A_59, %mul3A_154 : i32
      %add3A_156 = arith.constant 1 : i32
      %add3A_157 = arith.addi %mul3A_155, %add3A_156 : i32
      %dma_wait3A_158 = arith.constant 64 : i32
      %dma_wait3A_159 = arith.constant 0 : i32
      %dma_wait3A_160 = tpu.memref_slice %arg6[%dma_wait3A_158, %dma_wait3A_159] : memref<256x256xf32, #tpu.memory_space<vmem>> -> memref<64x256xf32, #tpu.memory_space<vmem>>
      %dma_wait3A_161 = arith.constant 0 : i32
      %dma_wait3A_162 = tpu.memref_slice %arg5[%add3A_157, %dma_wait3A_161] : memref<80x64xi32, #tpu.memory_space<vmem>> -> memref<1x64xi32, #tpu.memory_space<vmem>>
      %dma_wait3A_163 = tpu.memref_squeeze %dma_wait3A_162 : memref<1x64xi32, #tpu.memory_space<vmem>> -> memref<64xi32, #tpu.memory_space<vmem>>
      %dma_wait3A_164 = arith.constant 0 : i32
      %dma_wait3A_165 = arith.constant 0 : i32
      %dma_wait3A_166 = tpu.memref_slice %arg2[%dma_wait3A_164, %dma_wait3A_165] : memref<10000x256xf32, #tpu.memory_space<hbm>> -> memref<10000x256xf32, #tpu.memory_space<hbm>>
      tpu.wait_indirect_dma semaphore(%arg8 : memref<!tpu.dma_semaphore, #tpu.memory_space<semaphore_mem>>) src(%dma_wait3A_166 : memref<10000x256xf32, #tpu.memory_space<hbm>>) dst(%dma_wait3A_160 : memref<64x256xf32, #tpu.memory_space<vmem>>)
      %mul3A_167 = arith.constant 64 : i32
      %mul3A_168 = arith.muli %add3A_157, %mul3A_167 : i32
      %add3A_169 = arith.addi %mul3A_6, %mul3A_168 : i32
      %dma_start3A_170 = arith.constant 64 : i32
      %dma_start3A_171 = arith.constant 0 : i32
      %dma_start3A_172 = tpu.memref_slice %arg6[%dma_start3A_170, %dma_start3A_171] : memref<256x256xf32, #tpu.memory_space<vmem>> -> memref<64x256xf32, #tpu.memory_space<vmem>>
      %dma_start3A_173 = arith.constant 0 : i32
      %dma_start3A_174 = tpu.memref_slice %arg4[%add3A_169, %dma_start3A_173] : memref<163840x256xf32, #tpu.memory_space<hbm>> -> memref<64x256xf32, #tpu.memory_space<hbm>>
      %dma_start3A_175 = arith.constant 0 : i32
      %dma_start3A_176 = tpu.memref_slice %arg4[%add3A_169, %dma_start3A_175] : memref<163840x256xf32, #tpu.memory_space<hbm>> -> memref<64x256xf32, #tpu.memory_space<hbm>>
      %dma_start3A_177 = arith.constant 64 : i32
      %dma_start3A_178 = arith.constant 0 : i32
      %dma_start3A_179 = tpu.memref_slice %arg6[%dma_start3A_177, %dma_start3A_178] : memref<256x256xf32, #tpu.memory_space<vmem>> -> memref<64x256xf32, #tpu.memory_space<vmem>>
      tpu.enqueue_dma source(%dma_start3A_179 : memref<64x256xf32, #tpu.memory_space<vmem>>) target(%dma_start3A_176 : memref<64x256xf32, #tpu.memory_space<hbm>>) target_semaphore(%arg12 : memref<!tpu.dma_semaphore, #tpu.memory_space<semaphore_mem>>)
      %mul3A_180 = arith.constant 4 : i32
      %mul3A_181 = arith.muli %scan3A_59, %mul3A_180 : i32
      %add3A_182 = arith.constant 2 : i32
      %add3A_183 = arith.addi %mul3A_181, %add3A_182 : i32
      %dma_wait3A_184 = arith.constant 128 : i32
      %dma_wait3A_185 = arith.constant 0 : i32
      %dma_wait3A_186 = tpu.memref_slice %arg6[%dma_wait3A_184, %dma_wait3A_185] : memref<256x256xf32, #tpu.memory_space<vmem>> -> memref<64x256xf32, #tpu.memory_space<vmem>>
      %dma_wait3A_187 = arith.constant 0 : i32
      %dma_wait3A_188 = tpu.memref_slice %arg5[%add3A_183, %dma_wait3A_187] : memref<80x64xi32, #tpu.memory_space<vmem>> -> memref<1x64xi32, #tpu.memory_space<vmem>>
      %dma_wait3A_189 = tpu.memref_squeeze %dma_wait3A_188 : memref<1x64xi32, #tpu.memory_space<vmem>> -> memref<64xi32, #tpu.memory_space<vmem>>
      %dma_wait3A_190 = arith.constant 0 : i32
      %dma_wait3A_191 = arith.constant 0 : i32
      %dma_wait3A_192 = tpu.memref_slice %arg2[%dma_wait3A_190, %dma_wait3A_191] : memref<10000x256xf32, #tpu.memory_space<hbm>> -> memref<10000x256xf32, #tpu.memory_space<hbm>>
      tpu.wait_indirect_dma semaphore(%arg9 : memref<!tpu.dma_semaphore, #tpu.memory_space<semaphore_mem>>) src(%dma_wait3A_192 : memref<10000x256xf32, #tpu.memory_space<hbm>>) dst(%dma_wait3A_186 : memref<64x256xf32, #tpu.memory_space<vmem>>)
      %mul3A_193 = arith.constant 64 : i32
      %mul3A_194 = arith.muli %add3A_183, %mul3A_193 : i32
      %add3A_195 = arith.addi %mul3A_6, %mul3A_194 : i32
      %dma_start3A_196 = arith.constant 128 : i32
      %dma_start3A_197 = arith.constant 0 : i32
      %dma_start3A_198 = tpu.memref_slice %arg6[%dma_start3A_196, %dma_start3A_197] : memref<256x256xf32, #tpu.memory_space<vmem>> -> memref<64x256xf32, #tpu.memory_space<vmem>>
      %dma_start3A_199 = arith.constant 0 : i32
      %dma_start3A_200 = tpu.memref_slice %arg4[%add3A_195, %dma_start3A_199] : memref<163840x256xf32, #tpu.memory_space<hbm>> -> memref<64x256xf32, #tpu.memory_space<hbm>>
      %dma_start3A_201 = arith.constant 0 : i32
      %dma_start3A_202 = tpu.memref_slice %arg4[%add3A_195, %dma_start3A_201] : memref<163840x256xf32, #tpu.memory_space<hbm>> -> memref<64x256xf32, #tpu.memory_space<hbm>>
      %dma_start3A_203 = arith.constant 128 : i32
      %dma_start3A_204 = arith.constant 0 : i32
      %dma_start3A_205 = tpu.memref_slice %arg6[%dma_start3A_203, %dma_start3A_204] : memref<256x256xf32, #tpu.memory_space<vmem>> -> memref<64x256xf32, #tpu.memory_space<vmem>>
      tpu.enqueue_dma source(%dma_start3A_205 : memref<64x256xf32, #tpu.memory_space<vmem>>) target(%dma_start3A_202 : memref<64x256xf32, #tpu.memory_space<hbm>>) target_semaphore(%arg13 : memref<!tpu.dma_semaphore, #tpu.memory_space<semaphore_mem>>)
      %mul3A_206 = arith.constant 4 : i32
      %mul3A_207 = arith.muli %scan3A_59, %mul3A_206 : i32
      %add3A_208 = arith.constant 3 : i32
      %add3A_209 = arith.addi %mul3A_207, %add3A_208 : i32
      %dma_wait3A_210 = arith.constant 192 : i32
      %dma_wait3A_211 = arith.constant 0 : i32
      %dma_wait3A_212 = tpu.memref_slice %arg6[%dma_wait3A_210, %dma_wait3A_211] : memref<256x256xf32, #tpu.memory_space<vmem>> -> memref<64x256xf32, #tpu.memory_space<vmem>>
      %dma_wait3A_213 = arith.constant 0 : i32
      %dma_wait3A_214 = tpu.memref_slice %arg5[%add3A_209, %dma_wait3A_213] : memref<80x64xi32, #tpu.memory_space<vmem>> -> memref<1x64xi32, #tpu.memory_space<vmem>>
      %dma_wait3A_215 = tpu.memref_squeeze %dma_wait3A_214 : memref<1x64xi32, #tpu.memory_space<vmem>> -> memref<64xi32, #tpu.memory_space<vmem>>
      %dma_wait3A_216 = arith.constant 0 : i32
      %dma_wait3A_217 = arith.constant 0 : i32
      %dma_wait3A_218 = tpu.memref_slice %arg2[%dma_wait3A_216, %dma_wait3A_217] : memref<10000x256xf32, #tpu.memory_space<hbm>> -> memref<10000x256xf32, #tpu.memory_space<hbm>>
      tpu.wait_indirect_dma semaphore(%arg10 : memref<!tpu.dma_semaphore, #tpu.memory_space<semaphore_mem>>) src(%dma_wait3A_218 : memref<10000x256xf32, #tpu.memory_space<hbm>>) dst(%dma_wait3A_212 : memref<64x256xf32, #tpu.memory_space<vmem>>)
      %mul3A_219 = arith.constant 64 : i32
      %mul3A_220 = arith.muli %add3A_209, %mul3A_219 : i32
      %add3A_221 = arith.addi %mul3A_6, %mul3A_220 : i32
      %dma_start3A_222 = arith.constant 192 : i32
      %dma_start3A_223 = arith.constant 0 : i32
      %dma_start3A_224 = tpu.memref_slice %arg6[%dma_start3A_222, %dma_start3A_223] : memref<256x256xf32, #tpu.memory_space<vmem>> -> memref<64x256xf32, #tpu.memory_space<vmem>>
      %dma_start3A_225 = arith.constant 0 : i32
      %dma_start3A_226 = tpu.memref_slice %arg4[%add3A_221, %dma_start3A_225] : memref<163840x256xf32, #tpu.memory_space<hbm>> -> memref<64x256xf32, #tpu.memory_space<hbm>>
      %dma_start3A_227 = arith.constant 0 : i32
      %dma_start3A_228 = tpu.memref_slice %arg4[%add3A_221, %dma_start3A_227] : memref<163840x256xf32, #tpu.memory_space<hbm>> -> memref<64x256xf32, #tpu.memory_space<hbm>>
      %dma_start3A_229 = arith.constant 192 : i32
      %dma_start3A_230 = arith.constant 0 : i32
      %dma_start3A_231 = tpu.memref_slice %arg6[%dma_start3A_229, %dma_start3A_230] : memref<256x256xf32, #tpu.memory_space<vmem>> -> memref<64x256xf32, #tpu.memory_space<vmem>>
      tpu.enqueue_dma source(%dma_start3A_231 : memref<64x256xf32, #tpu.memory_space<vmem>>) target(%dma_start3A_228 : memref<64x256xf32, #tpu.memory_space<hbm>>) target_semaphore(%arg14 : memref<!tpu.dma_semaphore, #tpu.memory_space<semaphore_mem>>)
    }
    %scan3A_11 = arith.constant 20 : i32
    %add3A_12 = arith.constant 4864 : i32
    %add3A_13 = arith.addi %mul3A_6, %add3A_12 : i32
    %dma_wait3A = arith.constant 0 : i32
    %dma_wait3A_14 = arith.constant 0 : i32
    %dma_wait3A_15 = tpu.memref_slice %arg6[%dma_wait3A, %dma_wait3A_14] : memref<256x256xf32, #tpu.memory_space<vmem>> -> memref<64x256xf32, #tpu.memory_space<vmem>>
    %dma_wait3A_16 = arith.constant 0 : i32
    %dma_wait3A_17 = tpu.memref_slice %arg4[%add3A_13, %dma_wait3A_16] : memref<163840x256xf32, #tpu.memory_space<hbm>> -> memref<64x256xf32, #tpu.memory_space<hbm>>
    %dma_wait3A_18 = arith.constant 0 : i32
    %dma_wait3A_19 = tpu.memref_slice %arg4[%add3A_13, %dma_wait3A_18] : memref<163840x256xf32, #tpu.memory_space<hbm>> -> memref<64x256xf32, #tpu.memory_space<hbm>>
    %dma_wait3A_20 = arith.constant 0 : i32
    %dma_wait3A_21 = arith.constant 0 : i32
    %dma_wait3A_22 = tpu.memref_slice %arg6[%dma_wait3A_20, %dma_wait3A_21] : memref<256x256xf32, #tpu.memory_space<vmem>> -> memref<64x256xf32, #tpu.memory_space<vmem>>
    tpu.wait_dma2 semaphore(%arg11 : memref<!tpu.dma_semaphore, #tpu.memory_space<semaphore_mem>>) src(%dma_wait3A_22 : memref<64x256xf32, #tpu.memory_space<vmem>>) dst(%dma_wait3A_19 : memref<64x256xf32, #tpu.memory_space<hbm>>)
    %add3A_23 = arith.constant 4928 : i32
    %add3A_24 = arith.addi %mul3A_6, %add3A_23 : i32
    %dma_wait3A_25 = arith.constant 64 : i32
    %dma_wait3A_26 = arith.constant 0 : i32
    %dma_wait3A_27 = tpu.memref_slice %arg6[%dma_wait3A_25, %dma_wait3A_26] : memref<256x256xf32, #tpu.memory_space<vmem>> -> memref<64x256xf32, #tpu.memory_space<vmem>>
    %dma_wait3A_28 = arith.constant 0 : i32
    %dma_wait3A_29 = tpu.memref_slice %arg4[%add3A_24, %dma_wait3A_28] : memref<163840x256xf32, #tpu.memory_space<hbm>> -> memref<64x256xf32, #tpu.memory_space<hbm>>
    %dma_wait3A_30 = arith.constant 0 : i32
    %dma_wait3A_31 = tpu.memref_slice %arg4[%add3A_24, %dma_wait3A_30] : memref<163840x256xf32, #tpu.memory_space<hbm>> -> memref<64x256xf32, #tpu.memory_space<hbm>>
    %dma_wait3A_32 = arith.constant 64 : i32
    %dma_wait3A_33 = arith.constant 0 : i32
    %dma_wait3A_34 = tpu.memref_slice %arg6[%dma_wait3A_32, %dma_wait3A_33] : memref<256x256xf32, #tpu.memory_space<vmem>> -> memref<64x256xf32, #tpu.memory_space<vmem>>
    tpu.wait_dma2 semaphore(%arg12 : memref<!tpu.dma_semaphore, #tpu.memory_space<semaphore_mem>>) src(%dma_wait3A_34 : memref<64x256xf32, #tpu.memory_space<vmem>>) dst(%dma_wait3A_31 : memref<64x256xf32, #tpu.memory_space<hbm>>)
    %add3A_35 = arith.constant 4992 : i32
    %add3A_36 = arith.addi %mul3A_6, %add3A_35 : i32
    %dma_wait3A_37 = arith.constant 128 : i32
    %dma_wait3A_38 = arith.constant 0 : i32
    %dma_wait3A_39 = tpu.memref_slice %arg6[%dma_wait3A_37, %dma_wait3A_38] : memref<256x256xf32, #tpu.memory_space<vmem>> -> memref<64x256xf32, #tpu.memory_space<vmem>>
    %dma_wait3A_40 = arith.constant 0 : i32
    %dma_wait3A_41 = tpu.memref_slice %arg4[%add3A_36, %dma_wait3A_40] : memref<163840x256xf32, #tpu.memory_space<hbm>> -> memref<64x256xf32, #tpu.memory_space<hbm>>
    %dma_wait3A_42 = arith.constant 0 : i32
    %dma_wait3A_43 = tpu.memref_slice %arg4[%add3A_36, %dma_wait3A_42] : memref<163840x256xf32, #tpu.memory_space<hbm>> -> memref<64x256xf32, #tpu.memory_space<hbm>>
    %dma_wait3A_44 = arith.constant 128 : i32
    %dma_wait3A_45 = arith.constant 0 : i32
    %dma_wait3A_46 = tpu.memref_slice %arg6[%dma_wait3A_44, %dma_wait3A_45] : memref<256x256xf32, #tpu.memory_space<vmem>> -> memref<64x256xf32, #tpu.memory_space<vmem>>
    tpu.wait_dma2 semaphore(%arg13 : memref<!tpu.dma_semaphore, #tpu.memory_space<semaphore_mem>>) src(%dma_wait3A_46 : memref<64x256xf32, #tpu.memory_space<vmem>>) dst(%dma_wait3A_43 : memref<64x256xf32, #tpu.memory_space<hbm>>)
    %add3A_47 = arith.constant 5056 : i32
    %add3A_48 = arith.addi %mul3A_6, %add3A_47 : i32
    %dma_wait3A_49 = arith.constant 192 : i32
    %dma_wait3A_50 = arith.constant 0 : i32
    %dma_wait3A_51 = tpu.memref_slice %arg6[%dma_wait3A_49, %dma_wait3A_50] : memref<256x256xf32, #tpu.memory_space<vmem>> -> memref<64x256xf32, #tpu.memory_space<vmem>>
    %dma_wait3A_52 = arith.constant 0 : i32
    %dma_wait3A_53 = tpu.memref_slice %arg4[%add3A_48, %dma_wait3A_52] : memref<163840x256xf32, #tpu.memory_space<hbm>> -> memref<64x256xf32, #tpu.memory_space<hbm>>
    %dma_wait3A_54 = arith.constant 0 : i32
    %dma_wait3A_55 = tpu.memref_slice %arg4[%add3A_48, %dma_wait3A_54] : memref<163840x256xf32, #tpu.memory_space<hbm>> -> memref<64x256xf32, #tpu.memory_space<hbm>>
    %dma_wait3A_56 = arith.constant 192 : i32
    %dma_wait3A_57 = arith.constant 0 : i32
    %dma_wait3A_58 = tpu.memref_slice %arg6[%dma_wait3A_56, %dma_wait3A_57] : memref<256x256xf32, #tpu.memory_space<vmem>> -> memref<64x256xf32, #tpu.memory_space<vmem>>
    tpu.wait_dma2 semaphore(%arg14 : memref<!tpu.dma_semaphore, #tpu.memory_space<semaphore_mem>>) src(%dma_wait3A_58 : memref<64x256xf32, #tpu.memory_space<vmem>>) dst(%dma_wait3A_55 : memref<64x256xf32, #tpu.memory_space<hbm>>)
    return
  }
}

module attributes {stable_mosaic.version = 14 : i64} {
  func.func @body(%arg0: i32, %arg1: memref<1024x16xf32, #tpu.memory_space<vmem>>, %arg2: memref<1024x16xf32, #tpu.memory_space<vmem>>, %arg3: memref<1024x16xf32, #tpu.memory_space<vmem>>, %arg4: memref<16x16xf32, #tpu.memory_space<vmem>>, %arg5: memref<1024x32xf32, #tpu.memory_space<vmem>>) attributes {dimension_semantics = [#tpu.dimension_semantics<arbitrary>], iteration_bounds = array<i64: 160>, scalar_prefetch = 0 : i64, scratch_operands = 0 : i64, tpu.core_type = #tpu.core_type<tc>, window_params = [{transform_indices = @transform_0, window_bounds = array<i64: 1024, 16>}, {transform_indices = @transform_1, window_bounds = array<i64: 1024, 16>}, {transform_indices = @transform_2, window_bounds = array<i64: 1024, 16>}, {pipeline_mode = #tpu.pipeline_mode<synchronous>, transform_indices = @transform_3, window_bounds = array<i64: 16, 16>}, {transform_indices = @transform_4, window_bounds = array<i64: 1024, 32>}]} {
    %get3A = arith.constant 0 : index
    %get3A_0 = arith.constant 0 : index
    %get3A_1 = vector.load %arg3[%get3A, %get3A_0] : memref<1024x16xf32, #tpu.memory_space<vmem>>, vector<1024x16xf32>
    %get3A_2 = arith.constant 0 : index
    %get3A_3 = arith.constant 0 : index
    %get3A_4 = vector.load %arg4[%get3A_2, %get3A_3] : memref<16x16xf32, #tpu.memory_space<vmem>>, vector<16x16xf32>
    %dot_general3A = arith.constant dense<0.000000e+00> : vector<1024x16xf32>
    %dot_general3A_5 = tpu.matmul %get3A_1, %get3A_4, %dot_general3A {dimension_numbers = #tpu.dot_dimension_numbers<[1], [0], [0], [1], [0, 0, 1, 1], [], []>, transpose_lhs_hint = false} : vector<1024x16xf32>, vector<16x16xf32>, vector<1024x16xf32> -> vector<1024x16xf32>
    %get3A_6 = arith.constant 0 : index
    %get3A_7 = arith.constant 0 : index
    %get3A_8 = vector.load %arg2[%get3A_6, %get3A_7] : memref<1024x16xf32, #tpu.memory_space<vmem>>, vector<1024x16xf32>
    %get3A_9 = arith.constant 0 : index
    %get3A_10 = arith.constant 0 : index
    %get3A_11 = vector.load %arg1[%get3A_9, %get3A_10] : memref<1024x16xf32, #tpu.memory_space<vmem>>, vector<1024x16xf32>
    %sub3A = arith.subf %get3A_8, %get3A_11 : vector<1024x16xf32>
    %slice3A = vector.extract_strided_slice %sub3A {offsets = [0, 0], sizes = [1024, 1], strides = [1, 1]} : vector<1024x16xf32> to vector<1024x1xf32>
    %slice3A_12 = vector.extract_strided_slice %dot_general3A_5 {offsets = [0, 0], sizes = [1024, 1], strides = [1, 1]} : vector<1024x16xf32> to vector<1024x1xf32>
    %add3A = arith.addf %slice3A, %slice3A_12 : vector<1024x1xf32>
    %slice3A_13 = vector.extract_strided_slice %sub3A {offsets = [0, 1], sizes = [1024, 1], strides = [1, 1]} : vector<1024x16xf32> to vector<1024x1xf32>
    %slice3A_14 = vector.extract_strided_slice %dot_general3A_5 {offsets = [0, 1], sizes = [1024, 1], strides = [1, 1]} : vector<1024x16xf32> to vector<1024x1xf32>
    %add3A_15 = arith.addf %slice3A_13, %slice3A_14 : vector<1024x1xf32>
    %slice3A_16 = vector.extract_strided_slice %sub3A {offsets = [0, 2], sizes = [1024, 1], strides = [1, 1]} : vector<1024x16xf32> to vector<1024x1xf32>
    %slice3A_17 = vector.extract_strided_slice %dot_general3A_5 {offsets = [0, 2], sizes = [1024, 1], strides = [1, 1]} : vector<1024x16xf32> to vector<1024x1xf32>
    %add3A_18 = arith.addf %slice3A_16, %slice3A_17 : vector<1024x1xf32>
    %mul3A = arith.mulf %add3A, %add3A : vector<1024x1xf32>
    %mul3A_19 = arith.mulf %add3A_15, %add3A_15 : vector<1024x1xf32>
    %add3A_20 = arith.addf %mul3A, %mul3A_19 : vector<1024x1xf32>
    %mul3A_21 = arith.mulf %add3A_18, %add3A_18 : vector<1024x1xf32>
    %add3A_22 = arith.addf %add3A_20, %mul3A_21 : vector<1024x1xf32>
    %add3A_23 = arith.constant 9.99999971E-10 : f32
    %add3A_24 = vector.broadcast %add3A_23 : f32 to vector<1024x1xf32>
    %add3A_25 = arith.addf %add3A_22, %add3A_24 : vector<1024x1xf32>
    %sqrt3A = math.sqrt %add3A_25 : vector<1024x1xf32>
    %div3A = arith.divf %add3A, %sqrt3A : vector<1024x1xf32>
    %div3A_26 = arith.divf %add3A_15, %sqrt3A : vector<1024x1xf32>
    %div3A_27 = arith.divf %add3A_18, %sqrt3A : vector<1024x1xf32>
    %broadcast_in_dim3A = arith.constant 1.000000e+00 : f32
    %broadcast_in_dim3A_28 = vector.broadcast %broadcast_in_dim3A : f32 to vector<1024x1xf32>
    %mul3A_29 = arith.constant 1.73205078 : f32
    %mul3A_30 = vector.broadcast %mul3A_29 : f32 to vector<1024x1xf32>
    %mul3A_31 = arith.mulf %mul3A_30, %div3A : vector<1024x1xf32>
    %mul3A_32 = arith.constant 1.73205078 : f32
    %mul3A_33 = vector.broadcast %mul3A_32 : f32 to vector<1024x1xf32>
    %mul3A_34 = arith.mulf %mul3A_33, %div3A_26 : vector<1024x1xf32>
    %mul3A_35 = arith.constant 1.73205078 : f32
    %mul3A_36 = vector.broadcast %mul3A_35 : f32 to vector<1024x1xf32>
    %mul3A_37 = arith.mulf %mul3A_36, %div3A_27 : vector<1024x1xf32>
    %mul3A_38 = arith.constant 3.87298346 : f32
    %mul3A_39 = vector.broadcast %mul3A_38 : f32 to vector<1024x1xf32>
    %mul3A_40 = arith.mulf %mul3A_39, %div3A : vector<1024x1xf32>
    %mul3A_41 = arith.mulf %mul3A_40, %div3A_26 : vector<1024x1xf32>
    %mul3A_42 = arith.constant 3.87298346 : f32
    %mul3A_43 = vector.broadcast %mul3A_42 : f32 to vector<1024x1xf32>
    %mul3A_44 = arith.mulf %mul3A_43, %div3A_26 : vector<1024x1xf32>
    %mul3A_45 = arith.mulf %mul3A_44, %div3A_27 : vector<1024x1xf32>
    %mul3A_46 = arith.constant 3.000000e+00 : f32
    %mul3A_47 = vector.broadcast %mul3A_46 : f32 to vector<1024x1xf32>
    %mul3A_48 = arith.mulf %mul3A_47, %div3A_27 : vector<1024x1xf32>
    %mul3A_49 = arith.mulf %mul3A_48, %div3A_27 : vector<1024x1xf32>
    %sub3A_50 = arith.constant 1.000000e+00 : f32
    %sub3A_51 = vector.broadcast %sub3A_50 : f32 to vector<1024x1xf32>
    %sub3A_52 = arith.subf %mul3A_49, %sub3A_51 : vector<1024x1xf32>
    %mul3A_53 = arith.constant 1.11803401 : f32
    %mul3A_54 = vector.broadcast %mul3A_53 : f32 to vector<1024x1xf32>
    %mul3A_55 = arith.mulf %mul3A_54, %sub3A_52 : vector<1024x1xf32>
    %mul3A_56 = arith.constant 3.87298346 : f32
    %mul3A_57 = vector.broadcast %mul3A_56 : f32 to vector<1024x1xf32>
    %mul3A_58 = arith.mulf %mul3A_57, %div3A : vector<1024x1xf32>
    %mul3A_59 = arith.mulf %mul3A_58, %div3A_27 : vector<1024x1xf32>
    %mul3A_60 = arith.mulf %div3A, %div3A : vector<1024x1xf32>
    %mul3A_61 = arith.mulf %div3A_26, %div3A_26 : vector<1024x1xf32>
    %sub3A_62 = arith.subf %mul3A_60, %mul3A_61 : vector<1024x1xf32>
    %mul3A_63 = arith.constant 1.93649173 : f32
    %mul3A_64 = vector.broadcast %mul3A_63 : f32 to vector<1024x1xf32>
    %mul3A_65 = arith.mulf %mul3A_64, %sub3A_62 : vector<1024x1xf32>
    %concatenate3A = tpu.concatenate %broadcast_in_dim3A_28, %mul3A_31, %mul3A_34, %mul3A_37, %mul3A_41, %mul3A_45, %mul3A_55, %mul3A_59, %mul3A_65 in 1 : vector<1024x1xf32>, vector<1024x1xf32>, vector<1024x1xf32>, vector<1024x1xf32>, vector<1024x1xf32>, vector<1024x1xf32>, vector<1024x1xf32>, vector<1024x1xf32>, vector<1024x1xf32> -> vector<1024x9xf32>
    %mul3A_66 = arith.constant 1024 : i32
    %mul3A_67 = arith.muli %arg0, %mul3A_66 : i32
    %iota3A = tpu.iota {dimensions = array<i32: 0>} : vector<1024x1xi32>
    %add3A_68 = vector.broadcast %mul3A_67 : i32 to vector<1024x1xi32>
    %add3A_69 = arith.addi %add3A_68, %iota3A : vector<1024x1xi32>
    %lt3A = arith.constant 160000 : i32
    %lt3A_70 = vector.broadcast %lt3A : i32 to vector<1024x1xi32>
    %lt3A_71 = arith.cmpi slt, %add3A_69, %lt3A_70 : vector<1024x1xi32>
    %convert_element_type3A = arith.extui %lt3A_71 : vector<1024x1xi1> to vector<1024x1xi32>
    %convert_element_type3A_72 = arith.sitofp %convert_element_type3A : vector<1024x1xi32> to vector<1024x1xf32>
    %mul3A_73 = vector.broadcast %convert_element_type3A_72 : vector<1024x1xf32> to vector<1024x9xf32>
    %mul3A_74 = arith.mulf %concatenate3A, %mul3A_73 : vector<1024x9xf32>
    %iota3A_75 = tpu.iota {dimensions = array<i32: 1>} : vector<1x10xi32>
    %convert_element_type3A_76 = arith.sitofp %iota3A_75 : vector<1x10xi32> to vector<1x10xf32>
    %add3A_77 = arith.constant 1.000000e+00 : f32
    %add3A_78 = vector.broadcast %add3A_77 : f32 to vector<1x10xf32>
    %add3A_79 = arith.addf %convert_element_type3A_76, %add3A_78 : vector<1x10xf32>
    %mul3A_80 = arith.constant 0.454545468 : f32
    %mul3A_81 = vector.broadcast %mul3A_80 : f32 to vector<1x10xf32>
    %mul3A_82 = arith.mulf %add3A_79, %mul3A_81 : vector<1x10xf32>
    %sub3A_83 = vector.broadcast %sqrt3A : vector<1024x1xf32> to vector<1024x10xf32>
    %sub3A_84 = vector.broadcast %mul3A_82 : vector<1x10xf32> to vector<1024x10xf32>
    %sub3A_85 = arith.subf %sub3A_83, %sub3A_84 : vector<1024x10xf32>
    %div3A_86 = arith.constant 0.454545468 : f32
    %div3A_87 = vector.broadcast %div3A_86 : f32 to vector<1024x10xf32>
    %div3A_88 = arith.divf %sub3A_85, %div3A_87 : vector<1024x10xf32>
    %mul3A_89 = arith.constant 1.57079637 : f32
    %mul3A_90 = vector.broadcast %mul3A_89 : f32 to vector<1024x10xf32>
    %mul3A_91 = arith.mulf %mul3A_90, %div3A_88 : vector<1024x10xf32>
    %cos3A = math.cos %mul3A_91 : vector<1024x10xf32>
    %gt3A = arith.constant -1.000000e+00 : f32
    %gt3A_92 = vector.broadcast %gt3A : f32 to vector<1024x10xf32>
    %gt3A_93 = arith.cmpf ogt, %div3A_88, %gt3A_92 : vector<1024x10xf32>
    %lt3A_94 = arith.constant 1.000000e+00 : f32
    %lt3A_95 = vector.broadcast %lt3A_94 : f32 to vector<1024x10xf32>
    %lt3A_96 = arith.cmpf olt, %div3A_88, %lt3A_95 : vector<1024x10xf32>
    %and3A = arith.andi %gt3A_93, %lt3A_96 : vector<1024x10xi1>
    %convert_element_type3A_97 = arith.extui %and3A : vector<1024x10xi1> to vector<1024x10xi32>
    %convert_element_type3A_98 = arith.sitofp %convert_element_type3A_97 : vector<1024x10xi32> to vector<1024x10xf32>
    %mul3A_99 = arith.mulf %cos3A, %convert_element_type3A_98 : vector<1024x10xf32>
    %mul3A_100 = arith.constant 3.1622777 : f32
    %mul3A_101 = vector.broadcast %mul3A_100 : f32 to vector<1024x10xf32>
    %mul3A_102 = arith.mulf %mul3A_99, %mul3A_101 : vector<1024x10xf32>
    %broadcast_in_dim3A_103 = arith.constant 0.000000e+00 : f32
    %broadcast_in_dim3A_104 = vector.broadcast %broadcast_in_dim3A_103 : f32 to vector<1024x13xf32>
    %concatenate3A_105 = tpu.concatenate %mul3A_74, %mul3A_102, %broadcast_in_dim3A_104 in 1 : vector<1024x9xf32>, vector<1024x10xf32>, vector<1024x13xf32> -> vector<1024x32xf32>
    %swap3A = arith.constant 0 : index
    %swap3A_106 = arith.constant 0 : index
    %swap3A_107 = vector.load %arg5[%swap3A, %swap3A_106] : memref<1024x32xf32, #tpu.memory_space<vmem>>, vector<1024x32xf32>
    tpu.vector_store %arg5[%swap3A, %swap3A_106], %concatenate3A_105 {strides = array<i32>} : memref<1024x32xf32, #tpu.memory_space<vmem>>, vector<1024x32xf32>,
    return
  }
  func.func @transform_0(%arg0: i32) -> (i32, i32) {
    %c0_i32 = arith.constant 0 : i32
    %c0_i32_0 = arith.constant 0 : i32
    return %arg0, %c0_i32 : i32, i32
  }
  func.func @transform_1(%arg0: i32) -> (i32, i32) {
    %c0_i32 = arith.constant 0 : i32
    %c0_i32_0 = arith.constant 0 : i32
    return %arg0, %c0_i32 : i32, i32
  }
  func.func @transform_2(%arg0: i32) -> (i32, i32) {
    %c0_i32 = arith.constant 0 : i32
    %c0_i32_0 = arith.constant 0 : i32
    return %arg0, %c0_i32 : i32, i32
  }
  func.func @transform_3(%arg0: i32) -> (i32, i32) {
    %c0_i32 = arith.constant 0 : i32
    %c0_i32_0 = arith.constant 0 : i32
    %c0_i32_1 = arith.constant 0 : i32
    return %c0_i32, %c0_i32_0 : i32, i32
  }
  func.func @transform_4(%arg0: i32) -> (i32, i32) {
    %c0_i32 = arith.constant 0 : i32
    %c0_i32_0 = arith.constant 0 : i32
    return %arg0, %c0_i32 : i32, i32
  }
}

module attributes {stable_mosaic.version = 14 : i64} {
  func.func @body(%arg0: i32, %arg1: memref<1024x32xf32, #tpu.memory_space<vmem>>, %arg2: memref<1024x128xf32, #tpu.memory_space<vmem>>, %arg3: memref<32x100xf32, #tpu.memory_space<vmem>>, %arg4: memref<1x100xf32, #tpu.memory_space<vmem>>, %arg5: memref<100x128xf32, #tpu.memory_space<vmem>>, %arg6: memref<1152x144xf32, #tpu.memory_space<vmem>>, %arg7: memref<1024x128xf32, #tpu.memory_space<vmem>>, %arg8: memref<1024x128xf32, #tpu.memory_space<vmem>>) attributes {dimension_semantics = [#tpu.dimension_semantics<arbitrary>], iteration_bounds = array<i64: 160>, scalar_prefetch = 0 : i64, scratch_operands = 0 : i64, tpu.core_type = #tpu.core_type<tc>, window_params = [{transform_indices = @transform_0, window_bounds = array<i64: 1024, 32>}, {transform_indices = @transform_1, window_bounds = array<i64: 1024, 128>}, {pipeline_mode = #tpu.pipeline_mode<synchronous>, transform_indices = @transform_2, window_bounds = array<i64: 32, 100>}, {pipeline_mode = #tpu.pipeline_mode<synchronous>, transform_indices = @transform_3, window_bounds = array<i64: 1, 100>}, {pipeline_mode = #tpu.pipeline_mode<synchronous>, transform_indices = @transform_4, window_bounds = array<i64: 100, 128>}, {pipeline_mode = #tpu.pipeline_mode<synchronous>, transform_indices = @transform_5, window_bounds = array<i64: 1152, 144>}, {transform_indices = @transform_6, window_bounds = array<i64: 1024, 128>}, {transform_indices = @transform_7, window_bounds = array<i64: 1024, 128>}]} {
    %get3A = arith.constant 0 : index
    %get3A_0 = arith.constant 0 : index
    %get3A_1 = vector.load %arg1[%get3A, %get3A_0] : memref<1024x32xf32, #tpu.memory_space<vmem>>, vector<1024x32xf32>
    %get3A_2 = arith.constant 0 : index
    %get3A_3 = arith.constant 0 : index
    %get3A_4 = vector.load %arg3[%get3A_2, %get3A_3] : memref<32x100xf32, #tpu.memory_space<vmem>>, vector<32x100xf32>
    %dot_general3A = arith.constant dense<0.000000e+00> : vector<1024x100xf32>
    %dot_general3A_5 = tpu.matmul %get3A_1, %get3A_4, %dot_general3A {dimension_numbers = #tpu.dot_dimension_numbers<[1], [0], [0], [1], [0, 0, 1, 1], [], []>, transpose_lhs_hint = false} : vector<1024x32xf32>, vector<32x100xf32>, vector<1024x100xf32> -> vector<1024x100xf32>
    %get3A_6 = arith.constant 0 : index
    %get3A_7 = arith.constant 0 : index
    %get3A_8 = vector.load %arg4[%get3A_6, %get3A_7] : memref<1x100xf32, #tpu.memory_space<vmem>>, vector<1x100xf32>
    %add3A = vector.broadcast %get3A_8 : vector<1x100xf32> to vector<1024x100xf32>
    %add3A_9 = arith.addf %dot_general3A_5, %add3A : vector<1024x100xf32>
    %max3A = arith.constant 0.000000e+00 : f32
    %max3A_10 = vector.broadcast %max3A : f32 to vector<1024x100xf32>
    %max3A_11 = arith.maximumf %add3A_9, %max3A_10 : vector<1024x100xf32>
    %get3A_12 = arith.constant 0 : index
    %get3A_13 = arith.constant 0 : index
    %get3A_14 = vector.load %arg5[%get3A_12, %get3A_13] : memref<100x128xf32, #tpu.memory_space<vmem>>, vector<100x128xf32>
    %dot_general3A_15 = arith.constant dense<0.000000e+00> : vector<1024x128xf32>
    %dot_general3A_16 = tpu.matmul %max3A_11, %get3A_14, %dot_general3A_15 {dimension_numbers = #tpu.dot_dimension_numbers<[1], [0], [0], [1], [0, 0, 1, 1], [], []>, transpose_lhs_hint = false} : vector<1024x100xf32>, vector<100x128xf32>, vector<1024x128xf32> -> vector<1024x128xf32>
    %get3A_17 = arith.constant 0 : index
    %get3A_18 = arith.constant 0 : index
    %get3A_19 = vector.load %arg2[%get3A_17, %get3A_18] : memref<1024x128xf32, #tpu.memory_space<vmem>>, vector<1024x128xf32>
    %mul3A = arith.mulf %dot_general3A_16, %get3A_19 : vector<1024x128xf32>
    %broadcast_in_dim3A = arith.constant 0.000000e+00 : f32
    %broadcast_in_dim3A_20 = vector.broadcast %broadcast_in_dim3A : f32 to vector<1024x144xf32>
    %get3A_21 = arith.constant 0 : index
    %get3A_22 = arith.constant 0 : index
    %get3A_23 = vector.load %arg6[%get3A_21, %get3A_22] : memref<1152x144xf32, #tpu.memory_space<vmem>>, vector<128x144xf32>
    %dot_general3A_24 = arith.constant dense<0.000000e+00> : vector<1024x144xf32>
    %dot_general3A_25 = tpu.matmul %mul3A, %get3A_23, %dot_general3A_24 {dimension_numbers = #tpu.dot_dimension_numbers<[1], [0], [0], [1], [0, 0, 1, 1], [], []>, transpose_lhs_hint = false} : vector<1024x128xf32>, vector<128x144xf32>, vector<1024x144xf32> -> vector<1024x144xf32>
    %get3A_26 = arith.constant 0 : index
    %get3A_27 = arith.constant 0 : index
    %get3A_28 = vector.load %arg1[%get3A_26, %get3A_27] : memref<1024x32xf32, #tpu.memory_space<vmem>>, vector<1024x1xf32>
    %mul3A_29 = vector.broadcast %get3A_28 : vector<1024x1xf32> to vector<1024x144xf32>
    %mul3A_30 = arith.mulf %mul3A_29, %dot_general3A_25 : vector<1024x144xf32>
    %add3A_31 = arith.addf %broadcast_in_dim3A_20, %mul3A_30 : vector<1024x144xf32>
    %get3A_32 = arith.constant 128 : index
    %get3A_33 = arith.constant 0 : index
    %get3A_34 = vector.load %arg6[%get3A_32, %get3A_33] : memref<1152x144xf32, #tpu.memory_space<vmem>>, vector<128x144xf32>
    %dot_general3A_35 = arith.constant dense<0.000000e+00> : vector<1024x144xf32>
    %dot_general3A_36 = tpu.matmul %mul3A, %get3A_34, %dot_general3A_35 {dimension_numbers = #tpu.dot_dimension_numbers<[1], [0], [0], [1], [0, 0, 1, 1], [], []>, transpose_lhs_hint = false} : vector<1024x128xf32>, vector<128x144xf32>, vector<1024x144xf32> -> vector<1024x144xf32>
    %get3A_37 = arith.constant 0 : index
    %get3A_38 = arith.constant 1 : index
    %get3A_39 = vector.load %arg1[%get3A_37, %get3A_38] : memref<1024x32xf32, #tpu.memory_space<vmem>>, vector<1024x1xf32>
    %mul3A_40 = vector.broadcast %get3A_39 : vector<1024x1xf32> to vector<1024x144xf32>
    %mul3A_41 = arith.mulf %mul3A_40, %dot_general3A_36 : vector<1024x144xf32>
    %add3A_42 = arith.addf %add3A_31, %mul3A_41 : vector<1024x144xf32>
    %get3A_43 = arith.constant 256 : index
    %get3A_44 = arith.constant 0 : index
    %get3A_45 = vector.load %arg6[%get3A_43, %get3A_44] : memref<1152x144xf32, #tpu.memory_space<vmem>>, vector<128x144xf32>
    %dot_general3A_46 = arith.constant dense<0.000000e+00> : vector<1024x144xf32>
    %dot_general3A_47 = tpu.matmul %mul3A, %get3A_45, %dot_general3A_46 {dimension_numbers = #tpu.dot_dimension_numbers<[1], [0], [0], [1], [0, 0, 1, 1], [], []>, transpose_lhs_hint = false} : vector<1024x128xf32>, vector<128x144xf32>, vector<1024x144xf32> -> vector<1024x144xf32>
    %get3A_48 = arith.constant 0 : index
    %get3A_49 = arith.constant 2 : index
    %get3A_50 = vector.load %arg1[%get3A_48, %get3A_49] : memref<1024x32xf32, #tpu.memory_space<vmem>>, vector<1024x1xf32>
    %mul3A_51 = vector.broadcast %get3A_50 : vector<1024x1xf32> to vector<1024x144xf32>
    %mul3A_52 = arith.mulf %mul3A_51, %dot_general3A_47 : vector<1024x144xf32>
    %add3A_53 = arith.addf %add3A_42, %mul3A_52 : vector<1024x144xf32>
    %get3A_54 = arith.constant 384 : index
    %get3A_55 = arith.constant 0 : index
    %get3A_56 = vector.load %arg6[%get3A_54, %get3A_55] : memref<1152x144xf32, #tpu.memory_space<vmem>>, vector<128x144xf32>
    %dot_general3A_57 = arith.constant dense<0.000000e+00> : vector<1024x144xf32>
    %dot_general3A_58 = tpu.matmul %mul3A, %get3A_56, %dot_general3A_57 {dimension_numbers = #tpu.dot_dimension_numbers<[1], [0], [0], [1], [0, 0, 1, 1], [], []>, transpose_lhs_hint = false} : vector<1024x128xf32>, vector<128x144xf32>, vector<1024x144xf32> -> vector<1024x144xf32>
    %get3A_59 = arith.constant 0 : index
    %get3A_60 = arith.constant 3 : index
    %get3A_61 = vector.load %arg1[%get3A_59, %get3A_60] : memref<1024x32xf32, #tpu.memory_space<vmem>>, vector<1024x1xf32>
    %mul3A_62 = vector.broadcast %get3A_61 : vector<1024x1xf32> to vector<1024x144xf32>
    %mul3A_63 = arith.mulf %mul3A_62, %dot_general3A_58 : vector<1024x144xf32>
    %add3A_64 = arith.addf %add3A_53, %mul3A_63 : vector<1024x144xf32>
    %get3A_65 = arith.constant 512 : index
    %get3A_66 = arith.constant 0 : index
    %get3A_67 = vector.load %arg6[%get3A_65, %get3A_66] : memref<1152x144xf32, #tpu.memory_space<vmem>>, vector<128x144xf32>
    %dot_general3A_68 = arith.constant dense<0.000000e+00> : vector<1024x144xf32>
    %dot_general3A_69 = tpu.matmul %mul3A, %get3A_67, %dot_general3A_68 {dimension_numbers = #tpu.dot_dimension_numbers<[1], [0], [0], [1], [0, 0, 1, 1], [], []>, transpose_lhs_hint = false} : vector<1024x128xf32>, vector<128x144xf32>, vector<1024x144xf32> -> vector<1024x144xf32>
    %get3A_70 = arith.constant 0 : index
    %get3A_71 = arith.constant 4 : index
    %get3A_72 = vector.load %arg1[%get3A_70, %get3A_71] : memref<1024x32xf32, #tpu.memory_space<vmem>>, vector<1024x1xf32>
    %mul3A_73 = vector.broadcast %get3A_72 : vector<1024x1xf32> to vector<1024x144xf32>
    %mul3A_74 = arith.mulf %mul3A_73, %dot_general3A_69 : vector<1024x144xf32>
    %add3A_75 = arith.addf %add3A_64, %mul3A_74 : vector<1024x144xf32>
    %get3A_76 = arith.constant 640 : index
    %get3A_77 = arith.constant 0 : index
    %get3A_78 = vector.load %arg6[%get3A_76, %get3A_77] : memref<1152x144xf32, #tpu.memory_space<vmem>>, vector<128x144xf32>
    %dot_general3A_79 = arith.constant dense<0.000000e+00> : vector<1024x144xf32>
    %dot_general3A_80 = tpu.matmul %mul3A, %get3A_78, %dot_general3A_79 {dimension_numbers = #tpu.dot_dimension_numbers<[1], [0], [0], [1], [0, 0, 1, 1], [], []>, transpose_lhs_hint = false} : vector<1024x128xf32>, vector<128x144xf32>, vector<1024x144xf32> -> vector<1024x144xf32>
    %get3A_81 = arith.constant 0 : index
    %get3A_82 = arith.constant 5 : index
    %get3A_83 = vector.load %arg1[%get3A_81, %get3A_82] : memref<1024x32xf32, #tpu.memory_space<vmem>>, vector<1024x1xf32>
    %mul3A_84 = vector.broadcast %get3A_83 : vector<1024x1xf32> to vector<1024x144xf32>
    %mul3A_85 = arith.mulf %mul3A_84, %dot_general3A_80 : vector<1024x144xf32>
    %add3A_86 = arith.addf %add3A_75, %mul3A_85 : vector<1024x144xf32>
    %get3A_87 = arith.constant 768 : index
    %get3A_88 = arith.constant 0 : index
    %get3A_89 = vector.load %arg6[%get3A_87, %get3A_88] : memref<1152x144xf32, #tpu.memory_space<vmem>>, vector<128x144xf32>
    %dot_general3A_90 = arith.constant dense<0.000000e+00> : vector<1024x144xf32>
    %dot_general3A_91 = tpu.matmul %mul3A, %get3A_89, %dot_general3A_90 {dimension_numbers = #tpu.dot_dimension_numbers<[1], [0], [0], [1], [0, 0, 1, 1], [], []>, transpose_lhs_hint = false} : vector<1024x128xf32>, vector<128x144xf32>, vector<1024x144xf32> -> vector<1024x144xf32>
    %get3A_92 = arith.constant 0 : index
    %get3A_93 = arith.constant 6 : index
    %get3A_94 = vector.load %arg1[%get3A_92, %get3A_93] : memref<1024x32xf32, #tpu.memory_space<vmem>>, vector<1024x1xf32>
    %mul3A_95 = vector.broadcast %get3A_94 : vector<1024x1xf32> to vector<1024x144xf32>
    %mul3A_96 = arith.mulf %mul3A_95, %dot_general3A_91 : vector<1024x144xf32>
    %add3A_97 = arith.addf %add3A_86, %mul3A_96 : vector<1024x144xf32>
    %get3A_98 = arith.constant 896 : index
    %get3A_99 = arith.constant 0 : index
    %get3A_100 = vector.load %arg6[%get3A_98, %get3A_99] : memref<1152x144xf32, #tpu.memory_space<vmem>>, vector<128x144xf32>
    %dot_general3A_101 = arith.constant dense<0.000000e+00> : vector<1024x144xf32>
    %dot_general3A_102 = tpu.matmul %mul3A, %get3A_100, %dot_general3A_101 {dimension_numbers = #tpu.dot_dimension_numbers<[1], [0], [0], [1], [0, 0, 1, 1], [], []>, transpose_lhs_hint = false} : vector<1024x128xf32>, vector<128x144xf32>, vector<1024x144xf32> -> vector<1024x144xf32>
    %get3A_103 = arith.constant 0 : index
    %get3A_104 = arith.constant 7 : index
    %get3A_105 = vector.load %arg1[%get3A_103, %get3A_104] : memref<1024x32xf32, #tpu.memory_space<vmem>>, vector<1024x1xf32>
    %mul3A_106 = vector.broadcast %get3A_105 : vector<1024x1xf32> to vector<1024x144xf32>
    %mul3A_107 = arith.mulf %mul3A_106, %dot_general3A_102 : vector<1024x144xf32>
    %add3A_108 = arith.addf %add3A_97, %mul3A_107 : vector<1024x144xf32>
    %get3A_109 = arith.constant 1024 : index
    %get3A_110 = arith.constant 0 : index
    %get3A_111 = vector.load %arg6[%get3A_109, %get3A_110] : memref<1152x144xf32, #tpu.memory_space<vmem>>, vector<128x144xf32>
    %dot_general3A_112 = arith.constant dense<0.000000e+00> : vector<1024x144xf32>
    %dot_general3A_113 = tpu.matmul %mul3A, %get3A_111, %dot_general3A_112 {dimension_numbers = #tpu.dot_dimension_numbers<[1], [0], [0], [1], [0, 0, 1, 1], [], []>, transpose_lhs_hint = false} : vector<1024x128xf32>, vector<128x144xf32>, vector<1024x144xf32> -> vector<1024x144xf32>
    %get3A_114 = arith.constant 0 : index
    %get3A_115 = arith.constant 8 : index
    %get3A_116 = vector.load %arg1[%get3A_114, %get3A_115] : memref<1024x32xf32, #tpu.memory_space<vmem>>, vector<1024x1xf32>
    %mul3A_117 = vector.broadcast %get3A_116 : vector<1024x1xf32> to vector<1024x144xf32>
    %mul3A_118 = arith.mulf %mul3A_117, %dot_general3A_113 : vector<1024x144xf32>
    %add3A_119 = arith.addf %add3A_108, %mul3A_118 : vector<1024x144xf32>
    %slice3A = vector.extract_strided_slice %add3A_119 {offsets = [0, 0], sizes = [1024, 128], strides = [1, 1]} : vector<1024x144xf32> to vector<1024x128xf32>
    %swap3A = arith.constant 0 : index
    %swap3A_120 = arith.constant 0 : index
    %swap3A_121 = vector.load %arg7[%swap3A, %swap3A_120] : memref<1024x128xf32, #tpu.memory_space<vmem>>, vector<1024x128xf32>
    tpu.vector_store %arg7[%swap3A, %swap3A_120], %slice3A {strides = array<i32>} : memref<1024x128xf32, #tpu.memory_space<vmem>>, vector<1024x128xf32>,
    %slice3A_122 = vector.extract_strided_slice %add3A_119 {offsets = [0, 128], sizes = [1024, 16], strides = [1, 1]} : vector<1024x144xf32> to vector<1024x16xf32>
    %broadcast_in_dim3A_123 = arith.constant 0.000000e+00 : f32
    %broadcast_in_dim3A_124 = vector.broadcast %broadcast_in_dim3A_123 : f32 to vector<1024x112xf32>
    %concatenate3A = tpu.concatenate %slice3A_122, %broadcast_in_dim3A_124 in 1 : vector<1024x16xf32>, vector<1024x112xf32> -> vector<1024x128xf32>
    %swap3A_125 = arith.constant 0 : index
    %swap3A_126 = arith.constant 0 : index
    %swap3A_127 = vector.load %arg8[%swap3A_125, %swap3A_126] : memref<1024x128xf32, #tpu.memory_space<vmem>>, vector<1024x128xf32>
    tpu.vector_store %arg8[%swap3A_125, %swap3A_126], %concatenate3A {strides = array<i32>} : memref<1024x128xf32, #tpu.memory_space<vmem>>, vector<1024x128xf32>,
    return
  }
  func.func @transform_0(%arg0: i32) -> (i32, i32) {
    %c0_i32 = arith.constant 0 : i32
    %c0_i32_0 = arith.constant 0 : i32
    return %arg0, %c0_i32 : i32, i32
  }
  func.func @transform_1(%arg0: i32) -> (i32, i32) {
    %c0_i32 = arith.constant 0 : i32
    %c0_i32_0 = arith.constant 0 : i32
    return %arg0, %c0_i32 : i32, i32
  }
  func.func @transform_2(%arg0: i32) -> (i32, i32) {
    %c0_i32 = arith.constant 0 : i32
    %c0_i32_0 = arith.constant 0 : i32
    %c0_i32_1 = arith.constant 0 : i32
    return %c0_i32, %c0_i32_0 : i32, i32
  }
  func.func @transform_3(%arg0: i32) -> (i32, i32) {
    %c0_i32 = arith.constant 0 : i32
    %c0_i32_0 = arith.constant 0 : i32
    %c0_i32_1 = arith.constant 0 : i32
    return %c0_i32, %c0_i32_0 : i32, i32
  }
  func.func @transform_4(%arg0: i32) -> (i32, i32) {
    %c0_i32 = arith.constant 0 : i32
    %c0_i32_0 = arith.constant 0 : i32
    %c0_i32_1 = arith.constant 0 : i32
    return %c0_i32, %c0_i32_0 : i32, i32
  }
  func.func @transform_5(%arg0: i32) -> (i32, i32) {
    %c0_i32 = arith.constant 0 : i32
    %c0_i32_0 = arith.constant 0 : i32
    %c0_i32_1 = arith.constant 0 : i32
    return %c0_i32, %c0_i32_0 : i32, i32
  }
  func.func @transform_6(%arg0: i32) -> (i32, i32) {
    %c0_i32 = arith.constant 0 : i32
    %c0_i32_0 = arith.constant 0 : i32
    return %arg0, %c0_i32 : i32, i32
  }
  func.func @transform_7(%arg0: i32) -> (i32, i32) {
    %c0_i32 = arith.constant 0 : i32
    %c0_i32_0 = arith.constant 0 : i32
    return %arg0, %c0_i32 : i32, i32
  }
}

module attributes {stable_mosaic.version = 14 : i64} {
  func.func @body(%arg0: i32, %arg1: memref<1000x128xf32, #tpu.memory_space<vmem>>, %arg2: memref<1000x128xf32, #tpu.memory_space<vmem>>, %arg3: memref<1000x128xf32, #tpu.memory_space<vmem>>, %arg4: memref<128x144xf32, #tpu.memory_space<vmem>>, %arg5: memref<1000x256xf32, #tpu.memory_space<vmem>>, %arg6: memref<1000x144xf32, #tpu.memory_space<vmem>>, %arg7: memref<1x144xf32, #tpu.memory_space<vmem>>) attributes {dimension_semantics = [#tpu.dimension_semantics<arbitrary>], iteration_bounds = array<i64: 10>, scalar_prefetch = 0 : i64, scratch_operands = 0 : i64, tpu.core_type = #tpu.core_type<tc>, window_params = [{transform_indices = @transform_0, window_bounds = array<i64: 1000, 128>}, {transform_indices = @transform_1, window_bounds = array<i64: 1000, 128>}, {transform_indices = @transform_2, window_bounds = array<i64: 1000, 128>}, {pipeline_mode = #tpu.pipeline_mode<synchronous>, transform_indices = @transform_3, window_bounds = array<i64: 128, 144>}, {transform_indices = @transform_4, window_bounds = array<i64: 1000, 256>}, {transform_indices = @transform_5, window_bounds = array<i64: 1000, 144>}, {pipeline_mode = #tpu.pipeline_mode<synchronous>, transform_indices = @transform_6, window_bounds = array<i64: 1, 144>}]} {
    %get3A = arith.constant 0 : index
    %get3A_0 = arith.constant 0 : index
    %get3A_1 = vector.load %arg1[%get3A, %get3A_0] : memref<1000x128xf32, #tpu.memory_space<vmem>>, vector<1000x128xf32>
    %get3A_2 = arith.constant 0 : index
    %get3A_3 = arith.constant 0 : index
    %get3A_4 = vector.load %arg2[%get3A_2, %get3A_3] : memref<1000x128xf32, #tpu.memory_space<vmem>>, vector<1000x16xf32>
    %concatenate3A = tpu.concatenate %get3A_1, %get3A_4 in 1 : vector<1000x128xf32>, vector<1000x16xf32> -> vector<1000x144xf32>
    %mul3A = arith.constant 2.500000e-01 : f32
    %mul3A_5 = vector.broadcast %mul3A : f32 to vector<1000x144xf32>
    %mul3A_6 = arith.mulf %concatenate3A, %mul3A_5 : vector<1000x144xf32>
    %get3A_7 = arith.constant 0 : index
    %get3A_8 = arith.constant 0 : index
    %get3A_9 = vector.load %arg3[%get3A_7, %get3A_8] : memref<1000x128xf32, #tpu.memory_space<vmem>>, vector<1000x128xf32>
    %get3A_10 = arith.constant 0 : index
    %get3A_11 = arith.constant 0 : index
    %get3A_12 = vector.load %arg4[%get3A_10, %get3A_11] : memref<128x144xf32, #tpu.memory_space<vmem>>, vector<128x144xf32>
    %dot_general3A = arith.constant dense<0.000000e+00> : vector<1000x144xf32>
    %dot_general3A_13 = tpu.matmul %get3A_9, %get3A_12, %dot_general3A {dimension_numbers = #tpu.dot_dimension_numbers<[1], [0], [0], [1], [0, 0, 1, 1], [], []>, transpose_lhs_hint = false} : vector<1000x128xf32>, vector<128x144xf32>, vector<1000x144xf32> -> vector<1000x144xf32>
    %add3A = arith.addf %mul3A_6, %dot_general3A_13 : vector<1000x144xf32>
    %integer_pow3A = arith.mulf %add3A, %add3A : vector<1000x144xf32>
    %integer_pow3A_14 = arith.mulf %add3A, %integer_pow3A : vector<1000x144xf32>
    %mul3A_15 = arith.constant 4.471500e-02 : f32
    %mul3A_16 = vector.broadcast %mul3A_15 : f32 to vector<1000x144xf32>
    %mul3A_17 = arith.mulf %mul3A_16, %integer_pow3A_14 : vector<1000x144xf32>
    %add3A_18 = arith.addf %add3A, %mul3A_17 : vector<1000x144xf32>
    %mul3A_19 = arith.constant 0.797884583 : f32
    %mul3A_20 = vector.broadcast %mul3A_19 : f32 to vector<1000x144xf32>
    %mul3A_21 = arith.mulf %mul3A_20, %add3A_18 : vector<1000x144xf32>
    %tanh3A = math.tanh %mul3A_21 : vector<1000x144xf32>
    %add3A_22 = arith.constant 1.000000e+00 : f32
    %add3A_23 = vector.broadcast %add3A_22 : f32 to vector<1000x144xf32>
    %add3A_24 = arith.addf %add3A_23, %tanh3A : vector<1000x144xf32>
    %mul3A_25 = arith.constant 5.000000e-01 : f32
    %mul3A_26 = vector.broadcast %mul3A_25 : f32 to vector<1000x144xf32>
    %mul3A_27 = arith.mulf %mul3A_26, %add3A_24 : vector<1000x144xf32>
    %mul3A_28 = arith.mulf %add3A, %mul3A_27 : vector<1000x144xf32>
    %broadcast_in_dim3A = arith.constant 0.000000e+00 : f32
    %broadcast_in_dim3A_29 = vector.broadcast %broadcast_in_dim3A : f32 to vector<1000x112xf32>
    %concatenate3A_30 = tpu.concatenate %mul3A_28, %broadcast_in_dim3A_29 in 1 : vector<1000x144xf32>, vector<1000x112xf32> -> vector<1000x256xf32>
    %swap3A = arith.constant 0 : index
    %swap3A_31 = arith.constant 0 : index
    %swap3A_32 = vector.load %arg5[%swap3A, %swap3A_31] : memref<1000x256xf32, #tpu.memory_space<vmem>>, vector<1000x256xf32>
    tpu.vector_store %arg5[%swap3A, %swap3A_31], %concatenate3A_30 {strides = array<i32>} : memref<1000x256xf32, #tpu.memory_space<vmem>>, vector<1000x256xf32>,
    %swap3A_33 = arith.constant 0 : index
    %swap3A_34 = arith.constant 0 : index
    %swap3A_35 = vector.load %arg6[%swap3A_33, %swap3A_34] : memref<1000x144xf32, #tpu.memory_space<vmem>>, vector<1000x144xf32>
    tpu.vector_store %arg6[%swap3A_33, %swap3A_34], %mul3A_28 {strides = array<i32>} : memref<1000x144xf32, #tpu.memory_space<vmem>>, vector<1000x144xf32>,
    %eq3A = arith.constant 0 : i32
    %eq3A_36 = arith.cmpi eq, %arg0, %eq3A : i32
    %convert_element_type3A = arith.extui %eq3A_36 : i1 to i32
    %cond3A = arith.constant 0 : i32
    %cond3A_37 = arith.cmpi ne, %convert_element_type3A, %cond3A : i32
    scf.if %cond3A_37 {
      %broadcast_in_dim3A_47 = arith.constant 0.000000e+00 : f32
      %broadcast_in_dim3A_48 = vector.broadcast %broadcast_in_dim3A_47 : f32 to vector<1x144xf32>
      %swap3A_49 = arith.constant 0 : index
      %swap3A_50 = arith.constant 0 : index
      %swap3A_51 = vector.load %arg7[%swap3A_49, %swap3A_50] : memref<1x144xf32, #tpu.memory_space<vmem>>, vector<1x144xf32>
      tpu.vector_store %arg7[%swap3A_49, %swap3A_50], %broadcast_in_dim3A_48 {strides = array<i32>} : memref<1x144xf32, #tpu.memory_space<vmem>>, vector<1x144xf32>,
    } else {
    }
    %get3A_38 = arith.constant 0 : index
    %get3A_39 = arith.constant 0 : index
    %get3A_40 = vector.load %arg7[%get3A_38, %get3A_39] : memref<1x144xf32, #tpu.memory_space<vmem>>, vector<1x144xf32>
    %reduce_sum3A = arith.constant dense<0.000000e+00> : vector<144xf32>
    %reduce_sum3A_41 = vector.multi_reduction <add>, %mul3A_28, %reduce_sum3A [0] : vector<1000x144xf32> to vector<144xf32>
    %broadcast_in_dim3A_42 = vector.shape_cast %reduce_sum3A_41 : vector<144xf32> to vector<1x144xf32>
    %add3A_43 = arith.addf %get3A_40, %broadcast_in_dim3A_42 : vector<1x144xf32>
    %swap3A_44 = arith.constant 0 : index
    %swap3A_45 = arith.constant 0 : index
    %swap3A_46 = vector.load %arg7[%swap3A_44, %swap3A_45] : memref<1x144xf32, #tpu.memory_space<vmem>>, vector<1x144xf32>
    tpu.vector_store %arg7[%swap3A_44, %swap3A_45], %add3A_43 {strides = array<i32>} : memref<1x144xf32, #tpu.memory_space<vmem>>, vector<1x144xf32>,
    return
  }
  func.func @transform_0(%arg0: i32) -> (i32, i32) {
    %c0_i32 = arith.constant 0 : i32
    %c0_i32_0 = arith.constant 0 : i32
    return %arg0, %c0_i32 : i32, i32
  }
  func.func @transform_1(%arg0: i32) -> (i32, i32) {
    %c0_i32 = arith.constant 0 : i32
    %c0_i32_0 = arith.constant 0 : i32
    return %arg0, %c0_i32 : i32, i32
  }
  func.func @transform_2(%arg0: i32) -> (i32, i32) {
    %c0_i32 = arith.constant 0 : i32
    %c0_i32_0 = arith.constant 0 : i32
    return %arg0, %c0_i32 : i32, i32
  }
  func.func @transform_3(%arg0: i32) -> (i32, i32) {
    %c0_i32 = arith.constant 0 : i32
    %c0_i32_0 = arith.constant 0 : i32
    %c0_i32_1 = arith.constant 0 : i32
    return %c0_i32, %c0_i32_0 : i32, i32
  }
  func.func @transform_4(%arg0: i32) -> (i32, i32) {
    %c0_i32 = arith.constant 0 : i32
    %c0_i32_0 = arith.constant 0 : i32
    return %arg0, %c0_i32 : i32, i32
  }
  func.func @transform_5(%arg0: i32) -> (i32, i32) {
    %c0_i32 = arith.constant 0 : i32
    %c0_i32_0 = arith.constant 0 : i32
    return %arg0, %c0_i32 : i32, i32
  }
  func.func @transform_6(%arg0: i32) -> (i32, i32) {
    %c0_i32 = arith.constant 0 : i32
    %c0_i32_0 = arith.constant 0 : i32
    %c0_i32_1 = arith.constant 0 : i32
    return %c0_i32, %c0_i32_0 : i32, i32
  }
}

module attributes {stable_mosaic.version = 14 : i64} {
  func.func @body(%arg0: i32, %arg1: memref<1024x32xf32, #tpu.memory_space<vmem>>, %arg2: memref<1024x256xf32, #tpu.memory_space<vmem>>, %arg3: memref<32x100xf32, #tpu.memory_space<vmem>>, %arg4: memref<1x100xf32, #tpu.memory_space<vmem>>, %arg5: memref<100x144xf32, #tpu.memory_space<vmem>>, %arg6: memref<1296x144xf32, #tpu.memory_space<vmem>>, %arg7: memref<1024x128xf32, #tpu.memory_space<vmem>>, %arg8: memref<1024x128xf32, #tpu.memory_space<vmem>>) attributes {dimension_semantics = [#tpu.dimension_semantics<arbitrary>], iteration_bounds = array<i64: 160>, scalar_prefetch = 0 : i64, scratch_operands = 0 : i64, tpu.core_type = #tpu.core_type<tc>, window_params = [{transform_indices = @transform_0, window_bounds = array<i64: 1024, 32>}, {transform_indices = @transform_1, window_bounds = array<i64: 1024, 256>}, {pipeline_mode = #tpu.pipeline_mode<synchronous>, transform_indices = @transform_2, window_bounds = array<i64: 32, 100>}, {pipeline_mode = #tpu.pipeline_mode<synchronous>, transform_indices = @transform_3, window_bounds = array<i64: 1, 100>}, {pipeline_mode = #tpu.pipeline_mode<synchronous>, transform_indices = @transform_4, window_bounds = array<i64: 100, 144>}, {pipeline_mode = #tpu.pipeline_mode<synchronous>, transform_indices = @transform_5, window_bounds = array<i64: 1296, 144>}, {transform_indices = @transform_6, window_bounds = array<i64: 1024, 128>}, {transform_indices = @transform_7, window_bounds = array<i64: 1024, 128>}]} {
    %get3A = arith.constant 0 : index
    %get3A_0 = arith.constant 0 : index
    %get3A_1 = vector.load %arg1[%get3A, %get3A_0] : memref<1024x32xf32, #tpu.memory_space<vmem>>, vector<1024x32xf32>
    %get3A_2 = arith.constant 0 : index
    %get3A_3 = arith.constant 0 : index
    %get3A_4 = vector.load %arg3[%get3A_2, %get3A_3] : memref<32x100xf32, #tpu.memory_space<vmem>>, vector<32x100xf32>
    %dot_general3A = arith.constant dense<0.000000e+00> : vector<1024x100xf32>
    %dot_general3A_5 = tpu.matmul %get3A_1, %get3A_4, %dot_general3A {dimension_numbers = #tpu.dot_dimension_numbers<[1], [0], [0], [1], [0, 0, 1, 1], [], []>, transpose_lhs_hint = false} : vector<1024x32xf32>, vector<32x100xf32>, vector<1024x100xf32> -> vector<1024x100xf32>
    %get3A_6 = arith.constant 0 : index
    %get3A_7 = arith.constant 0 : index
    %get3A_8 = vector.load %arg4[%get3A_6, %get3A_7] : memref<1x100xf32, #tpu.memory_space<vmem>>, vector<1x100xf32>
    %add3A = vector.broadcast %get3A_8 : vector<1x100xf32> to vector<1024x100xf32>
    %add3A_9 = arith.addf %dot_general3A_5, %add3A : vector<1024x100xf32>
    %max3A = arith.constant 0.000000e+00 : f32
    %max3A_10 = vector.broadcast %max3A : f32 to vector<1024x100xf32>
    %max3A_11 = arith.maximumf %add3A_9, %max3A_10 : vector<1024x100xf32>
    %get3A_12 = arith.constant 0 : index
    %get3A_13 = arith.constant 0 : index
    %get3A_14 = vector.load %arg5[%get3A_12, %get3A_13] : memref<100x144xf32, #tpu.memory_space<vmem>>, vector<100x144xf32>
    %dot_general3A_15 = arith.constant dense<0.000000e+00> : vector<1024x144xf32>
    %dot_general3A_16 = tpu.matmul %max3A_11, %get3A_14, %dot_general3A_15 {dimension_numbers = #tpu.dot_dimension_numbers<[1], [0], [0], [1], [0, 0, 1, 1], [], []>, transpose_lhs_hint = false} : vector<1024x100xf32>, vector<100x144xf32>, vector<1024x144xf32> -> vector<1024x144xf32>
    %get3A_17 = arith.constant 0 : index
    %get3A_18 = arith.constant 0 : index
    %get3A_19 = vector.load %arg2[%get3A_17, %get3A_18] : memref<1024x256xf32, #tpu.memory_space<vmem>>, vector<1024x144xf32>
    %mul3A = arith.mulf %dot_general3A_16, %get3A_19 : vector<1024x144xf32>
    %broadcast_in_dim3A = arith.constant 0.000000e+00 : f32
    %broadcast_in_dim3A_20 = vector.broadcast %broadcast_in_dim3A : f32 to vector<1024x144xf32>
    %get3A_21 = arith.constant 0 : index
    %get3A_22 = arith.constant 0 : index
    %get3A_23 = vector.load %arg6[%get3A_21, %get3A_22] : memref<1296x144xf32, #tpu.memory_space<vmem>>, vector<144x144xf32>
    %dot_general3A_24 = arith.constant dense<0.000000e+00> : vector<1024x144xf32>
    %dot_general3A_25 = tpu.matmul %mul3A, %get3A_23, %dot_general3A_24 {dimension_numbers = #tpu.dot_dimension_numbers<[1], [0], [0], [1], [0, 0, 1, 1], [], []>, transpose_lhs_hint = false} : vector<1024x144xf32>, vector<144x144xf32>, vector<1024x144xf32> -> vector<1024x144xf32>
    %get3A_26 = arith.constant 0 : index
    %get3A_27 = arith.constant 0 : index
    %get3A_28 = vector.load %arg1[%get3A_26, %get3A_27] : memref<1024x32xf32, #tpu.memory_space<vmem>>, vector<1024x1xf32>
    %mul3A_29 = vector.broadcast %get3A_28 : vector<1024x1xf32> to vector<1024x144xf32>
    %mul3A_30 = arith.mulf %mul3A_29, %dot_general3A_25 : vector<1024x144xf32>
    %add3A_31 = arith.addf %broadcast_in_dim3A_20, %mul3A_30 : vector<1024x144xf32>
    %get3A_32 = arith.constant 144 : index
    %get3A_33 = arith.constant 0 : index
    %get3A_34 = vector.load %arg6[%get3A_32, %get3A_33] : memref<1296x144xf32, #tpu.memory_space<vmem>>, vector<144x144xf32>
    %dot_general3A_35 = arith.constant dense<0.000000e+00> : vector<1024x144xf32>
    %dot_general3A_36 = tpu.matmul %mul3A, %get3A_34, %dot_general3A_35 {dimension_numbers = #tpu.dot_dimension_numbers<[1], [0], [0], [1], [0, 0, 1, 1], [], []>, transpose_lhs_hint = false} : vector<1024x144xf32>, vector<144x144xf32>, vector<1024x144xf32> -> vector<1024x144xf32>
    %get3A_37 = arith.constant 0 : index
    %get3A_38 = arith.constant 1 : index
    %get3A_39 = vector.load %arg1[%get3A_37, %get3A_38] : memref<1024x32xf32, #tpu.memory_space<vmem>>, vector<1024x1xf32>
    %mul3A_40 = vector.broadcast %get3A_39 : vector<1024x1xf32> to vector<1024x144xf32>
    %mul3A_41 = arith.mulf %mul3A_40, %dot_general3A_36 : vector<1024x144xf32>
    %add3A_42 = arith.addf %add3A_31, %mul3A_41 : vector<1024x144xf32>
    %get3A_43 = arith.constant 288 : index
    %get3A_44 = arith.constant 0 : index
    %get3A_45 = vector.load %arg6[%get3A_43, %get3A_44] : memref<1296x144xf32, #tpu.memory_space<vmem>>, vector<144x144xf32>
    %dot_general3A_46 = arith.constant dense<0.000000e+00> : vector<1024x144xf32>
    %dot_general3A_47 = tpu.matmul %mul3A, %get3A_45, %dot_general3A_46 {dimension_numbers = #tpu.dot_dimension_numbers<[1], [0], [0], [1], [0, 0, 1, 1], [], []>, transpose_lhs_hint = false} : vector<1024x144xf32>, vector<144x144xf32>, vector<1024x144xf32> -> vector<1024x144xf32>
    %get3A_48 = arith.constant 0 : index
    %get3A_49 = arith.constant 2 : index
    %get3A_50 = vector.load %arg1[%get3A_48, %get3A_49] : memref<1024x32xf32, #tpu.memory_space<vmem>>, vector<1024x1xf32>
    %mul3A_51 = vector.broadcast %get3A_50 : vector<1024x1xf32> to vector<1024x144xf32>
    %mul3A_52 = arith.mulf %mul3A_51, %dot_general3A_47 : vector<1024x144xf32>
    %add3A_53 = arith.addf %add3A_42, %mul3A_52 : vector<1024x144xf32>
    %get3A_54 = arith.constant 432 : index
    %get3A_55 = arith.constant 0 : index
    %get3A_56 = vector.load %arg6[%get3A_54, %get3A_55] : memref<1296x144xf32, #tpu.memory_space<vmem>>, vector<144x144xf32>
    %dot_general3A_57 = arith.constant dense<0.000000e+00> : vector<1024x144xf32>
    %dot_general3A_58 = tpu.matmul %mul3A, %get3A_56, %dot_general3A_57 {dimension_numbers = #tpu.dot_dimension_numbers<[1], [0], [0], [1], [0, 0, 1, 1], [], []>, transpose_lhs_hint = false} : vector<1024x144xf32>, vector<144x144xf32>, vector<1024x144xf32> -> vector<1024x144xf32>
    %get3A_59 = arith.constant 0 : index
    %get3A_60 = arith.constant 3 : index
    %get3A_61 = vector.load %arg1[%get3A_59, %get3A_60] : memref<1024x32xf32, #tpu.memory_space<vmem>>, vector<1024x1xf32>
    %mul3A_62 = vector.broadcast %get3A_61 : vector<1024x1xf32> to vector<1024x144xf32>
    %mul3A_63 = arith.mulf %mul3A_62, %dot_general3A_58 : vector<1024x144xf32>
    %add3A_64 = arith.addf %add3A_53, %mul3A_63 : vector<1024x144xf32>
    %get3A_65 = arith.constant 576 : index
    %get3A_66 = arith.constant 0 : index
    %get3A_67 = vector.load %arg6[%get3A_65, %get3A_66] : memref<1296x144xf32, #tpu.memory_space<vmem>>, vector<144x144xf32>
    %dot_general3A_68 = arith.constant dense<0.000000e+00> : vector<1024x144xf32>
    %dot_general3A_69 = tpu.matmul %mul3A, %get3A_67, %dot_general3A_68 {dimension_numbers = #tpu.dot_dimension_numbers<[1], [0], [0], [1], [0, 0, 1, 1], [], []>, transpose_lhs_hint = false} : vector<1024x144xf32>, vector<144x144xf32>, vector<1024x144xf32> -> vector<1024x144xf32>
    %get3A_70 = arith.constant 0 : index
    %get3A_71 = arith.constant 4 : index
    %get3A_72 = vector.load %arg1[%get3A_70, %get3A_71] : memref<1024x32xf32, #tpu.memory_space<vmem>>, vector<1024x1xf32>
    %mul3A_73 = vector.broadcast %get3A_72 : vector<1024x1xf32> to vector<1024x144xf32>
    %mul3A_74 = arith.mulf %mul3A_73, %dot_general3A_69 : vector<1024x144xf32>
    %add3A_75 = arith.addf %add3A_64, %mul3A_74 : vector<1024x144xf32>
    %get3A_76 = arith.constant 720 : index
    %get3A_77 = arith.constant 0 : index
    %get3A_78 = vector.load %arg6[%get3A_76, %get3A_77] : memref<1296x144xf32, #tpu.memory_space<vmem>>, vector<144x144xf32>
    %dot_general3A_79 = arith.constant dense<0.000000e+00> : vector<1024x144xf32>
    %dot_general3A_80 = tpu.matmul %mul3A, %get3A_78, %dot_general3A_79 {dimension_numbers = #tpu.dot_dimension_numbers<[1], [0], [0], [1], [0, 0, 1, 1], [], []>, transpose_lhs_hint = false} : vector<1024x144xf32>, vector<144x144xf32>, vector<1024x144xf32> -> vector<1024x144xf32>
    %get3A_81 = arith.constant 0 : index
    %get3A_82 = arith.constant 5 : index
    %get3A_83 = vector.load %arg1[%get3A_81, %get3A_82] : memref<1024x32xf32, #tpu.memory_space<vmem>>, vector<1024x1xf32>
    %mul3A_84 = vector.broadcast %get3A_83 : vector<1024x1xf32> to vector<1024x144xf32>
    %mul3A_85 = arith.mulf %mul3A_84, %dot_general3A_80 : vector<1024x144xf32>
    %add3A_86 = arith.addf %add3A_75, %mul3A_85 : vector<1024x144xf32>
    %get3A_87 = arith.constant 864 : index
    %get3A_88 = arith.constant 0 : index
    %get3A_89 = vector.load %arg6[%get3A_87, %get3A_88] : memref<1296x144xf32, #tpu.memory_space<vmem>>, vector<144x144xf32>
    %dot_general3A_90 = arith.constant dense<0.000000e+00> : vector<1024x144xf32>
    %dot_general3A_91 = tpu.matmul %mul3A, %get3A_89, %dot_general3A_90 {dimension_numbers = #tpu.dot_dimension_numbers<[1], [0], [0], [1], [0, 0, 1, 1], [], []>, transpose_lhs_hint = false} : vector<1024x144xf32>, vector<144x144xf32>, vector<1024x144xf32> -> vector<1024x144xf32>
    %get3A_92 = arith.constant 0 : index
    %get3A_93 = arith.constant 6 : index
    %get3A_94 = vector.load %arg1[%get3A_92, %get3A_93] : memref<1024x32xf32, #tpu.memory_space<vmem>>, vector<1024x1xf32>
    %mul3A_95 = vector.broadcast %get3A_94 : vector<1024x1xf32> to vector<1024x144xf32>
    %mul3A_96 = arith.mulf %mul3A_95, %dot_general3A_91 : vector<1024x144xf32>
    %add3A_97 = arith.addf %add3A_86, %mul3A_96 : vector<1024x144xf32>
    %get3A_98 = arith.constant 1008 : index
    %get3A_99 = arith.constant 0 : index
    %get3A_100 = vector.load %arg6[%get3A_98, %get3A_99] : memref<1296x144xf32, #tpu.memory_space<vmem>>, vector<144x144xf32>
    %dot_general3A_101 = arith.constant dense<0.000000e+00> : vector<1024x144xf32>
    %dot_general3A_102 = tpu.matmul %mul3A, %get3A_100, %dot_general3A_101 {dimension_numbers = #tpu.dot_dimension_numbers<[1], [0], [0], [1], [0, 0, 1, 1], [], []>, transpose_lhs_hint = false} : vector<1024x144xf32>, vector<144x144xf32>, vector<1024x144xf32> -> vector<1024x144xf32>
    %get3A_103 = arith.constant 0 : index
    %get3A_104 = arith.constant 7 : index
    %get3A_105 = vector.load %arg1[%get3A_103, %get3A_104] : memref<1024x32xf32, #tpu.memory_space<vmem>>, vector<1024x1xf32>
    %mul3A_106 = vector.broadcast %get3A_105 : vector<1024x1xf32> to vector<1024x144xf32>
    %mul3A_107 = arith.mulf %mul3A_106, %dot_general3A_102 : vector<1024x144xf32>
    %add3A_108 = arith.addf %add3A_97, %mul3A_107 : vector<1024x144xf32>
    %get3A_109 = arith.constant 1152 : index
    %get3A_110 = arith.constant 0 : index
    %get3A_111 = vector.load %arg6[%get3A_109, %get3A_110] : memref<1296x144xf32, #tpu.memory_space<vmem>>, vector<144x144xf32>
    %dot_general3A_112 = arith.constant dense<0.000000e+00> : vector<1024x144xf32>
    %dot_general3A_113 = tpu.matmul %mul3A, %get3A_111, %dot_general3A_112 {dimension_numbers = #tpu.dot_dimension_numbers<[1], [0], [0], [1], [0, 0, 1, 1], [], []>, transpose_lhs_hint = false} : vector<1024x144xf32>, vector<144x144xf32>, vector<1024x144xf32> -> vector<1024x144xf32>
    %get3A_114 = arith.constant 0 : index
    %get3A_115 = arith.constant 8 : index
    %get3A_116 = vector.load %arg1[%get3A_114, %get3A_115] : memref<1024x32xf32, #tpu.memory_space<vmem>>, vector<1024x1xf32>
    %mul3A_117 = vector.broadcast %get3A_116 : vector<1024x1xf32> to vector<1024x144xf32>
    %mul3A_118 = arith.mulf %mul3A_117, %dot_general3A_113 : vector<1024x144xf32>
    %add3A_119 = arith.addf %add3A_108, %mul3A_118 : vector<1024x144xf32>
    %slice3A = vector.extract_strided_slice %add3A_119 {offsets = [0, 0], sizes = [1024, 128], strides = [1, 1]} : vector<1024x144xf32> to vector<1024x128xf32>
    %swap3A = arith.constant 0 : index
    %swap3A_120 = arith.constant 0 : index
    %swap3A_121 = vector.load %arg7[%swap3A, %swap3A_120] : memref<1024x128xf32, #tpu.memory_space<vmem>>, vector<1024x128xf32>
    tpu.vector_store %arg7[%swap3A, %swap3A_120], %slice3A {strides = array<i32>} : memref<1024x128xf32, #tpu.memory_space<vmem>>, vector<1024x128xf32>,
    %slice3A_122 = vector.extract_strided_slice %add3A_119 {offsets = [0, 128], sizes = [1024, 16], strides = [1, 1]} : vector<1024x144xf32> to vector<1024x16xf32>
    %broadcast_in_dim3A_123 = arith.constant 0.000000e+00 : f32
    %broadcast_in_dim3A_124 = vector.broadcast %broadcast_in_dim3A_123 : f32 to vector<1024x112xf32>
    %concatenate3A = tpu.concatenate %slice3A_122, %broadcast_in_dim3A_124 in 1 : vector<1024x16xf32>, vector<1024x112xf32> -> vector<1024x128xf32>
    %swap3A_125 = arith.constant 0 : index
    %swap3A_126 = arith.constant 0 : index
    %swap3A_127 = vector.load %arg8[%swap3A_125, %swap3A_126] : memref<1024x128xf32, #tpu.memory_space<vmem>>, vector<1024x128xf32>
    tpu.vector_store %arg8[%swap3A_125, %swap3A_126], %concatenate3A {strides = array<i32>} : memref<1024x128xf32, #tpu.memory_space<vmem>>, vector<1024x128xf32>,
    return
  }
  func.func @transform_0(%arg0: i32) -> (i32, i32) {
    %c0_i32 = arith.constant 0 : i32
    %c0_i32_0 = arith.constant 0 : i32
    return %arg0, %c0_i32 : i32, i32
  }
  func.func @transform_1(%arg0: i32) -> (i32, i32) {
    %c0_i32 = arith.constant 0 : i32
    %c0_i32_0 = arith.constant 0 : i32
    return %arg0, %c0_i32 : i32, i32
  }
  func.func @transform_2(%arg0: i32) -> (i32, i32) {
    %c0_i32 = arith.constant 0 : i32
    %c0_i32_0 = arith.constant 0 : i32
    %c0_i32_1 = arith.constant 0 : i32
    return %c0_i32, %c0_i32_0 : i32, i32
  }
  func.func @transform_3(%arg0: i32) -> (i32, i32) {
    %c0_i32 = arith.constant 0 : i32
    %c0_i32_0 = arith.constant 0 : i32
    %c0_i32_1 = arith.constant 0 : i32
    return %c0_i32, %c0_i32_0 : i32, i32
  }
  func.func @transform_4(%arg0: i32) -> (i32, i32) {
    %c0_i32 = arith.constant 0 : i32
    %c0_i32_0 = arith.constant 0 : i32
    %c0_i32_1 = arith.constant 0 : i32
    return %c0_i32, %c0_i32_0 : i32, i32
  }
  func.func @transform_5(%arg0: i32) -> (i32, i32) {
    %c0_i32 = arith.constant 0 : i32
    %c0_i32_0 = arith.constant 0 : i32
    %c0_i32_1 = arith.constant 0 : i32
    return %c0_i32, %c0_i32_0 : i32, i32
  }
  func.func @transform_6(%arg0: i32) -> (i32, i32) {
    %c0_i32 = arith.constant 0 : i32
    %c0_i32_0 = arith.constant 0 : i32
    return %arg0, %c0_i32 : i32, i32
  }
  func.func @transform_7(%arg0: i32) -> (i32, i32) {
    %c0_i32 = arith.constant 0 : i32
    %c0_i32_0 = arith.constant 0 : i32
    return %arg0, %c0_i32 : i32, i32
  }
}

module attributes {stable_mosaic.version = 14 : i64} {
  func.func @body(%arg0: i32, %arg1: memref<1000x128xf32, #tpu.memory_space<vmem>>, %arg2: memref<1000x128xf32, #tpu.memory_space<vmem>>, %arg3: memref<1000x144xf32, #tpu.memory_space<vmem>>, %arg4: memref<144x144xf32, #tpu.memory_space<vmem>>, %arg5: memref<1000x256xf32, #tpu.memory_space<vmem>>, %arg6: memref<1000x144xf32, #tpu.memory_space<vmem>>, %arg7: memref<1x144xf32, #tpu.memory_space<vmem>>) attributes {dimension_semantics = [#tpu.dimension_semantics<arbitrary>], iteration_bounds = array<i64: 10>, scalar_prefetch = 0 : i64, scratch_operands = 0 : i64, tpu.core_type = #tpu.core_type<tc>, window_params = [{transform_indices = @transform_0, window_bounds = array<i64: 1000, 128>}, {transform_indices = @transform_1, window_bounds = array<i64: 1000, 128>}, {transform_indices = @transform_2, window_bounds = array<i64: 1000, 144>}, {pipeline_mode = #tpu.pipeline_mode<synchronous>, transform_indices = @transform_3, window_bounds = array<i64: 144, 144>}, {transform_indices = @transform_4, window_bounds = array<i64: 1000, 256>}, {transform_indices = @transform_5, window_bounds = array<i64: 1000, 144>}, {pipeline_mode = #tpu.pipeline_mode<synchronous>, transform_indices = @transform_6, window_bounds = array<i64: 1, 144>}]} {
    %get3A = arith.constant 0 : index
    %get3A_0 = arith.constant 0 : index
    %get3A_1 = vector.load %arg1[%get3A, %get3A_0] : memref<1000x128xf32, #tpu.memory_space<vmem>>, vector<1000x128xf32>
    %get3A_2 = arith.constant 0 : index
    %get3A_3 = arith.constant 0 : index
    %get3A_4 = vector.load %arg2[%get3A_2, %get3A_3] : memref<1000x128xf32, #tpu.memory_space<vmem>>, vector<1000x16xf32>
    %concatenate3A = tpu.concatenate %get3A_1, %get3A_4 in 1 : vector<1000x128xf32>, vector<1000x16xf32> -> vector<1000x144xf32>
    %mul3A = arith.constant 2.500000e-01 : f32
    %mul3A_5 = vector.broadcast %mul3A : f32 to vector<1000x144xf32>
    %mul3A_6 = arith.mulf %concatenate3A, %mul3A_5 : vector<1000x144xf32>
    %get3A_7 = arith.constant 0 : index
    %get3A_8 = arith.constant 0 : index
    %get3A_9 = vector.load %arg3[%get3A_7, %get3A_8] : memref<1000x144xf32, #tpu.memory_space<vmem>>, vector<1000x144xf32>
    %get3A_10 = arith.constant 0 : index
    %get3A_11 = arith.constant 0 : index
    %get3A_12 = vector.load %arg4[%get3A_10, %get3A_11] : memref<144x144xf32, #tpu.memory_space<vmem>>, vector<144x144xf32>
    %dot_general3A = arith.constant dense<0.000000e+00> : vector<1000x144xf32>
    %dot_general3A_13 = tpu.matmul %get3A_9, %get3A_12, %dot_general3A {dimension_numbers = #tpu.dot_dimension_numbers<[1], [0], [0], [1], [0, 0, 1, 1], [], []>, transpose_lhs_hint = false} : vector<1000x144xf32>, vector<144x144xf32>, vector<1000x144xf32> -> vector<1000x144xf32>
    %add3A = arith.addf %mul3A_6, %dot_general3A_13 : vector<1000x144xf32>
    %integer_pow3A = arith.mulf %add3A, %add3A : vector<1000x144xf32>
    %integer_pow3A_14 = arith.mulf %add3A, %integer_pow3A : vector<1000x144xf32>
    %mul3A_15 = arith.constant 4.471500e-02 : f32
    %mul3A_16 = vector.broadcast %mul3A_15 : f32 to vector<1000x144xf32>
    %mul3A_17 = arith.mulf %mul3A_16, %integer_pow3A_14 : vector<1000x144xf32>
    %add3A_18 = arith.addf %add3A, %mul3A_17 : vector<1000x144xf32>
    %mul3A_19 = arith.constant 0.797884583 : f32
    %mul3A_20 = vector.broadcast %mul3A_19 : f32 to vector<1000x144xf32>
    %mul3A_21 = arith.mulf %mul3A_20, %add3A_18 : vector<1000x144xf32>
    %tanh3A = math.tanh %mul3A_21 : vector<1000x144xf32>
    %add3A_22 = arith.constant 1.000000e+00 : f32
    %add3A_23 = vector.broadcast %add3A_22 : f32 to vector<1000x144xf32>
    %add3A_24 = arith.addf %add3A_23, %tanh3A : vector<1000x144xf32>
    %mul3A_25 = arith.constant 5.000000e-01 : f32
    %mul3A_26 = vector.broadcast %mul3A_25 : f32 to vector<1000x144xf32>
    %mul3A_27 = arith.mulf %mul3A_26, %add3A_24 : vector<1000x144xf32>
    %mul3A_28 = arith.mulf %add3A, %mul3A_27 : vector<1000x144xf32>
    %broadcast_in_dim3A = arith.constant 0.000000e+00 : f32
    %broadcast_in_dim3A_29 = vector.broadcast %broadcast_in_dim3A : f32 to vector<1000x112xf32>
    %concatenate3A_30 = tpu.concatenate %mul3A_28, %broadcast_in_dim3A_29 in 1 : vector<1000x144xf32>, vector<1000x112xf32> -> vector<1000x256xf32>
    %swap3A = arith.constant 0 : index
    %swap3A_31 = arith.constant 0 : index
    %swap3A_32 = vector.load %arg5[%swap3A, %swap3A_31] : memref<1000x256xf32, #tpu.memory_space<vmem>>, vector<1000x256xf32>
    tpu.vector_store %arg5[%swap3A, %swap3A_31], %concatenate3A_30 {strides = array<i32>} : memref<1000x256xf32, #tpu.memory_space<vmem>>, vector<1000x256xf32>,
    %swap3A_33 = arith.constant 0 : index
    %swap3A_34 = arith.constant 0 : index
    %swap3A_35 = vector.load %arg6[%swap3A_33, %swap3A_34] : memref<1000x144xf32, #tpu.memory_space<vmem>>, vector<1000x144xf32>
    tpu.vector_store %arg6[%swap3A_33, %swap3A_34], %mul3A_28 {strides = array<i32>} : memref<1000x144xf32, #tpu.memory_space<vmem>>, vector<1000x144xf32>,
    %eq3A = arith.constant 0 : i32
    %eq3A_36 = arith.cmpi eq, %arg0, %eq3A : i32
    %convert_element_type3A = arith.extui %eq3A_36 : i1 to i32
    %cond3A = arith.constant 0 : i32
    %cond3A_37 = arith.cmpi ne, %convert_element_type3A, %cond3A : i32
    scf.if %cond3A_37 {
      %broadcast_in_dim3A_47 = arith.constant 0.000000e+00 : f32
      %broadcast_in_dim3A_48 = vector.broadcast %broadcast_in_dim3A_47 : f32 to vector<1x144xf32>
      %swap3A_49 = arith.constant 0 : index
      %swap3A_50 = arith.constant 0 : index
      %swap3A_51 = vector.load %arg7[%swap3A_49, %swap3A_50] : memref<1x144xf32, #tpu.memory_space<vmem>>, vector<1x144xf32>
      tpu.vector_store %arg7[%swap3A_49, %swap3A_50], %broadcast_in_dim3A_48 {strides = array<i32>} : memref<1x144xf32, #tpu.memory_space<vmem>>, vector<1x144xf32>,
    } else {
    }
    %get3A_38 = arith.constant 0 : index
    %get3A_39 = arith.constant 0 : index
    %get3A_40 = vector.load %arg7[%get3A_38, %get3A_39] : memref<1x144xf32, #tpu.memory_space<vmem>>, vector<1x144xf32>
    %reduce_sum3A = arith.constant dense<0.000000e+00> : vector<144xf32>
    %reduce_sum3A_41 = vector.multi_reduction <add>, %mul3A_28, %reduce_sum3A [0] : vector<1000x144xf32> to vector<144xf32>
    %broadcast_in_dim3A_42 = vector.shape_cast %reduce_sum3A_41 : vector<144xf32> to vector<1x144xf32>
    %add3A_43 = arith.addf %get3A_40, %broadcast_in_dim3A_42 : vector<1x144xf32>
    %swap3A_44 = arith.constant 0 : index
    %swap3A_45 = arith.constant 0 : index
    %swap3A_46 = vector.load %arg7[%swap3A_44, %swap3A_45] : memref<1x144xf32, #tpu.memory_space<vmem>>, vector<1x144xf32>
    tpu.vector_store %arg7[%swap3A_44, %swap3A_45], %add3A_43 {strides = array<i32>} : memref<1x144xf32, #tpu.memory_space<vmem>>, vector<1x144xf32>,
    return
  }
  func.func @transform_0(%arg0: i32) -> (i32, i32) {
    %c0_i32 = arith.constant 0 : i32
    %c0_i32_0 = arith.constant 0 : i32
    return %arg0, %c0_i32 : i32, i32
  }
  func.func @transform_1(%arg0: i32) -> (i32, i32) {
    %c0_i32 = arith.constant 0 : i32
    %c0_i32_0 = arith.constant 0 : i32
    return %arg0, %c0_i32 : i32, i32
  }
  func.func @transform_2(%arg0: i32) -> (i32, i32) {
    %c0_i32 = arith.constant 0 : i32
    %c0_i32_0 = arith.constant 0 : i32
    return %arg0, %c0_i32 : i32, i32
  }
  func.func @transform_3(%arg0: i32) -> (i32, i32) {
    %c0_i32 = arith.constant 0 : i32
    %c0_i32_0 = arith.constant 0 : i32
    %c0_i32_1 = arith.constant 0 : i32
    return %c0_i32, %c0_i32_0 : i32, i32
  }
  func.func @transform_4(%arg0: i32) -> (i32, i32) {
    %c0_i32 = arith.constant 0 : i32
    %c0_i32_0 = arith.constant 0 : i32
    return %arg0, %c0_i32 : i32, i32
  }
  func.func @transform_5(%arg0: i32) -> (i32, i32) {
    %c0_i32 = arith.constant 0 : i32
    %c0_i32_0 = arith.constant 0 : i32
    return %arg0, %c0_i32 : i32, i32
  }
  func.func @transform_6(%arg0: i32) -> (i32, i32) {
    %c0_i32 = arith.constant 0 : i32
    %c0_i32_0 = arith.constant 0 : i32
    %c0_i32_1 = arith.constant 0 : i32
    return %c0_i32, %c0_i32_0 : i32, i32
  }
}

module attributes {stable_mosaic.version = 14 : i64} {
  func.func @body(%arg0: i32, %arg1: memref<1024x32xf32, #tpu.memory_space<vmem>>, %arg2: memref<1024x256xf32, #tpu.memory_space<vmem>>, %arg3: memref<32x100xf32, #tpu.memory_space<vmem>>, %arg4: memref<1x100xf32, #tpu.memory_space<vmem>>, %arg5: memref<100x144xf32, #tpu.memory_space<vmem>>, %arg6: memref<144x16xf32, #tpu.memory_space<vmem>>, %arg7: memref<1x1xf32, #tpu.memory_space<vmem>>) attributes {dimension_semantics = [#tpu.dimension_semantics<arbitrary>], iteration_bounds = array<i64: 160>, scalar_prefetch = 0 : i64, scratch_operands = 0 : i64, tpu.core_type = #tpu.core_type<tc>, window_params = [{transform_indices = @transform_0, window_bounds = array<i64: 1024, 32>}, {transform_indices = @transform_1, window_bounds = array<i64: 1024, 256>}, {pipeline_mode = #tpu.pipeline_mode<synchronous>, transform_indices = @transform_2, window_bounds = array<i64: 32, 100>}, {pipeline_mode = #tpu.pipeline_mode<synchronous>, transform_indices = @transform_3, window_bounds = array<i64: 1, 100>}, {pipeline_mode = #tpu.pipeline_mode<synchronous>, transform_indices = @transform_4, window_bounds = array<i64: 100, 144>}, {pipeline_mode = #tpu.pipeline_mode<synchronous>, transform_indices = @transform_5, window_bounds = array<i64: 144, 16>}, {pipeline_mode = #tpu.pipeline_mode<synchronous>, transform_indices = @transform_6, window_bounds = array<i64: 1, 1>}]} {
    %get3A = arith.constant 0 : index
    %get3A_0 = arith.constant 0 : index
    %get3A_1 = vector.load %arg1[%get3A, %get3A_0] : memref<1024x32xf32, #tpu.memory_space<vmem>>, vector<1024x32xf32>
    %get3A_2 = arith.constant 0 : index
    %get3A_3 = arith.constant 0 : index
    %get3A_4 = vector.load %arg3[%get3A_2, %get3A_3] : memref<32x100xf32, #tpu.memory_space<vmem>>, vector<32x100xf32>
    %dot_general3A = arith.constant dense<0.000000e+00> : vector<1024x100xf32>
    %dot_general3A_5 = tpu.matmul %get3A_1, %get3A_4, %dot_general3A {dimension_numbers = #tpu.dot_dimension_numbers<[1], [0], [0], [1], [0, 0, 1, 1], [], []>, transpose_lhs_hint = false} : vector<1024x32xf32>, vector<32x100xf32>, vector<1024x100xf32> -> vector<1024x100xf32>
    %get3A_6 = arith.constant 0 : index
    %get3A_7 = arith.constant 0 : index
    %get3A_8 = vector.load %arg4[%get3A_6, %get3A_7] : memref<1x100xf32, #tpu.memory_space<vmem>>, vector<1x100xf32>
    %add3A = vector.broadcast %get3A_8 : vector<1x100xf32> to vector<1024x100xf32>
    %add3A_9 = arith.addf %dot_general3A_5, %add3A : vector<1024x100xf32>
    %max3A = arith.constant 0.000000e+00 : f32
    %max3A_10 = vector.broadcast %max3A : f32 to vector<1024x100xf32>
    %max3A_11 = arith.maximumf %add3A_9, %max3A_10 : vector<1024x100xf32>
    %get3A_12 = arith.constant 0 : index
    %get3A_13 = arith.constant 0 : index
    %get3A_14 = vector.load %arg5[%get3A_12, %get3A_13] : memref<100x144xf32, #tpu.memory_space<vmem>>, vector<100x144xf32>
    %dot_general3A_15 = arith.constant dense<0.000000e+00> : vector<1024x144xf32>
    %dot_general3A_16 = tpu.matmul %max3A_11, %get3A_14, %dot_general3A_15 {dimension_numbers = #tpu.dot_dimension_numbers<[1], [0], [0], [1], [0, 0, 1, 1], [], []>, transpose_lhs_hint = false} : vector<1024x100xf32>, vector<100x144xf32>, vector<1024x144xf32> -> vector<1024x144xf32>
    %get3A_17 = arith.constant 0 : index
    %get3A_18 = arith.constant 0 : index
    %get3A_19 = vector.load %arg2[%get3A_17, %get3A_18] : memref<1024x256xf32, #tpu.memory_space<vmem>>, vector<1024x144xf32>
    %mul3A = arith.mulf %dot_general3A_16, %get3A_19 : vector<1024x144xf32>
    %get3A_20 = arith.constant 0 : index
    %get3A_21 = arith.constant 0 : index
    %get3A_22 = vector.load %arg6[%get3A_20, %get3A_21] : memref<144x16xf32, #tpu.memory_space<vmem>>, vector<144x16xf32>
    %dot_general3A_23 = arith.constant dense<0.000000e+00> : vector<1024x16xf32>
    %dot_general3A_24 = tpu.matmul %mul3A, %get3A_22, %dot_general3A_23 {dimension_numbers = #tpu.dot_dimension_numbers<[1], [0], [0], [1], [0, 0, 1, 1], [], []>, transpose_lhs_hint = false} : vector<1024x144xf32>, vector<144x16xf32>, vector<1024x16xf32> -> vector<1024x16xf32>
    %get3A_25 = arith.constant 0 : index
    %get3A_26 = arith.constant 0 : index
    %get3A_27 = vector.load %arg1[%get3A_25, %get3A_26] : memref<1024x32xf32, #tpu.memory_space<vmem>>, vector<1024x16xf32>
    %mul3A_28 = arith.mulf %get3A_27, %dot_general3A_24 : vector<1024x16xf32>
    %reduce_sum3A = vector.shape_cast %mul3A_28 : vector<1024x16xf32> to vector<1x1024x16xf32>
    %reduce_sum3A_29 = arith.constant dense<0.000000e+00> : vector<1xf32>
    %reduce_sum3A_30 = vector.multi_reduction <add>, %reduce_sum3A, %reduce_sum3A_29 [1, 2] : vector<1x1024x16xf32> to vector<1xf32>
    %reduce_sum3A_31 = vector.shape_cast %reduce_sum3A_30 : vector<1xf32> to vector<1x1x1xf32>
    %reduce_sum3A_32 = vector.extract %reduce_sum3A_31[0, 0, 0] : f32 from vector<1x1x1xf32>
    %eq3A = arith.constant 0 : i32
    %eq3A_33 = arith.cmpi eq, %arg0, %eq3A : i32
    %convert_element_type3A = arith.extui %eq3A_33 : i1 to i32
    %cond3A = arith.constant 0 : i32
    %cond3A_34 = arith.cmpi ne, %convert_element_type3A, %cond3A : i32
    scf.if %cond3A_34 {
      %broadcast_in_dim3A = arith.constant 0.000000e+00 : f32
      %broadcast_in_dim3A_42 = vector.broadcast %broadcast_in_dim3A : f32 to vector<1x1xf32>
      %swap3A_43 = arith.constant 0 : index
      %swap3A_44 = arith.constant 0 : index
      %swap3A_45 = vector.load %arg7[%swap3A_43, %swap3A_44] : memref<1x1xf32, #tpu.memory_space<vmem>>, vector<1x1xf32>
      tpu.vector_store %arg7[%swap3A_43, %swap3A_44], %broadcast_in_dim3A_42 {strides = array<i32>} : memref<1x1xf32, #tpu.memory_space<vmem>>, vector<1x1xf32>,
    } else {
    }
    %get3A_35 = arith.constant 0 : index
    %get3A_36 = arith.constant 0 : index
    %get3A_37 = vector.load %arg7[%get3A_35, %get3A_36] : memref<1x1xf32, #tpu.memory_space<vmem>>, vector<1x1xf32>
    %add3A_38 = vector.broadcast %reduce_sum3A_32 : f32 to vector<1x1xf32>
    %add3A_39 = arith.addf %get3A_37, %add3A_38 : vector<1x1xf32>
    %swap3A = arith.constant 0 : index
    %swap3A_40 = arith.constant 0 : index
    %swap3A_41 = vector.load %arg7[%swap3A, %swap3A_40] : memref<1x1xf32, #tpu.memory_space<vmem>>, vector<1x1xf32>
    tpu.vector_store %arg7[%swap3A, %swap3A_40], %add3A_39 {strides = array<i32>} : memref<1x1xf32, #tpu.memory_space<vmem>>, vector<1x1xf32>,
    return
  }
  func.func @transform_0(%arg0: i32) -> (i32, i32) {
    %c0_i32 = arith.constant 0 : i32
    %c0_i32_0 = arith.constant 0 : i32
    return %arg0, %c0_i32 : i32, i32
  }
  func.func @transform_1(%arg0: i32) -> (i32, i32) {
    %c0_i32 = arith.constant 0 : i32
    %c0_i32_0 = arith.constant 0 : i32
    return %arg0, %c0_i32 : i32, i32
  }
  func.func @transform_2(%arg0: i32) -> (i32, i32) {
    %c0_i32 = arith.constant 0 : i32
    %c0_i32_0 = arith.constant 0 : i32
    %c0_i32_1 = arith.constant 0 : i32
    return %c0_i32, %c0_i32_0 : i32, i32
  }
  func.func @transform_3(%arg0: i32) -> (i32, i32) {
    %c0_i32 = arith.constant 0 : i32
    %c0_i32_0 = arith.constant 0 : i32
    %c0_i32_1 = arith.constant 0 : i32
    return %c0_i32, %c0_i32_0 : i32, i32
  }
  func.func @transform_4(%arg0: i32) -> (i32, i32) {
    %c0_i32 = arith.constant 0 : i32
    %c0_i32_0 = arith.constant 0 : i32
    %c0_i32_1 = arith.constant 0 : i32
    return %c0_i32, %c0_i32_0 : i32, i32
  }
  func.func @transform_5(%arg0: i32) -> (i32, i32) {
    %c0_i32 = arith.constant 0 : i32
    %c0_i32_0 = arith.constant 0 : i32
    %c0_i32_1 = arith.constant 0 : i32
    return %c0_i32, %c0_i32_0 : i32, i32
  }
  func.func @transform_6(%arg0: i32) -> (i32, i32) {
    %c0_i32 = arith.constant 0 : i32
    %c0_i32_0 = arith.constant 0 : i32
    %c0_i32_1 = arith.constant 0 : i32
    return %c0_i32, %c0_i32_0 : i32, i32
  }
}

module attributes {stable_mosaic.version = 14 : i64} {
  func.func @body(%arg0: memref<1x1xf32, #tpu.memory_space<vmem>>, %arg1: memref<1x144xf32, #tpu.memory_space<vmem>>, %arg2: memref<144x1xf32, #tpu.memory_space<vmem>>, %arg3: memref<1x1xf32, #tpu.memory_space<vmem>>) attributes {dimension_semantics = [], scalar_prefetch = 0 : i64, scratch_operands = 0 : i64, tpu.core_type = #tpu.core_type<tc>} {
    %get3A = arith.constant 0 : index
    %get3A_0 = arith.constant 0 : index
    %get3A_1 = vector.load %arg0[%get3A, %get3A_0] : memref<1x1xf32, #tpu.memory_space<vmem>>, vector<1x1xf32>
    %mul3A = arith.constant 2.500000e-05 : f32
    %mul3A_2 = vector.broadcast %mul3A : f32 to vector<1x1xf32>
    %mul3A_3 = arith.mulf %get3A_1, %mul3A_2 : vector<1x1xf32>
    %get3A_4 = arith.constant 0 : index
    %get3A_5 = arith.constant 0 : index
    %get3A_6 = vector.load %arg1[%get3A_4, %get3A_5] : memref<1x144xf32, #tpu.memory_space<vmem>>, vector<1x144xf32>
    %get3A_7 = arith.constant 0 : index
    %get3A_8 = arith.constant 0 : index
    %get3A_9 = vector.load %arg2[%get3A_7, %get3A_8] : memref<144x1xf32, #tpu.memory_space<vmem>>, vector<144x1xf32>
    %dot_general3A = arith.constant dense<0.000000e+00> : vector<1x1xf32>
    %dot_general3A_10 = tpu.matmul %get3A_6, %get3A_9, %dot_general3A {dimension_numbers = #tpu.dot_dimension_numbers<[1], [0], [0], [1], [0, 0, 1, 1], [], []>, transpose_lhs_hint = false} : vector<1x144xf32>, vector<144x1xf32>, vector<1x1xf32> -> vector<1x1xf32>
    %mul3A_11 = arith.constant 9.99999974E-5 : f32
    %mul3A_12 = vector.broadcast %mul3A_11 : f32 to vector<1x1xf32>
    %mul3A_13 = arith.mulf %dot_general3A_10, %mul3A_12 : vector<1x1xf32>
    %add3A = arith.addf %mul3A_3, %mul3A_13 : vector<1x1xf32>
    %swap3A = arith.constant 0 : index
    %swap3A_14 = arith.constant 0 : index
    %swap3A_15 = vector.load %arg3[%swap3A, %swap3A_14] : memref<1x1xf32, #tpu.memory_space<vmem>>, vector<1x1xf32>
    tpu.vector_store %arg3[%swap3A, %swap3A_14], %add3A {strides = array<i32>} : memref<1x1xf32, #tpu.memory_space<vmem>>, vector<1x1xf32>,
    return
  }
}

</mosaic_0001>

<sc_bundles>
// kernel: kernel.15.cloned.1.call-start
scs
__scs_entry_jumppad:
0x0: {  	(pc) =	sbr.rel $0x88, $3  }
0x1: {  	(tag) =	ssettag $0x0;
	lr =	simm.s32 $0x1  }
0x2: {  	[smem:$0x3F8D] =	sst lr;
	_ =	strace $0xD0000000  }
0x3: {  	_ = 	snop  }
0x4: {  	_ = 	snop  }
0x5: {  	_ = 	snop  }
0x6: {  	_ = 	snop  }
0x7: {  	_ = 	snop  }
__scs_overlays_trampoline_lowered:
0x8: {  	[smem:$0x3F9C] =	sst s0  }
0x9: {  	[smem:$0x3F9D] =	sst s1  }
0xa: {  	[smem:$0x3F9E] =	sst s2  }
0xb: {  	[smem:$0x3F9F] =	sst s3  }
0xc: {  	[smem:$0x3FA0] =	sst s4  }
0xd: {  	[smem:$0x3FA1] =	sst s5  }
0xe: {  	[smem:$0x3FA2] =	sst s6  }
0xf: {  	[smem:$0x3FA3] =	sst s7  }
0x10: {  	[smem:$0x3FA4] =	sst s8  }
0x11: {  	[smem:$0x3FA5] =	sst s9;
	s0 =	simm.s32 @!p0 $0x0  }
0x12: {  	s1 =	sld [smem:$0x3F8B];
	s0 =	simm.s32 @p0 $0x1  }
0x13: {  	[smem:$0x3FA6] =	sst s0;
	s0 =	simm.s32 @!p1 $0x0  }
0x14: {  	s2 =	sld [smem:$0x3F8A];
	s0 =	simm.s32 @p1 $0x1  }
0x15: {  	[smem:$0x3FA7] =	sst s0;
	s0 =	simm.s32 @!p2 $0x0  }
0x16: {  	s3 =	sld [smem:$0x3FDB];
	s0 =	simm.s32 @p2 $0x1  }
0x17: {  	s4 =	simm.s32 $0x1BF5;
	[smem:$0x3FA9] =	sst s0  }
0x18: {  	s0 =	sld [smem:$0x3F8C];
	_ =	swait.ge [sflag:s4], $0x0  }
0x19: {  	s7 =	sld [smem:$0x3F8D]  }
0x1a: {  	s8 =	sadd.s32 $0xFFFFE003, lr  }
0x1b: {  	s9 =	sadd.s32 $0xFFFFFEF7, lr;
	s5 =	simm.s32 $0xFFFFFFFF;
	p2 =	slt.u32 s8, $0xFFFFF086  }
0x1c: {  	p1 =	slt.u32 s9, $0xF7A;
	s5 =	simm.s32 @!p2 $0x0  }
0x1d: {  	s5 =	simm.s32 @p1 $0x1;
	p0 =	seq.s32 s7, s2  }
0x1e: {  	s7 =	smul.u32 @!p0 $0xF7A, s2;
	p2 =	seq.s32 @!p0 s5, $0x0  }
0x1f: {  	s9 =	smul.u32 $0xF7A, s1;
	s8 =	simm.s32 @!p0 $0x1BF5;
	p2 =	por !p2, p0  }
0x20: {  	[sflag:s8] =	ssyncset.s32 @!p0 $0xFFFFF086;
	s6 =	sadd.s32 @!p0 s3, s7;
	s7 =	simm.s32 @!p0 $0x108  }
0x21: {  	s3 =	sadd.s32 s3, s9;
	s6 =	sadd.s32 @!p0 $0x88, s6;
	s7 =	simm.s32 @p2 $0x1082  }
0x22: {  	[simem:s7], [sflag:s8] =	dma.local @!p0 [hbm:s6], $0xF7A  }
0x23: {  	s9 =	sor.u32 $0xD0000000, s2;
	s6 =	simm.s32 $0x108;
	_ =	swait.ge @!p0 [sflag:s8], $0x0  }
0x24: {  	s3 =	sadd.s32 $0x88, s3;
	s6 =	simm.s32 @!p1 $0x1082;
	[sflag:s4] =	ssyncset.s32 $0xFFFFF086  }
0x25: {  	[simem:s6], [sflag:s4] =	dma.local [hbm:s3], $0xF7A  }
0x26: {  	[smem:$0x3F8D] =	sst s1;
	(tag) =	ssettag s2;
	_ =	strace s9  }
0x27: {  	s1 =	sld [smem:$0x3F9D]  }
0x28: {  	s2 =	sld [smem:$0x3F9E]  }
0x29: {  	s4 =	sld [smem:$0x3FA0]  }
0x2a: {  	p0 =	seq.s32 s5, $0x0;
	s5 =	sld [smem:$0x3FA1]  }
0x2b: {  	s6 =	sld [smem:$0x3FA2]  }
0x2c: {  	s7 =	sld [smem:$0x3FA3]  }
0x2d: {  	s3 =	simm.s32 $0x108;
	s8 =	sld [smem:$0x3FA4]  }
0x2e: {  	s3 =	simm.s32 @!p0 $0x1082;
	s9 =	sld [smem:$0x3FA5]  }
0x2f: {  	lr =	sadd.s32 s0, s3;
	s0 =	sld [smem:$0x3F9C]  }
0x30: {  	s3 =	sld [smem:$0x3F9F]  }
0x31: {  	[smem:$0x3FA8] =	sst s10  }
0x32: {  	s10 =	sld [smem:$0x3FA6];
	_ =	sdelay $0x3  }
0x33: {  	p0 =	seq.s32 s10, $0x1;
	s10 =	sld [smem:$0x3FA8];
	_ =	sdelay $0x3  }
0x34: {  	[smem:$0x3FA8] =	sst s10  }
0x35: {  	s10 =	sld [smem:$0x3FA7];
	_ =	sdelay $0x3  }
0x36: {  	p1 =	seq.s32 s10, $0x1;
	s10 =	sld [smem:$0x3FA8];
	_ =	sdelay $0x3  }
0x37: {  	[smem:$0x3FA8] =	sst s10  }
0x38: {  	s10 =	sld [smem:$0x3FA9]  }
0x39: {  	_ = 	snop;
	(pc) =	sbr.ind lr, $3  }
0x3a: {  	_ = 	snop  }
0x3b: {  	_ = 	snop  }
0x3c: {  	p2 =	seq.s32 s10, $0x1;
	s10 =	sld [smem:$0x3FA8]  }
0x3d: {  	_ =	shalt  }
0x3e: {  	_ =	shalt  }
0x3f: {  	_ =	shalt  }
0x40: {  	_ =	shalt  }
0x41: {  	_ =	shalt  }
0x42: {  	_ =	shalt  }
0x43: {  	_ =	shalt  }
0x44: {  	_ =	shalt  }
0x45: {  	_ =	shalt  }
0x46: {  	_ =	shalt  }
0x47: {  	_ =	shalt  }
0x48: {  	_ =	shalt  }
0x49: {  	_ =	shalt  }
0x4a: {  	_ =	shalt  }
0x4b: {  	_ =	shalt  }
0x4c: {  	_ =	shalt  }
0x4d: {  	_ =	shalt  }
0x4e: {  	_ =	shalt  }
0x4f: {  	_ =	shalt  }
0x50: {  	_ =	shalt  }
0x51: {  	_ =	shalt  }
0x52: {  	_ =	shalt  }
0x53: {  	_ =	shalt  }
0x54: {  	_ =	shalt  }
0x55: {  	_ =	shalt  }
0x56: {  	_ =	shalt  }
0x57: {  	_ =	shalt  }
0x58: {  	_ =	shalt  }
0x59: {  	_ =	shalt  }
0x5a: {  	_ =	shalt  }
0x5b: {  	_ =	shalt  }
0x5c: {  	_ =	shalt  }
0x5d: {  	_ =	shalt  }
0x5e: {  	_ =	shalt  }
0x5f: {  	_ =	shalt  }
0x60: {  	_ =	shalt  }
0x61: {  	_ =	shalt  }
0x62: {  	_ =	shalt  }
0x63: {  	_ =	shalt  }
0x64: {  	_ =	shalt  }
0x65: {  	_ =	shalt  }
0x66: {  	_ =	shalt  }
0x67: {  	_ =	shalt  }
0x68: {  	_ =	shalt  }
0x69: {  	_ =	shalt  }
0x6a: {  	_ =	shalt  }
0x6b: {  	_ =	shalt  }
0x6c: {  	_ =	shalt  }
0x6d: {  	_ =	shalt  }
0x6e: {  	_ =	shalt  }
0x6f: {  	_ =	shalt  }
0x70: {  	_ =	shalt  }
0x71: {  	_ =	shalt  }
0x72: {  	_ =	shalt  }
0x73: {  	_ =	shalt  }
0x74: {  	_ =	shalt  }
0x75: {  	_ =	shalt  }
0x76: {  	_ =	shalt  }
0x77: {  	_ =	shalt  }
0x78: {  	_ =	shalt  }
0x79: {  	_ =	shalt  }
0x7a: {  	_ =	shalt  }
0x7b: {  	_ =	shalt  }
0x7c: {  	_ =	shalt  }
0x7d: {  	_ =	shalt  }
0x7e: {  	_ =	shalt  }
0x7f: {  	_ =	shalt  }
0x80: {  	_ =	shalt  }
0x81: {  	_ =	shalt  }
0x82: {  	_ =	shalt  }
0x83: {  	_ =	shalt  }
0x84: {  	_ =	shalt  }
0x85: {  	_ =	shalt  }
0x86: {  	_ =	shalt  }
0x87: {  	_ =	shalt  }
.Lfunc_end0:
.L_simem_size_0:
called_computation_lowered:
.L_overlay_start_0:
0x88: {  	s2 =	sld [smem:$0x3FD9]  }
0x89: {  	s3 =	sld [smem:$0x3FFE];
	_ =	sdelay $0x1  }
0x8a: {  	s1 =	srdreg.scid  }
0x8b: {  	s0 =	sand.u32 $0x1, s1  }
0x8c: {  	s16 =	sshll.u32 s0, $0xA;
	s2 =	sadd.s32 s3, s2  }
0x8d: {  	s2 =	sadd.s32 s2, s16  }
0x8e: {  	[smem:$0x3FB4] =	sst s2  }
0x8f: {  	_ = 	snop  }
0x90: {  	(tm) =	ssettm $0x1  }
0x91: {  	s17 =	sld [smem:$0x3FFB];
	_ =	sdelay $0x3  }
0x92: {  	_ =	strace s17  }
0x93: {  	s2 =	sld [smem:$0x3FFC];
	_ =	sdelay $0x3  }
0x94: {  	_ =	strace s2  }
0x95: {  	s2 =	sld [smem:$0x3FFD];
	_ =	sdelay $0x3  }
0x96: {  	_ =	strace s2  }
0x97: {  	_ =	strace $0x8FFFFFFF  }
0x98: {  	s18 =	sld [smem:$0x3FDB];
	_ =	sdelay $0x1  }
0x99: {  	s19 =	simm.s32 $_scs_section_size  }
0x9a: {  	s4 =	simm.s32 $_size__tile_overlayer_lowered;
	s5 =	simm.s32 $_tile_overlayer_lowered  }
0x9b: {  	s22 =	simm.s32 $0x1BFF;
	s21 =	sshll.u32 s5, $0x1;
	s2 =	sadd.s32 s19, s18  }
0x9c: {  	s6 =	simm.s32 $0x0;
	s20 =	sshll.u32 s4, $0x1;
	s4 =	sadd.s32 s21, s2  }
0x9d: {  	[timem:s6], [sflag:s22] =	dma.local [hbm:s4], s20  }
0x9e: {  	_ =	swait.ge [sflag:s22], s20  }
0x9f: {  	s3 =	ssub.s32 $0x0, s20;
	[sflag:s22] =	ssyncset.done $0x0  }
0xa0: {  	[sflag:s22] =	ssyncadd.s32 s3;
	_ =	sdelay $0x1  }
0xa1: {  	s23 =	simm.s32 $0x1B8B  }
0xa2: {  	_ =	swait.ge [sflag:s23], $0x1  }
0xa3: {  	[sflag:s23] =	ssyncset.done $0x0  }
0xa4: {  	s25 =	simm.s32 $0x1B8E;
	s24 =	sld [smem:$0x3FFE];
	[sflag:s23] =	ssyncadd.s32 $0xFFFFFFFF  }
0xa5: {  	s26 =	simm.s32 $execute0_lowered;
	[smem:$0x3FD2] =	sst s25  }
0xa6: {  	s4 =	sshll.u32 s26, $0x1;
	_ =	strace $0x80000046;
	[dreg:$0x1] =	wrdreg $0xFFFFFFFF  }
0xa7: {  	s28 =	simm.s32 $_size_execute0_lowered;
	s2 =	sadd.s32 s2, s4;
	[dreg:$0x0] =	wrdreg $0x0  }
0xa8: {  	s4 =	sshll.u32 s28, $0x1;
	[dreg:$0x2] =	wrdreg s2  }
0xa9: {  	[dreg:$0x3] =	wrdreg s4  }
0xaa: {  	[dreg:$0x4] =	wrdreg $0xC0  }
0xab: {  	_ =	task [dreg:s6], $0x5FFFF  }
0xac: {  	[dreg:$0x1] =	wrdreg $0xFFFFFFFF  }
0xad: {  	[dreg:$0x0] =	wrdreg $0x60  }
0xae: {  	[dreg:$0x2] =	wrdreg s24  }
0xaf: {  	[dreg:$0x3] =	wrdreg $0x9  }
0xb0: {  	_ =	task.clear_ibuf [dreg:s6], $0x4FFFF;
	_ =	strace $0x90000046  }
0xb1: {  	s29 =	simm.s32 $0x9;
	_ =	strace $0x80000048  }
0xb2: {  	_ =	swait.ge [sflag:s29], $0x1  }
0xb3: {  	[sflag:s29] =	ssyncadd.s32 $0xFFFFFFFF  }
0xb4: {  	_ =	strace $0x90000048  }
0xb5: {  	_ =	sfence  }
0xb6: {  	s30 =	sld [smem:$0x0];
	_ =	sdelay $0x2  }
0xb7: {  	s31 =	sshll.u32 s1, $0xD;
	s1 =	sshrl.u32 s1, $0x2  }
0xb8: {  	s3 =	sand.u32 $0x4000, s31;
	s1 =	sadd.s32 s1, s30  }
0xb9: {  	s0 =	sor.u32 s3, s0;
	s1 =	sshll.u32 s1, $0x11  }
0xba: {  	s0 =	sor.u32 s1, s0  }
0xbb: {  	s0 =	sadd.s32 $0x8F2B, s0  }
0xbc: {  	[sflag:s0] =	ssyncadd.remote.s32 $0x1  }
0xbd: {  	_ =	sfence.sel $0xFFFF  }
0xbe: {  	[dreg:$0x0] =	wrdreg $0xFFFFFFFF;
	(pc) =	sbr.abs _section_cstart, $3  }
0xbf: {  	[dreg:$0x1] =	wrdreg $0xFFFFFFFF  }
0xc0: {  	_ =	task.clear_ibuf [dreg:s6], $0x2FFFF;
	_ =	strace $0x9FFFFFFF  }
0xc1: {  	(tm) =	ssettm $0x7FFFFFFF  }
tec
execute0_lowered:
.L_overlay_start_1:
0x0: {  	(tag) =	ssettag $0x1  }
0x1: {  	s1 =	srdreg.scid  }
0x2: {  	s0 =	stileid.u32;
	s4 =	rddreg [dreg:$0x0];
	s2 =	simm.s32 $0x0  }
0x3: {  	s31 =	simm.s32 $0x80;
	s11 =	simm.s32 $0x2800;
	s12 =	simm.s32 $0x3000  }
0x4: {  	s14 =	simm.s32 $0x3800;
	s13 =	simm.s32 $0x3;
	s15 =	simm.s32 $0x5  }
0x5: {  	s16 =	simm.s32 $0x6;
	s17 =	simm.s32 $0x7;
	s18 =	simm.s32 $0x8  }
0x6: {  	s19 =	simm.s32 $0x0;
	s3 =	sand.u32 $0x1, s1;
	s30 =	sshll.u32 s0, $0x1  }
0x7: {  	[smem:$0x7FF] =	sst s2;
	s7 =	smul.u32 $0x50000, s0;
	s6 =	sor.u32 s3, s30  }
0x8: {  	_ =	strace $0x80000047;
	s8 =	ssub.s32 $0x2, s3;
	[dreg:$0x2] =	wrdreg s31  }
0x9: {  	s9 =	smul.u32 $0x28000, s3;
	s3 =	sadd.s32 $0xA400, s4;
	[dreg:$0x3] =	wrdreg s11  }
0xa: {  	s11 =	simm.s32 $0x1;
	[dreg:$0x4] =	wrdreg s12;
	s12 =	simm.s32 $0x2  }
0xb: {  	[dreg:$0x5] =	wrdreg s14;
	s5 =	smul.u32 $0x500, s6;
	s10 =	sshrl.u32 s8, $0x1  }
0xc: {  	s14 =	simm.s32 $0x4;
	s6 =	smul.u32 $0x2800, s6;
	s8 =	ssub.s32 s8, s10  }
0xd: {  	s7 =	sadd.s32 s9, s7;
	s10 =	simm.s32 $0x4000;
	s5 =	sadd.s32 s5, s4  }
0xe: {  	s4 =	sadd.s32 $0x19400, s4;
	s9 =	sshrl.u32 s7, $0x3;
	s7 =	smax.u32 s8, $0x1  }
0xf: {  	s5 =	sadd.s32 $0xF400, s5;
	s8 =	sadd.s32 s9, s4;
	s9 =	simm.s32 $0x9  }
.LBB2_1:
0x10: {  	[tilespmem:s2], [sflag:$0x9] =	stream.linear.gather [hbm4b:s5+s2], $0x2800, $0x38;
	[tilespmem:$0x4800] =	vst v63  }
0x11: {  	p0 =	por $0x0, $0x0;
	_ =	swait.ge [sflag:s9], $0x2800  }
0x12: {  	p1 =	por p0, p0;
	[sflag:s9] =	ssyncset.done $0x0  }
0x13: {  	s20 =	simm.s32 @p1 $0x5;
	[sflag:s9] =	ssyncadd.s32 $0xFFFFD800  }
0x14: {  	_ =	swait.ge @p1 [sflag:s20], $0x800  }
0x15: {  	s21 =	simm.s32 @p1 $0x2800;
	s22 =	simm.s32 @p1 $0x6;
	[sflag:s20] =	ssyncset.done @p1 $0x0  }
0x16: {  	s23 =	simm.s32 @p1 $0x80;
	[sflag:s20] =	ssyncadd.s32 @p1 $0xFFFFF800;
	s20 =	simm.s32 @p1 $0x0  }
0x17: {  	[tilespmem:s21], [sflag:$0x1] =	stream.indirect.gather @p1 [hbm4b:s3+s23], $0x10, s20, s23, $0xb8;
	[tilespmem:$0x4800] =	vst v63  }
0x18: {  	_ =	swait.ge @p1 [sflag:s22], $0x800  }
0x19: {  	s20 =	simm.s32 @p1 $0x7;
	[sflag:s22] =	ssyncset.done @p1 $0x0  }
0x1a: {  	s21 =	simm.s32 @p1 $0x80;
	[sflag:s22] =	ssyncadd.s32 @p1 $0xFFFFF800;
	s22 =	simm.s32 @p1 $0x3000  }
0x1b: {  	[tilespmem:s22], [sflag:$0x2] =	stream.indirect.gather @p1 [hbm4b:s3+s23], $0x10, s21, s23, $0xb8;
	[tilespmem:$0x4800] =	vst v63  }
0x1c: {  	_ =	swait.ge @p1 [sflag:s20], $0x800  }
0x1d: {  	s21 =	simm.s32 $0x100;
	[sflag:s20] =	ssyncset.done @p1 $0x0  }
0x1e: {  	s22 =	simm.s32 @p1 $0x8;
	[sflag:s20] =	ssyncadd.s32 @p1 $0xFFFFF800;
	s20 =	simm.s32 @p1 $0x3800  }
0x1f: {  	[tilespmem:s20], [sflag:$0x3] =	stream.indirect.gather @p1 [hbm4b:s3+s23], $0x10, s21, s23, $0xb8;
	[tilespmem:$0x4800] =	vst v63  }
0x20: {  	_ =	swait.ge @p1 [sflag:s22], $0x800  }
0x21: {  	s20 =	simm.s32 @!p1 $0x2800;
	[sflag:s22] =	ssyncset.done @p1 $0x0  }
0x22: {  	s21 =	simm.s32 @!p1 $0x80;
	[sflag:s22] =	ssyncadd.s32 @p1 $0xFFFFF800;
	s22 =	simm.s32 @!p1 $0x0  }
0x23: {  	[tilespmem:s20], [sflag:$0x1] =	stream.indirect.gather @!p1 [hbm4b:s3+s21], $0x10, s22, s21, $0xb8;
	[tilespmem:$0x4800] =	vst v63  }
0x24: {  	s23 =	simm.s32 $0x180;
	s20 =	simm.s32 @!p1 $0x3000  }
0x25: {  	[tilespmem:s20], [sflag:$0x2] =	stream.indirect.gather @!p1 [hbm4b:s3+s21], $0x10, s21, s21, $0xb8;
	[tilespmem:$0x4800] =	vst v63  }
0x26: {  	s23 =	simm.s32 @!p1 $0x180;
	s22 =	simm.s32 @!p1 $0x3800;
	s20 =	simm.s32 @!p1 $0x100  }
0x27: {  	[tilespmem:s22], [sflag:$0x3] =	stream.indirect.gather @!p1 [hbm4b:s3+s21], $0x10, s20, s21, $0xb8;
	[tilespmem:$0x4800] =	vst v63  }
0x28: {  	s24 =	rddreg [dreg:$0x2];
	s21 =	simm.s32 @p0 $0x80;
	s22 =	simm.s32 @p0 $0x100  }
0x29: {  	s20 =	simm.s32 $0x380;
	s21 =	simm.s32 @!p0 $0x80;
	s22 =	simm.s32 @!p0 $0x100  }
0x2a: {  	[tilespmem:s10], [sflag:$0x4] =	stream.indirect.gather [hbm4b:s3+s24], $0x10, s23, s24, $0xb8;
	[tilespmem:$0x4800] =	vst v63  }
0x2b: {  	p0 =	por $0x1, $0x1;
	s21 =	sadd.s32 s6, s21;
	s22 =	sadd.s32 s6, s22  }
0x2c: {  	s24 =	simm.s32 $0x580;
	s28 =	simm.s32 @p0 $0x280;
	s23 =	sadd.s32 s6, s23  }
0x2d: {  	_ =	swait.ge [sflag:s11], $0x800;
	s21 =	sshll.u32 s21, $0x1;
	s22 =	sshll.u32 s22, $0x1  }
0x2e: {  	s28 =	simm.s32 @!p0 $0x80;
	s23 =	sshll.u32 s23, $0x1;
	[sflag:s11] =	ssyncset.done $0x0  }
0x2f: {  	s26 =	rddreg [dreg:$0x3];
	s21 =	sand.u32 $0x1FFFFD00, s21;
	[sflag:s11] =	ssyncadd.s32 $0xFFFFF800  }
0x30: {  	[hbm4b:s8+s2] =	stream.linear.scatter [tilespmem:s26], [sflag:$0x5], $0x800, $0x38;
	[tilespmem:$0x4800] =	vst v63  }
0x31: {  	s25 =	sand.u32 $0x1FFFFE00, s22;
	s22 =	simm.s32 @p0 $0x300;
	_ =	swait.ge [sflag:s12], $0x800  }
0x32: {  	s28 =	sadd.s32 s6, s28;
	s31 =	sand.u32 $0x1FFFFF00, s23;
	[sflag:s12] =	ssyncset.done $0x0  }
0x33: {  	s21 =	sadd.s32 s4, s21;
	s26 =	rddreg [dreg:$0x4];
	[sflag:s12] =	ssyncadd.s32 $0xFFFFF800  }
0x34: {  	[hbm4b:s21+s2] =	stream.linear.scatter [tilespmem:s26], [sflag:$0x6], $0x800, $0x38;
	[tilespmem:$0x4800] =	vst v63  }
0x35: {  	s23 =	sadd.s32 $0x400, s8;
	s22 =	simm.s32 @!p0 $0x100;
	_ =	swait.ge [sflag:s13], $0x800  }
0x36: {  	s25 =	sadd.s32 s4, s25;
	p0 =	por p0, p0;
	[sflag:s13] =	ssyncset.done $0x0  }
0x37: {  	s22 =	sadd.s32 s6, s22;
	s30 =	rddreg [dreg:$0x5];
	[sflag:s13] =	ssyncadd.s32 $0xFFFFF800  }
0x38: {  	[hbm4b:s25+s2] =	stream.linear.scatter [tilespmem:s30], [sflag:$0x7], $0x800, $0x38;
	[tilespmem:$0x4800] =	vst v63  }
0x39: {  	s29 =	sshll.u32 s22, $0x1;
	s21 =	sshll.u32 s28, $0x1;
	_ =	swait.ge [sflag:s14], $0x800  }
0x3a: {  	s26 =	sadd.s32 s4, s31;
	s22 =	sand.u32 $0x1FFFFD00, s21;
	[sflag:s14] =	ssyncset.done $0x0  }
0x3b: {  	s21 =	sand.u32 $0x1FFFFE00, s29;
	s25 =	simm.s32 $0x300;
	[sflag:s14] =	ssyncadd.s32 $0xFFFFF800  }
.LBB2_2:
0x3c: {  	[hbm4b:s26+s2] =	stream.linear.scatter [tilespmem:s10], [sflag:$0x8], $0x800, $0x38;
	[tilespmem:$0x4800] =	vst v63  }
0x3d: {  	s26 =	smov.u32 s24;
	s28 =	simm.s32 @p0 $0x5  }
0x3e: {  	s31 =	simm.s32 @p0 $0x2800;
	s1 =	simm.s32 @p0 $0x6;
	_ =	swait.ge @p0 [sflag:s28], $0x800  }
0x3f: {  	s0 =	simm.s32 @p0 $0x80;
	p2 =	sne.s32 s26, $0x180;
	[sflag:s28] =	ssyncset.done @p0 $0x0  }
0x40: {  	s29 =	sadd.s32 @p2 $0xFFFFFF00, s26;
	[sflag:s28] =	ssyncadd.s32 @p0 $0xFFFFF800;
	s28 =	sadd.s32 @p0 $0xFFFFFF00, s25  }
0x41: {  	[tilespmem:s31], [sflag:$0x1] =	stream.indirect.gather @p0 [hbm4b:s3+s0], $0x10, s28, s0, $0xb8;
	[tilespmem:$0x4800] =	vst v63  }
0x42: {  	s30 =	sadd.s32 @p2 $0xFFFFFF80, s26;
	s29 =	simm.s32 @!p2 $0x80;
	_ =	swait.ge @p0 [sflag:s1], $0x800  }
0x43: {  	s28 =	sadd.s32 s6, s29;
	s29 =	simm.s32 @p0 $0x7;
	[sflag:s1] =	ssyncset.done @p0 $0x0  }
0x44: {  	s31 =	simm.s32 @p0 $0x3000;
	[sflag:s1] =	ssyncadd.s32 @p0 $0xFFFFF800;
	s1 =	sadd.s32 @p0 $0xFFFFFF80, s25  }
0x45: {  	[tilespmem:s31], [sflag:$0x2] =	stream.indirect.gather @p0 [hbm4b:s3+s0], $0x10, s1, s0, $0xb8;
	[tilespmem:$0x4800] =	vst v63  }
0x46: {  	s30 =	simm.s32 @!p2 $0x100;
	_ =	swait.ge @p0 [sflag:s29], $0x800  }
0x47: {  	s31 =	sadd.s32 s6, s30;
	[sflag:s29] =	ssyncset.done @p0 $0x0  }
0x48: {  	s30 =	simm.s32 @p0 $0x8;
	[sflag:s29] =	ssyncadd.s32 @p0 $0xFFFFF800;
	s29 =	simm.s32 @p0 $0x3800  }
0x49: {  	[tilespmem:s29], [sflag:$0x3] =	stream.indirect.gather @p0 [hbm4b:s3+s0], $0x10, s25, s0, $0xb8;
	[tilespmem:$0x4800] =	vst v63  }
0x4a: {  	_ =	swait.ge @p0 [sflag:s30], $0x800  }
0x4b: {  	s0 =	simm.s32 @!p0 $0x2800;
	[sflag:s30] =	ssyncset.done @p0 $0x0  }
0x4c: {  	s29 =	simm.s32 @!p0 $0x80;
	[sflag:s30] =	ssyncadd.s32 @p0 $0xFFFFF800;
	s30 =	simm.s32 @!p0 $0x0  }
0x4d: {  	[tilespmem:s0], [sflag:$0x1] =	stream.indirect.gather @!p0 [hbm4b:s3+s29], $0x10, s30, s29, $0xb8;
	[tilespmem:$0x4800] =	vst v63  }
0x4e: {  	s0 =	simm.s32 @!p0 $0x3000  }
0x4f: {  	[tilespmem:s0], [sflag:$0x2] =	stream.indirect.gather @!p0 [hbm4b:s3+s29], $0x10, s29, s29, $0xb8;
	[tilespmem:$0x4800] =	vst v63  }
0x50: {  	s30 =	simm.s32 @!p0 $0x3800;
	s0 =	simm.s32 @!p0 $0x100  }
0x51: {  	[tilespmem:s30], [sflag:$0x3] =	stream.indirect.gather @!p0 [hbm4b:s3+s29], $0x10, s0, s29, $0xb8;
	[tilespmem:$0x4800] =	vst v63  }
0x52: {  	s1 =	sshll.u32 s28, $0x1;
	s0 =	smov.u32 s20  }
0x53: {  	s28 =	sshll.u32 s31, $0x1;
	s31 =	rddreg [dreg:$0x2];
	s0 =	simm.s32 @!p0 $0x180  }
0x54: {  	[tilespmem:s10], [sflag:$0x4] =	stream.indirect.gather [hbm4b:s3+s31], $0x10, s0, s31, $0xb8;
	[tilespmem:$0x4800] =	vst v63  }
0x55: {  	_ =	swait.ge [sflag:s11], $0x800  }
0x56: {  	[sflag:s11] =	ssyncset.done $0x0  }
0x57: {  	s24 =	sadd.s32 $0x200, s24;
	s30 =	rddreg [dreg:$0x3];
	[sflag:s11] =	ssyncadd.s32 $0xFFFFF800  }
0x58: {  	[hbm4b:s23+s2] =	stream.linear.scatter [tilespmem:s30], [sflag:$0x5], $0x800, $0x38;
	[tilespmem:$0x4800] =	vst v63  }
0x59: {  	s21 =	sadd.s32 s4, s21;
	p1 =	sne.s32 s24, $0x2980;
	_ =	swait.ge [sflag:s12], $0x800  }
0x5a: {  	s1 =	sand.u32 $0x1FFFFD00, s1;
	s28 =	sand.u32 $0x1FFFFE00, s28;
	[sflag:s12] =	ssyncset.done $0x0  }
0x5b: {  	s30 =	sadd.s32 s4, s22;
	s31 =	rddreg [dreg:$0x4];
	[sflag:s12] =	ssyncadd.s32 $0xFFFFF800  }
0x5c: {  	[hbm4b:s30+s2] =	stream.linear.scatter [tilespmem:s31], [sflag:$0x6], $0x800, $0x38;
	[tilespmem:$0x4800] =	vst v63  }
0x5d: {  	s25 =	sadd.s32 $0x200, s25;
	s0 =	sadd.s32 s6, s0;
	_ =	swait.ge [sflag:s13], $0x800  }
0x5e: {  	s20 =	smov.u32 s26;
	s0 =	sshll.u32 s0, $0x1;
	[sflag:s13] =	ssyncset.done $0x0  }
.Ltmp0:
0x5f: {  	s31 =	rddreg [dreg:$0x5];
	[sflag:s13] =	ssyncadd.s32 $0xFFFFF800;
	(pc) =	sbr.rel @p1 .LBB2_2-.Ltmp0, $4  }
0x60: {  	[hbm4b:s21+s2] =	stream.linear.scatter [tilespmem:s31], [sflag:$0x7], $0x800, $0x38;
	[tilespmem:$0x4800] =	vst v63  }
0x61: {  	p0 =	por p2, p2;
	s0 =	sand.u32 $0x1FFFFF00, s0;
	_ =	swait.ge [sflag:s14], $0x800  }
0x62: {  	s26 =	sadd.s32 s4, s0;
	s22 =	smov.u32 s1;
	[sflag:s14] =	ssyncset.done $0x0  }
0x63: {  	s23 =	sadd.s32 $0x400, s23;
	s21 =	smov.u32 s28;
	[sflag:s14] =	ssyncadd.s32 $0xFFFFF800  }
0x64: {  	[hbm4b:s26+s2] =	stream.linear.scatter [tilespmem:s10], [sflag:$0x8], $0x800, $0x38;
	[tilespmem:$0x4800] =	vst v63  }
0x65: {  	s0 =	simm.s32 @p0 $0x5  }
0x66: {  	_ =	swait.ge @p0 [sflag:s0], $0x800  }
0x67: {  	s1 =	simm.s32 @p0 $0x2800;
	s24 =	simm.s32 @p0 $0x6;
	[sflag:s0] =	ssyncset.done @p0 $0x0  }
0x68: {  	s26 =	simm.s32 @p0 $0x80;
	[sflag:s0] =	ssyncadd.s32 @p0 $0xFFFFF800;
	s0 =	sadd.s32 @p0 $0xFFFFFF00, s25  }
0x69: {  	[tilespmem:s1], [sflag:$0x1] =	stream.indirect.gather @p0 [hbm4b:s3+s26], $0x10, s0, s26, $0xb8;
	[tilespmem:$0x4800] =	vst v63  }
0x6a: {  	_ =	swait.ge @p0 [sflag:s24], $0x800  }
0x6b: {  	s0 =	simm.s32 @p0 $0x7;
	[sflag:s24] =	ssyncset.done @p0 $0x0  }
0x6c: {  	s1 =	sadd.s32 @p0 $0xFFFFFF80, s25;
	[sflag:s24] =	ssyncadd.s32 @p0 $0xFFFFF800;
	s24 =	simm.s32 @p0 $0x3000  }
0x6d: {  	[tilespmem:s24], [sflag:$0x2] =	stream.indirect.gather @p0 [hbm4b:s3+s26], $0x10, s1, s26, $0xb8;
	[tilespmem:$0x4800] =	vst v63  }
0x6e: {  	_ =	swait.ge @p0 [sflag:s0], $0x800  }
0x6f: {  	[sflag:s0] =	ssyncset.done @p0 $0x0  }
0x70: {  	s1 =	simm.s32 @p0 $0x8;
	[sflag:s0] =	ssyncadd.s32 @p0 $0xFFFFF800;
	s0 =	simm.s32 @p0 $0x3800  }
0x71: {  	[tilespmem:s0], [sflag:$0x3] =	stream.indirect.gather @p0 [hbm4b:s3+s26], $0x10, s25, s26, $0xb8;
	[tilespmem:$0x4800] =	vst v63  }
0x72: {  	_ =	swait.ge @p0 [sflag:s1], $0x800  }
0x73: {  	s24 =	simm.s32 @!p0 $0x0;
	[sflag:s1] =	ssyncset.done @p0 $0x0  }
0x74: {  	s0 =	simm.s32 @!p0 $0x2800;
	[sflag:s1] =	ssyncadd.s32 @p0 $0xFFFFF800;
	s1 =	simm.s32 @!p0 $0x80  }
0x75: {  	[tilespmem:s0], [sflag:$0x1] =	stream.indirect.gather @!p0 [hbm4b:s3+s1], $0x10, s24, s1, $0xb8;
	[tilespmem:$0x4800] =	vst v63  }
0x76: {  	s0 =	simm.s32 @!p0 $0x3000  }
0x77: {  	[tilespmem:s0], [sflag:$0x2] =	stream.indirect.gather @!p0 [hbm4b:s3+s1], $0x10, s1, s1, $0xb8;
	[tilespmem:$0x4800] =	vst v63  }
0x78: {  	s24 =	simm.s32 @!p0 $0x3800;
	s0 =	simm.s32 @!p0 $0x100  }
0x79: {  	[tilespmem:s24], [sflag:$0x3] =	stream.indirect.gather @!p0 [hbm4b:s3+s1], $0x10, s0, s1, $0xb8;
	[tilespmem:$0x4800] =	vst v63  }
0x7a: {  	s20 =	simm.s32 @!p0 $0x180;
	s31 =	rddreg [dreg:$0x2]  }
0x7b: {  	[tilespmem:s10], [sflag:$0x4] =	stream.indirect.gather [hbm4b:s3+s31], $0x10, s20, s31, $0xb8;
	[tilespmem:$0x4800] =	vst v63  }
0x7c: {  	_ =	swait.ge [sflag:s11], $0x800  }
0x7d: {  	[sflag:s11] =	ssyncset.done $0x0  }
0x7e: {  	s24 =	rddreg [dreg:$0x3];
	[sflag:s11] =	ssyncadd.s32 $0xFFFFF800  }
0x7f: {  	[hbm4b:s23+s2] =	stream.linear.scatter [tilespmem:s24], [sflag:$0x5], $0x800, $0x38;
	[tilespmem:$0x4800] =	vst v63  }
0x80: {  	_ =	swait.ge [sflag:s12], $0x800  }
0x81: {  	[sflag:s12] =	ssyncset.done $0x0  }
0x82: {  	s26 =	sadd.s32 s4, s22;
	s25 =	rddreg [dreg:$0x4];
	[sflag:s12] =	ssyncadd.s32 $0xFFFFF800  }
0x83: {  	[hbm4b:s26+s2] =	stream.linear.scatter [tilespmem:s25], [sflag:$0x6], $0x800, $0x38;
	[tilespmem:$0x4800] =	vst v63  }
0x84: {  	_ =	swait.ge [sflag:s13], $0x800  }
0x85: {  	s30 =	sadd.s32 s4, s21;
	[sflag:s13] =	ssyncset.done $0x0  }
0x86: {  	s29 =	sadd.s32 s6, s20;
	s28 =	rddreg [dreg:$0x5];
	[sflag:s13] =	ssyncadd.s32 $0xFFFFF800  }
0x87: {  	[hbm4b:s30+s2] =	stream.linear.scatter [tilespmem:s28], [sflag:$0x7], $0x800, $0x38;
	[tilespmem:$0x4800] =	vst v63  }
0x88: {  	s31 =	sshll.u32 s29, $0x1;
	_ =	swait.ge [sflag:s14], $0x800  }
0x89: {  	s0 =	sand.u32 $0x1FFFFF00, s31;
	[sflag:s14] =	ssyncset.done $0x0  }
0x8a: {  	s0 =	sadd.s32 s4, s0;
	[sflag:s14] =	ssyncadd.s32 $0xFFFFF800  }
0x8b: {  	[hbm4b:s0+s2] =	stream.linear.scatter [tilespmem:s10], [sflag:$0x8], $0x800, $0x38;
	[tilespmem:$0x4800] =	vst v63  }
0x8c: {  	_ =	swait.ge [sflag:s15], $0x800  }
0x8d: {  	[sflag:s15] =	ssyncset.done $0x0  }
0x8e: {  	[sflag:s15] =	ssyncadd.s32 $0xFFFFF800  }
0x8f: {  	_ =	swait.ge [sflag:s16], $0x800  }
0x90: {  	[sflag:s16] =	ssyncset.done $0x0  }
0x91: {  	s19 =	sadd.s32 $0x1, s19;
	[sflag:s16] =	ssyncadd.s32 $0xFFFFF800  }
0x92: {  	p0 =	sne.s32 s19, s7;
	_ =	swait.ge [sflag:s17], $0x800  }
.Ltmp1:
0x93: {  	[sflag:s17] =	ssyncset.done $0x0;
	(pc) =	sbr.rel @p0 .LBB2_1-.Ltmp1, $4  }
0x94: {  	[sflag:s17] =	ssyncadd.s32 $0xFFFFF800  }
0x95: {  	_ =	swait.ge [sflag:s18], $0x800  }
0x96: {  	[sflag:s18] =	ssyncset.done $0x0  }
0x97: {  	[sflag:s18] =	ssyncadd.s32 $0xFFFFF800  }
0x98: {  	_ =	sfence.sel $0x180000  }
0x99: {  	[bflag:$0x0] =	sbarrier.arrive $0xFFFF  }
0x9a: {  	_ =	strace $0x90000047  }
0x9b: {  	s0 =	stileid.u32;
	[bflag:$0x2] =	sbarrier.arrive $0xFFFF  }
0x9c: {  	p0 =	sne.s32 s0, $0x0;
	s0 =	rddreg [dreg:$0x1]  }
0x9d: {  	s0 =	sadd.s32 @!p0 $0x100000, s0  }
0x9e: {  	[sflag:s0] =	ssyncadd.tile.s32 @!p0 $0x1;
	_ =	shalt  }
.Lfunc_end2:
_tile_overlayer_lowered:
.L_overlay_start_2:
0x9f: {  	(tag) =	ssettag $0x2  }
0xa0: {  	s0 =	rddreg [dreg:$0x0];
	s2 =	stileid.u32  }
0xa1: {  	s1 =	rddreg [dreg:$0x1];
	p0 =	sne.s32 s2, $0x0  }
0xa2: {  	s3 =	rddreg [dreg:$0x2];
	[bflag:$0x3] =	sbarrier.arrive $0xFFFF;
	s2 =	simm.s32 @!p0 $0x1C09  }
0xa3: {  	[timem:s3], [sflag:s2] =	dma.local @!p0 [hbm:s0], s1  }
0xa4: {  	s0 =	simm.s32 @!p0 $0x9  }
0xa5: {  	_ =	swait.ge @!p0 [sflag:s0], s1  }
0xa6: {  	s1 =	ssub.s32 @!p0 $0x0, s1;
	[sflag:s0] =	ssyncset.done @!p0 $0x0  }
0xa7: {  	[sflag:s0] =	ssyncadd.s32 @!p0 s1  }
0xa8: {  	[bflag:$0x3] =	sbarrier.arrive $0xFFFF  }
0xa9: {  	_ =	shalt  }

// kernel: kernel.18.cloned.1.call-start
scs
__scs_entry_jumppad:
0x0: {  	(pc) =	sbr.rel $0x88, $3  }
0x1: {  	(tag) =	ssettag $0x0;
	lr =	simm.s32 $0x1  }
0x2: {  	[smem:$0x3F8D] =	sst lr;
	_ =	strace $0xD0000000  }
0x3: {  	_ = 	snop  }
0x4: {  	_ = 	snop  }
0x5: {  	_ = 	snop  }
0x6: {  	_ = 	snop  }
0x7: {  	_ = 	snop  }
__scs_overlays_trampoline_lowered:
0x8: {  	[smem:$0x3F9C] =	sst s0  }
0x9: {  	[smem:$0x3F9D] =	sst s1  }
0xa: {  	[smem:$0x3F9E] =	sst s2  }
0xb: {  	[smem:$0x3F9F] =	sst s3  }
0xc: {  	[smem:$0x3FA0] =	sst s4  }
0xd: {  	[smem:$0x3FA1] =	sst s5  }
0xe: {  	[smem:$0x3FA2] =	sst s6  }
0xf: {  	[smem:$0x3FA3] =	sst s7  }
0x10: {  	[smem:$0x3FA4] =	sst s8  }
0x11: {  	[smem:$0x3FA5] =	sst s9;
	s0 =	simm.s32 @!p0 $0x0  }
0x12: {  	s1 =	sld [smem:$0x3F8B];
	s0 =	simm.s32 @p0 $0x1  }
0x13: {  	[smem:$0x3FA6] =	sst s0;
	s0 =	simm.s32 @!p1 $0x0  }
0x14: {  	s2 =	sld [smem:$0x3F8A];
	s0 =	simm.s32 @p1 $0x1  }
0x15: {  	[smem:$0x3FA7] =	sst s0;
	s0 =	simm.s32 @!p2 $0x0  }
0x16: {  	s3 =	sld [smem:$0x3FDB];
	s0 =	simm.s32 @p2 $0x1  }
0x17: {  	s4 =	simm.s32 $0x1BF5;
	[smem:$0x3FA9] =	sst s0  }
0x18: {  	s0 =	sld [smem:$0x3F8C];
	_ =	swait.ge [sflag:s4], $0x0  }
0x19: {  	s7 =	sld [smem:$0x3F8D]  }
0x1a: {  	s8 =	sadd.s32 $0xFFFFE003, lr  }
0x1b: {  	s9 =	sadd.s32 $0xFFFFFEF7, lr;
	s5 =	simm.s32 $0xFFFFFFFF;
	p2 =	slt.u32 s8, $0xFFFFF086  }
0x1c: {  	p1 =	slt.u32 s9, $0xF7A;
	s5 =	simm.s32 @!p2 $0x0  }
0x1d: {  	s5 =	simm.s32 @p1 $0x1;
	p0 =	seq.s32 s7, s2  }
0x1e: {  	s7 =	smul.u32 @!p0 $0xF7A, s2;
	p2 =	seq.s32 @!p0 s5, $0x0  }
0x1f: {  	s9 =	smul.u32 $0xF7A, s1;
	s8 =	simm.s32 @!p0 $0x1BF5;
	p2 =	por !p2, p0  }
0x20: {  	[sflag:s8] =	ssyncset.s32 @!p0 $0xFFFFF086;
	s6 =	sadd.s32 @!p0 s3, s7;
	s7 =	simm.s32 @!p0 $0x108  }
0x21: {  	s3 =	sadd.s32 s3, s9;
	s6 =	sadd.s32 @!p0 $0x88, s6;
	s7 =	simm.s32 @p2 $0x1082  }
0x22: {  	[simem:s7], [sflag:s8] =	dma.local @!p0 [hbm:s6], $0xF7A  }
0x23: {  	s9 =	sor.u32 $0xD0000000, s2;
	s6 =	simm.s32 $0x108;
	_ =	swait.ge @!p0 [sflag:s8], $0x0  }
0x24: {  	s3 =	sadd.s32 $0x88, s3;
	s6 =	simm.s32 @!p1 $0x1082;
	[sflag:s4] =	ssyncset.s32 $0xFFFFF086  }
0x25: {  	[simem:s6], [sflag:s4] =	dma.local [hbm:s3], $0xF7A  }
0x26: {  	[smem:$0x3F8D] =	sst s1;
	(tag) =	ssettag s2;
	_ =	strace s9  }
0x27: {  	s1 =	sld [smem:$0x3F9D]  }
0x28: {  	s2 =	sld [smem:$0x3F9E]  }
0x29: {  	s4 =	sld [smem:$0x3FA0]  }
0x2a: {  	p0 =	seq.s32 s5, $0x0;
	s5 =	sld [smem:$0x3FA1]  }
0x2b: {  	s6 =	sld [smem:$0x3FA2]  }
0x2c: {  	s7 =	sld [smem:$0x3FA3]  }
0x2d: {  	s3 =	simm.s32 $0x108;
	s8 =	sld [smem:$0x3FA4]  }
0x2e: {  	s3 =	simm.s32 @!p0 $0x1082;
	s9 =	sld [smem:$0x3FA5]  }
0x2f: {  	lr =	sadd.s32 s0, s3;
	s0 =	sld [smem:$0x3F9C]  }
0x30: {  	s3 =	sld [smem:$0x3F9F]  }
0x31: {  	[smem:$0x3FA8] =	sst s10  }
0x32: {  	s10 =	sld [smem:$0x3FA6];
	_ =	sdelay $0x3  }
0x33: {  	p0 =	seq.s32 s10, $0x1;
	s10 =	sld [smem:$0x3FA8];
	_ =	sdelay $0x3  }
0x34: {  	[smem:$0x3FA8] =	sst s10  }
0x35: {  	s10 =	sld [smem:$0x3FA7];
	_ =	sdelay $0x3  }
0x36: {  	p1 =	seq.s32 s10, $0x1;
	s10 =	sld [smem:$0x3FA8];
	_ =	sdelay $0x3  }
0x37: {  	[smem:$0x3FA8] =	sst s10  }
0x38: {  	s10 =	sld [smem:$0x3FA9]  }
0x39: {  	_ = 	snop;
	(pc) =	sbr.ind lr, $3  }
0x3a: {  	_ = 	snop  }
0x3b: {  	_ = 	snop  }
0x3c: {  	p2 =	seq.s32 s10, $0x1;
	s10 =	sld [smem:$0x3FA8]  }
0x3d: {  	_ =	shalt  }
0x3e: {  	_ =	shalt  }
0x3f: {  	_ =	shalt  }
0x40: {  	_ =	shalt  }
0x41: {  	_ =	shalt  }
0x42: {  	_ =	shalt  }
0x43: {  	_ =	shalt  }
0x44: {  	_ =	shalt  }
0x45: {  	_ =	shalt  }
0x46: {  	_ =	shalt  }
0x47: {  	_ =	shalt  }
0x48: {  	_ =	shalt  }
0x49: {  	_ =	shalt  }
0x4a: {  	_ =	shalt  }
0x4b: {  	_ =	shalt  }
0x4c: {  	_ =	shalt  }
0x4d: {  	_ =	shalt  }
0x4e: {  	_ =	shalt  }
0x4f: {  	_ =	shalt  }
0x50: {  	_ =	shalt  }
0x51: {  	_ =	shalt  }
0x52: {  	_ =	shalt  }
0x53: {  	_ =	shalt  }
0x54: {  	_ =	shalt  }
0x55: {  	_ =	shalt  }
0x56: {  	_ =	shalt  }
0x57: {  	_ =	shalt  }
0x58: {  	_ =	shalt  }
0x59: {  	_ =	shalt  }
0x5a: {  	_ =	shalt  }
0x5b: {  	_ =	shalt  }
0x5c: {  	_ =	shalt  }
0x5d: {  	_ =	shalt  }
0x5e: {  	_ =	shalt  }
0x5f: {  	_ =	shalt  }
0x60: {  	_ =	shalt  }
0x61: {  	_ =	shalt  }
0x62: {  	_ =	shalt  }
0x63: {  	_ =	shalt  }
0x64: {  	_ =	shalt  }
0x65: {  	_ =	shalt  }
0x66: {  	_ =	shalt  }
0x67: {  	_ =	shalt  }
0x68: {  	_ =	shalt  }
0x69: {  	_ =	shalt  }
0x6a: {  	_ =	shalt  }
0x6b: {  	_ =	shalt  }
0x6c: {  	_ =	shalt  }
0x6d: {  	_ =	shalt  }
0x6e: {  	_ =	shalt  }
0x6f: {  	_ =	shalt  }
0x70: {  	_ =	shalt  }
0x71: {  	_ =	shalt  }
0x72: {  	_ =	shalt  }
0x73: {  	_ =	shalt  }
0x74: {  	_ =	shalt  }
0x75: {  	_ =	shalt  }
0x76: {  	_ =	shalt  }
0x77: {  	_ =	shalt  }
0x78: {  	_ =	shalt  }
0x79: {  	_ =	shalt  }
0x7a: {  	_ =	shalt  }
0x7b: {  	_ =	shalt  }
0x7c: {  	_ =	shalt  }
0x7d: {  	_ =	shalt  }
0x7e: {  	_ =	shalt  }
0x7f: {  	_ =	shalt  }
0x80: {  	_ =	shalt  }
0x81: {  	_ =	shalt  }
0x82: {  	_ =	shalt  }
0x83: {  	_ =	shalt  }
0x84: {  	_ =	shalt  }
0x85: {  	_ =	shalt  }
0x86: {  	_ =	shalt  }
0x87: {  	_ =	shalt  }
.Lfunc_end0:
.L_simem_size_0:
called_computation.1_lowered:
.L_overlay_start_0:
0x88: {  	s2 =	sld [smem:$0x3FD9]  }
0x89: {  	s3 =	sld [smem:$0x3FFE];
	_ =	sdelay $0x1  }
0x8a: {  	s1 =	srdreg.scid  }
0x8b: {  	s0 =	sand.u32 $0x1, s1  }
0x8c: {  	s17 =	sshll.u32 s0, $0xA;
	s2 =	sadd.s32 s3, s2  }
0x8d: {  	s2 =	sadd.s32 s2, s17  }
0x8e: {  	[smem:$0x3FB4] =	sst s2  }
0x8f: {  	_ = 	snop  }
0x90: {  	s18 =	sld [smem:$0x3FC9];
	(tm) =	ssettm $0x1  }
0x91: {  	s19 =	sld [smem:$0x3FFB];
	_ =	sdelay $0x3  }
0x92: {  	_ =	strace s19  }
0x93: {  	s2 =	sld [smem:$0x3FFC];
	_ =	sdelay $0x3  }
0x94: {  	_ =	strace s2  }
0x95: {  	s2 =	sld [smem:$0x3FFD];
	_ =	sdelay $0x3  }
0x96: {  	_ =	strace s2  }
0x97: {  	_ =	strace $0x8FFFFFFF  }
0x98: {  	s20 =	sld [smem:$0x3FDB];
	_ =	sdelay $0x1  }
0x99: {  	s4 =	simm.s32 $_scs_section_size  }
0x9a: {  	s5 =	simm.s32 $_size__tile_overlayer_lowered;
	s6 =	simm.s32 $_tile_overlayer_lowered  }
0x9b: {  	s7 =	simm.s32 $0x1BFF;
	s21 =	sshll.u32 s6, $0x1;
	s4 =	sadd.s32 s4, s20  }
0x9c: {  	s22 =	simm.s32 $0x0;
	s5 =	sshll.u32 s5, $0x1;
	s6 =	sadd.s32 s21, s4  }
0x9d: {  	[timem:s22], [sflag:s7] =	dma.local [hbm:s6], s5  }
0x9e: {  	_ =	swait.ge [sflag:s7], s5  }
0x9f: {  	s5 =	ssub.s32 $0x0, s5;
	[sflag:s7] =	ssyncset.done $0x0  }
0xa0: {  	[sflag:s7] =	ssyncadd.s32 s5;
	_ =	sdelay $0x1  }
0xa1: {  	s23 =	simm.s32 $0x1B8B  }
0xa2: {  	_ =	swait.ge [sflag:s23], $0x1  }
0xa3: {  	[sflag:s23] =	ssyncset.done $0x0  }
0xa4: {  	[sflag:s23] =	ssyncadd.s32 $0xFFFFFFFF  }
0xa5: {  	s5 =	sld [smem:$0x0]  }
0xa6: {  	s6 =	sand.u32 $0xFFFFFFFE, s1  }
0xa7: {  	p0 =	sne.s32 s1, s6  }
0xa8: {  	s6 =	sshll.u32 @p0 s6, $0xE  }
0xa9: {  	s6 =	sadd.s32 @p0 $0x11B8D, s6;
	s7 =	sshll.u32 @p0 s5, $0x11  }
0xaa: {  	s6 =	sor.u32 @p0 s7, s6  }
0xab: {  	[sflag:s6] =	ssyncadd.remote.s32 @p0 $0x1;
	_ =	sdelay $0x1  }
0xac: {  	s6 =	simm.s32 @p0 $0x1B8D  }
0xad: {  	_ =	swait.eq @p0 [sflag:s6], $0x1  }
0xae: {  	[sflag:s6] =	ssyncadd.s32 @p0 $0xFFFFFFFF  }
0xaf: {  	s7 =	sshll.u32 @!p0 s1, $0xE  }
0xb0: {  	s7 =	sor.u32 @!p0 $0x4000, s7;
	s6 =	simm.s32 @!p0 $0x1B8D  }
0xb1: {  	s5 =	sshll.u32 @!p0 s5, $0x11;
	s7 =	sadd.s32 @!p0 $0x11B8D, s7;
	_ =	swait.eq @!p0 [sflag:s6], $0x1  }
0xb2: {  	s5 =	sor.u32 @!p0 s5, s7;
	[sflag:s6] =	ssyncadd.s32 @!p0 $0xFFFFFFFF  }
0xb3: {  	s25 =	simm.s32 $0x1B8E;
	s24 =	sld [smem:$0x3FFE];
	[sflag:s5] =	ssyncadd.remote.s32 @!p0 $0x1  }
0xb4: {  	s26 =	simm.s32 $execute0_lowered;
	[smem:$0x3FD2] =	sst s25  }
0xb5: {  	s6 =	sshll.u32 s26, $0x1;
	_ =	strace $0x80000049;
	[dreg:$0x1] =	wrdreg $0xFFFFFFFF  }
0xb6: {  	s28 =	simm.s32 $_size_execute0_lowered;
	s4 =	sadd.s32 s4, s6;
	[dreg:$0x0] =	wrdreg $0x0  }
0xb7: {  	s6 =	sshll.u32 s28, $0x1;
	[dreg:$0x2] =	wrdreg s4  }
0xb8: {  	[dreg:$0x3] =	wrdreg s6  }
0xb9: {  	[dreg:$0x4] =	wrdreg $0xC0  }
0xba: {  	_ =	task [dreg:s22], $0x5FFFF  }
0xbb: {  	[dreg:$0x1] =	wrdreg $0xFFFFFFFF  }
0xbc: {  	[dreg:$0x0] =	wrdreg $0x60  }
0xbd: {  	[dreg:$0x2] =	wrdreg s18  }
0xbe: {  	[dreg:$0x3] =	wrdreg s24  }
0xbf: {  	[dreg:$0x4] =	wrdreg $0xA  }
0xc0: {  	_ =	task.clear_ibuf [dreg:s22], $0x5FFFF;
	_ =	strace $0x90000049  }
0xc1: {  	s29 =	simm.s32 $0xA;
	_ =	strace $0x8000004B  }
0xc2: {  	_ =	swait.ge [sflag:s29], $0x1  }
0xc3: {  	[sflag:s29] =	ssyncadd.s32 $0xFFFFFFFF  }
0xc4: {  	_ =	strace $0x9000004B  }
0xc5: {  	_ =	sfence  }
0xc6: {  	s30 =	sld [smem:$0x0];
	_ =	sdelay $0x2  }
0xc7: {  	s31 =	sshll.u32 s1, $0xD;
	s1 =	sshrl.u32 s1, $0x2  }
0xc8: {  	s4 =	sand.u32 $0x4000, s31;
	s1 =	sadd.s32 s1, s30  }
0xc9: {  	s0 =	sor.u32 s4, s0;
	s1 =	sshll.u32 s1, $0x11  }
0xca: {  	s0 =	sor.u32 s1, s0  }
0xcb: {  	s0 =	sadd.s32 $0x8F2B, s0  }
0xcc: {  	[sflag:s0] =	ssyncadd.remote.s32 $0x1  }
0xcd: {  	_ =	sfence.sel $0xFFFF  }
0xce: {  	[dreg:$0x0] =	wrdreg $0xFFFFFFFF;
	(pc) =	sbr.abs _section_cstart, $3  }
0xcf: {  	[dreg:$0x1] =	wrdreg $0xFFFFFFFF  }
0xd0: {  	_ =	task.clear_ibuf [dreg:s22], $0x2FFFF;
	_ =	strace $0x9FFFFFFF  }
0xd1: {  	(tm) =	ssettm $0x7FFFFFFF  }
tec
execute0_lowered:
.L_overlay_start_1:
0x0: {  	(tag) =	ssettag $0x1  }
0x1: {  	s1 =	srdreg.scid;
	s2 =	rddreg [dreg:$0x0]  }
0x2: {  	s0 =	stileid.u32;
	s4 =	rddreg [dreg:$0x1];
	s13 =	simm.s32 $0x80  }
0x3: {  	s14 =	simm.s32 $0x1400;
	s15 =	simm.s32 $0x5400;
	s16 =	simm.s32 $0x100  }
0x4: {  	s17 =	simm.s32 $0x9400;
	s18 =	simm.s32 $0x180;
	s19 =	simm.s32 $0xD400  }
0x5: {  	s20 =	simm.s32 $0x1;
	s21 =	simm.s32 $0x2;
	s10 =	smul.u32 $0x140000, s0  }
0x6: {  	s22 =	simm.s32 $0x3;
	s1 =	sand.u32 $0x1, s1;
	s12 =	smul.u32 $0x28000, s0  }
0x7: {  	s23 =	simm.s32 $0x4;
	s3 =	sshll.u32 s0, $0x1;
	s30 =	smul.u32 $0xA0000, s1  }
0x8: {  	s5 =	sor.u32 s1, s3;
	s8 =	ssub.s32 $0x2, s1;
	s1 =	smul.u32 $0x14000, s1  }
0x9: {  	s24 =	simm.s32 $0x5;
	s28 =	simm.s32 $0x8;
	s6 =	smul.u32 $0x280, s5  }
0xa: {  	s29 =	simm.s32 $0x0;
	s3 =	simm.s32 $0x0;
	s7 =	smul.u32 $0xA0000, s5  }
0xb: {  	s11 =	sadd.s32 $0xC3400, s4;
	[smem:$0x7FF] =	sst s3;
	s9 =	smul.u32 $0x14000, s5  }
0xc: {  	s26 =	sshrl.u32 s8, $0x1;
	_ =	strace $0x8000004A;
	s25 =	sadd.s32 s6, s4  }
0xd: {  	s6 =	ssub.s32 s8, s26;
	s31 =	sshrl.u32 s7, $0x3;
	s9 =	sadd.s32 s9, s11  }
0xe: {  	s8 =	sadd.s32 s30, s10;
	s26 =	simm.s32 $0x7;
	s4 =	sadd.s32 $0xB9400, s25  }
0xf: {  	s5 =	smax.u32 s6, $0x1;
	s6 =	sadd.s32 s11, s31;
	s10 =	sor.u32 $0x10000, s8  }
0x10: {  	s7 =	sadd.s32 $0x800, s9;
	s8 =	sadd.s32 $0x1000, s9;
	s10 =	sshrl.u32 s10, $0x3  }
0x11: {  	s9 =	sadd.s32 $0x1800, s9;
	s10 =	sadd.s32 s10, s11;
	s11 =	sadd.s32 s12, s11  }
0x12: {  	s25 =	simm.s32 $0x6;
	s12 =	simm.s32 $0x9;
	s11 =	sadd.s32 s1, s11  }
.LBB2_1:
0x13: {  	[tilespmem:s3], [sflag:$0x9] =	stream.linear.gather [hbm4b:s4+s3], $0x1400, $0x38;
	[tilespmem:$0x11400] =	vst v63  }
0x14: {  	_ =	swait.ge [sflag:s12], $0x1400  }
0x15: {  	[sflag:s12] =	ssyncset.done $0x0  }
0x16: {  	[sflag:s12] =	ssyncadd.s32 $0xFFFFEC00  }
0x17: {  	[tilespmem:s14], [sflag:$0x1] =	stream.indirect.gather [hbm4b:s2+s13], $0x80, s3, s13, $0xb8;
	[tilespmem:$0x11400] =	vst v63  }
0x18: {  	_ = 	snop  }
0x19: {  	[tilespmem:s15], [sflag:$0x2] =	stream.indirect.gather [hbm4b:s2+s13], $0x80, s13, s13, $0xb8;
	[tilespmem:$0x11400] =	vst v63  }
0x1a: {  	_ = 	snop  }
0x1b: {  	[tilespmem:s17], [sflag:$0x3] =	stream.indirect.gather [hbm4b:s2+s13], $0x80, s16, s13, $0xb8;
	[tilespmem:$0x11400] =	vst v63  }
0x1c: {  	_ = 	snop  }
0x1d: {  	[tilespmem:s19], [sflag:$0x4] =	stream.indirect.gather [hbm4b:s2+s13], $0x80, s18, s13, $0xb8;
	[tilespmem:$0x11400] =	vst v63  }
0x1e: {  	_ =	swait.ge [sflag:s20], $0x4000  }
0x1f: {  	[sflag:s20] =	ssyncset.done $0x0  }
0x20: {  	[sflag:s20] =	ssyncadd.s32 $0xFFFFC000  }
0x21: {  	[hbm4b:s6+s3] =	stream.linear.scatter [tilespmem:s14], [sflag:$0x5], $0x4000, $0x38;
	[tilespmem:$0x11400] =	vst v63  }
0x22: {  	_ =	swait.ge [sflag:s21], $0x4000  }
0x23: {  	[sflag:s21] =	ssyncset.done $0x0  }
0x24: {  	[sflag:s21] =	ssyncadd.s32 $0xFFFFC000  }
0x25: {  	[hbm4b:s7+s3] =	stream.linear.scatter [tilespmem:s15], [sflag:$0x6], $0x4000, $0x38;
	[tilespmem:$0x11400] =	vst v63  }
0x26: {  	_ =	swait.ge [sflag:s22], $0x4000  }
0x27: {  	[sflag:s22] =	ssyncset.done $0x0  }
0x28: {  	[sflag:s22] =	ssyncadd.s32 $0xFFFFC000  }
0x29: {  	[hbm4b:s8+s3] =	stream.linear.scatter [tilespmem:s17], [sflag:$0x7], $0x4000, $0x38;
	[tilespmem:$0x11400] =	vst v63  }
0x2a: {  	_ =	swait.ge [sflag:s23], $0x4000  }
0x2b: {  	[sflag:s23] =	ssyncset.done $0x0  }
0x2c: {  	[sflag:s23] =	ssyncadd.s32 $0xFFFFC000  }
0x2d: {  	[hbm4b:s9+s3] =	stream.linear.scatter [tilespmem:s19], [sflag:$0x8], $0x4000, $0x38;
	[tilespmem:$0x11400] =	vst v63  }
0x2e: {  	_ =	swait.ge [sflag:s24], $0x4000  }
0x2f: {  	[sflag:s24] =	ssyncset.done $0x0  }
0x30: {  	s1 =	simm.s32 $0x200;
	[sflag:s24] =	ssyncadd.s32 $0xFFFFC000  }
0x31: {  	[tilespmem:s14], [sflag:$0x1] =	stream.indirect.gather [hbm4b:s2+s13], $0x80, s1, s13, $0xb8;
	[tilespmem:$0x11400] =	vst v63  }
0x32: {  	_ =	swait.ge [sflag:s25], $0x4000  }
0x33: {  	[sflag:s25] =	ssyncset.done $0x0  }
0x34: {  	s0 =	simm.s32 $0x280;
	[sflag:s25] =	ssyncadd.s32 $0xFFFFC000  }
0x35: {  	[tilespmem:s15], [sflag:$0x2] =	stream.indirect.gather [hbm4b:s2+s13], $0x80, s0, s13, $0xb8;
	[tilespmem:$0x11400] =	vst v63  }
0x36: {  	_ =	swait.ge [sflag:s26], $0x4000  }
0x37: {  	[sflag:s26] =	ssyncset.done $0x0  }
0x38: {  	s0 =	simm.s32 $0x300;
	[sflag:s26] =	ssyncadd.s32 $0xFFFFC000  }
0x39: {  	[tilespmem:s17], [sflag:$0x3] =	stream.indirect.gather [hbm4b:s2+s13], $0x80, s0, s13, $0xb8;
	[tilespmem:$0x11400] =	vst v63  }
0x3a: {  	_ =	swait.ge [sflag:s28], $0x4000  }
0x3b: {  	[sflag:s28] =	ssyncset.done $0x0  }
0x3c: {  	s0 =	simm.s32 $0x380;
	[sflag:s28] =	ssyncadd.s32 $0xFFFFC000  }
0x3d: {  	[tilespmem:s19], [sflag:$0x4] =	stream.indirect.gather [hbm4b:s2+s13], $0x80, s0, s13, $0xb8;
	[tilespmem:$0x11400] =	vst v63  }
0x3e: {  	_ =	swait.ge [sflag:s20], $0x4000  }
0x3f: {  	[sflag:s20] =	ssyncset.done $0x0  }
0x40: {  	s0 =	sadd.s32 $0x0, s10;
	[sflag:s20] =	ssyncadd.s32 $0xFFFFC000  }
0x41: {  	[hbm4b:s0+s3] =	stream.linear.scatter [tilespmem:s14], [sflag:$0x5], $0x4000, $0x38;
	[tilespmem:$0x11400] =	vst v63  }
0x42: {  	_ =	swait.ge [sflag:s21], $0x4000  }
0x43: {  	s0 =	sadd.s32 $0x0, s11;
	[sflag:s21] =	ssyncset.done $0x0  }
0x44: {  	s30 =	sadd.s32 $0x2800, s0;
	[sflag:s21] =	ssyncadd.s32 $0xFFFFC000  }
0x45: {  	[hbm4b:s30+s3] =	stream.linear.scatter [tilespmem:s15], [sflag:$0x6], $0x4000, $0x38;
	[tilespmem:$0x11400] =	vst v63  }
0x46: {  	_ =	swait.ge [sflag:s22], $0x4000  }
0x47: {  	[sflag:s22] =	ssyncset.done $0x0  }
0x48: {  	s30 =	sadd.s32 $0x3000, s0;
	[sflag:s22] =	ssyncadd.s32 $0xFFFFC000  }
0x49: {  	[hbm4b:s30+s3] =	stream.linear.scatter [tilespmem:s17], [sflag:$0x7], $0x4000, $0x38;
	[tilespmem:$0x11400] =	vst v63  }
0x4a: {  	_ =	swait.ge [sflag:s23], $0x4000  }
0x4b: {  	s31 =	simm.s32 $0x400;
	[sflag:s23] =	ssyncset.done $0x0  }
0x4c: {  	s1 =	sadd.s32 $0x3800, s0;
	s30 =	simm.s32 $0x2000;
	[sflag:s23] =	ssyncadd.s32 $0xFFFFC000  }
.LBB2_2:
0x4d: {  	[hbm4b:s1+s3] =	stream.linear.scatter [tilespmem:s19], [sflag:$0x8], $0x4000, $0x38;
	[tilespmem:$0x11400] =	vst v63  }
0x4e: {  	s1 =	smov.u32 s30  }
0x4f: {  	p0 =	sne.s32 s30, $0x10000;
	s30 =	sadd.s32 $0x2000, s30;
	_ =	swait.ge [sflag:s24], $0x4000  }
0x50: {  	[sflag:s24] =	ssyncset.done $0x0  }
0x51: {  	[sflag:s24] =	ssyncadd.s32 $0xFFFFC000  }
0x52: {  	[tilespmem:s14], [sflag:$0x1] =	stream.indirect.gather [hbm4b:s2+s13], $0x80, s31, s13, $0xb8;
	[tilespmem:$0x11400] =	vst v63  }
0x53: {  	_ =	swait.ge [sflag:s25], $0x4000  }
0x54: {  	[sflag:s25] =	ssyncset.done $0x0  }
0x55: {  	s0 =	sadd.s32 $0x80, s31;
	[sflag:s25] =	ssyncadd.s32 $0xFFFFC000  }
0x56: {  	[tilespmem:s15], [sflag:$0x2] =	stream.indirect.gather [hbm4b:s2+s13], $0x80, s0, s13, $0xb8;
	[tilespmem:$0x11400] =	vst v63  }
0x57: {  	_ =	swait.ge [sflag:s26], $0x4000  }
0x58: {  	[sflag:s26] =	ssyncset.done $0x0  }
0x59: {  	s0 =	sadd.s32 $0x100, s31;
	[sflag:s26] =	ssyncadd.s32 $0xFFFFC000  }
0x5a: {  	[tilespmem:s17], [sflag:$0x3] =	stream.indirect.gather [hbm4b:s2+s13], $0x80, s0, s13, $0xb8;
	[tilespmem:$0x11400] =	vst v63  }
0x5b: {  	_ =	swait.ge [sflag:s28], $0x4000  }
0x5c: {  	[sflag:s28] =	ssyncset.done $0x0  }
0x5d: {  	s0 =	sadd.s32 $0x180, s31;
	[sflag:s28] =	ssyncadd.s32 $0xFFFFC000  }
0x5e: {  	[tilespmem:s19], [sflag:$0x4] =	stream.indirect.gather [hbm4b:s2+s13], $0x80, s0, s13, $0xb8;
	[tilespmem:$0x11400] =	vst v63  }
0x5f: {  	_ =	swait.ge [sflag:s20], $0x4000  }
0x60: {  	[sflag:s20] =	ssyncset.done $0x0  }
0x61: {  	s0 =	sadd.s32 s1, s10;
	[sflag:s20] =	ssyncadd.s32 $0xFFFFC000  }
0x62: {  	[hbm4b:s0+s3] =	stream.linear.scatter [tilespmem:s14], [sflag:$0x5], $0x4000, $0x38;
	[tilespmem:$0x11400] =	vst v63  }
0x63: {  	_ =	swait.ge [sflag:s21], $0x4000  }
0x64: {  	s0 =	sadd.s32 s1, s11;
	[sflag:s21] =	ssyncset.done $0x0  }
0x65: {  	s1 =	sadd.s32 $0x2800, s0;
	[sflag:s21] =	ssyncadd.s32 $0xFFFFC000  }
0x66: {  	[hbm4b:s1+s3] =	stream.linear.scatter [tilespmem:s15], [sflag:$0x6], $0x4000, $0x38;
	[tilespmem:$0x11400] =	vst v63  }
0x67: {  	_ =	swait.ge [sflag:s22], $0x4000  }
0x68: {  	[sflag:s22] =	ssyncset.done $0x0  }
.Ltmp0:
0x69: {  	s1 =	sadd.s32 $0x3000, s0;
	[sflag:s22] =	ssyncadd.s32 $0xFFFFC000;
	(pc) =	sbr.rel @p0 .LBB2_2-.Ltmp0, $4  }
0x6a: {  	[hbm4b:s1+s3] =	stream.linear.scatter [tilespmem:s17], [sflag:$0x7], $0x4000, $0x38;
	[tilespmem:$0x11400] =	vst v63  }
0x6b: {  	_ =	swait.ge [sflag:s23], $0x4000  }
0x6c: {  	[sflag:s23] =	ssyncset.done $0x0  }
0x6d: {  	s31 =	sadd.s32 $0x200, s31;
	s1 =	sadd.s32 $0x3800, s0;
	[sflag:s23] =	ssyncadd.s32 $0xFFFFC000  }
0x6e: {  	[hbm4b:s1+s3] =	stream.linear.scatter [tilespmem:s19], [sflag:$0x8], $0x4000, $0x38;
	[tilespmem:$0x11400] =	vst v63  }
0x6f: {  	_ =	swait.ge [sflag:s24], $0x4000  }
0x70: {  	[sflag:s24] =	ssyncset.done $0x0  }
0x71: {  	[sflag:s24] =	ssyncadd.s32 $0xFFFFC000  }
0x72: {  	_ =	swait.ge [sflag:s25], $0x4000  }
0x73: {  	[sflag:s25] =	ssyncset.done $0x0  }
0x74: {  	s29 =	sadd.s32 $0x1, s29;
	[sflag:s25] =	ssyncadd.s32 $0xFFFFC000  }
0x75: {  	p0 =	sne.s32 s29, s5;
	_ =	swait.ge [sflag:s26], $0x4000  }
.Ltmp1:
0x76: {  	[sflag:s26] =	ssyncset.done $0x0;
	(pc) =	sbr.rel @p0 .LBB2_1-.Ltmp1, $4  }
0x77: {  	[sflag:s26] =	ssyncadd.s32 $0xFFFFC000  }
0x78: {  	_ =	swait.ge [sflag:s28], $0x4000  }
0x79: {  	[sflag:s28] =	ssyncset.done $0x0  }
0x7a: {  	[sflag:s28] =	ssyncadd.s32 $0xFFFFC000  }
0x7b: {  	_ =	sfence.sel $0x180000  }
0x7c: {  	[bflag:$0x0] =	sbarrier.arrive $0xFFFF  }
0x7d: {  	_ =	strace $0x9000004A  }
0x7e: {  	s0 =	stileid.u32;
	[bflag:$0x2] =	sbarrier.arrive $0xFFFF  }
0x7f: {  	p0 =	sne.s32 s0, $0x0;
	s0 =	rddreg [dreg:$0x2]  }
0x80: {  	s0 =	sadd.s32 @!p0 $0x100000, s0  }
0x81: {  	[sflag:s0] =	ssyncadd.tile.s32 @!p0 $0x1;
	_ =	shalt  }
.Lfunc_end2:
_tile_overlayer_lowered:
.L_overlay_start_2:
0x82: {  	(tag) =	ssettag $0x2  }
0x83: {  	s0 =	rddreg [dreg:$0x0];
	s2 =	stileid.u32  }
0x84: {  	s1 =	rddreg [dreg:$0x1];
	p0 =	sne.s32 s2, $0x0  }
0x85: {  	s3 =	rddreg [dreg:$0x2];
	[bflag:$0x3] =	sbarrier.arrive $0xFFFF;
	s2 =	simm.s32 @!p0 $0x1C09  }
0x86: {  	[timem:s3], [sflag:s2] =	dma.local @!p0 [hbm:s0], s1  }
0x87: {  	s0 =	simm.s32 @!p0 $0x9  }
0x88: {  	_ =	swait.ge @!p0 [sflag:s0], s1  }
0x89: {  	s1 =	ssub.s32 @!p0 $0x0, s1;
	[sflag:s0] =	ssyncset.done @!p0 $0x0  }
0x8a: {  	[sflag:s0] =	ssyncadd.s32 @!p0 s1  }
0x8b: {  	[bflag:$0x3] =	sbarrier.arrive $0xFFFF  }
0x8c: {  	_ =	shalt  }

// kernel: kernel.21.cloned.1.call-start
scs
__scs_entry_jumppad:
0x0: {  	(pc) =	sbr.rel $0x88, $3  }
0x1: {  	(tag) =	ssettag $0x0;
	lr =	simm.s32 $0x1  }
0x2: {  	[smem:$0x3F8D] =	sst lr;
	_ =	strace $0xD0000000  }
0x3: {  	_ = 	snop  }
0x4: {  	_ = 	snop  }
0x5: {  	_ = 	snop  }
0x6: {  	_ = 	snop  }
0x7: {  	_ = 	snop  }
__scs_overlays_trampoline_lowered:
0x8: {  	[smem:$0x3F9C] =	sst s0  }
0x9: {  	[smem:$0x3F9D] =	sst s1  }
0xa: {  	[smem:$0x3F9E] =	sst s2  }
0xb: {  	[smem:$0x3F9F] =	sst s3  }
0xc: {  	[smem:$0x3FA0] =	sst s4  }
0xd: {  	[smem:$0x3FA1] =	sst s5  }
0xe: {  	[smem:$0x3FA2] =	sst s6  }
0xf: {  	[smem:$0x3FA3] =	sst s7  }
0x10: {  	[smem:$0x3FA4] =	sst s8  }
0x11: {  	[smem:$0x3FA5] =	sst s9;
	s0 =	simm.s32 @!p0 $0x0  }
0x12: {  	s1 =	sld [smem:$0x3F8B];
	s0 =	simm.s32 @p0 $0x1  }
0x13: {  	[smem:$0x3FA6] =	sst s0;
	s0 =	simm.s32 @!p1 $0x0  }
0x14: {  	s2 =	sld [smem:$0x3F8A];
	s0 =	simm.s32 @p1 $0x1  }
0x15: {  	[smem:$0x3FA7] =	sst s0;
	s0 =	simm.s32 @!p2 $0x0  }
0x16: {  	s3 =	sld [smem:$0x3FDB];
	s0 =	simm.s32 @p2 $0x1  }
0x17: {  	s4 =	simm.s32 $0x1BF5;
	[smem:$0x3FA9] =	sst s0  }
0x18: {  	s0 =	sld [smem:$0x3F8C];
	_ =	swait.ge [sflag:s4], $0x0  }
0x19: {  	s7 =	sld [smem:$0x3F8D]  }
0x1a: {  	s8 =	sadd.s32 $0xFFFFE003, lr  }
0x1b: {  	s9 =	sadd.s32 $0xFFFFFEF7, lr;
	s5 =	simm.s32 $0xFFFFFFFF;
	p2 =	slt.u32 s8, $0xFFFFF086  }
0x1c: {  	p1 =	slt.u32 s9, $0xF7A;
	s5 =	simm.s32 @!p2 $0x0  }
0x1d: {  	s5 =	simm.s32 @p1 $0x1;
	p0 =	seq.s32 s7, s2  }
0x1e: {  	s7 =	smul.u32 @!p0 $0xF7A, s2;
	p2 =	seq.s32 @!p0 s5, $0x0  }
0x1f: {  	s9 =	smul.u32 $0xF7A, s1;
	s8 =	simm.s32 @!p0 $0x1BF5;
	p2 =	por !p2, p0  }
0x20: {  	[sflag:s8] =	ssyncset.s32 @!p0 $0xFFFFF086;
	s6 =	sadd.s32 @!p0 s3, s7;
	s7 =	simm.s32 @!p0 $0x108  }
0x21: {  	s3 =	sadd.s32 s3, s9;
	s6 =	sadd.s32 @!p0 $0x88, s6;
	s7 =	simm.s32 @p2 $0x1082  }
0x22: {  	[simem:s7], [sflag:s8] =	dma.local @!p0 [hbm:s6], $0xF7A  }
0x23: {  	s9 =	sor.u32 $0xD0000000, s2;
	s6 =	simm.s32 $0x108;
	_ =	swait.ge @!p0 [sflag:s8], $0x0  }
0x24: {  	s3 =	sadd.s32 $0x88, s3;
	s6 =	simm.s32 @!p1 $0x1082;
	[sflag:s4] =	ssyncset.s32 $0xFFFFF086  }
0x25: {  	[simem:s6], [sflag:s4] =	dma.local [hbm:s3], $0xF7A  }
0x26: {  	[smem:$0x3F8D] =	sst s1;
	(tag) =	ssettag s2;
	_ =	strace s9  }
0x27: {  	s1 =	sld [smem:$0x3F9D]  }
0x28: {  	s2 =	sld [smem:$0x3F9E]  }
0x29: {  	s4 =	sld [smem:$0x3FA0]  }
0x2a: {  	p0 =	seq.s32 s5, $0x0;
	s5 =	sld [smem:$0x3FA1]  }
0x2b: {  	s6 =	sld [smem:$0x3FA2]  }
0x2c: {  	s7 =	sld [smem:$0x3FA3]  }
0x2d: {  	s3 =	simm.s32 $0x108;
	s8 =	sld [smem:$0x3FA4]  }
0x2e: {  	s3 =	simm.s32 @!p0 $0x1082;
	s9 =	sld [smem:$0x3FA5]  }
0x2f: {  	lr =	sadd.s32 s0, s3;
	s0 =	sld [smem:$0x3F9C]  }
0x30: {  	s3 =	sld [smem:$0x3F9F]  }
0x31: {  	[smem:$0x3FA8] =	sst s10  }
0x32: {  	s10 =	sld [smem:$0x3FA6];
	_ =	sdelay $0x3  }
0x33: {  	p0 =	seq.s32 s10, $0x1;
	s10 =	sld [smem:$0x3FA8];
	_ =	sdelay $0x3  }
0x34: {  	[smem:$0x3FA8] =	sst s10  }
0x35: {  	s10 =	sld [smem:$0x3FA7];
	_ =	sdelay $0x3  }
0x36: {  	p1 =	seq.s32 s10, $0x1;
	s10 =	sld [smem:$0x3FA8];
	_ =	sdelay $0x3  }
0x37: {  	[smem:$0x3FA8] =	sst s10  }
0x38: {  	s10 =	sld [smem:$0x3FA9]  }
0x39: {  	_ = 	snop;
	(pc) =	sbr.ind lr, $3  }
0x3a: {  	_ = 	snop  }
0x3b: {  	_ = 	snop  }
0x3c: {  	p2 =	seq.s32 s10, $0x1;
	s10 =	sld [smem:$0x3FA8]  }
0x3d: {  	_ =	shalt  }
0x3e: {  	_ =	shalt  }
0x3f: {  	_ =	shalt  }
0x40: {  	_ =	shalt  }
0x41: {  	_ =	shalt  }
0x42: {  	_ =	shalt  }
0x43: {  	_ =	shalt  }
0x44: {  	_ =	shalt  }
0x45: {  	_ =	shalt  }
0x46: {  	_ =	shalt  }
0x47: {  	_ =	shalt  }
0x48: {  	_ =	shalt  }
0x49: {  	_ =	shalt  }
0x4a: {  	_ =	shalt  }
0x4b: {  	_ =	shalt  }
0x4c: {  	_ =	shalt  }
0x4d: {  	_ =	shalt  }
0x4e: {  	_ =	shalt  }
0x4f: {  	_ =	shalt  }
0x50: {  	_ =	shalt  }
0x51: {  	_ =	shalt  }
0x52: {  	_ =	shalt  }
0x53: {  	_ =	shalt  }
0x54: {  	_ =	shalt  }
0x55: {  	_ =	shalt  }
0x56: {  	_ =	shalt  }
0x57: {  	_ =	shalt  }
0x58: {  	_ =	shalt  }
0x59: {  	_ =	shalt  }
0x5a: {  	_ =	shalt  }
0x5b: {  	_ =	shalt  }
0x5c: {  	_ =	shalt  }
0x5d: {  	_ =	shalt  }
0x5e: {  	_ =	shalt  }
0x5f: {  	_ =	shalt  }
0x60: {  	_ =	shalt  }
0x61: {  	_ =	shalt  }
0x62: {  	_ =	shalt  }
0x63: {  	_ =	shalt  }
0x64: {  	_ =	shalt  }
0x65: {  	_ =	shalt  }
0x66: {  	_ =	shalt  }
0x67: {  	_ =	shalt  }
0x68: {  	_ =	shalt  }
0x69: {  	_ =	shalt  }
0x6a: {  	_ =	shalt  }
0x6b: {  	_ =	shalt  }
0x6c: {  	_ =	shalt  }
0x6d: {  	_ =	shalt  }
0x6e: {  	_ =	shalt  }
0x6f: {  	_ =	shalt  }
0x70: {  	_ =	shalt  }
0x71: {  	_ =	shalt  }
0x72: {  	_ =	shalt  }
0x73: {  	_ =	shalt  }
0x74: {  	_ =	shalt  }
0x75: {  	_ =	shalt  }
0x76: {  	_ =	shalt  }
0x77: {  	_ =	shalt  }
0x78: {  	_ =	shalt  }
0x79: {  	_ =	shalt  }
0x7a: {  	_ =	shalt  }
0x7b: {  	_ =	shalt  }
0x7c: {  	_ =	shalt  }
0x7d: {  	_ =	shalt  }
0x7e: {  	_ =	shalt  }
0x7f: {  	_ =	shalt  }
0x80: {  	_ =	shalt  }
0x81: {  	_ =	shalt  }
0x82: {  	_ =	shalt  }
0x83: {  	_ =	shalt  }
0x84: {  	_ =	shalt  }
0x85: {  	_ =	shalt  }
0x86: {  	_ =	shalt  }
0x87: {  	_ =	shalt  }
.Lfunc_end0:
.L_simem_size_0:
called_computation.2_lowered:
.L_overlay_start_0:
0x88: {  	s2 =	sld [smem:$0x3FD9]  }
0x89: {  	s3 =	sld [smem:$0x3FFE];
	_ =	sdelay $0x1  }
0x8a: {  	s1 =	srdreg.scid  }
0x8b: {  	s0 =	sand.u32 $0x1, s1  }
0x8c: {  	s16 =	sshll.u32 s0, $0xA;
	s2 =	sadd.s32 s3, s2  }
0x8d: {  	s2 =	sadd.s32 s2, s16  }
0x8e: {  	[smem:$0x3FB4] =	sst s2  }
0x8f: {  	_ = 	snop  }
0x90: {  	(tm) =	ssettm $0x1  }
0x91: {  	s17 =	sld [smem:$0x3FFB];
	_ =	sdelay $0x3  }
0x92: {  	_ =	strace s17  }
0x93: {  	s2 =	sld [smem:$0x3FFC];
	_ =	sdelay $0x3  }
0x94: {  	_ =	strace s2  }
0x95: {  	s2 =	sld [smem:$0x3FFD];
	_ =	sdelay $0x3  }
0x96: {  	_ =	strace s2  }
0x97: {  	_ =	strace $0x8FFFFFFF  }
0x98: {  	s18 =	sld [smem:$0x3FDB];
	_ =	sdelay $0x1  }
0x99: {  	s19 =	simm.s32 $_scs_section_size  }
0x9a: {  	s4 =	simm.s32 $_size__tile_overlayer_lowered;
	s5 =	simm.s32 $_tile_overlayer_lowered  }
0x9b: {  	s22 =	simm.s32 $0x1BFF;
	s21 =	sshll.u32 s5, $0x1;
	s2 =	sadd.s32 s19, s18  }
0x9c: {  	s6 =	simm.s32 $0x0;
	s20 =	sshll.u32 s4, $0x1;
	s4 =	sadd.s32 s21, s2  }
0x9d: {  	[timem:s6], [sflag:s22] =	dma.local [hbm:s4], s20  }
0x9e: {  	_ =	swait.ge [sflag:s22], s20  }
0x9f: {  	s3 =	ssub.s32 $0x0, s20;
	[sflag:s22] =	ssyncset.done $0x0  }
0xa0: {  	[sflag:s22] =	ssyncadd.s32 s3;
	_ =	sdelay $0x1  }
0xa1: {  	s23 =	simm.s32 $0x1B8B  }
0xa2: {  	_ =	swait.ge [sflag:s23], $0x1  }
0xa3: {  	[sflag:s23] =	ssyncset.done $0x0  }
0xa4: {  	s25 =	simm.s32 $0x1B8E;
	s24 =	sld [smem:$0x3FFE];
	[sflag:s23] =	ssyncadd.s32 $0xFFFFFFFF  }
0xa5: {  	s26 =	simm.s32 $execute0_lowered;
	[smem:$0x3FD2] =	sst s25  }
0xa6: {  	s4 =	sshll.u32 s26, $0x1;
	_ =	strace $0x8000004C;
	[dreg:$0x1] =	wrdreg $0xFFFFFFFF  }
0xa7: {  	s28 =	simm.s32 $_size_execute0_lowered;
	s2 =	sadd.s32 s2, s4;
	[dreg:$0x0] =	wrdreg $0x0  }
0xa8: {  	s4 =	sshll.u32 s28, $0x1;
	[dreg:$0x2] =	wrdreg s2  }
0xa9: {  	[dreg:$0x3] =	wrdreg s4  }
0xaa: {  	[dreg:$0x4] =	wrdreg $0xC0  }
0xab: {  	_ =	task [dreg:s6], $0x5FFFF  }
0xac: {  	[dreg:$0x1] =	wrdreg $0xFFFFFFFF  }
0xad: {  	[dreg:$0x0] =	wrdreg $0x60  }
0xae: {  	[dreg:$0x2] =	wrdreg s24  }
0xaf: {  	[dreg:$0x3] =	wrdreg $0xA8000  }
0xb0: {  	[dreg:$0x4] =	wrdreg $0x9  }
0xb1: {  	_ =	task.clear_ibuf [dreg:s6], $0x5FFFF;
	_ =	strace $0x9000004C  }
0xb2: {  	s29 =	simm.s32 $0x9;
	_ =	strace $0x8000004E  }
0xb3: {  	_ =	swait.ge [sflag:s29], $0x1  }
0xb4: {  	[sflag:s29] =	ssyncadd.s32 $0xFFFFFFFF  }
0xb5: {  	_ =	strace $0x9000004E  }
0xb6: {  	_ =	sfence  }
0xb7: {  	s30 =	sld [smem:$0x0];
	_ =	sdelay $0x2  }
0xb8: {  	s31 =	sshll.u32 s1, $0xD;
	s1 =	sshrl.u32 s1, $0x2  }
0xb9: {  	s3 =	sand.u32 $0x4000, s31;
	s1 =	sadd.s32 s1, s30  }
0xba: {  	s0 =	sor.u32 s3, s0;
	s1 =	sshll.u32 s1, $0x11  }
0xbb: {  	s0 =	sor.u32 s1, s0  }
0xbc: {  	s0 =	sadd.s32 $0x8F2B, s0  }
0xbd: {  	[sflag:s0] =	ssyncadd.remote.s32 $0x1  }
0xbe: {  	_ =	sfence.sel $0xFFFF  }
0xbf: {  	[dreg:$0x0] =	wrdreg $0xFFFFFFFF;
	(pc) =	sbr.abs _section_cstart, $3  }
0xc0: {  	[dreg:$0x1] =	wrdreg $0xFFFFFFFF  }
0xc1: {  	_ =	task.clear_ibuf [dreg:s6], $0x2FFFF;
	_ =	strace $0x9FFFFFFF  }
0xc2: {  	(tm) =	ssettm $0x7FFFFFFF  }
0xc3: {  	_ =	shalt  }
tec
execute0_lowered:
.L_overlay_start_1:
0x0: {  	(tag) =	ssettag $0x1  }
0x1: {  	s4 =	rddreg [dreg:$0x0]  }
0x2: {  	s2 =	rddreg [dreg:$0x1]  }
0x3: {  	s0 =	rddreg [dreg:$0x2];
	s3 =	simm.s32 $0x0;
	s1 =	stileid.u32  }
0x4: {  	s6 =	srdreg.scid;
	s16 =	simm.s32 $0x5;
	s17 =	simm.s32 $0x2800  }
0x5: {  	s18 =	simm.s32 $0x6800;
	s19 =	simm.s32 $0x1;
	s20 =	simm.s32 $0x80  }
0x6: {  	s21 =	simm.s32 $0x2;
	s22 =	simm.s32 $0x3;
	s5 =	smul.u32 $0x500, s1  }
0x7: {  	s23 =	simm.s32 $0x4;
	s24 =	simm.s32 $0x0;
	s7 =	smul.u32 $0x2800, s1  }
0x8: {  	[smem:$0x7FF] =	sst s3;
	s11 =	sadd.s32 $0x351600, s4;
	s13 =	smul.u32 $0x50000, s1  }
0x9: {  	s8 =	sand.u32 $0x1, s6;
	s12 =	sadd.s32 $0xAB4400, s4;
	s31 =	smul.u32 $0x28000, s1  }
0xa: {  	s30 =	sshll.u32 s1, $0x6;
	_ =	strace $0x8000004D;
	s6 =	smul.u32 $0x28000, s8  }
0xb: {  	s28 =	ssub.s32 $0x2, s8;
	p0 =	seq.s32 s8, $0x1;
	s9 =	sadd.s32 s5, s4  }
0xc: {  	s10 =	sshrl.u32 s28, $0x1;
	s29 =	sshrl.u32 s13, $0x2;
	s5 =	sor.u32 $0x1C05, s30  }
0xd: {  	s8 =	sadd.s32 s12, s31;
	s13 =	sor.u32 $0x800, s31;
	s6 =	sadd.s32 s7, s6  }
.Ltmp0:
0xe: {  	s7 =	sadd.s32 s7, s4;
	s10 =	ssub.s32 s28, s10;
	(pc) =	sbr.rel .LBB2_1-.Ltmp0, $4  }
0xf: {  	s15 =	sadd.s32 s29, s2;
	s12 =	sadd.s32 s12, s13;
	s14 =	sadd.s32 s6, s4  }
0x10: {  	s4 =	sadd.s32 $0x5400, s7;
	s6 =	sadd.s32 $0x34C600, s9;
	s7 =	sadd.s32 s11, s31  }
0x11: {  	s10 =	smax.u32 s10, $0x1;
	s11 =	sadd.s32 s11, s13;
	s15 =	sshrl.u32 s15, $0x3  }
0x12: {  	s9 =	sadd.s32 $0x2D400, s14;
	s13 =	sadd.s32 $0x1000, s7;
	s14 =	sadd.s32 $0x1000, s8  }
.LBB2_7:
0x13: {  	[spmem:s2] =	stream.indirect.scatter.add.f32 [tilespmem:s18], [sflag:$0x4], $0x80, s28, s20, $0xb8;
	[tilespmem:$0x1E800] =	vst v63  }
.LBB2_8:
0x14: {  	_ =	swait.ge [sflag:s22], $0x4000  }
0x15: {  	[sflag:s22] =	ssyncset.done $0x0  }
0x16: {  	[sflag:s22] =	ssyncadd.s32 $0xFFFFC000  }
0x17: {  	_ =	swait.ge [sflag:s23], $0x4000  }
0x18: {  	s24 =	sadd.s32 $0x1, s24;
	[sflag:s23] =	ssyncset.done $0x0  }
0x19: {  	p1 =	sne.s32 s24, s10;
	[sflag:s23] =	ssyncadd.s32 $0xFFFFC000  }
.Ltmp1:
0x1a: {  	[bflag:$0x0] =	sbarrier.arrive $0xFFFF;
	(pc) =	sbr.rel @!p1 .LBB2_9-.Ltmp1, $4  }
0x1b: {  	[hbm:s9], [sflag:s5] =	dma.local [spmem:s15], $0x2800  }
0x1c: {  	_ =	swait.ge [sflag:s16], $0x2800  }
0x1d: {  	[sflag:s16] =	ssyncset.done $0x0  }
0x1e: {  	[sflag:s16] =	ssyncadd.s32 $0xFFFFD800  }
.LBB2_1:
0x1f: {  	[spmem:s15], [sflag:s5] =	dma.local [hbm:s4], $0x2800  }
0x20: {  	_ =	swait.ge [sflag:s16], $0x2800  }
0x21: {  	[sflag:s16] =	ssyncset.done $0x0  }
0x22: {  	[sflag:s16] =	ssyncadd.s32 $0xFFFFD800  }
.Ltmp2:
0x23: {  	[bflag:$0x0] =	sbarrier.arrive $0xFFFF;
	(pc) =	sbr.rel @!p0 .LBB2_2-.Ltmp2, $4  }
0x24: {  	[tilespmem:s3], [sflag:$0x5] =	stream.linear.gather [hbm4b:s6+s3], $0x2800, $0x38;
	[tilespmem:$0x1E800] =	vst v63  }
0x25: {  	_ =	swait.ge [sflag:s16], $0x2800  }
0x26: {  	[sflag:s16] =	ssyncset.done $0x0  }
0x27: {  	[sflag:s16] =	ssyncadd.s32 $0xFFFFD800  }
0x28: {  	[tilespmem:s17], [sflag:$0x1] =	stream.linear.gather [hbm4b:s8+s3], $0x4000, $0x38;
	[tilespmem:$0x1E800] =	vst v63  }
0x29: {  	_ = 	snop  }
0x2a: {  	[tilespmem:s18], [sflag:$0x2] =	stream.linear.gather [hbm4b:s12+s3], $0x4000, $0x38;
	[tilespmem:$0x1E800] =	vst v63  }
0x2b: {  	_ =	swait.ge [sflag:s19], $0x4000  }
0x2c: {  	[sflag:s19] =	ssyncset.done $0x0  }
0x2d: {  	[sflag:s19] =	ssyncadd.s32 $0xFFFFC000  }
0x2e: {  	[spmem:s2] =	stream.indirect.scatter.add.f32 [tilespmem:s17], [sflag:$0x3], $0x80, s3, s20, $0xb8;
	[tilespmem:$0x1E800] =	vst v63  }
0x2f: {  	_ =	swait.ge [sflag:s21], $0x4000  }
0x30: {  	[sflag:s21] =	ssyncset.done $0x0  }
0x31: {  	[sflag:s21] =	ssyncadd.s32 $0xFFFFC000  }
0x32: {  	[spmem:s2] =	stream.indirect.scatter.add.f32 [tilespmem:s18], [sflag:$0x4], $0x80, s20, s20, $0xb8;
	[tilespmem:$0x1E800] =	vst v63  }
0x33: {  	_ =	swait.ge [sflag:s22], $0x4000  }
0x34: {  	[sflag:s22] =	ssyncset.done $0x0  }
0x35: {  	[sflag:s22] =	ssyncadd.s32 $0xFFFFC000  }
0x36: {  	[tilespmem:s17], [sflag:$0x1] =	stream.linear.gather [hbm4b:s14+s3], $0x4000, $0x38;
	[tilespmem:$0x1E800] =	vst v63  }
0x37: {  	_ =	swait.ge [sflag:s23], $0x4000  }
0x38: {  	[sflag:s23] =	ssyncset.done $0x0  }
0x39: {  	s25 =	sadd.s32 $0x800, s14;
	[sflag:s23] =	ssyncadd.s32 $0xFFFFC000  }
0x3a: {  	[tilespmem:s18], [sflag:$0x2] =	stream.linear.gather [hbm4b:s25+s3], $0x4000, $0x38;
	[tilespmem:$0x1E800] =	vst v63  }
0x3b: {  	_ =	swait.ge [sflag:s19], $0x4000  }
0x3c: {  	[sflag:s19] =	ssyncset.done $0x0  }
0x3d: {  	s31 =	simm.s32 $0x100;
	[sflag:s19] =	ssyncadd.s32 $0xFFFFC000  }
0x3e: {  	[spmem:s2] =	stream.indirect.scatter.add.f32 [tilespmem:s17], [sflag:$0x3], $0x80, s31, s20, $0xb8;
	[tilespmem:$0x1E800] =	vst v63  }
0x3f: {  	_ =	swait.ge [sflag:s21], $0x4000  }
0x40: {  	s28 =	simm.s32 $0x180;
	[sflag:s21] =	ssyncset.done $0x0  }
0x41: {  	s26 =	sadd.s32 $0x1000, s14;
	s25 =	simm.s32 $0xFFFF6800;
	[sflag:s21] =	ssyncadd.s32 $0xFFFFC000  }
.LBB2_6:
0x42: {  	[spmem:s2] =	stream.indirect.scatter.add.f32 [tilespmem:s18], [sflag:$0x4], $0x80, s28, s20, $0xb8;
	[tilespmem:$0x1E800] =	vst v63  }
0x43: {  	s28 =	smov.u32 s25  }
0x44: {  	p1 =	sne.s32 s25, $0xFFFFFC00;
	s25 =	sadd.s32 $0x400, s25;
	_ =	swait.ge [sflag:s22], $0x4000  }
0x45: {  	[sflag:s22] =	ssyncset.done $0x0  }
0x46: {  	[sflag:s22] =	ssyncadd.s32 $0xFFFFC000  }
0x47: {  	[tilespmem:s17], [sflag:$0x1] =	stream.linear.gather [hbm4b:s26+s3], $0x4000, $0x38;
	[tilespmem:$0x1E800] =	vst v63  }
0x48: {  	_ =	swait.ge [sflag:s23], $0x4000  }
0x49: {  	[sflag:s23] =	ssyncset.done $0x0  }
0x4a: {  	s29 =	sadd.s32 $0x800, s26;
	[sflag:s23] =	ssyncadd.s32 $0xFFFFC000  }
0x4b: {  	[tilespmem:s18], [sflag:$0x2] =	stream.linear.gather [hbm4b:s29+s3], $0x4000, $0x38;
	[tilespmem:$0x1E800] =	vst v63  }
0x4c: {  	_ =	swait.ge [sflag:s19], $0x4000  }
0x4d: {  	s28 =	sshra.s32 s28, $0x2;
	[sflag:s19] =	ssyncset.done $0x0  }
.Ltmp3:
0x4e: {  	s29 =	sadd.s32 $0x2800, s28;
	[sflag:s19] =	ssyncadd.s32 $0xFFFFC000;
	(pc) =	sbr.rel @p1 .LBB2_6-.Ltmp3, $4  }
0x4f: {  	[spmem:s2] =	stream.indirect.scatter.add.f32 [tilespmem:s17], [sflag:$0x3], $0x80, s29, s20, $0xb8;
	[tilespmem:$0x1E800] =	vst v63  }
0x50: {  	_ =	swait.ge [sflag:s21], $0x4000  }
0x51: {  	[sflag:s21] =	ssyncset.done $0x0  }
0x52: {  	s26 =	sadd.s32 $0x1000, s26;
	s28 =	sadd.s32 $0x2880, s28;
	[sflag:s21] =	ssyncadd.s32 $0xFFFFC000  }
.Ltmp4:
0x53: {  	_ = 	snop;
	(pc) =	sbr.rel .LBB2_7-.Ltmp4, $1  }
0x54: {  	_ =	sdelay $0x3  }
.LBB2_2:
0x55: {  	[tilespmem:s17], [sflag:$0x1] =	stream.linear.gather [hbm4b:s7+s3], $0x4000, $0x38;
	[tilespmem:$0x1E800] =	vst v63  }
0x56: {  	_ = 	snop  }
0x57: {  	[tilespmem:s18], [sflag:$0x2] =	stream.linear.gather [hbm4b:s11+s3], $0x4000, $0x38;
	[tilespmem:$0x1E800] =	vst v63  }
0x58: {  	_ =	swait.ge [sflag:s19], $0x4000  }
0x59: {  	[sflag:s19] =	ssyncset.done $0x0  }
0x5a: {  	[sflag:s19] =	ssyncadd.s32 $0xFFFFC000  }
0x5b: {  	[spmem:s2] =	stream.indirect.scatter.add.f32 [tilespmem:s17], [sflag:$0x3], $0x80, s3, s20, $0xb8;
	[tilespmem:$0x1E800] =	vst v63  }
0x5c: {  	_ =	swait.ge [sflag:s21], $0x4000  }
0x5d: {  	[sflag:s21] =	ssyncset.done $0x0  }
0x5e: {  	[sflag:s21] =	ssyncadd.s32 $0xFFFFC000  }
0x5f: {  	[spmem:s2] =	stream.indirect.scatter.add.f32 [tilespmem:s18], [sflag:$0x4], $0x80, s20, s20, $0xb8;
	[tilespmem:$0x1E800] =	vst v63  }
0x60: {  	_ =	swait.ge [sflag:s22], $0x4000  }
0x61: {  	[sflag:s22] =	ssyncset.done $0x0  }
0x62: {  	[sflag:s22] =	ssyncadd.s32 $0xFFFFC000  }
0x63: {  	[tilespmem:s17], [sflag:$0x1] =	stream.linear.gather [hbm4b:s13+s3], $0x4000, $0x38;
	[tilespmem:$0x1E800] =	vst v63  }
0x64: {  	_ =	swait.ge [sflag:s23], $0x4000  }
0x65: {  	[sflag:s23] =	ssyncset.done $0x0  }
0x66: {  	s25 =	sadd.s32 $0x800, s13;
	[sflag:s23] =	ssyncadd.s32 $0xFFFFC000  }
0x67: {  	[tilespmem:s18], [sflag:$0x2] =	stream.linear.gather [hbm4b:s25+s3], $0x4000, $0x38;
	[tilespmem:$0x1E800] =	vst v63  }
0x68: {  	_ =	swait.ge [sflag:s19], $0x4000  }
0x69: {  	[sflag:s19] =	ssyncset.done $0x0  }
0x6a: {  	s31 =	simm.s32 $0x100;
	[sflag:s19] =	ssyncadd.s32 $0xFFFFC000  }
0x6b: {  	[spmem:s2] =	stream.indirect.scatter.add.f32 [tilespmem:s17], [sflag:$0x3], $0x80, s31, s20, $0xb8;
	[tilespmem:$0x1E800] =	vst v63  }
0x6c: {  	_ =	swait.ge [sflag:s21], $0x4000  }
0x6d: {  	s28 =	simm.s32 $0x180;
	[sflag:s21] =	ssyncset.done $0x0  }
0x6e: {  	s26 =	sadd.s32 $0x1000, s13;
	s25 =	simm.s32 $0xFFFF6800;
	[sflag:s21] =	ssyncadd.s32 $0xFFFFC000  }
.LBB2_3:
0x6f: {  	[spmem:s2] =	stream.indirect.scatter.add.f32 [tilespmem:s18], [sflag:$0x4], $0x80, s28, s20, $0xb8;
	[tilespmem:$0x1E800] =	vst v63  }
0x70: {  	s28 =	smov.u32 s25  }
0x71: {  	p1 =	seq.s32 s25, $0xFFFFFC00;
	s25 =	sadd.s32 $0x400, s25;
	_ =	swait.ge [sflag:s22], $0x4000  }
0x72: {  	[sflag:s22] =	ssyncset.done $0x0  }
0x73: {  	[sflag:s22] =	ssyncadd.s32 $0xFFFFC000  }
0x74: {  	[tilespmem:s17], [sflag:$0x1] =	stream.linear.gather [hbm4b:s26+s3], $0x4000, $0x38;
	[tilespmem:$0x1E800] =	vst v63  }
0x75: {  	_ =	swait.ge [sflag:s23], $0x4000  }
0x76: {  	[sflag:s23] =	ssyncset.done $0x0  }
0x77: {  	s29 =	sadd.s32 $0x800, s26;
	[sflag:s23] =	ssyncadd.s32 $0xFFFFC000  }
0x78: {  	[tilespmem:s18], [sflag:$0x2] =	stream.linear.gather [hbm4b:s29+s3], $0x4000, $0x38;
	[tilespmem:$0x1E800] =	vst v63  }
0x79: {  	_ =	swait.ge [sflag:s19], $0x4000  }
0x7a: {  	s28 =	sshra.s32 s28, $0x2;
	[sflag:s19] =	ssyncset.done $0x0  }
.Ltmp5:
0x7b: {  	s29 =	sadd.s32 $0x2800, s28;
	[sflag:s19] =	ssyncadd.s32 $0xFFFFC000;
	(pc) =	sbr.rel @!p1 .LBB2_3-.Ltmp5, $4  }
0x7c: {  	[spmem:s2] =	stream.indirect.scatter.add.f32 [tilespmem:s17], [sflag:$0x3], $0x80, s29, s20, $0xb8;
	[tilespmem:$0x1E800] =	vst v63  }
0x7d: {  	_ =	swait.ge [sflag:s21], $0x4000  }
0x7e: {  	[sflag:s21] =	ssyncset.done $0x0  }
0x7f: {  	s26 =	sadd.s32 $0x1000, s26;
	s28 =	sadd.s32 $0x2880, s28;
	[sflag:s21] =	ssyncadd.s32 $0xFFFFC000  }
.Ltmp6:
0x80: {  	(pc) =	sbr.rel .LBB2_8-.Ltmp6, $2  }
0x81: {  	_ =	sdelay $0x2  }
0x82: {  	[spmem:s2] =	stream.indirect.scatter.add.f32 [tilespmem:s18], [sflag:$0x4], $0x80, s28, s20, $0xb8;
	[tilespmem:$0x1E800] =	vst v63  }
.LBB2_9:
0x83: {  	_ =	sfence.sel $0x180000  }
0x84: {  	[bflag:$0x0] =	sbarrier.arrive $0xFFFF  }
0x85: {  	p0 =	sne.s32 s1, $0x0;
	_ =	strace $0x9000004D  }
0x86: {  	s0 =	sadd.s32 @!p0 $0x100000, s0;
	[bflag:$0x2] =	sbarrier.arrive $0xFFFF  }
0x87: {  	[sflag:s0] =	ssyncadd.tile.s32 @!p0 $0x1;
	_ =	shalt  }
.Lfunc_end2:
_tile_overlayer_lowered:
.L_overlay_start_2:
0x88: {  	(tag) =	ssettag $0x2  }
0x89: {  	s0 =	rddreg [dreg:$0x0];
	s2 =	stileid.u32  }
0x8a: {  	s1 =	rddreg [dreg:$0x1];
	p0 =	sne.s32 s2, $0x0  }
0x8b: {  	s3 =	rddreg [dreg:$0x2];
	[bflag:$0x3] =	sbarrier.arrive $0xFFFF;
	s2 =	simm.s32 @!p0 $0x1C05  }
0x8c: {  	[timem:s3], [sflag:s2] =	dma.local @!p0 [hbm:s0], s1  }
0x8d: {  	s0 =	simm.s32 @!p0 $0x5  }
0x8e: {  	_ =	swait.ge @!p0 [sflag:s0], s1  }
0x8f: {  	s1 =	ssub.s32 @!p0 $0x0, s1;
	[sflag:s0] =	ssyncset.done @!p0 $0x0  }
0x90: {  	[sflag:s0] =	ssyncadd.s32 @!p0 s1  }
0x91: {  	[bflag:$0x3] =	sbarrier.arrive $0xFFFF  }
0x92: {  	_ =	shalt  }

// kernel: kernel.24.cloned.1.call-start
scs
__scs_entry_jumppad:
0x0: {  	(pc) =	sbr.rel $0x88, $3  }
0x1: {  	(tag) =	ssettag $0x0;
	lr =	simm.s32 $0x1  }
0x2: {  	[smem:$0x3F8D] =	sst lr;
	_ =	strace $0xD0000000  }
0x3: {  	_ = 	snop  }
0x4: {  	_ = 	snop  }
0x5: {  	_ = 	snop  }
0x6: {  	_ = 	snop  }
0x7: {  	_ = 	snop  }
__scs_overlays_trampoline_lowered:
0x8: {  	[smem:$0x3F9C] =	sst s0  }
0x9: {  	[smem:$0x3F9D] =	sst s1  }
0xa: {  	[smem:$0x3F9E] =	sst s2  }
0xb: {  	[smem:$0x3F9F] =	sst s3  }
0xc: {  	[smem:$0x3FA0] =	sst s4  }
0xd: {  	[smem:$0x3FA1] =	sst s5  }
0xe: {  	[smem:$0x3FA2] =	sst s6  }
0xf: {  	[smem:$0x3FA3] =	sst s7  }
0x10: {  	[smem:$0x3FA4] =	sst s8  }
0x11: {  	[smem:$0x3FA5] =	sst s9;
	s0 =	simm.s32 @!p0 $0x0  }
0x12: {  	s1 =	sld [smem:$0x3F8B];
	s0 =	simm.s32 @p0 $0x1  }
0x13: {  	[smem:$0x3FA6] =	sst s0;
	s0 =	simm.s32 @!p1 $0x0  }
0x14: {  	s2 =	sld [smem:$0x3F8A];
	s0 =	simm.s32 @p1 $0x1  }
0x15: {  	[smem:$0x3FA7] =	sst s0;
	s0 =	simm.s32 @!p2 $0x0  }
0x16: {  	s3 =	sld [smem:$0x3FDB];
	s0 =	simm.s32 @p2 $0x1  }
0x17: {  	s4 =	simm.s32 $0x1BF5;
	[smem:$0x3FA9] =	sst s0  }
0x18: {  	s0 =	sld [smem:$0x3F8C];
	_ =	swait.ge [sflag:s4], $0x0  }
0x19: {  	s7 =	sld [smem:$0x3F8D]  }
0x1a: {  	s8 =	sadd.s32 $0xFFFFE003, lr  }
0x1b: {  	s9 =	sadd.s32 $0xFFFFFEF7, lr;
	s5 =	simm.s32 $0xFFFFFFFF;
	p2 =	slt.u32 s8, $0xFFFFF086  }
0x1c: {  	p1 =	slt.u32 s9, $0xF7A;
	s5 =	simm.s32 @!p2 $0x0  }
0x1d: {  	s5 =	simm.s32 @p1 $0x1;
	p0 =	seq.s32 s7, s2  }
0x1e: {  	s7 =	smul.u32 @!p0 $0xF7A, s2;
	p2 =	seq.s32 @!p0 s5, $0x0  }
0x1f: {  	s9 =	smul.u32 $0xF7A, s1;
	s8 =	simm.s32 @!p0 $0x1BF5;
	p2 =	por !p2, p0  }
0x20: {  	[sflag:s8] =	ssyncset.s32 @!p0 $0xFFFFF086;
	s6 =	sadd.s32 @!p0 s3, s7;
	s7 =	simm.s32 @!p0 $0x108  }
0x21: {  	s3 =	sadd.s32 s3, s9;
	s6 =	sadd.s32 @!p0 $0x88, s6;
	s7 =	simm.s32 @p2 $0x1082  }
0x22: {  	[simem:s7], [sflag:s8] =	dma.local @!p0 [hbm:s6], $0xF7A  }
0x23: {  	s9 =	sor.u32 $0xD0000000, s2;
	s6 =	simm.s32 $0x108;
	_ =	swait.ge @!p0 [sflag:s8], $0x0  }
0x24: {  	s3 =	sadd.s32 $0x88, s3;
	s6 =	simm.s32 @!p1 $0x1082;
	[sflag:s4] =	ssyncset.s32 $0xFFFFF086  }
0x25: {  	[simem:s6], [sflag:s4] =	dma.local [hbm:s3], $0xF7A  }
0x26: {  	[smem:$0x3F8D] =	sst s1;
	(tag) =	ssettag s2;
	_ =	strace s9  }
0x27: {  	s1 =	sld [smem:$0x3F9D]  }
0x28: {  	s2 =	sld [smem:$0x3F9E]  }
0x29: {  	s4 =	sld [smem:$0x3FA0]  }
0x2a: {  	p0 =	seq.s32 s5, $0x0;
	s5 =	sld [smem:$0x3FA1]  }
0x2b: {  	s6 =	sld [smem:$0x3FA2]  }
0x2c: {  	s7 =	sld [smem:$0x3FA3]  }
0x2d: {  	s3 =	simm.s32 $0x108;
	s8 =	sld [smem:$0x3FA4]  }
0x2e: {  	s3 =	simm.s32 @!p0 $0x1082;
	s9 =	sld [smem:$0x3FA5]  }
0x2f: {  	lr =	sadd.s32 s0, s3;
	s0 =	sld [smem:$0x3F9C]  }
0x30: {  	s3 =	sld [smem:$0x3F9F]  }
0x31: {  	[smem:$0x3FA8] =	sst s10  }
0x32: {  	s10 =	sld [smem:$0x3FA6];
	_ =	sdelay $0x3  }
0x33: {  	p0 =	seq.s32 s10, $0x1;
	s10 =	sld [smem:$0x3FA8];
	_ =	sdelay $0x3  }
0x34: {  	[smem:$0x3FA8] =	sst s10  }
0x35: {  	s10 =	sld [smem:$0x3FA7];
	_ =	sdelay $0x3  }
0x36: {  	p1 =	seq.s32 s10, $0x1;
	s10 =	sld [smem:$0x3FA8];
	_ =	sdelay $0x3  }
0x37: {  	[smem:$0x3FA8] =	sst s10  }
0x38: {  	s10 =	sld [smem:$0x3FA9]  }
0x39: {  	_ = 	snop;
	(pc) =	sbr.ind lr, $3  }
0x3a: {  	_ = 	snop  }
0x3b: {  	_ = 	snop  }
0x3c: {  	p2 =	seq.s32 s10, $0x1;
	s10 =	sld [smem:$0x3FA8]  }
0x3d: {  	_ =	shalt  }
0x3e: {  	_ =	shalt  }
0x3f: {  	_ =	shalt  }
0x40: {  	_ =	shalt  }
0x41: {  	_ =	shalt  }
0x42: {  	_ =	shalt  }
0x43: {  	_ =	shalt  }
0x44: {  	_ =	shalt  }
0x45: {  	_ =	shalt  }
0x46: {  	_ =	shalt  }
0x47: {  	_ =	shalt  }
0x48: {  	_ =	shalt  }
0x49: {  	_ =	shalt  }
0x4a: {  	_ =	shalt  }
0x4b: {  	_ =	shalt  }
0x4c: {  	_ =	shalt  }
0x4d: {  	_ =	shalt  }
0x4e: {  	_ =	shalt  }
0x4f: {  	_ =	shalt  }
0x50: {  	_ =	shalt  }
0x51: {  	_ =	shalt  }
0x52: {  	_ =	shalt  }
0x53: {  	_ =	shalt  }
0x54: {  	_ =	shalt  }
0x55: {  	_ =	shalt  }
0x56: {  	_ =	shalt  }
0x57: {  	_ =	shalt  }
0x58: {  	_ =	shalt  }
0x59: {  	_ =	shalt  }
0x5a: {  	_ =	shalt  }
0x5b: {  	_ =	shalt  }
0x5c: {  	_ =	shalt  }
0x5d: {  	_ =	shalt  }
0x5e: {  	_ =	shalt  }
0x5f: {  	_ =	shalt  }
0x60: {  	_ =	shalt  }
0x61: {  	_ =	shalt  }
0x62: {  	_ =	shalt  }
0x63: {  	_ =	shalt  }
0x64: {  	_ =	shalt  }
0x65: {  	_ =	shalt  }
0x66: {  	_ =	shalt  }
0x67: {  	_ =	shalt  }
0x68: {  	_ =	shalt  }
0x69: {  	_ =	shalt  }
0x6a: {  	_ =	shalt  }
0x6b: {  	_ =	shalt  }
0x6c: {  	_ =	shalt  }
0x6d: {  	_ =	shalt  }
0x6e: {  	_ =	shalt  }
0x6f: {  	_ =	shalt  }
0x70: {  	_ =	shalt  }
0x71: {  	_ =	shalt  }
0x72: {  	_ =	shalt  }
0x73: {  	_ =	shalt  }
0x74: {  	_ =	shalt  }
0x75: {  	_ =	shalt  }
0x76: {  	_ =	shalt  }
0x77: {  	_ =	shalt  }
0x78: {  	_ =	shalt  }
0x79: {  	_ =	shalt  }
0x7a: {  	_ =	shalt  }
0x7b: {  	_ =	shalt  }
0x7c: {  	_ =	shalt  }
0x7d: {  	_ =	shalt  }
0x7e: {  	_ =	shalt  }
0x7f: {  	_ =	shalt  }
0x80: {  	_ =	shalt  }
0x81: {  	_ =	shalt  }
0x82: {  	_ =	shalt  }
0x83: {  	_ =	shalt  }
0x84: {  	_ =	shalt  }
0x85: {  	_ =	shalt  }
0x86: {  	_ =	shalt  }
0x87: {  	_ =	shalt  }
.Lfunc_end0:
.L_simem_size_0:
called_computation.3_lowered:
.L_overlay_start_0:
0x88: {  	s2 =	sld [smem:$0x3FD9]  }
0x89: {  	s3 =	sld [smem:$0x3FFE];
	_ =	sdelay $0x1  }
0x8a: {  	s1 =	srdreg.scid  }
0x8b: {  	s0 =	sand.u32 $0x1, s1  }
0x8c: {  	s16 =	sshll.u32 s0, $0xA;
	s2 =	sadd.s32 s3, s2  }
0x8d: {  	s2 =	sadd.s32 s2, s16  }
0x8e: {  	[smem:$0x3FB4] =	sst s2  }
0x8f: {  	_ = 	snop  }
0x90: {  	(tm) =	ssettm $0x1  }
0x91: {  	s17 =	sld [smem:$0x3FFB];
	_ =	sdelay $0x3  }
0x92: {  	_ =	strace s17  }
0x93: {  	s2 =	sld [smem:$0x3FFC];
	_ =	sdelay $0x3  }
0x94: {  	_ =	strace s2  }
0x95: {  	s2 =	sld [smem:$0x3FFD];
	_ =	sdelay $0x3  }
0x96: {  	_ =	strace s2  }
0x97: {  	_ =	strace $0x8FFFFFFF  }
0x98: {  	s18 =	sld [smem:$0x3FDB];
	_ =	sdelay $0x1  }
0x99: {  	s19 =	simm.s32 $_scs_section_size  }
0x9a: {  	s4 =	simm.s32 $_size__tile_overlayer_lowered;
	s5 =	simm.s32 $_tile_overlayer_lowered  }
0x9b: {  	s22 =	simm.s32 $0x1BFF;
	s21 =	sshll.u32 s5, $0x1;
	s2 =	sadd.s32 s19, s18  }
0x9c: {  	s6 =	simm.s32 $0x0;
	s20 =	sshll.u32 s4, $0x1;
	s4 =	sadd.s32 s21, s2  }
0x9d: {  	[timem:s6], [sflag:s22] =	dma.local [hbm:s4], s20  }
0x9e: {  	_ =	swait.ge [sflag:s22], s20  }
0x9f: {  	s3 =	ssub.s32 $0x0, s20;
	[sflag:s22] =	ssyncset.done $0x0  }
0xa0: {  	[sflag:s22] =	ssyncadd.s32 s3;
	_ =	sdelay $0x1  }
0xa1: {  	s23 =	simm.s32 $0x1B8B  }
0xa2: {  	_ =	swait.ge [sflag:s23], $0x1  }
0xa3: {  	[sflag:s23] =	ssyncset.done $0x0  }
0xa4: {  	s25 =	simm.s32 $0x1B8E;
	s24 =	sld [smem:$0x3FFE];
	[sflag:s23] =	ssyncadd.s32 $0xFFFFFFFF  }
0xa5: {  	s26 =	simm.s32 $execute0_lowered;
	[smem:$0x3FD2] =	sst s25  }
0xa6: {  	s4 =	sshll.u32 s26, $0x1;
	_ =	strace $0x8000004F;
	[dreg:$0x1] =	wrdreg $0xFFFFFFFF  }
0xa7: {  	s28 =	simm.s32 $_size_execute0_lowered;
	s2 =	sadd.s32 s2, s4;
	[dreg:$0x0] =	wrdreg $0x0  }
0xa8: {  	s4 =	sshll.u32 s28, $0x1;
	[dreg:$0x2] =	wrdreg s2  }
0xa9: {  	[dreg:$0x3] =	wrdreg s4  }
0xaa: {  	[dreg:$0x4] =	wrdreg $0xC0  }
0xab: {  	_ =	task [dreg:s6], $0x5FFFF  }
0xac: {  	[dreg:$0x1] =	wrdreg $0xFFFFFFFF  }
0xad: {  	[dreg:$0x0] =	wrdreg $0x60  }
0xae: {  	[dreg:$0x2] =	wrdreg s24  }
0xaf: {  	[dreg:$0x3] =	wrdreg $0x9  }
0xb0: {  	_ =	task.clear_ibuf [dreg:s6], $0x4FFFF;
	_ =	strace $0x9000004F  }
0xb1: {  	s29 =	simm.s32 $0x9;
	_ =	strace $0x80000051  }
0xb2: {  	_ =	swait.ge [sflag:s29], $0x1  }
0xb3: {  	[sflag:s29] =	ssyncadd.s32 $0xFFFFFFFF  }
0xb4: {  	_ =	strace $0x90000051  }
0xb5: {  	_ =	sfence  }
0xb6: {  	s30 =	sld [smem:$0x0];
	_ =	sdelay $0x2  }
0xb7: {  	s31 =	sshll.u32 s1, $0xD;
	s1 =	sshrl.u32 s1, $0x2  }
0xb8: {  	s3 =	sand.u32 $0x4000, s31;
	s1 =	sadd.s32 s1, s30  }
0xb9: {  	s0 =	sor.u32 s3, s0;
	s1 =	sshll.u32 s1, $0x11  }
0xba: {  	s0 =	sor.u32 s1, s0  }
0xbb: {  	s0 =	sadd.s32 $0x8F2B, s0  }
0xbc: {  	[sflag:s0] =	ssyncadd.remote.s32 $0x1  }
0xbd: {  	_ =	sfence.sel $0xFFFF  }
0xbe: {  	[dreg:$0x0] =	wrdreg $0xFFFFFFFF;
	(pc) =	sbr.abs _section_cstart, $3  }
0xbf: {  	[dreg:$0x1] =	wrdreg $0xFFFFFFFF  }
0xc0: {  	_ =	task.clear_ibuf [dreg:s6], $0x2FFFF;
	_ =	strace $0x9FFFFFFF  }
0xc1: {  	(tm) =	ssettm $0x7FFFFFFF  }
tec
execute0_lowered:
.L_overlay_start_1:
0x0: {  	(tag) =	ssettag $0x1  }
0x1: {  	s5 =	rddreg [dreg:$0x0];
	s2 =	simm.s32 $0x0  }
0x2: {  	s8 =	simm.s32 $0x3800;
	[smem:$0x7FF] =	sst s2  }
0x3: {  	s9 =	simm.s32 $0x4000;
	_ =	strace $0x80000050;
	[dreg:$0x7] =	wrdreg s8  }
0x4: {  	s10 =	simm.s32 $0x4800;
	[dreg:$0x8] =	wrdreg s9  }
0x5: {  	s12 =	simm.s32 $0x5000;
	[dreg:$0x9] =	wrdreg s10  }
0x6: {  	s13 =	simm.s32 $0x5800;
	[dreg:$0xa] =	wrdreg s12  }
0x7: {  	s1 =	srdreg.scid;
	s14 =	simm.s32 $0x6000;
	[dreg:$0xb] =	wrdreg s13  }
0x8: {  	s0 =	stileid.u32;
	s15 =	simm.s32 $0x7000;
	[dreg:$0xc] =	wrdreg s14  }
0x9: {  	s16 =	simm.s32 $0x7800;
	s17 =	simm.s32 $0x8000;
	[dreg:$0xd] =	wrdreg s15  }
0xa: {  	s19 =	simm.s32 $0x8800;
	s20 =	simm.s32 $0x9000;
	[dreg:$0xe] =	wrdreg s16  }
0xb: {  	s22 =	simm.s32 $0x9800;
	s23 =	simm.s32 $0xA000;
	[dreg:$0xf] =	wrdreg s17  }
0xc: {  	s28 =	simm.s32 $0x7;
	s29 =	simm.s32 $0x8;
	[dreg:$0x10] =	wrdreg s19  }
0xd: {  	s30 =	simm.s32 $0x0;
	s1 =	sand.u32 $0x1, s1;
	[dreg:$0x11] =	wrdreg s20  }
0xe: {  	s3 =	smul.u32 $0x280000, s0;
	s24 =	sadd.s32 $0xAB4400, s5;
	[dreg:$0x12] =	wrdreg s22  }
0xf: {  	s11 =	sshll.u32 s0, $0x1;
	s4 =	smul.u32 $0x140000, s1;
	[dreg:$0x13] =	wrdreg s23  }
0x10: {  	s8 =	simm.s32 $0x6800;
	s9 =	simm.s32 $0xA800;
	s10 =	simm.s32 $0xD000  }
0x11: {  	s12 =	simm.s32 $0xE000;
	s13 =	simm.s32 $0xE800;
	s14 =	simm.s32 $0xF000  }
0x12: {  	s15 =	simm.s32 $0xF800;
	s16 =	simm.s32 $0x10000;
	s17 =	simm.s32 $0x10800  }
0x13: {  	s19 =	simm.s32 $0x11800;
	s20 =	simm.s32 $0x12000;
	s22 =	simm.s32 $0x2  }
0x14: {  	s23 =	simm.s32 $0x3;
	s3 =	sadd.s32 s4, s3;
	s4 =	sor.u32 s1, s11  }
0x15: {  	s1 =	ssub.s32 $0x2, s1;
	s11 =	simm.s32 $0xD800;
	s6 =	sshrl.u32 s3, $0x3  }
0x16: {  	s7 =	sor.u32 $0x4000, s3;
	s26 =	sor.u32 $0x8000, s3;
	s3 =	sor.u32 $0xC000, s3  }
0x17: {  	s4 =	smul.u32 $0x500, s4;
	s18 =	sshrl.u32 s1, $0x1;
	s6 =	sadd.s32 s6, s24  }
0x18: {  	s25 =	sshrl.u32 s7, $0x3;
	s7 =	sshrl.u32 s26, $0x3;
	s3 =	sshrl.u32 s3, $0x3  }
0x19: {  	s1 =	ssub.s32 s1, s18;
	s26 =	simm.s32 $0xC000;
	[dreg:$0x2] =	wrdreg s6  }
0x1a: {  	s18 =	simm.s32 $0x11000;
	s6 =	sadd.s32 s25, s24;
	[dreg:$0x16] =	wrdreg s26  }
0x1b: {  	s31 =	sadd.s32 s7, s24;
	s3 =	sadd.s32 s3, s24;
	[dreg:$0x3] =	wrdreg s6  }
0x1c: {  	s7 =	simm.s32 $0x3000;
	s4 =	sadd.s32 s4, s5;
	[dreg:$0x4] =	wrdreg s31  }
0x1d: {  	s24 =	simm.s32 $0xB000;
	s25 =	simm.s32 $0xB800;
	[dreg:$0x5] =	wrdreg s3  }
0x1e: {  	s26 =	simm.s32 $0x6;
	[dreg:$0x6] =	wrdreg s7;
	s3 =	sadd.s32 $0x5DB800, s5  }
0x1f: {  	s21 =	sadd.s32 $0x5D1600, s4;
	s5 =	smax.u32 s1, $0x1;
	[dreg:$0x14] =	wrdreg s24  }
0x20: {  	v2 =	vlaneseq.u32;
	s6 =	simm.s32 $0x9;
	s7 =	simm.s32 $0x2800;
	[dreg:$0x15] =	wrdreg s25  }
0x21: {  	vm0 =	vmmov $0xffff;
	v1 =	vshrl.u32 v2, $0x3;
	s31 =	simm.s32 $0xC800;
	s24 =	simm.s32 $0x4;
	[dreg:$0x18] =	wrdreg s21  }
0x22: {  	v0 =	vand.u32 $0x7, v2;
	v2 =	vor.u32 $0x8, v2;
	v1 =	vmul.u32 $0x8, v1;
	s25 =	simm.s32 $0x5;
	[dreg:$0x17] =	wrdreg s31;
	s21 =	simm.s32 $0x1  }
.LBB2_1:
0x23: {  	s0 =	rddreg [dreg:$0x18]  }
0x24: {  	[tilespmem:s2], [sflag:$0x9] =	stream.linear.gather [hbm4b:s0+s2], $0x2800, $0x38;
	[tilespmem:$0x12800] =	vst v63  }
0x25: {  	_ =	swait.ge [sflag:s6], $0x2800  }
0x26: {  	[sflag:s6] =	ssyncset.done $0x0  }
0x27: {  	s31 =	simm.s32 $0x100;
	s1 =	simm.s32 $0x0;
	[sflag:s6] =	ssyncadd.s32 $0xFFFFD800  }
.LBB2_2:
0x28: {  	p0 =	seq.s32 s1, $0x0  }
0x29: {  	s0 =	simm.s32 @!p0 $0x5  }
0x2a: {  	_ =	swait.ge @!p0 [sflag:s0], $0x4000  }
0x2b: {  	[sflag:s0] =	ssyncset.done @!p0 $0x0  }
0x2c: {  	[sflag:s0] =	ssyncadd.s32 @!p0 $0xFFFFC000  }
0x2d: {  	v3 =	vld [tilespmem:s31+$0xFFFFFF00];
	_ =	sdelay $0x4  }
0x2e: {  	v4 =	vshll.u32 v3, $0x1  }
0x2f: {  	v3 =	vand.u32 $0x7, v3;
	v4 =	vand.u32 $0xFFFFFFF0, v4  }
0x30: {  	v3 =	vor.u32 v3, v4  }
0x31: {  	v4 =	vperm.xlane v3, v0;
	_ =	sdelay $0x1  }
0x32: {  	v3 =	vperm.xlane v3, v2;
	v4 =	vadd.s32 v1, v4;
	_ =	sdelay $0x1  }
0x33: {  	v3 =	vadd.s32 v1, v3;
	_ =	sdelay $0x2  }
0x34: {  	[tilespmem:s7], [sflag:$0x1] =	stream.indirect_vreg.gather [hbm4b:s3+s2], $0x80, v4, vm0, $0xb8;
	[tilespmem:$0x12800] =	vst v63  }
0x35: {  	s4 =	rddreg [dreg:$0x6]  }
0x36: {  	[tilespmem:s4], [sflag:$0x1] =	stream.indirect_vreg.gather [hbm4b:s3+s2], $0x80, v3, vm0, $0xb8;
	[tilespmem:$0x12800] =	vst v63  }
0x37: {  	v3 =	vld [tilespmem:s31+$0xFFFFFF10];
	_ =	sdelay $0x4  }
0x38: {  	v49 =	vshll.u32 v3, $0x1  }
0x39: {  	v3 =	vand.u32 $0x7, v3;
	v4 =	vand.u32 $0xFFFFFFF0, v49  }
0x3a: {  	v3 =	vor.u32 v3, v4  }
0x3b: {  	v4 =	vperm.xlane v3, v0;
	_ =	sdelay $0x1  }
0x3c: {  	v3 =	vperm.xlane v3, v2;
	v4 =	vadd.s32 v1, v4;
	_ =	sdelay $0x1  }
0x3d: {  	v3 =	vadd.s32 v1, v3;
	_ =	sdelay $0x1  }
0x3e: {  	s0 =	rddreg [dreg:$0x7]  }
0x3f: {  	[tilespmem:s0], [sflag:$0x1] =	stream.indirect_vreg.gather [hbm4b:s3+s2], $0x80, v4, vm0, $0xb8;
	[tilespmem:$0x12800] =	vst v63  }
0x40: {  	s4 =	rddreg [dreg:$0x8]  }
0x41: {  	[tilespmem:s4], [sflag:$0x1] =	stream.indirect_vreg.gather [hbm4b:s3+s2], $0x80, v3, vm0, $0xb8;
	[tilespmem:$0x12800] =	vst v63  }
0x42: {  	v3 =	vld [tilespmem:s31+$0xFFFFFF20];
	_ =	sdelay $0x4  }
0x43: {  	v50 =	vshll.u32 v3, $0x1  }
0x44: {  	v3 =	vand.u32 $0x7, v3;
	v4 =	vand.u32 $0xFFFFFFF0, v50  }
0x45: {  	v3 =	vor.u32 v3, v4  }
0x46: {  	v4 =	vperm.xlane v3, v0;
	_ =	sdelay $0x1  }
0x47: {  	v3 =	vperm.xlane v3, v2;
	v4 =	vadd.s32 v1, v4;
	_ =	sdelay $0x1  }
0x48: {  	v3 =	vadd.s32 v1, v3;
	_ =	sdelay $0x1  }
0x49: {  	s0 =	rddreg [dreg:$0x9]  }
0x4a: {  	[tilespmem:s0], [sflag:$0x1] =	stream.indirect_vreg.gather [hbm4b:s3+s2], $0x80, v4, vm0, $0xb8;
	[tilespmem:$0x12800] =	vst v63  }
0x4b: {  	s4 =	rddreg [dreg:$0xa]  }
0x4c: {  	[tilespmem:s4], [sflag:$0x1] =	stream.indirect_vreg.gather [hbm4b:s3+s2], $0x80, v3, vm0, $0xb8;
	[tilespmem:$0x12800] =	vst v63  }
0x4d: {  	v3 =	vld [tilespmem:s31+$0xFFFFFF30];
	_ =	sdelay $0x4  }
0x4e: {  	v51 =	vshll.u32 v3, $0x1  }
0x4f: {  	v3 =	vand.u32 $0x7, v3;
	v4 =	vand.u32 $0xFFFFFFF0, v51  }
0x50: {  	v3 =	vor.u32 v3, v4  }
0x51: {  	v4 =	vperm.xlane v3, v0;
	_ =	sdelay $0x1  }
0x52: {  	v3 =	vperm.xlane v3, v2;
	v4 =	vadd.s32 v1, v4;
	_ =	sdelay $0x1  }
0x53: {  	v3 =	vadd.s32 v1, v3;
	_ =	sdelay $0x1  }
0x54: {  	s0 =	rddreg [dreg:$0xb]  }
0x55: {  	[tilespmem:s0], [sflag:$0x1] =	stream.indirect_vreg.gather [hbm4b:s3+s2], $0x80, v4, vm0, $0xb8;
	[tilespmem:$0x12800] =	vst v63  }
0x56: {  	s4 =	rddreg [dreg:$0xc];
	s0 =	simm.s32 @!p0 $0x6  }
0x57: {  	[tilespmem:s4], [sflag:$0x1] =	stream.indirect_vreg.gather [hbm4b:s3+s2], $0x80, v3, vm0, $0xb8;
	[tilespmem:$0x12800] =	vst v63  }
0x58: {  	_ =	swait.ge @!p0 [sflag:s0], $0x4000  }
0x59: {  	[sflag:s0] =	ssyncset.done @!p0 $0x0  }
0x5a: {  	[sflag:s0] =	ssyncadd.s32 @!p0 $0xFFFFC000  }
0x5b: {  	v3 =	vld [tilespmem:s31+$0xFFFFFF80];
	_ =	sdelay $0x4  }
0x5c: {  	v52 =	vshll.u32 v3, $0x1  }
0x5d: {  	v3 =	vand.u32 $0x7, v3;
	v4 =	vand.u32 $0xFFFFFFF0, v52  }
0x5e: {  	v3 =	vor.u32 v3, v4  }
0x5f: {  	v4 =	vperm.xlane v3, v0;
	_ =	sdelay $0x1  }
0x60: {  	v3 =	vperm.xlane v3, v2;
	v4 =	vadd.s32 v1, v4;
	_ =	sdelay $0x1  }
0x61: {  	v3 =	vadd.s32 v1, v3;
	_ =	sdelay $0x2  }
0x62: {  	[tilespmem:s8], [sflag:$0x2] =	stream.indirect_vreg.gather [hbm4b:s3+s2], $0x80, v4, vm0, $0xb8;
	[tilespmem:$0x12800] =	vst v63  }
0x63: {  	s4 =	rddreg [dreg:$0xd]  }
0x64: {  	[tilespmem:s4], [sflag:$0x2] =	stream.indirect_vreg.gather [hbm4b:s3+s2], $0x80, v3, vm0, $0xb8;
	[tilespmem:$0x12800] =	vst v63  }
0x65: {  	v3 =	vld [tilespmem:s31+$0xFFFFFF90];
	_ =	sdelay $0x4  }
0x66: {  	v53 =	vshll.u32 v3, $0x1  }
0x67: {  	v3 =	vand.u32 $0x7, v3;
	v4 =	vand.u32 $0xFFFFFFF0, v53  }
0x68: {  	v3 =	vor.u32 v3, v4  }
0x69: {  	v4 =	vperm.xlane v3, v0;
	_ =	sdelay $0x1  }
0x6a: {  	v3 =	vperm.xlane v3, v2;
	v4 =	vadd.s32 v1, v4;
	_ =	sdelay $0x1  }
0x6b: {  	v3 =	vadd.s32 v1, v3;
	_ =	sdelay $0x1  }
0x6c: {  	s0 =	rddreg [dreg:$0xe]  }
0x6d: {  	[tilespmem:s0], [sflag:$0x2] =	stream.indirect_vreg.gather [hbm4b:s3+s2], $0x80, v4, vm0, $0xb8;
	[tilespmem:$0x12800] =	vst v63  }
0x6e: {  	s4 =	rddreg [dreg:$0xf]  }
0x6f: {  	[tilespmem:s4], [sflag:$0x2] =	stream.indirect_vreg.gather [hbm4b:s3+s2], $0x80, v3, vm0, $0xb8;
	[tilespmem:$0x12800] =	vst v63  }
0x70: {  	v3 =	vld [tilespmem:s31+$0xFFFFFFA0];
	_ =	sdelay $0x4  }
0x71: {  	v54 =	vshll.u32 v3, $0x1  }
0x72: {  	v3 =	vand.u32 $0x7, v3;
	v4 =	vand.u32 $0xFFFFFFF0, v54  }
0x73: {  	v3 =	vor.u32 v3, v4  }
0x74: {  	v4 =	vperm.xlane v3, v0;
	_ =	sdelay $0x1  }
0x75: {  	v3 =	vperm.xlane v3, v2;
	v4 =	vadd.s32 v1, v4;
	_ =	sdelay $0x1  }
0x76: {  	v3 =	vadd.s32 v1, v3;
	_ =	sdelay $0x1  }
0x77: {  	s0 =	rddreg [dreg:$0x10]  }
0x78: {  	[tilespmem:s0], [sflag:$0x2] =	stream.indirect_vreg.gather [hbm4b:s3+s2], $0x80, v4, vm0, $0xb8;
	[tilespmem:$0x12800] =	vst v63  }
0x79: {  	s4 =	rddreg [dreg:$0x11]  }
0x7a: {  	[tilespmem:s4], [sflag:$0x2] =	stream.indirect_vreg.gather [hbm4b:s3+s2], $0x80, v3, vm0, $0xb8;
	[tilespmem:$0x12800] =	vst v63  }
0x7b: {  	v3 =	vld [tilespmem:s31+$0xFFFFFFB0];
	_ =	sdelay $0x4  }
0x7c: {  	v55 =	vshll.u32 v3, $0x1  }
0x7d: {  	v3 =	vand.u32 $0x7, v3;
	v4 =	vand.u32 $0xFFFFFFF0, v55  }
0x7e: {  	v3 =	vor.u32 v3, v4  }
0x7f: {  	v4 =	vperm.xlane v3, v0;
	_ =	sdelay $0x1  }
0x80: {  	v3 =	vperm.xlane v3, v2;
	v4 =	vadd.s32 v1, v4;
	_ =	sdelay $0x1  }
0x81: {  	v3 =	vadd.s32 v1, v3;
	_ =	sdelay $0x1  }
0x82: {  	s0 =	rddreg [dreg:$0x12]  }
0x83: {  	[tilespmem:s0], [sflag:$0x2] =	stream.indirect_vreg.gather [hbm4b:s3+s2], $0x80, v4, vm0, $0xb8;
	[tilespmem:$0x12800] =	vst v63  }
0x84: {  	s4 =	rddreg [dreg:$0x13];
	s0 =	simm.s32 @!p0 $0x7  }
0x85: {  	[tilespmem:s4], [sflag:$0x2] =	stream.indirect_vreg.gather [hbm4b:s3+s2], $0x80, v3, vm0, $0xb8;
	[tilespmem:$0x12800] =	vst v63  }
0x86: {  	_ =	swait.ge @!p0 [sflag:s0], $0x4000  }
0x87: {  	[sflag:s0] =	ssyncset.done @!p0 $0x0  }
0x88: {  	[sflag:s0] =	ssyncadd.s32 @!p0 $0xFFFFC000  }
0x89: {  	v3 =	vld [tilespmem:s31+$0x0];
	_ =	sdelay $0x4  }
0x8a: {  	v56 =	vshll.u32 v3, $0x1  }
0x8b: {  	v3 =	vand.u32 $0x7, v3;
	v4 =	vand.u32 $0xFFFFFFF0, v56  }
0x8c: {  	v3 =	vor.u32 v3, v4  }
0x8d: {  	v4 =	vperm.xlane v3, v0;
	_ =	sdelay $0x1  }
0x8e: {  	v3 =	vperm.xlane v3, v2;
	v4 =	vadd.s32 v1, v4;
	_ =	sdelay $0x1  }
0x8f: {  	v3 =	vadd.s32 v1, v3;
	_ =	sdelay $0x2  }
0x90: {  	[tilespmem:s9], [sflag:$0x3] =	stream.indirect_vreg.gather [hbm4b:s3+s2], $0x80, v4, vm0, $0xb8;
	[tilespmem:$0x12800] =	vst v63  }
0x91: {  	s4 =	rddreg [dreg:$0x14]  }
0x92: {  	[tilespmem:s4], [sflag:$0x3] =	stream.indirect_vreg.gather [hbm4b:s3+s2], $0x80, v3, vm0, $0xb8;
	[tilespmem:$0x12800] =	vst v63  }
0x93: {  	v3 =	vld [tilespmem:s31+$0x10];
	_ =	sdelay $0x4  }
0x94: {  	v57 =	vshll.u32 v3, $0x1  }
0x95: {  	v3 =	vand.u32 $0x7, v3;
	v4 =	vand.u32 $0xFFFFFFF0, v57  }
0x96: {  	v3 =	vor.u32 v3, v4  }
0x97: {  	v4 =	vperm.xlane v3, v0;
	_ =	sdelay $0x1  }
0x98: {  	v3 =	vperm.xlane v3, v2;
	v4 =	vadd.s32 v1, v4;
	_ =	sdelay $0x1  }
0x99: {  	v3 =	vadd.s32 v1, v3;
	_ =	sdelay $0x1  }
0x9a: {  	s0 =	rddreg [dreg:$0x15]  }
0x9b: {  	[tilespmem:s0], [sflag:$0x3] =	stream.indirect_vreg.gather [hbm4b:s3+s2], $0x80, v4, vm0, $0xb8;
	[tilespmem:$0x12800] =	vst v63  }
0x9c: {  	s4 =	rddreg [dreg:$0x16]  }
0x9d: {  	[tilespmem:s4], [sflag:$0x3] =	stream.indirect_vreg.gather [hbm4b:s3+s2], $0x80, v3, vm0, $0xb8;
	[tilespmem:$0x12800] =	vst v63  }
0x9e: {  	v3 =	vld [tilespmem:s31+$0x20];
	_ =	sdelay $0x4  }
0x9f: {  	v58 =	vshll.u32 v3, $0x1  }
0xa0: {  	v3 =	vand.u32 $0x7, v3;
	v4 =	vand.u32 $0xFFFFFFF0, v58  }
0xa1: {  	v3 =	vor.u32 v3, v4  }
0xa2: {  	v4 =	vperm.xlane v3, v0;
	_ =	sdelay $0x1  }
0xa3: {  	v3 =	vperm.xlane v3, v2;
	v4 =	vadd.s32 v1, v4;
	_ =	sdelay $0x1  }
0xa4: {  	v3 =	vadd.s32 v1, v3;
	_ =	sdelay $0x1  }
0xa5: {  	s4 =	rddreg [dreg:$0x17]  }
0xa6: {  	[tilespmem:s4], [sflag:$0x3] =	stream.indirect_vreg.gather [hbm4b:s3+s2], $0x80, v4, vm0, $0xb8;
	[tilespmem:$0x12800] =	vst v63  }
0xa7: {  	_ = 	snop  }
0xa8: {  	[tilespmem:s10], [sflag:$0x3] =	stream.indirect_vreg.gather [hbm4b:s3+s2], $0x80, v3, vm0, $0xb8;
	[tilespmem:$0x12800] =	vst v63  }
0xa9: {  	v3 =	vld [tilespmem:s31+$0x30];
	_ =	sdelay $0x4  }
0xaa: {  	v59 =	vshll.u32 v3, $0x1  }
0xab: {  	v3 =	vand.u32 $0x7, v3;
	v4 =	vand.u32 $0xFFFFFFF0, v59  }
0xac: {  	v3 =	vor.u32 v3, v4  }
0xad: {  	v4 =	vperm.xlane v3, v0;
	_ =	sdelay $0x1  }
0xae: {  	v3 =	vperm.xlane v3, v2;
	v4 =	vadd.s32 v1, v4;
	_ =	sdelay $0x1  }
0xaf: {  	v3 =	vadd.s32 v1, v3;
	_ =	sdelay $0x2  }
0xb0: {  	[tilespmem:s11], [sflag:$0x3] =	stream.indirect_vreg.gather [hbm4b:s3+s2], $0x80, v4, vm0, $0xb8;
	[tilespmem:$0x12800] =	vst v63  }
0xb1: {  	s0 =	simm.s32 @!p0 $0x8  }
0xb2: {  	[tilespmem:s12], [sflag:$0x3] =	stream.indirect_vreg.gather [hbm4b:s3+s2], $0x80, v3, vm0, $0xb8;
	[tilespmem:$0x12800] =	vst v63  }
0xb3: {  	_ =	swait.ge @!p0 [sflag:s0], $0x4000  }
0xb4: {  	[sflag:s0] =	ssyncset.done @!p0 $0x0  }
0xb5: {  	[sflag:s0] =	ssyncadd.s32 @!p0 $0xFFFFC000  }
0xb6: {  	v3 =	vld [tilespmem:s31+$0x80];
	_ =	sdelay $0x4  }
0xb7: {  	v60 =	vshll.u32 v3, $0x1  }
0xb8: {  	v3 =	vand.u32 $0x7, v3;
	v4 =	vand.u32 $0xFFFFFFF0, v60  }
0xb9: {  	v3 =	vor.u32 v3, v4  }
0xba: {  	v4 =	vperm.xlane v3, v0;
	_ =	sdelay $0x1  }
0xbb: {  	v3 =	vperm.xlane v3, v2;
	v4 =	vadd.s32 v1, v4;
	_ =	sdelay $0x1  }
0xbc: {  	v3 =	vadd.s32 v1, v3;
	_ =	sdelay $0x2  }
0xbd: {  	[tilespmem:s13], [sflag:$0x4] =	stream.indirect_vreg.gather [hbm4b:s3+s2], $0x80, v4, vm0, $0xb8;
	[tilespmem:$0x12800] =	vst v63  }
0xbe: {  	_ = 	snop  }
0xbf: {  	[tilespmem:s14], [sflag:$0x4] =	stream.indirect_vreg.gather [hbm4b:s3+s2], $0x80, v3, vm0, $0xb8;
	[tilespmem:$0x12800] =	vst v63  }
0xc0: {  	v3 =	vld [tilespmem:s31+$0x90];
	_ =	sdelay $0x4  }
0xc1: {  	v61 =	vshll.u32 v3, $0x1  }
0xc2: {  	v3 =	vand.u32 $0x7, v3;
	v4 =	vand.u32 $0xFFFFFFF0, v61  }
0xc3: {  	v3 =	vor.u32 v3, v4  }
0xc4: {  	v4 =	vperm.xlane v3, v0;
	_ =	sdelay $0x1  }
0xc5: {  	v3 =	vperm.xlane v3, v2;
	v4 =	vadd.s32 v1, v4;
	_ =	sdelay $0x1  }
0xc6: {  	v3 =	vadd.s32 v1, v3;
	_ =	sdelay $0x2  }
0xc7: {  	[tilespmem:s15], [sflag:$0x4] =	stream.indirect_vreg.gather [hbm4b:s3+s2], $0x80, v4, vm0, $0xb8;
	[tilespmem:$0x12800] =	vst v63  }
0xc8: {  	_ = 	snop  }
0xc9: {  	[tilespmem:s16], [sflag:$0x4] =	stream.indirect_vreg.gather [hbm4b:s3+s2], $0x80, v3, vm0, $0xb8;
	[tilespmem:$0x12800] =	vst v63  }
0xca: {  	v3 =	vld [tilespmem:s31+$0xA0];
	_ =	sdelay $0x4  }
0xcb: {  	v62 =	vshll.u32 v3, $0x1  }
0xcc: {  	v3 =	vand.u32 $0x7, v3;
	v4 =	vand.u32 $0xFFFFFFF0, v62  }
0xcd: {  	v3 =	vor.u32 v3, v4  }
0xce: {  	v4 =	vperm.xlane v3, v0;
	_ =	sdelay $0x1  }
0xcf: {  	v3 =	vperm.xlane v3, v2;
	v4 =	vadd.s32 v1, v4;
	_ =	sdelay $0x1  }
0xd0: {  	v3 =	vadd.s32 v1, v3;
	_ =	sdelay $0x2  }
0xd1: {  	[tilespmem:s17], [sflag:$0x4] =	stream.indirect_vreg.gather [hbm4b:s3+s2], $0x80, v4, vm0, $0xb8;
	[tilespmem:$0x12800] =	vst v63  }
0xd2: {  	_ = 	snop  }
0xd3: {  	[tilespmem:s18], [sflag:$0x4] =	stream.indirect_vreg.gather [hbm4b:s3+s2], $0x80, v3, vm0, $0xb8;
	[tilespmem:$0x12800] =	vst v63  }
0xd4: {  	v3 =	vld [tilespmem:s31+$0xB0];
	_ =	sdelay $0x4  }
0xd5: {  	v63 =	vshll.u32 v3, $0x1  }
0xd6: {  	v3 =	vand.u32 $0x7, v3;
	v4 =	vand.u32 $0xFFFFFFF0, v63  }
0xd7: {  	v3 =	vor.u32 v3, v4  }
0xd8: {  	v4 =	vperm.xlane v3, v0;
	_ =	sdelay $0x1  }
0xd9: {  	v3 =	vperm.xlane v3, v2;
	v4 =	vadd.s32 v1, v4;
	_ =	sdelay $0x1  }
0xda: {  	v3 =	vadd.s32 v1, v3;
	_ =	sdelay $0x2  }
0xdb: {  	[tilespmem:s19], [sflag:$0x4] =	stream.indirect_vreg.gather [hbm4b:s3+s2], $0x80, v4, vm0, $0xb8;
	[tilespmem:$0x12800] =	vst v63  }
0xdc: {  	_ = 	snop  }
0xdd: {  	[tilespmem:s20], [sflag:$0x4] =	stream.indirect_vreg.gather [hbm4b:s3+s2], $0x80, v3, vm0, $0xb8;
	[tilespmem:$0x12800] =	vst v63  }
0xde: {  	_ =	swait.ge [sflag:s21], $0x4000  }
0xdf: {  	s4 =	rddreg [dreg:$0x2];
	[sflag:s21] =	ssyncset.done $0x0  }
0xe0: {  	[sflag:s21] =	ssyncadd.s32 $0xFFFFC000;
	s0 =	sadd.s32 s1, s4  }
0xe1: {  	[hbm4b:s0+s2] =	stream.linear.scatter [tilespmem:s7], [sflag:$0x5], $0x4000, $0x38;
	[tilespmem:$0x12800] =	vst v63  }
0xe2: {  	_ =	swait.ge [sflag:s22], $0x4000  }
0xe3: {  	s4 =	rddreg [dreg:$0x3];
	[sflag:s22] =	ssyncset.done $0x0  }
0xe4: {  	[sflag:s22] =	ssyncadd.s32 $0xFFFFC000;
	s0 =	sadd.s32 s1, s4  }
0xe5: {  	[hbm4b:s0+s2] =	stream.linear.scatter [tilespmem:s8], [sflag:$0x6], $0x4000, $0x38;
	[tilespmem:$0x12800] =	vst v63  }
0xe6: {  	_ =	swait.ge [sflag:s23], $0x4000  }
0xe7: {  	s4 =	rddreg [dreg:$0x4];
	[sflag:s23] =	ssyncset.done $0x0  }
0xe8: {  	[sflag:s23] =	ssyncadd.s32 $0xFFFFC000;
	s0 =	sadd.s32 s1, s4  }
0xe9: {  	[hbm4b:s0+s2] =	stream.linear.scatter [tilespmem:s9], [sflag:$0x7], $0x4000, $0x38;
	[tilespmem:$0x12800] =	vst v63  }
0xea: {  	_ =	swait.ge [sflag:s24], $0x4000  }
0xeb: {  	s4 =	rddreg [dreg:$0x5]  }
0xec: {  	s0 =	sadd.s32 s1, s4;
	s1 =	sadd.s32 $0x2000, s1  }
0xed: {  	p0 =	sne.s32 s1, $0x28000  }
.Ltmp0:
0xee: {  	_ = 	snop;
	(pc) =	sbr.rel @p0 .LBB2_2-.Ltmp0, $4  }
0xef: {  	_ = 	snop  }
0xf0: {  	[sflag:s24] =	ssyncset.done $0x0  }
0xf1: {  	s31 =	sadd.s32 $0x200, s31;
	[sflag:s24] =	ssyncadd.s32 $0xFFFFC000  }
0xf2: {  	[hbm4b:s0+s2] =	stream.linear.scatter [tilespmem:s13], [sflag:$0x8], $0x4000, $0x38;
	[tilespmem:$0x12800] =	vst v63  }
0xf3: {  	_ =	swait.ge [sflag:s25], $0x4000  }
0xf4: {  	[sflag:s25] =	ssyncset.done $0x0  }
0xf5: {  	[sflag:s25] =	ssyncadd.s32 $0xFFFFC000  }
0xf6: {  	_ =	swait.ge [sflag:s26], $0x4000  }
0xf7: {  	[sflag:s26] =	ssyncset.done $0x0  }
0xf8: {  	s30 =	sadd.s32 $0x1, s30;
	[sflag:s26] =	ssyncadd.s32 $0xFFFFC000  }
0xf9: {  	p0 =	sne.s32 s30, s5;
	_ =	swait.ge [sflag:s28], $0x4000  }
.Ltmp1:
0xfa: {  	[sflag:s28] =	ssyncset.done $0x0;
	(pc) =	sbr.rel @p0 .LBB2_1-.Ltmp1, $4  }
0xfb: {  	[sflag:s28] =	ssyncadd.s32 $0xFFFFC000  }
0xfc: {  	_ =	swait.ge [sflag:s29], $0x4000  }
0xfd: {  	[sflag:s29] =	ssyncset.done $0x0  }
0xfe: {  	[sflag:s29] =	ssyncadd.s32 $0xFFFFC000  }
0xff: {  	_ =	sfence.sel $0x180000  }
0x100: {  	[bflag:$0x0] =	sbarrier.arrive $0xFFFF  }
0x101: {  	_ =	strace $0x90000050  }
0x102: {  	s0 =	stileid.u32;
	[bflag:$0x2] =	sbarrier.arrive $0xFFFF  }
0x103: {  	p0 =	sne.s32 s0, $0x0;
	s0 =	rddreg [dreg:$0x1]  }
0x104: {  	s0 =	sadd.s32 @!p0 $0x100000, s0  }
0x105: {  	[sflag:s0] =	ssyncadd.tile.s32 @!p0 $0x1;
	_ =	shalt  }
.Lfunc_end2:
_tile_overlayer_lowered:
.L_overlay_start_2:
0x106: {  	(tag) =	ssettag $0x2  }
0x107: {  	s0 =	rddreg [dreg:$0x0];
	s2 =	stileid.u32  }
0x108: {  	s1 =	rddreg [dreg:$0x1];
	p0 =	sne.s32 s2, $0x0  }
0x109: {  	s3 =	rddreg [dreg:$0x2];
	[bflag:$0x3] =	sbarrier.arrive $0xFFFF;
	s2 =	simm.s32 @!p0 $0x1C09  }
0x10a: {  	[timem:s3], [sflag:s2] =	dma.local @!p0 [hbm:s0], s1  }
0x10b: {  	s0 =	simm.s32 @!p0 $0x9  }
0x10c: {  	_ =	swait.ge @!p0 [sflag:s0], s1  }
0x10d: {  	s1 =	ssub.s32 @!p0 $0x0, s1;
	[sflag:s0] =	ssyncset.done @!p0 $0x0  }
0x10e: {  	[sflag:s0] =	ssyncadd.s32 @!p0 s1  }
0x10f: {  	[bflag:$0x3] =	sbarrier.arrive $0xFFFF  }
0x110: {  	_ =	shalt  }

// kernel: kernel.27.cloned.1.call-start
scs
__scs_entry_jumppad:
0x0: {  	(pc) =	sbr.rel $0x88, $3  }
0x1: {  	(tag) =	ssettag $0x0;
	lr =	simm.s32 $0x1  }
0x2: {  	[smem:$0x3F8D] =	sst lr;
	_ =	strace $0xD0000000  }
0x3: {  	_ = 	snop  }
0x4: {  	_ = 	snop  }
0x5: {  	_ = 	snop  }
0x6: {  	_ = 	snop  }
0x7: {  	_ = 	snop  }
__scs_overlays_trampoline_lowered:
0x8: {  	[smem:$0x3F9C] =	sst s0  }
0x9: {  	[smem:$0x3F9D] =	sst s1  }
0xa: {  	[smem:$0x3F9E] =	sst s2  }
0xb: {  	[smem:$0x3F9F] =	sst s3  }
0xc: {  	[smem:$0x3FA0] =	sst s4  }
0xd: {  	[smem:$0x3FA1] =	sst s5  }
0xe: {  	[smem:$0x3FA2] =	sst s6  }
0xf: {  	[smem:$0x3FA3] =	sst s7  }
0x10: {  	[smem:$0x3FA4] =	sst s8  }
0x11: {  	[smem:$0x3FA5] =	sst s9;
	s0 =	simm.s32 @!p0 $0x0  }
0x12: {  	s1 =	sld [smem:$0x3F8B];
	s0 =	simm.s32 @p0 $0x1  }
0x13: {  	[smem:$0x3FA6] =	sst s0;
	s0 =	simm.s32 @!p1 $0x0  }
0x14: {  	s2 =	sld [smem:$0x3F8A];
	s0 =	simm.s32 @p1 $0x1  }
0x15: {  	[smem:$0x3FA7] =	sst s0;
	s0 =	simm.s32 @!p2 $0x0  }
0x16: {  	s3 =	sld [smem:$0x3FDB];
	s0 =	simm.s32 @p2 $0x1  }
0x17: {  	s4 =	simm.s32 $0x1BF5;
	[smem:$0x3FA9] =	sst s0  }
0x18: {  	s0 =	sld [smem:$0x3F8C];
	_ =	swait.ge [sflag:s4], $0x0  }
0x19: {  	s7 =	sld [smem:$0x3F8D]  }
0x1a: {  	s8 =	sadd.s32 $0xFFFFE003, lr  }
0x1b: {  	s9 =	sadd.s32 $0xFFFFFEF7, lr;
	s5 =	simm.s32 $0xFFFFFFFF;
	p2 =	slt.u32 s8, $0xFFFFF086  }
0x1c: {  	p1 =	slt.u32 s9, $0xF7A;
	s5 =	simm.s32 @!p2 $0x0  }
0x1d: {  	s5 =	simm.s32 @p1 $0x1;
	p0 =	seq.s32 s7, s2  }
0x1e: {  	s7 =	smul.u32 @!p0 $0xF7A, s2;
	p2 =	seq.s32 @!p0 s5, $0x0  }
0x1f: {  	s9 =	smul.u32 $0xF7A, s1;
	s8 =	simm.s32 @!p0 $0x1BF5;
	p2 =	por !p2, p0  }
0x20: {  	[sflag:s8] =	ssyncset.s32 @!p0 $0xFFFFF086;
	s6 =	sadd.s32 @!p0 s3, s7;
	s7 =	simm.s32 @!p0 $0x108  }
0x21: {  	s3 =	sadd.s32 s3, s9;
	s6 =	sadd.s32 @!p0 $0x88, s6;
	s7 =	simm.s32 @p2 $0x1082  }
0x22: {  	[simem:s7], [sflag:s8] =	dma.local @!p0 [hbm:s6], $0xF7A  }
0x23: {  	s9 =	sor.u32 $0xD0000000, s2;
	s6 =	simm.s32 $0x108;
	_ =	swait.ge @!p0 [sflag:s8], $0x0  }
0x24: {  	s3 =	sadd.s32 $0x88, s3;
	s6 =	simm.s32 @!p1 $0x1082;
	[sflag:s4] =	ssyncset.s32 $0xFFFFF086  }
0x25: {  	[simem:s6], [sflag:s4] =	dma.local [hbm:s3], $0xF7A  }
0x26: {  	[smem:$0x3F8D] =	sst s1;
	(tag) =	ssettag s2;
	_ =	strace s9  }
0x27: {  	s1 =	sld [smem:$0x3F9D]  }
0x28: {  	s2 =	sld [smem:$0x3F9E]  }
0x29: {  	s4 =	sld [smem:$0x3FA0]  }
0x2a: {  	p0 =	seq.s32 s5, $0x0;
	s5 =	sld [smem:$0x3FA1]  }
0x2b: {  	s6 =	sld [smem:$0x3FA2]  }
0x2c: {  	s7 =	sld [smem:$0x3FA3]  }
0x2d: {  	s3 =	simm.s32 $0x108;
	s8 =	sld [smem:$0x3FA4]  }
0x2e: {  	s3 =	simm.s32 @!p0 $0x1082;
	s9 =	sld [smem:$0x3FA5]  }
0x2f: {  	lr =	sadd.s32 s0, s3;
	s0 =	sld [smem:$0x3F9C]  }
0x30: {  	s3 =	sld [smem:$0x3F9F]  }
0x31: {  	[smem:$0x3FA8] =	sst s10  }
0x32: {  	s10 =	sld [smem:$0x3FA6];
	_ =	sdelay $0x3  }
0x33: {  	p0 =	seq.s32 s10, $0x1;
	s10 =	sld [smem:$0x3FA8];
	_ =	sdelay $0x3  }
0x34: {  	[smem:$0x3FA8] =	sst s10  }
0x35: {  	s10 =	sld [smem:$0x3FA7];
	_ =	sdelay $0x3  }
0x36: {  	p1 =	seq.s32 s10, $0x1;
	s10 =	sld [smem:$0x3FA8];
	_ =	sdelay $0x3  }
0x37: {  	[smem:$0x3FA8] =	sst s10  }
0x38: {  	s10 =	sld [smem:$0x3FA9]  }
0x39: {  	_ = 	snop;
	(pc) =	sbr.ind lr, $3  }
0x3a: {  	_ = 	snop  }
0x3b: {  	_ = 	snop  }
0x3c: {  	p2 =	seq.s32 s10, $0x1;
	s10 =	sld [smem:$0x3FA8]  }
0x3d: {  	_ =	shalt  }
0x3e: {  	_ =	shalt  }
0x3f: {  	_ =	shalt  }
0x40: {  	_ =	shalt  }
0x41: {  	_ =	shalt  }
0x42: {  	_ =	shalt  }
0x43: {  	_ =	shalt  }
0x44: {  	_ =	shalt  }
0x45: {  	_ =	shalt  }
0x46: {  	_ =	shalt  }
0x47: {  	_ =	shalt  }
0x48: {  	_ =	shalt  }
0x49: {  	_ =	shalt  }
0x4a: {  	_ =	shalt  }
0x4b: {  	_ =	shalt  }
0x4c: {  	_ =	shalt  }
0x4d: {  	_ =	shalt  }
0x4e: {  	_ =	shalt  }
0x4f: {  	_ =	shalt  }
0x50: {  	_ =	shalt  }
0x51: {  	_ =	shalt  }
0x52: {  	_ =	shalt  }
0x53: {  	_ =	shalt  }
0x54: {  	_ =	shalt  }
0x55: {  	_ =	shalt  }
0x56: {  	_ =	shalt  }
0x57: {  	_ =	shalt  }
0x58: {  	_ =	shalt  }
0x59: {  	_ =	shalt  }
0x5a: {  	_ =	shalt  }
0x5b: {  	_ =	shalt  }
0x5c: {  	_ =	shalt  }
0x5d: {  	_ =	shalt  }
0x5e: {  	_ =	shalt  }
0x5f: {  	_ =	shalt  }
0x60: {  	_ =	shalt  }
0x61: {  	_ =	shalt  }
0x62: {  	_ =	shalt  }
0x63: {  	_ =	shalt  }
0x64: {  	_ =	shalt  }
0x65: {  	_ =	shalt  }
0x66: {  	_ =	shalt  }
0x67: {  	_ =	shalt  }
0x68: {  	_ =	shalt  }
0x69: {  	_ =	shalt  }
0x6a: {  	_ =	shalt  }
0x6b: {  	_ =	shalt  }
0x6c: {  	_ =	shalt  }
0x6d: {  	_ =	shalt  }
0x6e: {  	_ =	shalt  }
0x6f: {  	_ =	shalt  }
0x70: {  	_ =	shalt  }
0x71: {  	_ =	shalt  }
0x72: {  	_ =	shalt  }
0x73: {  	_ =	shalt  }
0x74: {  	_ =	shalt  }
0x75: {  	_ =	shalt  }
0x76: {  	_ =	shalt  }
0x77: {  	_ =	shalt  }
0x78: {  	_ =	shalt  }
0x79: {  	_ =	shalt  }
0x7a: {  	_ =	shalt  }
0x7b: {  	_ =	shalt  }
0x7c: {  	_ =	shalt  }
0x7d: {  	_ =	shalt  }
0x7e: {  	_ =	shalt  }
0x7f: {  	_ =	shalt  }
0x80: {  	_ =	shalt  }
0x81: {  	_ =	shalt  }
0x82: {  	_ =	shalt  }
0x83: {  	_ =	shalt  }
0x84: {  	_ =	shalt  }
0x85: {  	_ =	shalt  }
0x86: {  	_ =	shalt  }
0x87: {  	_ =	shalt  }
.Lfunc_end0:
.L_simem_size_0:
called_computation.4_lowered:
.L_overlay_start_0:
0x88: {  	s2 =	sld [smem:$0x3FD9]  }
0x89: {  	s3 =	sld [smem:$0x3FFE];
	_ =	sdelay $0x1  }
0x8a: {  	s1 =	srdreg.scid  }
0x8b: {  	s0 =	sand.u32 $0x1, s1  }
0x8c: {  	s16 =	sshll.u32 s0, $0xA;
	s2 =	sadd.s32 s3, s2  }
0x8d: {  	s2 =	sadd.s32 s2, s16  }
0x8e: {  	[smem:$0x3FB4] =	sst s2  }
0x8f: {  	_ = 	snop  }
0x90: {  	(tm) =	ssettm $0x1  }
0x91: {  	s17 =	sld [smem:$0x3FFB];
	_ =	sdelay $0x3  }
0x92: {  	_ =	strace s17  }
0x93: {  	s2 =	sld [smem:$0x3FFC];
	_ =	sdelay $0x3  }
0x94: {  	_ =	strace s2  }
0x95: {  	s2 =	sld [smem:$0x3FFD];
	_ =	sdelay $0x3  }
0x96: {  	_ =	strace s2  }
0x97: {  	_ =	strace $0x8FFFFFFF  }
0x98: {  	s18 =	sld [smem:$0x3FDB];
	_ =	sdelay $0x1  }
0x99: {  	s19 =	simm.s32 $_scs_section_size  }
0x9a: {  	s4 =	simm.s32 $_size__tile_overlayer_lowered;
	s5 =	simm.s32 $_tile_overlayer_lowered  }
0x9b: {  	s22 =	simm.s32 $0x1BFF;
	s21 =	sshll.u32 s5, $0x1;
	s2 =	sadd.s32 s19, s18  }
0x9c: {  	s6 =	simm.s32 $0x0;
	s20 =	sshll.u32 s4, $0x1;
	s4 =	sadd.s32 s21, s2  }
0x9d: {  	[timem:s6], [sflag:s22] =	dma.local [hbm:s4], s20  }
0x9e: {  	_ =	swait.ge [sflag:s22], s20  }
0x9f: {  	s3 =	ssub.s32 $0x0, s20;
	[sflag:s22] =	ssyncset.done $0x0  }
0xa0: {  	[sflag:s22] =	ssyncadd.s32 s3;
	_ =	sdelay $0x1  }
0xa1: {  	s23 =	simm.s32 $0x1B8B  }
0xa2: {  	_ =	swait.ge [sflag:s23], $0x1  }
0xa3: {  	[sflag:s23] =	ssyncset.done $0x0  }
0xa4: {  	s25 =	simm.s32 $0x1B8E;
	s24 =	sld [smem:$0x3FFE];
	[sflag:s23] =	ssyncadd.s32 $0xFFFFFFFF  }
0xa5: {  	s26 =	simm.s32 $execute0_lowered;
	[smem:$0x3FD2] =	sst s25  }
0xa6: {  	s4 =	sshll.u32 s26, $0x1;
	_ =	strace $0x80000052;
	[dreg:$0x1] =	wrdreg $0xFFFFFFFF  }
0xa7: {  	s28 =	simm.s32 $_size_execute0_lowered;
	s2 =	sadd.s32 s2, s4;
	[dreg:$0x0] =	wrdreg $0x0  }
0xa8: {  	s4 =	sshll.u32 s28, $0x1;
	[dreg:$0x2] =	wrdreg s2  }
0xa9: {  	[dreg:$0x3] =	wrdreg s4  }
0xaa: {  	[dreg:$0x4] =	wrdreg $0xC0  }
0xab: {  	_ =	task [dreg:s6], $0x5FFFF  }
0xac: {  	[dreg:$0x1] =	wrdreg $0xFFFFFFFF  }
0xad: {  	[dreg:$0x0] =	wrdreg $0x60  }
0xae: {  	[dreg:$0x2] =	wrdreg s24  }
0xaf: {  	[dreg:$0x3] =	wrdreg $0xA8000  }
0xb0: {  	[dreg:$0x4] =	wrdreg $0x9  }
0xb1: {  	_ =	task.clear_ibuf [dreg:s6], $0x5FFFF;
	_ =	strace $0x90000052  }
0xb2: {  	s29 =	simm.s32 $0x9;
	_ =	strace $0x80000054  }
0xb3: {  	_ =	swait.ge [sflag:s29], $0x1  }
0xb4: {  	[sflag:s29] =	ssyncadd.s32 $0xFFFFFFFF  }
0xb5: {  	_ =	strace $0x90000054  }
0xb6: {  	_ =	sfence  }
0xb7: {  	s30 =	sld [smem:$0x0];
	_ =	sdelay $0x2  }
0xb8: {  	s31 =	sshll.u32 s1, $0xD;
	s1 =	sshrl.u32 s1, $0x2  }
0xb9: {  	s3 =	sand.u32 $0x4000, s31;
	s1 =	sadd.s32 s1, s30  }
0xba: {  	s0 =	sor.u32 s3, s0;
	s1 =	sshll.u32 s1, $0x11  }
0xbb: {  	s0 =	sor.u32 s1, s0  }
0xbc: {  	s0 =	sadd.s32 $0x8F2B, s0  }
0xbd: {  	[sflag:s0] =	ssyncadd.remote.s32 $0x1  }
0xbe: {  	_ =	sfence.sel $0xFFFF  }
0xbf: {  	[dreg:$0x0] =	wrdreg $0xFFFFFFFF;
	(pc) =	sbr.abs _section_cstart, $3  }
0xc0: {  	[dreg:$0x1] =	wrdreg $0xFFFFFFFF  }
0xc1: {  	_ =	task.clear_ibuf [dreg:s6], $0x2FFFF;
	_ =	strace $0x9FFFFFFF  }
0xc2: {  	(tm) =	ssettm $0x7FFFFFFF  }
0xc3: {  	_ =	shalt  }
tec
execute0_lowered:
.L_overlay_start_1:
0x0: {  	(tag) =	ssettag $0x1  }
0x1: {  	s4 =	rddreg [dreg:$0x0]  }
0x2: {  	s2 =	rddreg [dreg:$0x1]  }
0x3: {  	s0 =	rddreg [dreg:$0x2];
	s3 =	simm.s32 $0x0;
	s1 =	stileid.u32  }
0x4: {  	s6 =	srdreg.scid;
	s16 =	simm.s32 $0x5;
	s17 =	simm.s32 $0x2800  }
0x5: {  	s18 =	simm.s32 $0x6800;
	s19 =	simm.s32 $0x1;
	s20 =	simm.s32 $0x80  }
0x6: {  	s21 =	simm.s32 $0x2;
	s22 =	simm.s32 $0x3;
	s5 =	smul.u32 $0x500, s1  }
0x7: {  	s23 =	simm.s32 $0x4;
	s24 =	simm.s32 $0x0;
	s7 =	smul.u32 $0x2800, s1  }
0x8: {  	[smem:$0x7FF] =	sst s3;
	s8 =	sand.u32 $0x1, s6;
	s13 =	smul.u32 $0x50000, s1  }
0x9: {  	s11 =	sadd.s32 $0x351600, s4;
	s12 =	sadd.s32 $0x2D400, s4;
	s31 =	smul.u32 $0x28000, s1  }
0xa: {  	s30 =	sshll.u32 s1, $0x6;
	_ =	strace $0x80000053;
	s6 =	smul.u32 $0x28000, s8  }
0xb: {  	s28 =	ssub.s32 $0x2, s8;
	p0 =	seq.s32 s8, $0x1;
	s9 =	sadd.s32 s5, s4  }
0xc: {  	s10 =	sshrl.u32 s28, $0x1;
	s29 =	sshrl.u32 s13, $0x2;
	s5 =	sor.u32 $0x1C05, s30  }
0xd: {  	s8 =	sadd.s32 s12, s31;
	s13 =	sor.u32 $0x800, s31;
	s6 =	sadd.s32 s7, s6  }
.Ltmp0:
0xe: {  	s7 =	sadd.s32 s7, s4;
	s10 =	ssub.s32 s28, s10;
	(pc) =	sbr.rel .LBB2_1-.Ltmp0, $4  }
0xf: {  	s15 =	sadd.s32 s29, s2;
	s12 =	sadd.s32 s12, s13;
	s14 =	sadd.s32 s6, s4  }
0x10: {  	s4 =	sadd.s32 $0x5400, s7;
	s6 =	sadd.s32 $0x34C600, s9;
	s7 =	sadd.s32 s11, s31  }
0x11: {  	s10 =	smax.u32 s10, $0x1;
	s11 =	sadd.s32 s11, s13;
	s15 =	sshrl.u32 s15, $0x3  }
0x12: {  	s9 =	sadd.s32 $0x2AD400, s14;
	s13 =	sadd.s32 $0x1000, s7;
	s14 =	sadd.s32 $0x1000, s8  }
.LBB2_7:
0x13: {  	[spmem:s2] =	stream.indirect.scatter.add.f32 [tilespmem:s18], [sflag:$0x4], $0x80, s28, s20, $0xb8;
	[tilespmem:$0x1E800] =	vst v63  }
.LBB2_8:
0x14: {  	_ =	swait.ge [sflag:s22], $0x4000  }
0x15: {  	[sflag:s22] =	ssyncset.done $0x0  }
0x16: {  	[sflag:s22] =	ssyncadd.s32 $0xFFFFC000  }
0x17: {  	_ =	swait.ge [sflag:s23], $0x4000  }
0x18: {  	s24 =	sadd.s32 $0x1, s24;
	[sflag:s23] =	ssyncset.done $0x0  }
0x19: {  	p1 =	sne.s32 s24, s10;
	[sflag:s23] =	ssyncadd.s32 $0xFFFFC000  }
.Ltmp1:
0x1a: {  	[bflag:$0x0] =	sbarrier.arrive $0xFFFF;
	(pc) =	sbr.rel @!p1 .LBB2_9-.Ltmp1, $4  }
0x1b: {  	[hbm:s9], [sflag:s5] =	dma.local [spmem:s15], $0x2800  }
0x1c: {  	_ =	swait.ge [sflag:s16], $0x2800  }
0x1d: {  	[sflag:s16] =	ssyncset.done $0x0  }
0x1e: {  	[sflag:s16] =	ssyncadd.s32 $0xFFFFD800  }
.LBB2_1:
0x1f: {  	[spmem:s15], [sflag:s5] =	dma.local [hbm:s4], $0x2800  }
0x20: {  	_ =	swait.ge [sflag:s16], $0x2800  }
0x21: {  	[sflag:s16] =	ssyncset.done $0x0  }
0x22: {  	[sflag:s16] =	ssyncadd.s32 $0xFFFFD800  }
.Ltmp2:
0x23: {  	[bflag:$0x0] =	sbarrier.arrive $0xFFFF;
	(pc) =	sbr.rel @!p0 .LBB2_2-.Ltmp2, $4  }
0x24: {  	[tilespmem:s3], [sflag:$0x5] =	stream.linear.gather [hbm4b:s6+s3], $0x2800, $0x38;
	[tilespmem:$0x1E800] =	vst v63  }
0x25: {  	_ =	swait.ge [sflag:s16], $0x2800  }
0x26: {  	[sflag:s16] =	ssyncset.done $0x0  }
0x27: {  	[sflag:s16] =	ssyncadd.s32 $0xFFFFD800  }
0x28: {  	[tilespmem:s17], [sflag:$0x1] =	stream.linear.gather [hbm4b:s8+s3], $0x4000, $0x38;
	[tilespmem:$0x1E800] =	vst v63  }
0x29: {  	_ = 	snop  }
0x2a: {  	[tilespmem:s18], [sflag:$0x2] =	stream.linear.gather [hbm4b:s12+s3], $0x4000, $0x38;
	[tilespmem:$0x1E800] =	vst v63  }
0x2b: {  	_ =	swait.ge [sflag:s19], $0x4000  }
0x2c: {  	[sflag:s19] =	ssyncset.done $0x0  }
0x2d: {  	[sflag:s19] =	ssyncadd.s32 $0xFFFFC000  }
0x2e: {  	[spmem:s2] =	stream.indirect.scatter.add.f32 [tilespmem:s17], [sflag:$0x3], $0x80, s3, s20, $0xb8;
	[tilespmem:$0x1E800] =	vst v63  }
0x2f: {  	_ =	swait.ge [sflag:s21], $0x4000  }
0x30: {  	[sflag:s21] =	ssyncset.done $0x0  }
0x31: {  	[sflag:s21] =	ssyncadd.s32 $0xFFFFC000  }
0x32: {  	[spmem:s2] =	stream.indirect.scatter.add.f32 [tilespmem:s18], [sflag:$0x4], $0x80, s20, s20, $0xb8;
	[tilespmem:$0x1E800] =	vst v63  }
0x33: {  	_ =	swait.ge [sflag:s22], $0x4000  }
0x34: {  	[sflag:s22] =	ssyncset.done $0x0  }
0x35: {  	[sflag:s22] =	ssyncadd.s32 $0xFFFFC000  }
0x36: {  	[tilespmem:s17], [sflag:$0x1] =	stream.linear.gather [hbm4b:s14+s3], $0x4000, $0x38;
	[tilespmem:$0x1E800] =	vst v63  }
0x37: {  	_ =	swait.ge [sflag:s23], $0x4000  }
0x38: {  	[sflag:s23] =	ssyncset.done $0x0  }
0x39: {  	s25 =	sadd.s32 $0x800, s14;
	[sflag:s23] =	ssyncadd.s32 $0xFFFFC000  }
0x3a: {  	[tilespmem:s18], [sflag:$0x2] =	stream.linear.gather [hbm4b:s25+s3], $0x4000, $0x38;
	[tilespmem:$0x1E800] =	vst v63  }
0x3b: {  	_ =	swait.ge [sflag:s19], $0x4000  }
0x3c: {  	[sflag:s19] =	ssyncset.done $0x0  }
0x3d: {  	s31 =	simm.s32 $0x100;
	[sflag:s19] =	ssyncadd.s32 $0xFFFFC000  }
0x3e: {  	[spmem:s2] =	stream.indirect.scatter.add.f32 [tilespmem:s17], [sflag:$0x3], $0x80, s31, s20, $0xb8;
	[tilespmem:$0x1E800] =	vst v63  }
0x3f: {  	_ =	swait.ge [sflag:s21], $0x4000  }
0x40: {  	s28 =	simm.s32 $0x180;
	[sflag:s21] =	ssyncset.done $0x0  }
0x41: {  	s26 =	sadd.s32 $0x1000, s14;
	s25 =	simm.s32 $0xFFFF6800;
	[sflag:s21] =	ssyncadd.s32 $0xFFFFC000  }
.LBB2_6:
0x42: {  	[spmem:s2] =	stream.indirect.scatter.add.f32 [tilespmem:s18], [sflag:$0x4], $0x80, s28, s20, $0xb8;
	[tilespmem:$0x1E800] =	vst v63  }
0x43: {  	s28 =	smov.u32 s25  }
0x44: {  	p1 =	sne.s32 s25, $0xFFFFFC00;
	s25 =	sadd.s32 $0x400, s25;
	_ =	swait.ge [sflag:s22], $0x4000  }
0x45: {  	[sflag:s22] =	ssyncset.done $0x0  }
0x46: {  	[sflag:s22] =	ssyncadd.s32 $0xFFFFC000  }
0x47: {  	[tilespmem:s17], [sflag:$0x1] =	stream.linear.gather [hbm4b:s26+s3], $0x4000, $0x38;
	[tilespmem:$0x1E800] =	vst v63  }
0x48: {  	_ =	swait.ge [sflag:s23], $0x4000  }
0x49: {  	[sflag:s23] =	ssyncset.done $0x0  }
0x4a: {  	s29 =	sadd.s32 $0x800, s26;
	[sflag:s23] =	ssyncadd.s32 $0xFFFFC000  }
0x4b: {  	[tilespmem:s18], [sflag:$0x2] =	stream.linear.gather [hbm4b:s29+s3], $0x4000, $0x38;
	[tilespmem:$0x1E800] =	vst v63  }
0x4c: {  	_ =	swait.ge [sflag:s19], $0x4000  }
0x4d: {  	s28 =	sshra.s32 s28, $0x2;
	[sflag:s19] =	ssyncset.done $0x0  }
.Ltmp3:
0x4e: {  	s29 =	sadd.s32 $0x2800, s28;
	[sflag:s19] =	ssyncadd.s32 $0xFFFFC000;
	(pc) =	sbr.rel @p1 .LBB2_6-.Ltmp3, $4  }
0x4f: {  	[spmem:s2] =	stream.indirect.scatter.add.f32 [tilespmem:s17], [sflag:$0x3], $0x80, s29, s20, $0xb8;
	[tilespmem:$0x1E800] =	vst v63  }
0x50: {  	_ =	swait.ge [sflag:s21], $0x4000  }
0x51: {  	[sflag:s21] =	ssyncset.done $0x0  }
0x52: {  	s26 =	sadd.s32 $0x1000, s26;
	s28 =	sadd.s32 $0x2880, s28;
	[sflag:s21] =	ssyncadd.s32 $0xFFFFC000  }
.Ltmp4:
0x53: {  	_ = 	snop;
	(pc) =	sbr.rel .LBB2_7-.Ltmp4, $1  }
0x54: {  	_ =	sdelay $0x3  }
.LBB2_2:
0x55: {  	[tilespmem:s17], [sflag:$0x1] =	stream.linear.gather [hbm4b:s7+s3], $0x4000, $0x38;
	[tilespmem:$0x1E800] =	vst v63  }
0x56: {  	_ = 	snop  }
0x57: {  	[tilespmem:s18], [sflag:$0x2] =	stream.linear.gather [hbm4b:s11+s3], $0x4000, $0x38;
	[tilespmem:$0x1E800] =	vst v63  }
0x58: {  	_ =	swait.ge [sflag:s19], $0x4000  }
0x59: {  	[sflag:s19] =	ssyncset.done $0x0  }
0x5a: {  	[sflag:s19] =	ssyncadd.s32 $0xFFFFC000  }
0x5b: {  	[spmem:s2] =	stream.indirect.scatter.add.f32 [tilespmem:s17], [sflag:$0x3], $0x80, s3, s20, $0xb8;
	[tilespmem:$0x1E800] =	vst v63  }
0x5c: {  	_ =	swait.ge [sflag:s21], $0x4000  }
0x5d: {  	[sflag:s21] =	ssyncset.done $0x0  }
0x5e: {  	[sflag:s21] =	ssyncadd.s32 $0xFFFFC000  }
0x5f: {  	[spmem:s2] =	stream.indirect.scatter.add.f32 [tilespmem:s18], [sflag:$0x4], $0x80, s20, s20, $0xb8;
	[tilespmem:$0x1E800] =	vst v63  }
0x60: {  	_ =	swait.ge [sflag:s22], $0x4000  }
0x61: {  	[sflag:s22] =	ssyncset.done $0x0  }
0x62: {  	[sflag:s22] =	ssyncadd.s32 $0xFFFFC000  }
0x63: {  	[tilespmem:s17], [sflag:$0x1] =	stream.linear.gather [hbm4b:s13+s3], $0x4000, $0x38;
	[tilespmem:$0x1E800] =	vst v63  }
0x64: {  	_ =	swait.ge [sflag:s23], $0x4000  }
0x65: {  	[sflag:s23] =	ssyncset.done $0x0  }
0x66: {  	s25 =	sadd.s32 $0x800, s13;
	[sflag:s23] =	ssyncadd.s32 $0xFFFFC000  }
0x67: {  	[tilespmem:s18], [sflag:$0x2] =	stream.linear.gather [hbm4b:s25+s3], $0x4000, $0x38;
	[tilespmem:$0x1E800] =	vst v63  }
0x68: {  	_ =	swait.ge [sflag:s19], $0x4000  }
0x69: {  	[sflag:s19] =	ssyncset.done $0x0  }
0x6a: {  	s31 =	simm.s32 $0x100;
	[sflag:s19] =	ssyncadd.s32 $0xFFFFC000  }
0x6b: {  	[spmem:s2] =	stream.indirect.scatter.add.f32 [tilespmem:s17], [sflag:$0x3], $0x80, s31, s20, $0xb8;
	[tilespmem:$0x1E800] =	vst v63  }
0x6c: {  	_ =	swait.ge [sflag:s21], $0x4000  }
0x6d: {  	s28 =	simm.s32 $0x180;
	[sflag:s21] =	ssyncset.done $0x0  }
0x6e: {  	s26 =	sadd.s32 $0x1000, s13;
	s25 =	simm.s32 $0xFFFF6800;
	[sflag:s21] =	ssyncadd.s32 $0xFFFFC000  }
.LBB2_3:
0x6f: {  	[spmem:s2] =	stream.indirect.scatter.add.f32 [tilespmem:s18], [sflag:$0x4], $0x80, s28, s20, $0xb8;
	[tilespmem:$0x1E800] =	vst v63  }
0x70: {  	s28 =	smov.u32 s25  }
0x71: {  	p1 =	seq.s32 s25, $0xFFFFFC00;
	s25 =	sadd.s32 $0x400, s25;
	_ =	swait.ge [sflag:s22], $0x4000  }
0x72: {  	[sflag:s22] =	ssyncset.done $0x0  }
0x73: {  	[sflag:s22] =	ssyncadd.s32 $0xFFFFC000  }
0x74: {  	[tilespmem:s17], [sflag:$0x1] =	stream.linear.gather [hbm4b:s26+s3], $0x4000, $0x38;
	[tilespmem:$0x1E800] =	vst v63  }
0x75: {  	_ =	swait.ge [sflag:s23], $0x4000  }
0x76: {  	[sflag:s23] =	ssyncset.done $0x0  }
0x77: {  	s29 =	sadd.s32 $0x800, s26;
	[sflag:s23] =	ssyncadd.s32 $0xFFFFC000  }
0x78: {  	[tilespmem:s18], [sflag:$0x2] =	stream.linear.gather [hbm4b:s29+s3], $0x4000, $0x38;
	[tilespmem:$0x1E800] =	vst v63  }
0x79: {  	_ =	swait.ge [sflag:s19], $0x4000  }
0x7a: {  	s28 =	sshra.s32 s28, $0x2;
	[sflag:s19] =	ssyncset.done $0x0  }
.Ltmp5:
0x7b: {  	s29 =	sadd.s32 $0x2800, s28;
	[sflag:s19] =	ssyncadd.s32 $0xFFFFC000;
	(pc) =	sbr.rel @!p1 .LBB2_3-.Ltmp5, $4  }
0x7c: {  	[spmem:s2] =	stream.indirect.scatter.add.f32 [tilespmem:s17], [sflag:$0x3], $0x80, s29, s20, $0xb8;
	[tilespmem:$0x1E800] =	vst v63  }
0x7d: {  	_ =	swait.ge [sflag:s21], $0x4000  }
0x7e: {  	[sflag:s21] =	ssyncset.done $0x0  }
0x7f: {  	s26 =	sadd.s32 $0x1000, s26;
	s28 =	sadd.s32 $0x2880, s28;
	[sflag:s21] =	ssyncadd.s32 $0xFFFFC000  }
.Ltmp6:
0x80: {  	(pc) =	sbr.rel .LBB2_8-.Ltmp6, $2  }
0x81: {  	_ =	sdelay $0x2  }
0x82: {  	[spmem:s2] =	stream.indirect.scatter.add.f32 [tilespmem:s18], [sflag:$0x4], $0x80, s28, s20, $0xb8;
	[tilespmem:$0x1E800] =	vst v63  }
.LBB2_9:
0x83: {  	_ =	sfence.sel $0x180000  }
0x84: {  	[bflag:$0x0] =	sbarrier.arrive $0xFFFF  }
0x85: {  	p0 =	sne.s32 s1, $0x0;
	_ =	strace $0x90000053  }
0x86: {  	s0 =	sadd.s32 @!p0 $0x100000, s0;
	[bflag:$0x2] =	sbarrier.arrive $0xFFFF  }
0x87: {  	[sflag:s0] =	ssyncadd.tile.s32 @!p0 $0x1;
	_ =	shalt  }
.Lfunc_end2:
_tile_overlayer_lowered:
.L_overlay_start_2:
0x88: {  	(tag) =	ssettag $0x2  }
0x89: {  	s0 =	rddreg [dreg:$0x0];
	s2 =	stileid.u32  }
0x8a: {  	s1 =	rddreg [dreg:$0x1];
	p0 =	sne.s32 s2, $0x0  }
0x8b: {  	s3 =	rddreg [dreg:$0x2];
	[bflag:$0x3] =	sbarrier.arrive $0xFFFF;
	s2 =	simm.s32 @!p0 $0x1C05  }
0x8c: {  	[timem:s3], [sflag:s2] =	dma.local @!p0 [hbm:s0], s1  }
0x8d: {  	s0 =	simm.s32 @!p0 $0x5  }
0x8e: {  	_ =	swait.ge @!p0 [sflag:s0], s1  }
0x8f: {  	s1 =	ssub.s32 @!p0 $0x0, s1;
	[sflag:s0] =	ssyncset.done @!p0 $0x0  }
0x90: {  	[sflag:s0] =	ssyncadd.s32 @!p0 s1  }
0x91: {  	[bflag:$0x3] =	sbarrier.arrive $0xFFFF  }
0x92: {  	_ =	shalt  }

// kernel: kernel.30.cloned.1.call-start
scs
__scs_entry_jumppad:
0x0: {  	(pc) =	sbr.rel $0x88, $3  }
0x1: {  	(tag) =	ssettag $0x0;
	lr =	simm.s32 $0x1  }
0x2: {  	[smem:$0x3F8D] =	sst lr;
	_ =	strace $0xD0000000  }
0x3: {  	_ = 	snop  }
0x4: {  	_ = 	snop  }
0x5: {  	_ = 	snop  }
0x6: {  	_ = 	snop  }
0x7: {  	_ = 	snop  }
__scs_overlays_trampoline_lowered:
0x8: {  	[smem:$0x3F9C] =	sst s0  }
0x9: {  	[smem:$0x3F9D] =	sst s1  }
0xa: {  	[smem:$0x3F9E] =	sst s2  }
0xb: {  	[smem:$0x3F9F] =	sst s3  }
0xc: {  	[smem:$0x3FA0] =	sst s4  }
0xd: {  	[smem:$0x3FA1] =	sst s5  }
0xe: {  	[smem:$0x3FA2] =	sst s6  }
0xf: {  	[smem:$0x3FA3] =	sst s7  }
0x10: {  	[smem:$0x3FA4] =	sst s8  }
0x11: {  	[smem:$0x3FA5] =	sst s9;
	s0 =	simm.s32 @!p0 $0x0  }
0x12: {  	s1 =	sld [smem:$0x3F8B];
	s0 =	simm.s32 @p0 $0x1  }
0x13: {  	[smem:$0x3FA6] =	sst s0;
	s0 =	simm.s32 @!p1 $0x0  }
0x14: {  	s2 =	sld [smem:$0x3F8A];
	s0 =	simm.s32 @p1 $0x1  }
0x15: {  	[smem:$0x3FA7] =	sst s0;
	s0 =	simm.s32 @!p2 $0x0  }
0x16: {  	s3 =	sld [smem:$0x3FDB];
	s0 =	simm.s32 @p2 $0x1  }
0x17: {  	s4 =	simm.s32 $0x1BF5;
	[smem:$0x3FA9] =	sst s0  }
0x18: {  	s0 =	sld [smem:$0x3F8C];
	_ =	swait.ge [sflag:s4], $0x0  }
0x19: {  	s7 =	sld [smem:$0x3F8D]  }
0x1a: {  	s8 =	sadd.s32 $0xFFFFE003, lr  }
0x1b: {  	s9 =	sadd.s32 $0xFFFFFEF7, lr;
	s5 =	simm.s32 $0xFFFFFFFF;
	p2 =	slt.u32 s8, $0xFFFFF086  }
0x1c: {  	p1 =	slt.u32 s9, $0xF7A;
	s5 =	simm.s32 @!p2 $0x0  }
0x1d: {  	s5 =	simm.s32 @p1 $0x1;
	p0 =	seq.s32 s7, s2  }
0x1e: {  	s7 =	smul.u32 @!p0 $0xF7A, s2;
	p2 =	seq.s32 @!p0 s5, $0x0  }
0x1f: {  	s9 =	smul.u32 $0xF7A, s1;
	s8 =	simm.s32 @!p0 $0x1BF5;
	p2 =	por !p2, p0  }
0x20: {  	[sflag:s8] =	ssyncset.s32 @!p0 $0xFFFFF086;
	s6 =	sadd.s32 @!p0 s3, s7;
	s7 =	simm.s32 @!p0 $0x108  }
0x21: {  	s3 =	sadd.s32 s3, s9;
	s6 =	sadd.s32 @!p0 $0x88, s6;
	s7 =	simm.s32 @p2 $0x1082  }
0x22: {  	[simem:s7], [sflag:s8] =	dma.local @!p0 [hbm:s6], $0xF7A  }
0x23: {  	s9 =	sor.u32 $0xD0000000, s2;
	s6 =	simm.s32 $0x108;
	_ =	swait.ge @!p0 [sflag:s8], $0x0  }
0x24: {  	s3 =	sadd.s32 $0x88, s3;
	s6 =	simm.s32 @!p1 $0x1082;
	[sflag:s4] =	ssyncset.s32 $0xFFFFF086  }
0x25: {  	[simem:s6], [sflag:s4] =	dma.local [hbm:s3], $0xF7A  }
0x26: {  	[smem:$0x3F8D] =	sst s1;
	(tag) =	ssettag s2;
	_ =	strace s9  }
0x27: {  	s1 =	sld [smem:$0x3F9D]  }
0x28: {  	s2 =	sld [smem:$0x3F9E]  }
0x29: {  	s4 =	sld [smem:$0x3FA0]  }
0x2a: {  	p0 =	seq.s32 s5, $0x0;
	s5 =	sld [smem:$0x3FA1]  }
0x2b: {  	s6 =	sld [smem:$0x3FA2]  }
0x2c: {  	s7 =	sld [smem:$0x3FA3]  }
0x2d: {  	s3 =	simm.s32 $0x108;
	s8 =	sld [smem:$0x3FA4]  }
0x2e: {  	s3 =	simm.s32 @!p0 $0x1082;
	s9 =	sld [smem:$0x3FA5]  }
0x2f: {  	lr =	sadd.s32 s0, s3;
	s0 =	sld [smem:$0x3F9C]  }
0x30: {  	s3 =	sld [smem:$0x3F9F]  }
0x31: {  	[smem:$0x3FA8] =	sst s10  }
0x32: {  	s10 =	sld [smem:$0x3FA6];
	_ =	sdelay $0x3  }
0x33: {  	p0 =	seq.s32 s10, $0x1;
	s10 =	sld [smem:$0x3FA8];
	_ =	sdelay $0x3  }
0x34: {  	[smem:$0x3FA8] =	sst s10  }
0x35: {  	s10 =	sld [smem:$0x3FA7];
	_ =	sdelay $0x3  }
0x36: {  	p1 =	seq.s32 s10, $0x1;
	s10 =	sld [smem:$0x3FA8];
	_ =	sdelay $0x3  }
0x37: {  	[smem:$0x3FA8] =	sst s10  }
0x38: {  	s10 =	sld [smem:$0x3FA9]  }
0x39: {  	_ = 	snop;
	(pc) =	sbr.ind lr, $3  }
0x3a: {  	_ = 	snop  }
0x3b: {  	_ = 	snop  }
0x3c: {  	p2 =	seq.s32 s10, $0x1;
	s10 =	sld [smem:$0x3FA8]  }
0x3d: {  	_ =	shalt  }
0x3e: {  	_ =	shalt  }
0x3f: {  	_ =	shalt  }
0x40: {  	_ =	shalt  }
0x41: {  	_ =	shalt  }
0x42: {  	_ =	shalt  }
0x43: {  	_ =	shalt  }
0x44: {  	_ =	shalt  }
0x45: {  	_ =	shalt  }
0x46: {  	_ =	shalt  }
0x47: {  	_ =	shalt  }
0x48: {  	_ =	shalt  }
0x49: {  	_ =	shalt  }
0x4a: {  	_ =	shalt  }
0x4b: {  	_ =	shalt  }
0x4c: {  	_ =	shalt  }
0x4d: {  	_ =	shalt  }
0x4e: {  	_ =	shalt  }
0x4f: {  	_ =	shalt  }
0x50: {  	_ =	shalt  }
0x51: {  	_ =	shalt  }
0x52: {  	_ =	shalt  }
0x53: {  	_ =	shalt  }
0x54: {  	_ =	shalt  }
0x55: {  	_ =	shalt  }
0x56: {  	_ =	shalt  }
0x57: {  	_ =	shalt  }
0x58: {  	_ =	shalt  }
0x59: {  	_ =	shalt  }
0x5a: {  	_ =	shalt  }
0x5b: {  	_ =	shalt  }
0x5c: {  	_ =	shalt  }
0x5d: {  	_ =	shalt  }
0x5e: {  	_ =	shalt  }
0x5f: {  	_ =	shalt  }
0x60: {  	_ =	shalt  }
0x61: {  	_ =	shalt  }
0x62: {  	_ =	shalt  }
0x63: {  	_ =	shalt  }
0x64: {  	_ =	shalt  }
0x65: {  	_ =	shalt  }
0x66: {  	_ =	shalt  }
0x67: {  	_ =	shalt  }
0x68: {  	_ =	shalt  }
0x69: {  	_ =	shalt  }
0x6a: {  	_ =	shalt  }
0x6b: {  	_ =	shalt  }
0x6c: {  	_ =	shalt  }
0x6d: {  	_ =	shalt  }
0x6e: {  	_ =	shalt  }
0x6f: {  	_ =	shalt  }
0x70: {  	_ =	shalt  }
0x71: {  	_ =	shalt  }
0x72: {  	_ =	shalt  }
0x73: {  	_ =	shalt  }
0x74: {  	_ =	shalt  }
0x75: {  	_ =	shalt  }
0x76: {  	_ =	shalt  }
0x77: {  	_ =	shalt  }
0x78: {  	_ =	shalt  }
0x79: {  	_ =	shalt  }
0x7a: {  	_ =	shalt  }
0x7b: {  	_ =	shalt  }
0x7c: {  	_ =	shalt  }
0x7d: {  	_ =	shalt  }
0x7e: {  	_ =	shalt  }
0x7f: {  	_ =	shalt  }
0x80: {  	_ =	shalt  }
0x81: {  	_ =	shalt  }
0x82: {  	_ =	shalt  }
0x83: {  	_ =	shalt  }
0x84: {  	_ =	shalt  }
0x85: {  	_ =	shalt  }
0x86: {  	_ =	shalt  }
0x87: {  	_ =	shalt  }
.Lfunc_end0:
.L_simem_size_0:
called_computation.5_lowered:
.L_overlay_start_0:
0x88: {  	s2 =	sld [smem:$0x3FD9]  }
0x89: {  	s3 =	sld [smem:$0x3FFE];
	_ =	sdelay $0x1  }
0x8a: {  	s1 =	srdreg.scid  }
0x8b: {  	s0 =	sand.u32 $0x1, s1  }
0x8c: {  	s16 =	sshll.u32 s0, $0xA;
	s2 =	sadd.s32 s3, s2  }
0x8d: {  	s2 =	sadd.s32 s2, s16  }
0x8e: {  	[smem:$0x3FB4] =	sst s2  }
0x8f: {  	_ = 	snop  }
0x90: {  	(tm) =	ssettm $0x1  }
0x91: {  	s17 =	sld [smem:$0x3FFB];
	_ =	sdelay $0x3  }
0x92: {  	_ =	strace s17  }
0x93: {  	s2 =	sld [smem:$0x3FFC];
	_ =	sdelay $0x3  }
0x94: {  	_ =	strace s2  }
0x95: {  	s2 =	sld [smem:$0x3FFD];
	_ =	sdelay $0x3  }
0x96: {  	_ =	strace s2  }
0x97: {  	_ =	strace $0x8FFFFFFF  }
0x98: {  	s18 =	sld [smem:$0x3FDB];
	_ =	sdelay $0x1  }
0x99: {  	s19 =	simm.s32 $_scs_section_size  }
0x9a: {  	s4 =	simm.s32 $_size__tile_overlayer_lowered;
	s5 =	simm.s32 $_tile_overlayer_lowered  }
0x9b: {  	s22 =	simm.s32 $0x1BFF;
	s21 =	sshll.u32 s5, $0x1;
	s2 =	sadd.s32 s19, s18  }
0x9c: {  	s6 =	simm.s32 $0x0;
	s20 =	sshll.u32 s4, $0x1;
	s4 =	sadd.s32 s21, s2  }
0x9d: {  	[timem:s6], [sflag:s22] =	dma.local [hbm:s4], s20  }
0x9e: {  	_ =	swait.ge [sflag:s22], s20  }
0x9f: {  	s3 =	ssub.s32 $0x0, s20;
	[sflag:s22] =	ssyncset.done $0x0  }
0xa0: {  	[sflag:s22] =	ssyncadd.s32 s3;
	_ =	sdelay $0x1  }
0xa1: {  	s23 =	simm.s32 $0x1B8B  }
0xa2: {  	_ =	swait.ge [sflag:s23], $0x1  }
0xa3: {  	[sflag:s23] =	ssyncset.done $0x0  }
0xa4: {  	s25 =	simm.s32 $0x1B8E;
	s24 =	sld [smem:$0x3FFE];
	[sflag:s23] =	ssyncadd.s32 $0xFFFFFFFF  }
0xa5: {  	s26 =	simm.s32 $execute0_lowered;
	[smem:$0x3FD2] =	sst s25  }
0xa6: {  	s4 =	sshll.u32 s26, $0x1;
	_ =	strace $0x80000055;
	[dreg:$0x1] =	wrdreg $0xFFFFFFFF  }
0xa7: {  	s28 =	simm.s32 $_size_execute0_lowered;
	s2 =	sadd.s32 s2, s4;
	[dreg:$0x0] =	wrdreg $0x0  }
0xa8: {  	s4 =	sshll.u32 s28, $0x1;
	[dreg:$0x2] =	wrdreg s2  }
0xa9: {  	[dreg:$0x3] =	wrdreg s4  }
0xaa: {  	[dreg:$0x4] =	wrdreg $0xC0  }
0xab: {  	_ =	task [dreg:s6], $0x5FFFF  }
0xac: {  	[dreg:$0x1] =	wrdreg $0xFFFFFFFF  }
0xad: {  	[dreg:$0x0] =	wrdreg $0x60  }
0xae: {  	[dreg:$0x2] =	wrdreg s24  }
0xaf: {  	[dreg:$0x3] =	wrdreg $0x9  }
0xb0: {  	_ =	task.clear_ibuf [dreg:s6], $0x4FFFF;
	_ =	strace $0x90000055  }
0xb1: {  	s29 =	simm.s32 $0x9;
	_ =	strace $0x80000057  }
0xb2: {  	_ =	swait.ge [sflag:s29], $0x1  }
0xb3: {  	[sflag:s29] =	ssyncadd.s32 $0xFFFFFFFF  }
0xb4: {  	_ =	strace $0x90000057  }
0xb5: {  	_ =	sfence  }
0xb6: {  	s30 =	sld [smem:$0x0];
	_ =	sdelay $0x2  }
0xb7: {  	s31 =	sshll.u32 s1, $0xD;
	s1 =	sshrl.u32 s1, $0x2  }
0xb8: {  	s3 =	sand.u32 $0x4000, s31;
	s1 =	sadd.s32 s1, s30  }
0xb9: {  	s0 =	sor.u32 s3, s0;
	s1 =	sshll.u32 s1, $0x11  }
0xba: {  	s0 =	sor.u32 s1, s0  }
0xbb: {  	s0 =	sadd.s32 $0x8F2B, s0  }
0xbc: {  	[sflag:s0] =	ssyncadd.remote.s32 $0x1  }
0xbd: {  	_ =	sfence.sel $0xFFFF  }
0xbe: {  	[dreg:$0x0] =	wrdreg $0xFFFFFFFF;
	(pc) =	sbr.abs _section_cstart, $3  }
0xbf: {  	[dreg:$0x1] =	wrdreg $0xFFFFFFFF  }
0xc0: {  	_ =	task.clear_ibuf [dreg:s6], $0x2FFFF;
	_ =	strace $0x9FFFFFFF  }
0xc1: {  	(tm) =	ssettm $0x7FFFFFFF  }
tec
execute0_lowered:
.L_overlay_start_1:
0x0: {  	(tag) =	ssettag $0x1  }
0x1: {  	s5 =	rddreg [dreg:$0x0];
	s2 =	simm.s32 $0x0  }
0x2: {  	s8 =	simm.s32 $0x3800;
	[smem:$0x7FF] =	sst s2  }
0x3: {  	s9 =	simm.s32 $0x4000;
	_ =	strace $0x80000056;
	[dreg:$0x7] =	wrdreg s8  }
0x4: {  	s10 =	simm.s32 $0x4800;
	[dreg:$0x8] =	wrdreg s9  }
0x5: {  	s12 =	simm.s32 $0x5000;
	[dreg:$0x9] =	wrdreg s10  }
0x6: {  	s13 =	simm.s32 $0x5800;
	[dreg:$0xa] =	wrdreg s12  }
0x7: {  	s1 =	srdreg.scid;
	s14 =	simm.s32 $0x6000;
	[dreg:$0xb] =	wrdreg s13  }
0x8: {  	s0 =	stileid.u32;
	s15 =	simm.s32 $0x7000;
	[dreg:$0xc] =	wrdreg s14  }
0x9: {  	s16 =	simm.s32 $0x7800;
	s17 =	simm.s32 $0x8000;
	[dreg:$0xd] =	wrdreg s15  }
0xa: {  	s19 =	simm.s32 $0x8800;
	s20 =	simm.s32 $0x9000;
	[dreg:$0xe] =	wrdreg s16  }
0xb: {  	s22 =	simm.s32 $0x9800;
	s23 =	simm.s32 $0xA000;
	[dreg:$0xf] =	wrdreg s17  }
0xc: {  	s28 =	simm.s32 $0x7;
	s29 =	simm.s32 $0x8;
	[dreg:$0x10] =	wrdreg s19  }
0xd: {  	s30 =	simm.s32 $0x0;
	s1 =	sand.u32 $0x1, s1;
	[dreg:$0x11] =	wrdreg s20  }
0xe: {  	s3 =	smul.u32 $0x280000, s0;
	s24 =	sadd.s32 $0x5400, s5;
	[dreg:$0x12] =	wrdreg s22  }
0xf: {  	s11 =	sshll.u32 s0, $0x1;
	s4 =	smul.u32 $0x140000, s1;
	[dreg:$0x13] =	wrdreg s23  }
0x10: {  	s8 =	simm.s32 $0x6800;
	s9 =	simm.s32 $0xA800;
	s10 =	simm.s32 $0xD000  }
0x11: {  	s12 =	simm.s32 $0xE000;
	s13 =	simm.s32 $0xE800;
	s14 =	simm.s32 $0xF000  }
0x12: {  	s15 =	simm.s32 $0xF800;
	s16 =	simm.s32 $0x10000;
	s17 =	simm.s32 $0x10800  }
0x13: {  	s19 =	simm.s32 $0x11800;
	s20 =	simm.s32 $0x12000;
	s22 =	simm.s32 $0x2  }
0x14: {  	s23 =	simm.s32 $0x3;
	s3 =	sadd.s32 s4, s3;
	s4 =	sor.u32 s1, s11  }
0x15: {  	s1 =	ssub.s32 $0x2, s1;
	s11 =	simm.s32 $0xD800;
	s6 =	sshrl.u32 s3, $0x3  }
0x16: {  	s7 =	sor.u32 $0x4000, s3;
	s26 =	sor.u32 $0x8000, s3;
	s3 =	sor.u32 $0xC000, s3  }
0x17: {  	s4 =	smul.u32 $0x500, s4;
	s18 =	sshrl.u32 s1, $0x1;
	s6 =	sadd.s32 s6, s24  }
0x18: {  	s25 =	sshrl.u32 s7, $0x3;
	s7 =	sshrl.u32 s26, $0x3;
	s3 =	sshrl.u32 s3, $0x3  }
0x19: {  	s1 =	ssub.s32 s1, s18;
	s26 =	simm.s32 $0xC000;
	[dreg:$0x2] =	wrdreg s6  }
0x1a: {  	s18 =	simm.s32 $0x11000;
	s6 =	sadd.s32 s25, s24;
	[dreg:$0x16] =	wrdreg s26  }
0x1b: {  	s31 =	sadd.s32 s7, s24;
	s3 =	sadd.s32 s3, s24;
	[dreg:$0x3] =	wrdreg s6  }
0x1c: {  	s7 =	simm.s32 $0x3000;
	s4 =	sadd.s32 s4, s5;
	[dreg:$0x4] =	wrdreg s31  }
0x1d: {  	s24 =	simm.s32 $0xB000;
	s25 =	simm.s32 $0xB800;
	[dreg:$0x5] =	wrdreg s3  }
0x1e: {  	s26 =	simm.s32 $0x6;
	[dreg:$0x6] =	wrdreg s7;
	s3 =	sadd.s32 $0x5DB600, s5  }
0x1f: {  	s21 =	sadd.s32 $0x5D1600, s4;
	s5 =	smax.u32 s1, $0x1;
	[dreg:$0x14] =	wrdreg s24  }
0x20: {  	v2 =	vlaneseq.u32;
	s6 =	simm.s32 $0x9;
	s7 =	simm.s32 $0x2800;
	[dreg:$0x15] =	wrdreg s25  }
0x21: {  	vm0 =	vmmov $0xffff;
	v1 =	vshrl.u32 v2, $0x3;
	s31 =	simm.s32 $0xC800;
	s24 =	simm.s32 $0x4;
	[dreg:$0x18] =	wrdreg s21  }
0x22: {  	v0 =	vand.u32 $0x7, v2;
	v2 =	vor.u32 $0x8, v2;
	v1 =	vmul.u32 $0x8, v1;
	s25 =	simm.s32 $0x5;
	[dreg:$0x17] =	wrdreg s31;
	s21 =	simm.s32 $0x1  }
.LBB2_1:
0x23: {  	s0 =	rddreg [dreg:$0x18]  }
0x24: {  	[tilespmem:s2], [sflag:$0x9] =	stream.linear.gather [hbm4b:s0+s2], $0x2800, $0x38;
	[tilespmem:$0x12800] =	vst v63  }
0x25: {  	_ =	swait.ge [sflag:s6], $0x2800  }
0x26: {  	[sflag:s6] =	ssyncset.done $0x0  }
0x27: {  	s31 =	simm.s32 $0x100;
	s1 =	simm.s32 $0x0;
	[sflag:s6] =	ssyncadd.s32 $0xFFFFD800  }
.LBB2_2:
0x28: {  	p0 =	seq.s32 s1, $0x0  }
0x29: {  	s0 =	simm.s32 @!p0 $0x5  }
0x2a: {  	_ =	swait.ge @!p0 [sflag:s0], $0x4000  }
0x2b: {  	[sflag:s0] =	ssyncset.done @!p0 $0x0  }
0x2c: {  	[sflag:s0] =	ssyncadd.s32 @!p0 $0xFFFFC000  }
0x2d: {  	v3 =	vld [tilespmem:s31+$0xFFFFFF00];
	_ =	sdelay $0x4  }
0x2e: {  	v4 =	vshll.u32 v3, $0x1  }
0x2f: {  	v3 =	vand.u32 $0x7, v3;
	v4 =	vand.u32 $0xFFFFFFF0, v4  }
0x30: {  	v3 =	vor.u32 v3, v4  }
0x31: {  	v4 =	vperm.xlane v3, v0;
	_ =	sdelay $0x1  }
0x32: {  	v3 =	vperm.xlane v3, v2;
	v4 =	vadd.s32 v1, v4;
	_ =	sdelay $0x1  }
0x33: {  	v3 =	vadd.s32 v1, v3;
	_ =	sdelay $0x2  }
0x34: {  	[tilespmem:s7], [sflag:$0x1] =	stream.indirect_vreg.gather [hbm4b:s3+s2], $0x80, v4, vm0, $0xb8;
	[tilespmem:$0x12800] =	vst v63  }
0x35: {  	s4 =	rddreg [dreg:$0x6]  }
0x36: {  	[tilespmem:s4], [sflag:$0x1] =	stream.indirect_vreg.gather [hbm4b:s3+s2], $0x80, v3, vm0, $0xb8;
	[tilespmem:$0x12800] =	vst v63  }
0x37: {  	v3 =	vld [tilespmem:s31+$0xFFFFFF10];
	_ =	sdelay $0x4  }
0x38: {  	v49 =	vshll.u32 v3, $0x1  }
0x39: {  	v3 =	vand.u32 $0x7, v3;
	v4 =	vand.u32 $0xFFFFFFF0, v49  }
0x3a: {  	v3 =	vor.u32 v3, v4  }
0x3b: {  	v4 =	vperm.xlane v3, v0;
	_ =	sdelay $0x1  }
0x3c: {  	v3 =	vperm.xlane v3, v2;
	v4 =	vadd.s32 v1, v4;
	_ =	sdelay $0x1  }
0x3d: {  	v3 =	vadd.s32 v1, v3;
	_ =	sdelay $0x1  }
0x3e: {  	s0 =	rddreg [dreg:$0x7]  }
0x3f: {  	[tilespmem:s0], [sflag:$0x1] =	stream.indirect_vreg.gather [hbm4b:s3+s2], $0x80, v4, vm0, $0xb8;
	[tilespmem:$0x12800] =	vst v63  }
0x40: {  	s4 =	rddreg [dreg:$0x8]  }
0x41: {  	[tilespmem:s4], [sflag:$0x1] =	stream.indirect_vreg.gather [hbm4b:s3+s2], $0x80, v3, vm0, $0xb8;
	[tilespmem:$0x12800] =	vst v63  }
0x42: {  	v3 =	vld [tilespmem:s31+$0xFFFFFF20];
	_ =	sdelay $0x4  }
0x43: {  	v50 =	vshll.u32 v3, $0x1  }
0x44: {  	v3 =	vand.u32 $0x7, v3;
	v4 =	vand.u32 $0xFFFFFFF0, v50  }
0x45: {  	v3 =	vor.u32 v3, v4  }
0x46: {  	v4 =	vperm.xlane v3, v0;
	_ =	sdelay $0x1  }
0x47: {  	v3 =	vperm.xlane v3, v2;
	v4 =	vadd.s32 v1, v4;
	_ =	sdelay $0x1  }
0x48: {  	v3 =	vadd.s32 v1, v3;
	_ =	sdelay $0x1  }
0x49: {  	s0 =	rddreg [dreg:$0x9]  }
0x4a: {  	[tilespmem:s0], [sflag:$0x1] =	stream.indirect_vreg.gather [hbm4b:s3+s2], $0x80, v4, vm0, $0xb8;
	[tilespmem:$0x12800] =	vst v63  }
0x4b: {  	s4 =	rddreg [dreg:$0xa]  }
0x4c: {  	[tilespmem:s4], [sflag:$0x1] =	stream.indirect_vreg.gather [hbm4b:s3+s2], $0x80, v3, vm0, $0xb8;
	[tilespmem:$0x12800] =	vst v63  }
0x4d: {  	v3 =	vld [tilespmem:s31+$0xFFFFFF30];
	_ =	sdelay $0x4  }
0x4e: {  	v51 =	vshll.u32 v3, $0x1  }
0x4f: {  	v3 =	vand.u32 $0x7, v3;
	v4 =	vand.u32 $0xFFFFFFF0, v51  }
0x50: {  	v3 =	vor.u32 v3, v4  }
0x51: {  	v4 =	vperm.xlane v3, v0;
	_ =	sdelay $0x1  }
0x52: {  	v3 =	vperm.xlane v3, v2;
	v4 =	vadd.s32 v1, v4;
	_ =	sdelay $0x1  }
0x53: {  	v3 =	vadd.s32 v1, v3;
	_ =	sdelay $0x1  }
0x54: {  	s0 =	rddreg [dreg:$0xb]  }
0x55: {  	[tilespmem:s0], [sflag:$0x1] =	stream.indirect_vreg.gather [hbm4b:s3+s2], $0x80, v4, vm0, $0xb8;
	[tilespmem:$0x12800] =	vst v63  }
0x56: {  	s4 =	rddreg [dreg:$0xc];
	s0 =	simm.s32 @!p0 $0x6  }
0x57: {  	[tilespmem:s4], [sflag:$0x1] =	stream.indirect_vreg.gather [hbm4b:s3+s2], $0x80, v3, vm0, $0xb8;
	[tilespmem:$0x12800] =	vst v63  }
0x58: {  	_ =	swait.ge @!p0 [sflag:s0], $0x4000  }
0x59: {  	[sflag:s0] =	ssyncset.done @!p0 $0x0  }
0x5a: {  	[sflag:s0] =	ssyncadd.s32 @!p0 $0xFFFFC000  }
0x5b: {  	v3 =	vld [tilespmem:s31+$0xFFFFFF80];
	_ =	sdelay $0x4  }
0x5c: {  	v52 =	vshll.u32 v3, $0x1  }
0x5d: {  	v3 =	vand.u32 $0x7, v3;
	v4 =	vand.u32 $0xFFFFFFF0, v52  }
0x5e: {  	v3 =	vor.u32 v3, v4  }
0x5f: {  	v4 =	vperm.xlane v3, v0;
	_ =	sdelay $0x1  }
0x60: {  	v3 =	vperm.xlane v3, v2;
	v4 =	vadd.s32 v1, v4;
	_ =	sdelay $0x1  }
0x61: {  	v3 =	vadd.s32 v1, v3;
	_ =	sdelay $0x2  }
0x62: {  	[tilespmem:s8], [sflag:$0x2] =	stream.indirect_vreg.gather [hbm4b:s3+s2], $0x80, v4, vm0, $0xb8;
	[tilespmem:$0x12800] =	vst v63  }
0x63: {  	s4 =	rddreg [dreg:$0xd]  }
0x64: {  	[tilespmem:s4], [sflag:$0x2] =	stream.indirect_vreg.gather [hbm4b:s3+s2], $0x80, v3, vm0, $0xb8;
	[tilespmem:$0x12800] =	vst v63  }
0x65: {  	v3 =	vld [tilespmem:s31+$0xFFFFFF90];
	_ =	sdelay $0x4  }
0x66: {  	v53 =	vshll.u32 v3, $0x1  }
0x67: {  	v3 =	vand.u32 $0x7, v3;
	v4 =	vand.u32 $0xFFFFFFF0, v53  }
0x68: {  	v3 =	vor.u32 v3, v4  }
0x69: {  	v4 =	vperm.xlane v3, v0;
	_ =	sdelay $0x1  }
0x6a: {  	v3 =	vperm.xlane v3, v2;
	v4 =	vadd.s32 v1, v4;
	_ =	sdelay $0x1  }
0x6b: {  	v3 =	vadd.s32 v1, v3;
	_ =	sdelay $0x1  }
0x6c: {  	s0 =	rddreg [dreg:$0xe]  }
0x6d: {  	[tilespmem:s0], [sflag:$0x2] =	stream.indirect_vreg.gather [hbm4b:s3+s2], $0x80, v4, vm0, $0xb8;
	[tilespmem:$0x12800] =	vst v63  }
0x6e: {  	s4 =	rddreg [dreg:$0xf]  }
0x6f: {  	[tilespmem:s4], [sflag:$0x2] =	stream.indirect_vreg.gather [hbm4b:s3+s2], $0x80, v3, vm0, $0xb8;
	[tilespmem:$0x12800] =	vst v63  }
0x70: {  	v3 =	vld [tilespmem:s31+$0xFFFFFFA0];
	_ =	sdelay $0x4  }
0x71: {  	v54 =	vshll.u32 v3, $0x1  }
0x72: {  	v3 =	vand.u32 $0x7, v3;
	v4 =	vand.u32 $0xFFFFFFF0, v54  }
0x73: {  	v3 =	vor.u32 v3, v4  }
0x74: {  	v4 =	vperm.xlane v3, v0;
	_ =	sdelay $0x1  }
0x75: {  	v3 =	vperm.xlane v3, v2;
	v4 =	vadd.s32 v1, v4;
	_ =	sdelay $0x1  }
0x76: {  	v3 =	vadd.s32 v1, v3;
	_ =	sdelay $0x1  }
0x77: {  	s0 =	rddreg [dreg:$0x10]  }
0x78: {  	[tilespmem:s0], [sflag:$0x2] =	stream.indirect_vreg.gather [hbm4b:s3+s2], $0x80, v4, vm0, $0xb8;
	[tilespmem:$0x12800] =	vst v63  }
0x79: {  	s4 =	rddreg [dreg:$0x11]  }
0x7a: {  	[tilespmem:s4], [sflag:$0x2] =	stream.indirect_vreg.gather [hbm4b:s3+s2], $0x80, v3, vm0, $0xb8;
	[tilespmem:$0x12800] =	vst v63  }
0x7b: {  	v3 =	vld [tilespmem:s31+$0xFFFFFFB0];
	_ =	sdelay $0x4  }
0x7c: {  	v55 =	vshll.u32 v3, $0x1  }
0x7d: {  	v3 =	vand.u32 $0x7, v3;
	v4 =	vand.u32 $0xFFFFFFF0, v55  }
0x7e: {  	v3 =	vor.u32 v3, v4  }
0x7f: {  	v4 =	vperm.xlane v3, v0;
	_ =	sdelay $0x1  }
0x80: {  	v3 =	vperm.xlane v3, v2;
	v4 =	vadd.s32 v1, v4;
	_ =	sdelay $0x1  }
0x81: {  	v3 =	vadd.s32 v1, v3;
	_ =	sdelay $0x1  }
0x82: {  	s0 =	rddreg [dreg:$0x12]  }
0x83: {  	[tilespmem:s0], [sflag:$0x2] =	stream.indirect_vreg.gather [hbm4b:s3+s2], $0x80, v4, vm0, $0xb8;
	[tilespmem:$0x12800] =	vst v63  }
0x84: {  	s4 =	rddreg [dreg:$0x13];
	s0 =	simm.s32 @!p0 $0x7  }
0x85: {  	[tilespmem:s4], [sflag:$0x2] =	stream.indirect_vreg.gather [hbm4b:s3+s2], $0x80, v3, vm0, $0xb8;
	[tilespmem:$0x12800] =	vst v63  }
0x86: {  	_ =	swait.ge @!p0 [sflag:s0], $0x4000  }
0x87: {  	[sflag:s0] =	ssyncset.done @!p0 $0x0  }
0x88: {  	[sflag:s0] =	ssyncadd.s32 @!p0 $0xFFFFC000  }
0x89: {  	v3 =	vld [tilespmem:s31+$0x0];
	_ =	sdelay $0x4  }
0x8a: {  	v56 =	vshll.u32 v3, $0x1  }
0x8b: {  	v3 =	vand.u32 $0x7, v3;
	v4 =	vand.u32 $0xFFFFFFF0, v56  }
0x8c: {  	v3 =	vor.u32 v3, v4  }
0x8d: {  	v4 =	vperm.xlane v3, v0;
	_ =	sdelay $0x1  }
0x8e: {  	v3 =	vperm.xlane v3, v2;
	v4 =	vadd.s32 v1, v4;
	_ =	sdelay $0x1  }
0x8f: {  	v3 =	vadd.s32 v1, v3;
	_ =	sdelay $0x2  }
0x90: {  	[tilespmem:s9], [sflag:$0x3] =	stream.indirect_vreg.gather [hbm4b:s3+s2], $0x80, v4, vm0, $0xb8;
	[tilespmem:$0x12800] =	vst v63  }
0x91: {  	s4 =	rddreg [dreg:$0x14]  }
0x92: {  	[tilespmem:s4], [sflag:$0x3] =	stream.indirect_vreg.gather [hbm4b:s3+s2], $0x80, v3, vm0, $0xb8;
	[tilespmem:$0x12800] =	vst v63  }
0x93: {  	v3 =	vld [tilespmem:s31+$0x10];
	_ =	sdelay $0x4  }
0x94: {  	v57 =	vshll.u32 v3, $0x1  }
0x95: {  	v3 =	vand.u32 $0x7, v3;
	v4 =	vand.u32 $0xFFFFFFF0, v57  }
0x96: {  	v3 =	vor.u32 v3, v4  }
0x97: {  	v4 =	vperm.xlane v3, v0;
	_ =	sdelay $0x1  }
0x98: {  	v3 =	vperm.xlane v3, v2;
	v4 =	vadd.s32 v1, v4;
	_ =	sdelay $0x1  }
0x99: {  	v3 =	vadd.s32 v1, v3;
	_ =	sdelay $0x1  }
0x9a: {  	s0 =	rddreg [dreg:$0x15]  }
0x9b: {  	[tilespmem:s0], [sflag:$0x3] =	stream.indirect_vreg.gather [hbm4b:s3+s2], $0x80, v4, vm0, $0xb8;
	[tilespmem:$0x12800] =	vst v63  }
0x9c: {  	s4 =	rddreg [dreg:$0x16]  }
0x9d: {  	[tilespmem:s4], [sflag:$0x3] =	stream.indirect_vreg.gather [hbm4b:s3+s2], $0x80, v3, vm0, $0xb8;
	[tilespmem:$0x12800] =	vst v63  }
0x9e: {  	v3 =	vld [tilespmem:s31+$0x20];
	_ =	sdelay $0x4  }
0x9f: {  	v58 =	vshll.u32 v3, $0x1  }
0xa0: {  	v3 =	vand.u32 $0x7, v3;
	v4 =	vand.u32 $0xFFFFFFF0, v58  }
0xa1: {  	v3 =	vor.u32 v3, v4  }
0xa2: {  	v4 =	vperm.xlane v3, v0;
	_ =	sdelay $0x1  }
0xa3: {  	v3 =	vperm.xlane v3, v2;
	v4 =	vadd.s32 v1, v4;
	_ =	sdelay $0x1  }
0xa4: {  	v3 =	vadd.s32 v1, v3;
	_ =	sdelay $0x1  }
0xa5: {  	s4 =	rddreg [dreg:$0x17]  }
0xa6: {  	[tilespmem:s4], [sflag:$0x3] =	stream.indirect_vreg.gather [hbm4b:s3+s2], $0x80, v4, vm0, $0xb8;
	[tilespmem:$0x12800] =	vst v63  }
0xa7: {  	_ = 	snop  }
0xa8: {  	[tilespmem:s10], [sflag:$0x3] =	stream.indirect_vreg.gather [hbm4b:s3+s2], $0x80, v3, vm0, $0xb8;
	[tilespmem:$0x12800] =	vst v63  }
0xa9: {  	v3 =	vld [tilespmem:s31+$0x30];
	_ =	sdelay $0x4  }
0xaa: {  	v59 =	vshll.u32 v3, $0x1  }
0xab: {  	v3 =	vand.u32 $0x7, v3;
	v4 =	vand.u32 $0xFFFFFFF0, v59  }
0xac: {  	v3 =	vor.u32 v3, v4  }
0xad: {  	v4 =	vperm.xlane v3, v0;
	_ =	sdelay $0x1  }
0xae: {  	v3 =	vperm.xlane v3, v2;
	v4 =	vadd.s32 v1, v4;
	_ =	sdelay $0x1  }
0xaf: {  	v3 =	vadd.s32 v1, v3;
	_ =	sdelay $0x2  }
0xb0: {  	[tilespmem:s11], [sflag:$0x3] =	stream.indirect_vreg.gather [hbm4b:s3+s2], $0x80, v4, vm0, $0xb8;
	[tilespmem:$0x12800] =	vst v63  }
0xb1: {  	s0 =	simm.s32 @!p0 $0x8  }
0xb2: {  	[tilespmem:s12], [sflag:$0x3] =	stream.indirect_vreg.gather [hbm4b:s3+s2], $0x80, v3, vm0, $0xb8;
	[tilespmem:$0x12800] =	vst v63  }
0xb3: {  	_ =	swait.ge @!p0 [sflag:s0], $0x4000  }
0xb4: {  	[sflag:s0] =	ssyncset.done @!p0 $0x0  }
0xb5: {  	[sflag:s0] =	ssyncadd.s32 @!p0 $0xFFFFC000  }
0xb6: {  	v3 =	vld [tilespmem:s31+$0x80];
	_ =	sdelay $0x4  }
0xb7: {  	v60 =	vshll.u32 v3, $0x1  }
0xb8: {  	v3 =	vand.u32 $0x7, v3;
	v4 =	vand.u32 $0xFFFFFFF0, v60  }
0xb9: {  	v3 =	vor.u32 v3, v4  }
0xba: {  	v4 =	vperm.xlane v3, v0;
	_ =	sdelay $0x1  }
0xbb: {  	v3 =	vperm.xlane v3, v2;
	v4 =	vadd.s32 v1, v4;
	_ =	sdelay $0x1  }
0xbc: {  	v3 =	vadd.s32 v1, v3;
	_ =	sdelay $0x2  }
0xbd: {  	[tilespmem:s13], [sflag:$0x4] =	stream.indirect_vreg.gather [hbm4b:s3+s2], $0x80, v4, vm0, $0xb8;
	[tilespmem:$0x12800] =	vst v63  }
0xbe: {  	_ = 	snop  }
0xbf: {  	[tilespmem:s14], [sflag:$0x4] =	stream.indirect_vreg.gather [hbm4b:s3+s2], $0x80, v3, vm0, $0xb8;
	[tilespmem:$0x12800] =	vst v63  }
0xc0: {  	v3 =	vld [tilespmem:s31+$0x90];
	_ =	sdelay $0x4  }
0xc1: {  	v61 =	vshll.u32 v3, $0x1  }
0xc2: {  	v3 =	vand.u32 $0x7, v3;
	v4 =	vand.u32 $0xFFFFFFF0, v61  }
0xc3: {  	v3 =	vor.u32 v3, v4  }
0xc4: {  	v4 =	vperm.xlane v3, v0;
	_ =	sdelay $0x1  }
0xc5: {  	v3 =	vperm.xlane v3, v2;
	v4 =	vadd.s32 v1, v4;
	_ =	sdelay $0x1  }
0xc6: {  	v3 =	vadd.s32 v1, v3;
	_ =	sdelay $0x2  }
0xc7: {  	[tilespmem:s15], [sflag:$0x4] =	stream.indirect_vreg.gather [hbm4b:s3+s2], $0x80, v4, vm0, $0xb8;
	[tilespmem:$0x12800] =	vst v63  }
0xc8: {  	_ = 	snop  }
0xc9: {  	[tilespmem:s16], [sflag:$0x4] =	stream.indirect_vreg.gather [hbm4b:s3+s2], $0x80, v3, vm0, $0xb8;
	[tilespmem:$0x12800] =	vst v63  }
0xca: {  	v3 =	vld [tilespmem:s31+$0xA0];
	_ =	sdelay $0x4  }
0xcb: {  	v62 =	vshll.u32 v3, $0x1  }
0xcc: {  	v3 =	vand.u32 $0x7, v3;
	v4 =	vand.u32 $0xFFFFFFF0, v62  }
0xcd: {  	v3 =	vor.u32 v3, v4  }
0xce: {  	v4 =	vperm.xlane v3, v0;
	_ =	sdelay $0x1  }
0xcf: {  	v3 =	vperm.xlane v3, v2;
	v4 =	vadd.s32 v1, v4;
	_ =	sdelay $0x1  }
0xd0: {  	v3 =	vadd.s32 v1, v3;
	_ =	sdelay $0x2  }
0xd1: {  	[tilespmem:s17], [sflag:$0x4] =	stream.indirect_vreg.gather [hbm4b:s3+s2], $0x80, v4, vm0, $0xb8;
	[tilespmem:$0x12800] =	vst v63  }
0xd2: {  	_ = 	snop  }
0xd3: {  	[tilespmem:s18], [sflag:$0x4] =	stream.indirect_vreg.gather [hbm4b:s3+s2], $0x80, v3, vm0, $0xb8;
	[tilespmem:$0x12800] =	vst v63  }
0xd4: {  	v3 =	vld [tilespmem:s31+$0xB0];
	_ =	sdelay $0x4  }
0xd5: {  	v63 =	vshll.u32 v3, $0x1  }
0xd6: {  	v3 =	vand.u32 $0x7, v3;
	v4 =	vand.u32 $0xFFFFFFF0, v63  }
0xd7: {  	v3 =	vor.u32 v3, v4  }
0xd8: {  	v4 =	vperm.xlane v3, v0;
	_ =	sdelay $0x1  }
0xd9: {  	v3 =	vperm.xlane v3, v2;
	v4 =	vadd.s32 v1, v4;
	_ =	sdelay $0x1  }
0xda: {  	v3 =	vadd.s32 v1, v3;
	_ =	sdelay $0x2  }
0xdb: {  	[tilespmem:s19], [sflag:$0x4] =	stream.indirect_vreg.gather [hbm4b:s3+s2], $0x80, v4, vm0, $0xb8;
	[tilespmem:$0x12800] =	vst v63  }
0xdc: {  	_ = 	snop  }
0xdd: {  	[tilespmem:s20], [sflag:$0x4] =	stream.indirect_vreg.gather [hbm4b:s3+s2], $0x80, v3, vm0, $0xb8;
	[tilespmem:$0x12800] =	vst v63  }
0xde: {  	_ =	swait.ge [sflag:s21], $0x4000  }
0xdf: {  	s4 =	rddreg [dreg:$0x2];
	[sflag:s21] =	ssyncset.done $0x0  }
0xe0: {  	[sflag:s21] =	ssyncadd.s32 $0xFFFFC000;
	s0 =	sadd.s32 s1, s4  }
0xe1: {  	[hbm4b:s0+s2] =	stream.linear.scatter [tilespmem:s7], [sflag:$0x5], $0x4000, $0x38;
	[tilespmem:$0x12800] =	vst v63  }
0xe2: {  	_ =	swait.ge [sflag:s22], $0x4000  }
0xe3: {  	s4 =	rddreg [dreg:$0x3];
	[sflag:s22] =	ssyncset.done $0x0  }
0xe4: {  	[sflag:s22] =	ssyncadd.s32 $0xFFFFC000;
	s0 =	sadd.s32 s1, s4  }
0xe5: {  	[hbm4b:s0+s2] =	stream.linear.scatter [tilespmem:s8], [sflag:$0x6], $0x4000, $0x38;
	[tilespmem:$0x12800] =	vst v63  }
0xe6: {  	_ =	swait.ge [sflag:s23], $0x4000  }
0xe7: {  	s4 =	rddreg [dreg:$0x4];
	[sflag:s23] =	ssyncset.done $0x0  }
0xe8: {  	[sflag:s23] =	ssyncadd.s32 $0xFFFFC000;
	s0 =	sadd.s32 s1, s4  }
0xe9: {  	[hbm4b:s0+s2] =	stream.linear.scatter [tilespmem:s9], [sflag:$0x7], $0x4000, $0x38;
	[tilespmem:$0x12800] =	vst v63  }
0xea: {  	_ =	swait.ge [sflag:s24], $0x4000  }
0xeb: {  	s4 =	rddreg [dreg:$0x5]  }
0xec: {  	s0 =	sadd.s32 s1, s4;
	s1 =	sadd.s32 $0x2000, s1  }
0xed: {  	p0 =	sne.s32 s1, $0x28000  }
.Ltmp0:
0xee: {  	_ = 	snop;
	(pc) =	sbr.rel @p0 .LBB2_2-.Ltmp0, $4  }
0xef: {  	_ = 	snop  }
0xf0: {  	[sflag:s24] =	ssyncset.done $0x0  }
0xf1: {  	s31 =	sadd.s32 $0x200, s31;
	[sflag:s24] =	ssyncadd.s32 $0xFFFFC000  }
0xf2: {  	[hbm4b:s0+s2] =	stream.linear.scatter [tilespmem:s13], [sflag:$0x8], $0x4000, $0x38;
	[tilespmem:$0x12800] =	vst v63  }
0xf3: {  	_ =	swait.ge [sflag:s25], $0x4000  }
0xf4: {  	[sflag:s25] =	ssyncset.done $0x0  }
0xf5: {  	[sflag:s25] =	ssyncadd.s32 $0xFFFFC000  }
0xf6: {  	_ =	swait.ge [sflag:s26], $0x4000  }
0xf7: {  	[sflag:s26] =	ssyncset.done $0x0  }
0xf8: {  	s30 =	sadd.s32 $0x1, s30;
	[sflag:s26] =	ssyncadd.s32 $0xFFFFC000  }
0xf9: {  	p0 =	sne.s32 s30, s5;
	_ =	swait.ge [sflag:s28], $0x4000  }
.Ltmp1:
0xfa: {  	[sflag:s28] =	ssyncset.done $0x0;
	(pc) =	sbr.rel @p0 .LBB2_1-.Ltmp1, $4  }
0xfb: {  	[sflag:s28] =	ssyncadd.s32 $0xFFFFC000  }
0xfc: {  	_ =	swait.ge [sflag:s29], $0x4000  }
0xfd: {  	[sflag:s29] =	ssyncset.done $0x0  }
0xfe: {  	[sflag:s29] =	ssyncadd.s32 $0xFFFFC000  }
0xff: {  	_ =	sfence.sel $0x180000  }
0x100: {  	[bflag:$0x0] =	sbarrier.arrive $0xFFFF  }
0x101: {  	_ =	strace $0x90000056  }
0x102: {  	s0 =	stileid.u32;
	[bflag:$0x2] =	sbarrier.arrive $0xFFFF  }
0x103: {  	p0 =	sne.s32 s0, $0x0;
	s0 =	rddreg [dreg:$0x1]  }
0x104: {  	s0 =	sadd.s32 @!p0 $0x100000, s0  }
0x105: {  	[sflag:s0] =	ssyncadd.tile.s32 @!p0 $0x1;
	_ =	shalt  }
.Lfunc_end2:
_tile_overlayer_lowered:
.L_overlay_start_2:
0x106: {  	(tag) =	ssettag $0x2  }
0x107: {  	s0 =	rddreg [dreg:$0x0];
	s2 =	stileid.u32  }
0x108: {  	s1 =	rddreg [dreg:$0x1];
	p0 =	sne.s32 s2, $0x0  }
0x109: {  	s3 =	rddreg [dreg:$0x2];
	[bflag:$0x3] =	sbarrier.arrive $0xFFFF;
	s2 =	simm.s32 @!p0 $0x1C09  }
0x10a: {  	[timem:s3], [sflag:s2] =	dma.local @!p0 [hbm:s0], s1  }
0x10b: {  	s0 =	simm.s32 @!p0 $0x9  }
0x10c: {  	_ =	swait.ge @!p0 [sflag:s0], s1  }
0x10d: {  	s1 =	ssub.s32 @!p0 $0x0, s1;
	[sflag:s0] =	ssyncset.done @!p0 $0x0  }
0x10e: {  	[sflag:s0] =	ssyncadd.s32 @!p0 s1  }
0x10f: {  	[bflag:$0x3] =	sbarrier.arrive $0xFFFF  }
0x110: {  	_ =	shalt  }

</sc_bundles>
